<compile_context>
chip_gen: v7x
topology: tpu7x:2x2x1
jax: 0.10.2.dev20260603
libtpu: 0.0.44.dev20260713+nightly
codegen_flags: <defaults>
</compile_context>

<pallas_src>
import functools

import jax
import jax.numpy as jnp
from jax import lax
from jax.experimental import pallas as pl
from jax.experimental.pallas import tpu as pltpu
from jax.experimental.pallas import tpu_sc as plsc

N_NODES = 10000
D = 128
NC = 2
NS = 16
NW = NC * NS
CHUNK = 128
NBUF = 2
DEG_NBUF = 4
CPW = 80
NBLK = CPW // NBUF
DEG_NBLK = CPW // DEG_NBUF
CH_C0 = 120
CH_C1 = 40
EPW = CPW * CHUNK
E_PAD = EPW * NW
N_PAD = 10240
ROWS_PER_TILE = N_PAD // NS
DEG_W = 16

_MESH = plsc.VectorSubcoreMesh(core_axis_name="c", subcore_axis_name="s")


def _worker_id():
  return lax.axis_index("c") * NS + lax.axis_index("s")


def _deg_body(dst_hbm, deg_hbm, idx0, idx1, buf_v, acc_sh, isem0, isem1):
  c = lax.axis_index("c")
  s = lax.axis_index("s")
  row0 = _worker_id() * CPW
  idxb = [idx0, idx1]
  isem = [isem0, isem1]

  @pl.loop(0, CHUNK)
  def _(j):
    buf_v[j, :] = jnp.zeros((DEG_W,), jnp.float32)

  @pl.loop(0, ROWS_PER_TILE // CHUNK)
  def _(k):
    pltpu.sync_copy(buf_v, acc_sh.at[pl.ds(s * ROWS_PER_TILE + k * CHUNK, CHUNK)])

  @pl.loop(0, CHUNK)
  def _(j):
    buf_v[j, :] = jnp.ones((DEG_W,), jnp.float32)

  plsc.subcore_barrier()

  pltpu.sync_copy(dst_hbm.at[pl.ds(row0, DEG_NBUF)], idx0)
  pltpu.async_copy(dst_hbm.at[pl.ds(row0 + DEG_NBUF, DEG_NBUF)], idx1, isem1)

  @pl.loop(0, DEG_NBLK, step=2)
  def _(i):
    for ph in range(2):
      k = i + ph
      cur, nxt = idxb[ph], idxb[1 - ph]

      @pl.when(k < DEG_NBLK - 1)
      def _():
        pltpu.make_async_copy(dst_hbm.at[pl.ds(row0, DEG_NBUF)], nxt,
                              isem[1 - ph]).wait()

      for j in range(DEG_NBUF):
        pltpu.sync_copy(buf_v, acc_sh.at[cur.at[j]], add=True)

      @pl.when(k < DEG_NBLK - 2)
      def _():
        pltpu.async_copy(dst_hbm.at[pl.ds(row0 + (k + 2) * DEG_NBUF, DEG_NBUF)],
                         cur, isem[ph])

  plsc.subcore_barrier()

  @pl.loop(0, ROWS_PER_TILE // CHUNK)
  def _(k):
    r0 = s * ROWS_PER_TILE + k * CHUNK
    pltpu.sync_copy(acc_sh.at[pl.ds(r0, CHUNK)], buf_v)
    pltpu.sync_copy(buf_v, deg_hbm.at[c].at[pl.ds(r0, CHUNK)])


def _sc_degree(dst2d):
  k = pl.kernel(
      _deg_body,
      out_type=jax.ShapeDtypeStruct((NC, N_PAD, DEG_W), jnp.float32),
      mesh=_MESH,
      scratch_types=[
          pltpu.VMEM((DEG_NBUF, CHUNK), jnp.int32),
          pltpu.VMEM((DEG_NBUF, CHUNK), jnp.int32),
          pltpu.VMEM((CHUNK, DEG_W), jnp.float32),
          pltpu.VMEM_SHARED((N_PAD, DEG_W), jnp.float32),
          pltpu.SemaphoreType.DMA,
          pltpu.SemaphoreType.DMA,
      ],
  )
  return k(dst2d)


def _scat_body(y_hbm, src_hbm, dst_hbm, out_hbm, srcb0, srcb1, dstb0, dstb1,
               rows0, rows1, acc_sh,
               gsem0, gsem1, ssem0, ssem1, dsem0, dsem1):
  c = lax.axis_index("c")
  s = lax.axis_index("s")
  row0 = c * NS * CH_C0 + s * (CH_C0 - c * (CH_C0 - CH_C1))
  nblk = CH_C0 // NBUF - c * ((CH_C0 - CH_C1) // NBUF)
  srcb = [srcb0, srcb1]
  dstb = [dstb0, dstb1]
  rows = [rows0, rows1]
  gsem = [gsem0, gsem1]
  ssem = [ssem0, ssem1]
  dsem = [dsem0, dsem1]

  with jax.named_scope("zero_acc"):
    @pl.loop(0, CHUNK)
    def _(j):
      for k in range(D // 16):
        rows0[j, pl.ds(k * 16, 16)] = jnp.zeros((16,), jnp.float32)

    @pl.loop(0, ROWS_PER_TILE // CHUNK)
    def _(k):
      pltpu.sync_copy(rows0, acc_sh.at[pl.ds(s * ROWS_PER_TILE + k * CHUNK, CHUNK)])

    plsc.subcore_barrier()

  scope = jax.named_scope("edge_loop")
  scope.__enter__()
  pltpu.sync_copy(src_hbm.at[pl.ds(row0, NBUF)], srcb0)
  pltpu.sync_copy(dst_hbm.at[pl.ds(row0, NBUF)], dstb0)
  pltpu.async_copy(src_hbm.at[pl.ds(row0 + NBUF, NBUF)], srcb1, ssem1)
  pltpu.async_copy(dst_hbm.at[pl.ds(row0 + NBUF, NBUF)], dstb1, dsem1)
  for j in range(NBUF):
    pltpu.async_copy(y_hbm.at[srcb0.at[j]], rows[j], gsem[j])

  @pl.loop(0, nblk, step=2)
  def _(i):
    for ph in range(2):
      k = i + ph
      cur_s, nxt_s = srcb[ph], srcb[1 - ph]
      cur_d, nxt_d = dstb[ph], dstb[1 - ph]

      @pl.when(k < nblk - 1)
      def _():
        pltpu.make_async_copy(src_hbm.at[pl.ds(row0, NBUF)], nxt_s,
                              ssem[1 - ph]).wait()
        pltpu.make_async_copy(dst_hbm.at[pl.ds(row0, NBUF)], nxt_d,
                              dsem[1 - ph]).wait()

      for j in range(NBUF):
        pltpu.make_async_copy(y_hbm.at[cur_s.at[j]], rows[j],
                              gsem[j]).wait()
        pltpu.sync_copy(rows[j], acc_sh.at[cur_d.at[j]], add=True)

        @pl.when(k < nblk - 1)
        def _():
          pltpu.async_copy(y_hbm.at[nxt_s.at[j]], rows[j], gsem[j])

      @pl.when(k < nblk - 2)
      def _():
        pltpu.async_copy(src_hbm.at[pl.ds(row0 + (k + 2) * NBUF, NBUF)],
                         cur_s, ssem[ph])
        pltpu.async_copy(dst_hbm.at[pl.ds(row0 + (k + 2) * NBUF, NBUF)],
                         cur_d, dsem[ph])

  plsc.subcore_barrier()
  scope.__exit__(None, None, None)

  with jax.named_scope("readout"):
    @pl.loop(0, ROWS_PER_TILE // CHUNK)
    def _(k):
      r0 = s * ROWS_PER_TILE + k * CHUNK
      pltpu.sync_copy(acc_sh.at[pl.ds(r0, CHUNK)], rows0)
      pltpu.sync_copy(rows0, out_hbm.at[c].at[pl.ds(r0, CHUNK)])


def _sc_scatter(y, src2d, dst2d):
  k = pl.kernel(
      _scat_body,
      out_type=jax.ShapeDtypeStruct((NC, N_PAD, D), jnp.float32),
      mesh=_MESH,
      scratch_types=[
          pltpu.VMEM((NBUF, CHUNK), jnp.int32),
          pltpu.VMEM((NBUF, CHUNK), jnp.int32),
          pltpu.VMEM((NBUF, CHUNK), jnp.int32),
          pltpu.VMEM((NBUF, CHUNK), jnp.int32),
          pltpu.VMEM((CHUNK, D), jnp.float32),
          pltpu.VMEM((CHUNK, D), jnp.float32),
          pltpu.VMEM_SHARED((N_PAD, D), jnp.float32),
          pltpu.SemaphoreType.DMA,
          pltpu.SemaphoreType.DMA,
          pltpu.SemaphoreType.DMA,
          pltpu.SemaphoreType.DMA,
          pltpu.SemaphoreType.DMA,
          pltpu.SemaphoreType.DMA,
      ],
  )
  return k(y, src2d, dst2d)


_BLK = 2000


def _mm_body(x_ref, w_ref, o_ref):
  o_ref[...] = jnp.dot(x_ref[...], w_ref[...],
                       preferred_element_type=jnp.float32)


def _tc_matmul(x, w):
  return pl.pallas_call(
      _mm_body,
      grid=(N_NODES // _BLK,),
      in_specs=[pl.BlockSpec((_BLK, D), lambda i: (i, 0)),
                pl.BlockSpec((D, D), lambda i: (0, 0))],
      out_specs=pl.BlockSpec((_BLK, D), lambda i: (i, 0)),
      out_shape=jax.ShapeDtypeStruct((N_NODES, D), jnp.float32),
  )(x, w)


def _scale1_body(xw_ref, deg_ref, y_ref, dis_ref):
  d = deg_ref[0] + deg_ref[1] + 1.0
  dis = lax.rsqrt(d)
  dis_ref[...] = dis
  y_ref[...] = dis[:, :1] * xw_ref[...]


def _tc_scale1(xw, deg):
  return pl.pallas_call(
      _scale1_body,
      grid=(N_NODES // _BLK,),
      in_specs=[pl.BlockSpec((_BLK, D), lambda i: (i, 0)),
                pl.BlockSpec((NC, _BLK, DEG_W), lambda i: (0, i, 0))],
      out_specs=[pl.BlockSpec((_BLK, D), lambda i: (i, 0)),
                 pl.BlockSpec((_BLK, DEG_W), lambda i: (i, 0))],
      out_shape=[jax.ShapeDtypeStruct((N_NODES, D), jnp.float32),
                 jax.ShapeDtypeStruct((N_NODES, DEG_W), jnp.float32)],
  )(xw, deg)


def _mid_body(acc_ref, y1_ref, dis_ref, b1_ref, w2_ref, y2_ref):
  tot = acc_ref[0] + acc_ref[1] + y1_ref[...]
  dis = dis_ref[:, :1]
  h = jnp.maximum(dis * tot + b1_ref[...], 0.0)
  y2_ref[...] = dis * jnp.dot(h, w2_ref[...],
                              preferred_element_type=jnp.float32)


def _tc_mid(acc1, y1, dis, b1, w2):
  return pl.pallas_call(
      _mid_body,
      grid=(N_NODES // _BLK,),
      in_specs=[pl.BlockSpec((NC, _BLK, D), lambda i: (0, i, 0)),
                pl.BlockSpec((_BLK, D), lambda i: (i, 0)),
                pl.BlockSpec((_BLK, DEG_W), lambda i: (i, 0)),
                pl.BlockSpec((1, D), lambda i: (0, 0)),
                pl.BlockSpec((D, D), lambda i: (0, 0))],
      out_specs=pl.BlockSpec((_BLK, D), lambda i: (i, 0)),
      out_shape=jax.ShapeDtypeStruct((N_NODES, D), jnp.float32),
  )(acc1, y1, dis, b1, w2)


def _final_body(acc_ref, y2_ref, dis_ref, b2_ref, z_ref):
  tot = acc_ref[0] + acc_ref[1] + y2_ref[...]
  z_ref[...] = dis_ref[:, :1] * tot + b2_ref[...]


def _tc_final(acc2, y2, dis, b2):
  return pl.pallas_call(
      _final_body,
      grid=(N_NODES // _BLK,),
      in_specs=[pl.BlockSpec((NC, _BLK, D), lambda i: (0, i, 0)),
                pl.BlockSpec((_BLK, D), lambda i: (i, 0)),
                pl.BlockSpec((_BLK, DEG_W), lambda i: (i, 0)),
                pl.BlockSpec((1, D), lambda i: (0, 0))],
      out_specs=pl.BlockSpec((_BLK, D), lambda i: (i, 0)),
      out_shape=jax.ShapeDtypeStruct((N_NODES, D), jnp.float32),
  )(acc2, y2, dis, b2)


def kernel(x, edge_index, W1, b1, W2, b2):
  e = edge_index.shape[1]
  src = edge_index[0].astype(jnp.int32)
  dst = edge_index[1].astype(jnp.int32)
  pad_dst = N_NODES + jnp.arange(E_PAD - e, dtype=jnp.int32) % (N_PAD - N_NODES)
  src2d = jnp.concatenate(
      [src, jnp.zeros((E_PAD - e,), jnp.int32)]).reshape(E_PAD // CHUNK, CHUNK)
  dst2d = jnp.concatenate([dst, pad_dst]).reshape(E_PAD // CHUNK, CHUNK)
  b1r = b1.reshape(1, D)
  b2r = b2.reshape(1, D)

  deg = _sc_degree(dst2d)
  xw1 = _tc_matmul(x, W1)
  y1, dis = _tc_scale1(xw1, deg)
  acc1 = _sc_scatter(y1, src2d, dst2d)
  y2 = _tc_mid(acc1, y1, dis, b1r, W2)
  acc2 = _sc_scatter(y2, src2d, dst2d)
  z = _tc_final(acc2, y2, dis, b2r)
  return z

# --- scband reference (transcript-rebuilt; emitter-appended) ---
"""Pipeline reference for scband-net-30296699306334 (READ-ONLY COPY).

The authoritative reference and input builder live on the scoring server;
editing this copy changes nothing except your own understanding.
"""

import jax, jax.numpy as jnp
import numpy as np

N_NODES = 10000
N_EDGES = 320000
D_IN = 128
D_HID = 128
D_OUT = 128


def gcn_conv(x, edge_index, W, b):
    # Faithful PyG GCNConv: lin -> add self loops -> sym-normalize -> scatter-add -> + bias
    num_nodes = x.shape[0]
    src = edge_index[0]
    dst = edge_index[1]
    loop = jnp.arange(num_nodes, dtype=edge_index.dtype)
    src = jnp.concatenate([src, loop])
    dst = jnp.concatenate([dst, loop])
    deg = jnp.zeros((num_nodes,), dtype=x.dtype).at[dst].add(1.0)
    deg_inv_sqrt = jnp.where(deg > 0, deg ** -0.5, 0.0)
    norm = deg_inv_sqrt[src] * deg_inv_sqrt[dst]
    xw = x @ W
    msg = jnp.take(xw, src, axis=0) * norm[:, None]
    out = jnp.zeros((num_nodes, W.shape[1]), dtype=x.dtype).at[dst].add(msg)
    return out + b


def setup_inputs(seed: int = 0) -> dict:
    key = jax.random.key(seed)
    k1, k2, k3, k4, k5 = jax.random.split(key, 5)
    x = jax.random.normal(k1, (N_NODES, D_IN), dtype=jnp.float32)
    edge_index = jax.random.randint(k2, (2, N_EDGES), 0, N_NODES, dtype=jnp.int64)
    W1 = jax.random.normal(k3, (D_IN, D_HID), dtype=jnp.float32) * (1.0 / np.sqrt(D_IN))
    b1 = jnp.zeros((D_HID,), dtype=jnp.float32)
    W2 = jax.random.normal(k4, (D_HID, D_OUT), dtype=jnp.float32) * (1.0 / np.sqrt(D_HID))
    b2 = jnp.zeros((D_OUT,), dtype=jnp.float32)
    return {"x": x, "edge_index": edge_index, "W1": W1, "b1": b1, "W2": W2, "b2": b2}


def reference(x, edge_index, W1, b1, W2, b2):
    h = jax.nn.relu(gcn_conv(x, edge_index, W1, b1))
    z = gcn_conv(h, edge_index, W2, b2)
    return z

if __name__ == "__main__":
    import jax
    _d = setup_inputs()
    print(jax.jit(kernel)(*tuple(_d.values())))

</pallas_src>

<mosaic_0001>
#map = affine_map<(d0, d1) -> (0, 0)>
#map1 = affine_map<(d0, d1) -> (0, 0, 0)>
module attributes {stable_mosaic.version = 14 : i64} {
  func.func @_deg_body(%arg0: i32, %arg1: i32, %arg2: memref<2560x128xi32, #tpu.memory_space<hbm>>, %arg3: memref<2x10240x16xf32, #tpu.memory_space<hbm>>, %arg4: memref<4x128xi32, #tpu.memory_space<vmem>>, %arg5: memref<4x128xi32, #tpu.memory_space<vmem>>, %arg6: memref<128x16xf32, #tpu.memory_space<vmem>>, %arg7: memref<10240x16xf32, #tpu.memory_space<vmem_shared>>, %arg8: memref<!tpu.dma_semaphore, #tpu.memory_space<semaphore_mem>>, %arg9: memref<!tpu.dma_semaphore, #tpu.memory_space<semaphore_mem>>) attributes {dimension_semantics = [#tpu.dimension_semantics<core_parallel>, #tpu.dimension_semantics<subcore_parallel>], iteration_bounds = array<i64: 2, 16>, scalar_prefetch = 0 : i64, scratch_operands = 6 : i64, tpu.core_type = #tpu.core_type<sc_vector_subcore>, window_params = [{transform_indices = #map}, {transform_indices = #map1}]} {
    %mul3A = arith.constant 16 : i32
    %mul3A_0 = arith.muli %arg0, %mul3A : i32
    %add3A = arith.addi %mul3A_0, %arg1 : i32
    %mul3A_1 = arith.constant 80 : i32
    %mul3A_2 = arith.muli %add3A, %mul3A_1 : i32
    %scan3A = arith.constant 0 : i32
    %scan3A_3 = arith.constant 128 : i32
    %scan3A_4 = arith.addi %scan3A, %scan3A_3 : i32
    %scan3A_5 = arith.constant 1 : i32
    scf.for %scan3A_33 = %scan3A to %scan3A_4 step %scan3A_5  : i32 {
      %mul3A_34 = arith.constant 1 : i32
      %mul3A_35 = arith.muli %scan3A_33, %mul3A_34 : i32
      %add3A_36 = arith.constant 0 : i32
      %add3A_37 = arith.addi %add3A_36, %mul3A_35 : i32
      %broadcast_in_dim3A = arith.constant 0.000000e+00 : f32
      %broadcast_in_dim3A_38 = vector.broadcast %broadcast_in_dim3A : f32 to vector<16xf32>
      %swap3A = arith.index_cast %add3A_37 : i32 to index
      %swap3A_39 = arith.constant 0 : index
      %swap3A_40 = tpu.vector_load %arg6[%swap3A, %swap3A_39] {strides = array<i32>} : memref<128x16xf32, #tpu.memory_space<vmem>>, vector<1x16xf32>,
      %swap3A_41 = vector.shape_cast %swap3A_40 : vector<1x16xf32> to vector<16xf32>
      %swap3A_42 = vector.shape_cast %broadcast_in_dim3A_38 : vector<16xf32> to vector<1x16xf32>
      tpu.vector_store %arg6[%swap3A, %swap3A_39], %swap3A_42 {strides = array<i32>} : memref<128x16xf32, #tpu.memory_space<vmem>>, vector<1x16xf32>,
    }
    %scan3A_6 = arith.constant 128 : i32
    %scan3A_7 = arith.constant 0 : i32
    %scan3A_8 = arith.constant 5 : i32
    %scan3A_9 = arith.addi %scan3A_7, %scan3A_8 : i32
    %scan3A_10 = arith.constant 1 : i32
    scf.for %scan3A_33 = %scan3A_7 to %scan3A_9 step %scan3A_10  : i32 {
      %mul3A_34 = arith.constant 1 : i32
      %mul3A_35 = arith.muli %scan3A_33, %mul3A_34 : i32
      %add3A_36 = arith.constant 0 : i32
      %add3A_37 = arith.addi %add3A_36, %mul3A_35 : i32
      %mul3A_38 = arith.constant 640 : i32
      %mul3A_39 = arith.muli %arg1, %mul3A_38 : i32
      %mul3A_40 = arith.constant 128 : i32
      %mul3A_41 = arith.muli %add3A_37, %mul3A_40 : i32
      %add3A_42 = arith.addi %mul3A_39, %mul3A_41 : i32
      "tpu.region"() ({
        %run_scoped3A = tpu.sem_alloc : memref<!tpu.dma_semaphore, #tpu.memory_space<semaphore_mem>>
        %dma_start3A_43 = arith.constant 0 : i32
        %dma_start3A_44 = tpu.memref_slice %arg7[%add3A_42, %dma_start3A_43] : memref<10240x16xf32, #tpu.memory_space<vmem_shared>> -> memref<128x16xf32, #tpu.memory_space<vmem_shared>>
        %dma_start3A_45 = arith.constant 0 : i32
        %dma_start3A_46 = tpu.memref_slice %arg7[%add3A_42, %dma_start3A_45] : memref<10240x16xf32, #tpu.memory_space<vmem_shared>> -> memref<128x16xf32, #tpu.memory_space<vmem_shared>>
        tpu.enqueue_dma source(%arg6 : memref<128x16xf32, #tpu.memory_space<vmem>>) target(%dma_start3A_46 : memref<128x16xf32, #tpu.memory_space<vmem_shared>>) target_semaphore(%run_scoped3A : memref<!tpu.dma_semaphore, #tpu.memory_space<semaphore_mem>>)
        %dma_wait3A = arith.constant 0 : i32
        %dma_wait3A_47 = tpu.memref_slice %arg7[%add3A_42, %dma_wait3A] : memref<10240x16xf32, #tpu.memory_space<vmem_shared>> -> memref<128x16xf32, #tpu.memory_space<vmem_shared>>
        %dma_wait3A_48 = arith.constant 0 : i32
        %dma_wait3A_49 = tpu.memref_slice %arg7[%add3A_42, %dma_wait3A_48] : memref<10240x16xf32, #tpu.memory_space<vmem_shared>> -> memref<128x16xf32, #tpu.memory_space<vmem_shared>>
        tpu.wait_dma2 semaphore(%run_scoped3A : memref<!tpu.dma_semaphore, #tpu.memory_space<semaphore_mem>>) src(%arg6 : memref<128x16xf32, #tpu.memory_space<vmem>>) dst(%dma_wait3A_49 : memref<128x16xf32, #tpu.memory_space<vmem_shared>>)
        tpu.yield
      }) : () -> ()
    }
    %scan3A_11 = arith.constant 5 : i32
    %scan3A_12 = arith.constant 0 : i32
    %scan3A_13 = arith.constant 128 : i32
    %scan3A_14 = arith.addi %scan3A_12, %scan3A_13 : i32
    %scan3A_15 = arith.constant 1 : i32
    scf.for %scan3A_33 = %scan3A_12 to %scan3A_14 step %scan3A_15  : i32 {
      %mul3A_34 = arith.constant 1 : i32
      %mul3A_35 = arith.muli %scan3A_33, %mul3A_34 : i32
      %add3A_36 = arith.constant 0 : i32
      %add3A_37 = arith.addi %add3A_36, %mul3A_35 : i32
      %broadcast_in_dim3A = arith.constant 1.000000e+00 : f32
      %broadcast_in_dim3A_38 = vector.broadcast %broadcast_in_dim3A : f32 to vector<16xf32>
      %swap3A = arith.index_cast %add3A_37 : i32 to index
      %swap3A_39 = arith.constant 0 : index
      %swap3A_40 = tpu.vector_load %arg6[%swap3A, %swap3A_39] {strides = array<i32>} : memref<128x16xf32, #tpu.memory_space<vmem>>, vector<1x16xf32>,
      %swap3A_41 = vector.shape_cast %swap3A_40 : vector<1x16xf32> to vector<16xf32>
      %swap3A_42 = vector.shape_cast %broadcast_in_dim3A_38 : vector<16xf32> to vector<1x16xf32>
      tpu.vector_store %arg6[%swap3A, %swap3A_39], %swap3A_42 {strides = array<i32>} : memref<128x16xf32, #tpu.memory_space<vmem>>, vector<1x16xf32>,
    }
    %scan3A_16 = arith.constant 128 : i32
    %barrier3A = arith.constant 0 : index
    tpu.barrier barrier_id(%barrier3A)
    "tpu.region"() ({
      %run_scoped3A = tpu.sem_alloc : memref<!tpu.dma_semaphore, #tpu.memory_space<semaphore_mem>>
      %dma_start3A_33 = arith.constant 0 : i32
      %dma_start3A_34 = tpu.memref_slice %arg2[%mul3A_2, %dma_start3A_33] : memref<2560x128xi32, #tpu.memory_space<hbm>> -> memref<4x128xi32, #tpu.memory_space<hbm>>
      %dma_start3A_35 = arith.constant 0 : i32
      %dma_start3A_36 = tpu.memref_slice %arg2[%mul3A_2, %dma_start3A_35] : memref<2560x128xi32, #tpu.memory_space<hbm>> -> memref<4x128xi32, #tpu.memory_space<hbm>>
      tpu.enqueue_dma source(%dma_start3A_36 : memref<4x128xi32, #tpu.memory_space<hbm>>) target(%arg4 : memref<4x128xi32, #tpu.memory_space<vmem>>) target_semaphore(%run_scoped3A : memref<!tpu.dma_semaphore, #tpu.memory_space<semaphore_mem>>)
      %dma_wait3A = arith.constant 0 : i32
      %dma_wait3A_37 = tpu.memref_slice %arg2[%mul3A_2, %dma_wait3A] : memref<2560x128xi32, #tpu.memory_space<hbm>> -> memref<4x128xi32, #tpu.memory_space<hbm>>
      %dma_wait3A_38 = arith.constant 0 : i32
      %dma_wait3A_39 = tpu.memref_slice %arg2[%mul3A_2, %dma_wait3A_38] : memref<2560x128xi32, #tpu.memory_space<hbm>> -> memref<4x128xi32, #tpu.memory_space<hbm>>
      tpu.wait_dma2 semaphore(%run_scoped3A : memref<!tpu.dma_semaphore, #tpu.memory_space<semaphore_mem>>) src(%dma_wait3A_39 : memref<4x128xi32, #tpu.memory_space<hbm>>) dst(%arg4 : memref<4x128xi32, #tpu.memory_space<vmem>>)
      tpu.yield
    }) : () -> ()
    %add3A_17 = arith.constant 4 : i32
    %add3A_18 = arith.addi %mul3A_2, %add3A_17 : i32
    %dma_start3A = arith.constant 0 : i32
    %dma_start3A_19 = tpu.memref_slice %arg2[%add3A_18, %dma_start3A] : memref<2560x128xi32, #tpu.memory_space<hbm>> -> memref<4x128xi32, #tpu.memory_space<hbm>>
    %dma_start3A_20 = arith.constant 0 : i32
    %dma_start3A_21 = tpu.memref_slice %arg2[%add3A_18, %dma_start3A_20] : memref<2560x128xi32, #tpu.memory_space<hbm>> -> memref<4x128xi32, #tpu.memory_space<hbm>>
    tpu.enqueue_dma source(%dma_start3A_21 : memref<4x128xi32, #tpu.memory_space<hbm>>) target(%arg5 : memref<4x128xi32, #tpu.memory_space<vmem>>) target_semaphore(%arg9 : memref<!tpu.dma_semaphore, #tpu.memory_space<semaphore_mem>>)
    %scan3A_22 = arith.constant 0 : i32
    %scan3A_23 = arith.constant 10 : i32
    %scan3A_24 = arith.addi %scan3A_22, %scan3A_23 : i32
    %scan3A_25 = arith.constant 1 : i32
    scf.for %scan3A_33 = %scan3A_22 to %scan3A_24 step %scan3A_25  : i32 {
      %mul3A_34 = arith.constant 2 : i32
      %mul3A_35 = arith.muli %scan3A_33, %mul3A_34 : i32
      %add3A_36 = arith.constant 0 : i32
      %add3A_37 = arith.addi %add3A_36, %mul3A_35 : i32
      %add3A_38 = arith.constant 0 : i32
      %add3A_39 = arith.addi %add3A_37, %add3A_38 : i32
      %lt3A = arith.constant 19 : i32
      %lt3A_40 = arith.cmpi slt, %add3A_39, %lt3A : i32
      %convert_element_type3A = arith.extui %lt3A_40 : i1 to i32
      %cond3A = arith.constant 0 : i32
      %cond3A_41 = arith.cmpi ne, %convert_element_type3A, %cond3A : i32
      scf.if %cond3A_41 {
        %dma_wait3A = arith.constant 0 : i32
        %dma_wait3A_66 = tpu.memref_slice %arg2[%mul3A_2, %dma_wait3A] : memref<2560x128xi32, #tpu.memory_space<hbm>> -> memref<4x128xi32, #tpu.memory_space<hbm>>
        %dma_wait3A_67 = arith.constant 0 : i32
        %dma_wait3A_68 = tpu.memref_slice %arg2[%mul3A_2, %dma_wait3A_67] : memref<2560x128xi32, #tpu.memory_space<hbm>> -> memref<4x128xi32, #tpu.memory_space<hbm>>
        tpu.wait_dma2 semaphore(%arg9 : memref<!tpu.dma_semaphore, #tpu.memory_space<semaphore_mem>>) src(%dma_wait3A_68 : memref<4x128xi32, #tpu.memory_space<hbm>>) dst(%arg5 : memref<4x128xi32, #tpu.memory_space<vmem>>)
      } else {
      }
      %run_scoped3A = arith.constant 0 : i32
      "tpu.region"() ({
        %run_scoped3A_66 = tpu.sem_alloc : memref<!tpu.dma_semaphore, #tpu.memory_space<semaphore_mem>>
        %dma_start3A_67 = arith.constant 0 : i32
        %dma_start3A_68 = tpu.memref_slice %arg4[%run_scoped3A, %dma_start3A_67] : memref<4x128xi32, #tpu.memory_space<vmem>> -> memref<1x128xi32, #tpu.memory_space<vmem>>
        %dma_start3A_69 = tpu.memref_squeeze %dma_start3A_68 : memref<1x128xi32, #tpu.memory_space<vmem>> -> memref<128xi32, #tpu.memory_space<vmem>>
        %dma_start3A_70 = arith.constant 0 : i32
        %dma_start3A_71 = arith.constant 0 : i32
        %dma_start3A_72 = tpu.memref_slice %arg7[%dma_start3A_70, %dma_start3A_71] : memref<10240x16xf32, #tpu.memory_space<vmem_shared>> -> memref<10240x16xf32, #tpu.memory_space<vmem_shared>>
        tpu.enqueue_indirect_dma source(%arg6 : memref<128x16xf32, #tpu.memory_space<vmem>>) target(%dma_start3A_72 : memref<10240x16xf32, #tpu.memory_space<vmem_shared>>) offsets(%dma_start3A_69 : memref<128xi32, #tpu.memory_space<vmem>>) semaphore(%run_scoped3A_66 : memref<!tpu.dma_semaphore, #tpu.memory_space<semaphore_mem>>) {add = true}
        %dma_wait3A = arith.constant 0 : i32
        %dma_wait3A_73 = tpu.memref_slice %arg4[%run_scoped3A, %dma_wait3A] : memref<4x128xi32, #tpu.memory_space<vmem>> -> memref<1x128xi32, #tpu.memory_space<vmem>>
        %dma_wait3A_74 = tpu.memref_squeeze %dma_wait3A_73 : memref<1x128xi32, #tpu.memory_space<vmem>> -> memref<128xi32, #tpu.memory_space<vmem>>
        %dma_wait3A_75 = arith.constant 0 : i32
        %dma_wait3A_76 = arith.constant 0 : i32
        %dma_wait3A_77 = tpu.memref_slice %arg7[%dma_wait3A_75, %dma_wait3A_76] : memref<10240x16xf32, #tpu.memory_space<vmem_shared>> -> memref<10240x16xf32, #tpu.memory_space<vmem_shared>>
        tpu.wait_indirect_dma semaphore(%run_scoped3A_66 : memref<!tpu.dma_semaphore, #tpu.memory_space<semaphore_mem>>) src(%arg6 : memref<128x16xf32, #tpu.memory_space<vmem>>) dst(%dma_wait3A_77 : memref<10240x16xf32, #tpu.memory_space<vmem_shared>>)
        tpu.yield
      }) : () -> ()
      %run_scoped3A_42 = arith.constant 1 : i32
      "tpu.region"() ({
        %run_scoped3A_66 = tpu.sem_alloc : memref<!tpu.dma_semaphore, #tpu.memory_space<semaphore_mem>>
        %dma_start3A_67 = arith.constant 0 : i32
        %dma_start3A_68 = tpu.memref_slice %arg4[%run_scoped3A_42, %dma_start3A_67] : memref<4x128xi32, #tpu.memory_space<vmem>> -> memref<1x128xi32, #tpu.memory_space<vmem>>
        %dma_start3A_69 = tpu.memref_squeeze %dma_start3A_68 : memref<1x128xi32, #tpu.memory_space<vmem>> -> memref<128xi32, #tpu.memory_space<vmem>>
        %dma_start3A_70 = arith.constant 0 : i32
        %dma_start3A_71 = arith.constant 0 : i32
        %dma_start3A_72 = tpu.memref_slice %arg7[%dma_start3A_70, %dma_start3A_71] : memref<10240x16xf32, #tpu.memory_space<vmem_shared>> -> memref<10240x16xf32, #tpu.memory_space<vmem_shared>>
        tpu.enqueue_indirect_dma source(%arg6 : memref<128x16xf32, #tpu.memory_space<vmem>>) target(%dma_start3A_72 : memref<10240x16xf32, #tpu.memory_space<vmem_shared>>) offsets(%dma_start3A_69 : memref<128xi32, #tpu.memory_space<vmem>>) semaphore(%run_scoped3A_66 : memref<!tpu.dma_semaphore, #tpu.memory_space<semaphore_mem>>) {add = true}
        %dma_wait3A = arith.constant 0 : i32
        %dma_wait3A_73 = tpu.memref_slice %arg4[%run_scoped3A_42, %dma_wait3A] : memref<4x128xi32, #tpu.memory_space<vmem>> -> memref<1x128xi32, #tpu.memory_space<vmem>>
        %dma_wait3A_74 = tpu.memref_squeeze %dma_wait3A_73 : memref<1x128xi32, #tpu.memory_space<vmem>> -> memref<128xi32, #tpu.memory_space<vmem>>
        %dma_wait3A_75 = arith.constant 0 : i32
        %dma_wait3A_76 = arith.constant 0 : i32
        %dma_wait3A_77 = tpu.memref_slice %arg7[%dma_wait3A_75, %dma_wait3A_76] : memref<10240x16xf32, #tpu.memory_space<vmem_shared>> -> memref<10240x16xf32, #tpu.memory_space<vmem_shared>>
        tpu.wait_indirect_dma semaphore(%run_scoped3A_66 : memref<!tpu.dma_semaphore, #tpu.memory_space<semaphore_mem>>) src(%arg6 : memref<128x16xf32, #tpu.memory_space<vmem>>) dst(%dma_wait3A_77 : memref<10240x16xf32, #tpu.memory_space<vmem_shared>>)
        tpu.yield
      }) : () -> ()
      %run_scoped3A_43 = arith.constant 2 : i32
      "tpu.region"() ({
        %run_scoped3A_66 = tpu.sem_alloc : memref<!tpu.dma_semaphore, #tpu.memory_space<semaphore_mem>>
        %dma_start3A_67 = arith.constant 0 : i32
        %dma_start3A_68 = tpu.memref_slice %arg4[%run_scoped3A_43, %dma_start3A_67] : memref<4x128xi32, #tpu.memory_space<vmem>> -> memref<1x128xi32, #tpu.memory_space<vmem>>
        %dma_start3A_69 = tpu.memref_squeeze %dma_start3A_68 : memref<1x128xi32, #tpu.memory_space<vmem>> -> memref<128xi32, #tpu.memory_space<vmem>>
        %dma_start3A_70 = arith.constant 0 : i32
        %dma_start3A_71 = arith.constant 0 : i32
        %dma_start3A_72 = tpu.memref_slice %arg7[%dma_start3A_70, %dma_start3A_71] : memref<10240x16xf32, #tpu.memory_space<vmem_shared>> -> memref<10240x16xf32, #tpu.memory_space<vmem_shared>>
        tpu.enqueue_indirect_dma source(%arg6 : memref<128x16xf32, #tpu.memory_space<vmem>>) target(%dma_start3A_72 : memref<10240x16xf32, #tpu.memory_space<vmem_shared>>) offsets(%dma_start3A_69 : memref<128xi32, #tpu.memory_space<vmem>>) semaphore(%run_scoped3A_66 : memref<!tpu.dma_semaphore, #tpu.memory_space<semaphore_mem>>) {add = true}
        %dma_wait3A = arith.constant 0 : i32
        %dma_wait3A_73 = tpu.memref_slice %arg4[%run_scoped3A_43, %dma_wait3A] : memref<4x128xi32, #tpu.memory_space<vmem>> -> memref<1x128xi32, #tpu.memory_space<vmem>>
        %dma_wait3A_74 = tpu.memref_squeeze %dma_wait3A_73 : memref<1x128xi32, #tpu.memory_space<vmem>> -> memref<128xi32, #tpu.memory_space<vmem>>
        %dma_wait3A_75 = arith.constant 0 : i32
        %dma_wait3A_76 = arith.constant 0 : i32
        %dma_wait3A_77 = tpu.memref_slice %arg7[%dma_wait3A_75, %dma_wait3A_76] : memref<10240x16xf32, #tpu.memory_space<vmem_shared>> -> memref<10240x16xf32, #tpu.memory_space<vmem_shared>>
        tpu.wait_indirect_dma semaphore(%run_scoped3A_66 : memref<!tpu.dma_semaphore, #tpu.memory_space<semaphore_mem>>) src(%arg6 : memref<128x16xf32, #tpu.memory_space<vmem>>) dst(%dma_wait3A_77 : memref<10240x16xf32, #tpu.memory_space<vmem_shared>>)
        tpu.yield
      }) : () -> ()
      %run_scoped3A_44 = arith.constant 3 : i32
      "tpu.region"() ({
        %run_scoped3A_66 = tpu.sem_alloc : memref<!tpu.dma_semaphore, #tpu.memory_space<semaphore_mem>>
        %dma_start3A_67 = arith.constant 0 : i32
        %dma_start3A_68 = tpu.memref_slice %arg4[%run_scoped3A_44, %dma_start3A_67] : memref<4x128xi32, #tpu.memory_space<vmem>> -> memref<1x128xi32, #tpu.memory_space<vmem>>
        %dma_start3A_69 = tpu.memref_squeeze %dma_start3A_68 : memref<1x128xi32, #tpu.memory_space<vmem>> -> memref<128xi32, #tpu.memory_space<vmem>>
        %dma_start3A_70 = arith.constant 0 : i32
        %dma_start3A_71 = arith.constant 0 : i32
        %dma_start3A_72 = tpu.memref_slice %arg7[%dma_start3A_70, %dma_start3A_71] : memref<10240x16xf32, #tpu.memory_space<vmem_shared>> -> memref<10240x16xf32, #tpu.memory_space<vmem_shared>>
        tpu.enqueue_indirect_dma source(%arg6 : memref<128x16xf32, #tpu.memory_space<vmem>>) target(%dma_start3A_72 : memref<10240x16xf32, #tpu.memory_space<vmem_shared>>) offsets(%dma_start3A_69 : memref<128xi32, #tpu.memory_space<vmem>>) semaphore(%run_scoped3A_66 : memref<!tpu.dma_semaphore, #tpu.memory_space<semaphore_mem>>) {add = true}
        %dma_wait3A = arith.constant 0 : i32
        %dma_wait3A_73 = tpu.memref_slice %arg4[%run_scoped3A_44, %dma_wait3A] : memref<4x128xi32, #tpu.memory_space<vmem>> -> memref<1x128xi32, #tpu.memory_space<vmem>>
        %dma_wait3A_74 = tpu.memref_squeeze %dma_wait3A_73 : memref<1x128xi32, #tpu.memory_space<vmem>> -> memref<128xi32, #tpu.memory_space<vmem>>
        %dma_wait3A_75 = arith.constant 0 : i32
        %dma_wait3A_76 = arith.constant 0 : i32
        %dma_wait3A_77 = tpu.memref_slice %arg7[%dma_wait3A_75, %dma_wait3A_76] : memref<10240x16xf32, #tpu.memory_space<vmem_shared>> -> memref<10240x16xf32, #tpu.memory_space<vmem_shared>>
        tpu.wait_indirect_dma semaphore(%run_scoped3A_66 : memref<!tpu.dma_semaphore, #tpu.memory_space<semaphore_mem>>) src(%arg6 : memref<128x16xf32, #tpu.memory_space<vmem>>) dst(%dma_wait3A_77 : memref<10240x16xf32, #tpu.memory_space<vmem_shared>>)
        tpu.yield
      }) : () -> ()
      %lt3A_45 = arith.constant 18 : i32
      %lt3A_46 = arith.cmpi slt, %add3A_39, %lt3A_45 : i32
      %convert_element_type3A_47 = arith.extui %lt3A_46 : i1 to i32
      %cond3A_48 = arith.constant 0 : i32
      %cond3A_49 = arith.cmpi ne, %convert_element_type3A_47, %cond3A_48 : i32
      scf.if %cond3A_49 {
        %add3A_66 = arith.constant 2 : i32
        %add3A_67 = arith.addi %add3A_39, %add3A_66 : i32
        %mul3A_68 = arith.constant 4 : i32
        %mul3A_69 = arith.muli %add3A_67, %mul3A_68 : i32
        %add3A_70 = arith.addi %mul3A_2, %mul3A_69 : i32
        %dma_start3A_71 = arith.constant 0 : i32
        %dma_start3A_72 = tpu.memref_slice %arg2[%add3A_70, %dma_start3A_71] : memref<2560x128xi32, #tpu.memory_space<hbm>> -> memref<4x128xi32, #tpu.memory_space<hbm>>
        %dma_start3A_73 = arith.constant 0 : i32
        %dma_start3A_74 = tpu.memref_slice %arg2[%add3A_70, %dma_start3A_73] : memref<2560x128xi32, #tpu.memory_space<hbm>> -> memref<4x128xi32, #tpu.memory_space<hbm>>
        tpu.enqueue_dma source(%dma_start3A_74 : memref<4x128xi32, #tpu.memory_space<hbm>>) target(%arg4 : memref<4x128xi32, #tpu.memory_space<vmem>>) target_semaphore(%arg8 : memref<!tpu.dma_semaphore, #tpu.memory_space<semaphore_mem>>)
      } else {
      }
      %add3A_50 = arith.constant 1 : i32
      %add3A_51 = arith.addi %add3A_37, %add3A_50 : i32
      %lt3A_52 = arith.constant 19 : i32
      %lt3A_53 = arith.cmpi slt, %add3A_51, %lt3A_52 : i32
      %convert_element_type3A_54 = arith.extui %lt3A_53 : i1 to i32
      %cond3A_55 = arith.constant 0 : i32
      %cond3A_56 = arith.cmpi ne, %convert_element_type3A_54, %cond3A_55 : i32
      scf.if %cond3A_56 {
        %dma_wait3A = arith.constant 0 : i32
        %dma_wait3A_66 = tpu.memref_slice %arg2[%mul3A_2, %dma_wait3A] : memref<2560x128xi32, #tpu.memory_space<hbm>> -> memref<4x128xi32, #tpu.memory_space<hbm>>
        %dma_wait3A_67 = arith.constant 0 : i32
        %dma_wait3A_68 = tpu.memref_slice %arg2[%mul3A_2, %dma_wait3A_67] : memref<2560x128xi32, #tpu.memory_space<hbm>> -> memref<4x128xi32, #tpu.memory_space<hbm>>
        tpu.wait_dma2 semaphore(%arg8 : memref<!tpu.dma_semaphore, #tpu.memory_space<semaphore_mem>>) src(%dma_wait3A_68 : memref<4x128xi32, #tpu.memory_space<hbm>>) dst(%arg4 : memref<4x128xi32, #tpu.memory_space<vmem>>)
      } else {
      }
      %run_scoped3A_57 = arith.constant 0 : i32
      "tpu.region"() ({
        %run_scoped3A_66 = tpu.sem_alloc : memref<!tpu.dma_semaphore, #tpu.memory_space<semaphore_mem>>
        %dma_start3A_67 = arith.constant 0 : i32
        %dma_start3A_68 = tpu.memref_slice %arg5[%run_scoped3A_57, %dma_start3A_67] : memref<4x128xi32, #tpu.memory_space<vmem>> -> memref<1x128xi32, #tpu.memory_space<vmem>>
        %dma_start3A_69 = tpu.memref_squeeze %dma_start3A_68 : memref<1x128xi32, #tpu.memory_space<vmem>> -> memref<128xi32, #tpu.memory_space<vmem>>
        %dma_start3A_70 = arith.constant 0 : i32
        %dma_start3A_71 = arith.constant 0 : i32
        %dma_start3A_72 = tpu.memref_slice %arg7[%dma_start3A_70, %dma_start3A_71] : memref<10240x16xf32, #tpu.memory_space<vmem_shared>> -> memref<10240x16xf32, #tpu.memory_space<vmem_shared>>
        tpu.enqueue_indirect_dma source(%arg6 : memref<128x16xf32, #tpu.memory_space<vmem>>) target(%dma_start3A_72 : memref<10240x16xf32, #tpu.memory_space<vmem_shared>>) offsets(%dma_start3A_69 : memref<128xi32, #tpu.memory_space<vmem>>) semaphore(%run_scoped3A_66 : memref<!tpu.dma_semaphore, #tpu.memory_space<semaphore_mem>>) {add = true}
        %dma_wait3A = arith.constant 0 : i32
        %dma_wait3A_73 = tpu.memref_slice %arg5[%run_scoped3A_57, %dma_wait3A] : memref<4x128xi32, #tpu.memory_space<vmem>> -> memref<1x128xi32, #tpu.memory_space<vmem>>
        %dma_wait3A_74 = tpu.memref_squeeze %dma_wait3A_73 : memref<1x128xi32, #tpu.memory_space<vmem>> -> memref<128xi32, #tpu.memory_space<vmem>>
        %dma_wait3A_75 = arith.constant 0 : i32
        %dma_wait3A_76 = arith.constant 0 : i32
        %dma_wait3A_77 = tpu.memref_slice %arg7[%dma_wait3A_75, %dma_wait3A_76] : memref<10240x16xf32, #tpu.memory_space<vmem_shared>> -> memref<10240x16xf32, #tpu.memory_space<vmem_shared>>
        tpu.wait_indirect_dma semaphore(%run_scoped3A_66 : memref<!tpu.dma_semaphore, #tpu.memory_space<semaphore_mem>>) src(%arg6 : memref<128x16xf32, #tpu.memory_space<vmem>>) dst(%dma_wait3A_77 : memref<10240x16xf32, #tpu.memory_space<vmem_shared>>)
        tpu.yield
      }) : () -> ()
      %run_scoped3A_58 = arith.constant 1 : i32
      "tpu.region"() ({
        %run_scoped3A_66 = tpu.sem_alloc : memref<!tpu.dma_semaphore, #tpu.memory_space<semaphore_mem>>
        %dma_start3A_67 = arith.constant 0 : i32
        %dma_start3A_68 = tpu.memref_slice %arg5[%run_scoped3A_58, %dma_start3A_67] : memref<4x128xi32, #tpu.memory_space<vmem>> -> memref<1x128xi32, #tpu.memory_space<vmem>>
        %dma_start3A_69 = tpu.memref_squeeze %dma_start3A_68 : memref<1x128xi32, #tpu.memory_space<vmem>> -> memref<128xi32, #tpu.memory_space<vmem>>
        %dma_start3A_70 = arith.constant 0 : i32
        %dma_start3A_71 = arith.constant 0 : i32
        %dma_start3A_72 = tpu.memref_slice %arg7[%dma_start3A_70, %dma_start3A_71] : memref<10240x16xf32, #tpu.memory_space<vmem_shared>> -> memref<10240x16xf32, #tpu.memory_space<vmem_shared>>
        tpu.enqueue_indirect_dma source(%arg6 : memref<128x16xf32, #tpu.memory_space<vmem>>) target(%dma_start3A_72 : memref<10240x16xf32, #tpu.memory_space<vmem_shared>>) offsets(%dma_start3A_69 : memref<128xi32, #tpu.memory_space<vmem>>) semaphore(%run_scoped3A_66 : memref<!tpu.dma_semaphore, #tpu.memory_space<semaphore_mem>>) {add = true}
        %dma_wait3A = arith.constant 0 : i32
        %dma_wait3A_73 = tpu.memref_slice %arg5[%run_scoped3A_58, %dma_wait3A] : memref<4x128xi32, #tpu.memory_space<vmem>> -> memref<1x128xi32, #tpu.memory_space<vmem>>
        %dma_wait3A_74 = tpu.memref_squeeze %dma_wait3A_73 : memref<1x128xi32, #tpu.memory_space<vmem>> -> memref<128xi32, #tpu.memory_space<vmem>>
        %dma_wait3A_75 = arith.constant 0 : i32
        %dma_wait3A_76 = arith.constant 0 : i32
        %dma_wait3A_77 = tpu.memref_slice %arg7[%dma_wait3A_75, %dma_wait3A_76] : memref<10240x16xf32, #tpu.memory_space<vmem_shared>> -> memref<10240x16xf32, #tpu.memory_space<vmem_shared>>
        tpu.wait_indirect_dma semaphore(%run_scoped3A_66 : memref<!tpu.dma_semaphore, #tpu.memory_space<semaphore_mem>>) src(%arg6 : memref<128x16xf32, #tpu.memory_space<vmem>>) dst(%dma_wait3A_77 : memref<10240x16xf32, #tpu.memory_space<vmem_shared>>)
        tpu.yield
      }) : () -> ()
      %run_scoped3A_59 = arith.constant 2 : i32
      "tpu.region"() ({
        %run_scoped3A_66 = tpu.sem_alloc : memref<!tpu.dma_semaphore, #tpu.memory_space<semaphore_mem>>
        %dma_start3A_67 = arith.constant 0 : i32
        %dma_start3A_68 = tpu.memref_slice %arg5[%run_scoped3A_59, %dma_start3A_67] : memref<4x128xi32, #tpu.memory_space<vmem>> -> memref<1x128xi32, #tpu.memory_space<vmem>>
        %dma_start3A_69 = tpu.memref_squeeze %dma_start3A_68 : memref<1x128xi32, #tpu.memory_space<vmem>> -> memref<128xi32, #tpu.memory_space<vmem>>
        %dma_start3A_70 = arith.constant 0 : i32
        %dma_start3A_71 = arith.constant 0 : i32
        %dma_start3A_72 = tpu.memref_slice %arg7[%dma_start3A_70, %dma_start3A_71] : memref<10240x16xf32, #tpu.memory_space<vmem_shared>> -> memref<10240x16xf32, #tpu.memory_space<vmem_shared>>
        tpu.enqueue_indirect_dma source(%arg6 : memref<128x16xf32, #tpu.memory_space<vmem>>) target(%dma_start3A_72 : memref<10240x16xf32, #tpu.memory_space<vmem_shared>>) offsets(%dma_start3A_69 : memref<128xi32, #tpu.memory_space<vmem>>) semaphore(%run_scoped3A_66 : memref<!tpu.dma_semaphore, #tpu.memory_space<semaphore_mem>>) {add = true}
        %dma_wait3A = arith.constant 0 : i32
        %dma_wait3A_73 = tpu.memref_slice %arg5[%run_scoped3A_59, %dma_wait3A] : memref<4x128xi32, #tpu.memory_space<vmem>> -> memref<1x128xi32, #tpu.memory_space<vmem>>
        %dma_wait3A_74 = tpu.memref_squeeze %dma_wait3A_73 : memref<1x128xi32, #tpu.memory_space<vmem>> -> memref<128xi32, #tpu.memory_space<vmem>>
        %dma_wait3A_75 = arith.constant 0 : i32
        %dma_wait3A_76 = arith.constant 0 : i32
        %dma_wait3A_77 = tpu.memref_slice %arg7[%dma_wait3A_75, %dma_wait3A_76] : memref<10240x16xf32, #tpu.memory_space<vmem_shared>> -> memref<10240x16xf32, #tpu.memory_space<vmem_shared>>
        tpu.wait_indirect_dma semaphore(%run_scoped3A_66 : memref<!tpu.dma_semaphore, #tpu.memory_space<semaphore_mem>>) src(%arg6 : memref<128x16xf32, #tpu.memory_space<vmem>>) dst(%dma_wait3A_77 : memref<10240x16xf32, #tpu.memory_space<vmem_shared>>)
        tpu.yield
      }) : () -> ()
      %run_scoped3A_60 = arith.constant 3 : i32
      "tpu.region"() ({
        %run_scoped3A_66 = tpu.sem_alloc : memref<!tpu.dma_semaphore, #tpu.memory_space<semaphore_mem>>
        %dma_start3A_67 = arith.constant 0 : i32
        %dma_start3A_68 = tpu.memref_slice %arg5[%run_scoped3A_60, %dma_start3A_67] : memref<4x128xi32, #tpu.memory_space<vmem>> -> memref<1x128xi32, #tpu.memory_space<vmem>>
        %dma_start3A_69 = tpu.memref_squeeze %dma_start3A_68 : memref<1x128xi32, #tpu.memory_space<vmem>> -> memref<128xi32, #tpu.memory_space<vmem>>
        %dma_start3A_70 = arith.constant 0 : i32
        %dma_start3A_71 = arith.constant 0 : i32
        %dma_start3A_72 = tpu.memref_slice %arg7[%dma_start3A_70, %dma_start3A_71] : memref<10240x16xf32, #tpu.memory_space<vmem_shared>> -> memref<10240x16xf32, #tpu.memory_space<vmem_shared>>
        tpu.enqueue_indirect_dma source(%arg6 : memref<128x16xf32, #tpu.memory_space<vmem>>) target(%dma_start3A_72 : memref<10240x16xf32, #tpu.memory_space<vmem_shared>>) offsets(%dma_start3A_69 : memref<128xi32, #tpu.memory_space<vmem>>) semaphore(%run_scoped3A_66 : memref<!tpu.dma_semaphore, #tpu.memory_space<semaphore_mem>>) {add = true}
        %dma_wait3A = arith.constant 0 : i32
        %dma_wait3A_73 = tpu.memref_slice %arg5[%run_scoped3A_60, %dma_wait3A] : memref<4x128xi32, #tpu.memory_space<vmem>> -> memref<1x128xi32, #tpu.memory_space<vmem>>
        %dma_wait3A_74 = tpu.memref_squeeze %dma_wait3A_73 : memref<1x128xi32, #tpu.memory_space<vmem>> -> memref<128xi32, #tpu.memory_space<vmem>>
        %dma_wait3A_75 = arith.constant 0 : i32
        %dma_wait3A_76 = arith.constant 0 : i32
        %dma_wait3A_77 = tpu.memref_slice %arg7[%dma_wait3A_75, %dma_wait3A_76] : memref<10240x16xf32, #tpu.memory_space<vmem_shared>> -> memref<10240x16xf32, #tpu.memory_space<vmem_shared>>
        tpu.wait_indirect_dma semaphore(%run_scoped3A_66 : memref<!tpu.dma_semaphore, #tpu.memory_space<semaphore_mem>>) src(%arg6 : memref<128x16xf32, #tpu.memory_space<vmem>>) dst(%dma_wait3A_77 : memref<10240x16xf32, #tpu.memory_space<vmem_shared>>)
        tpu.yield
      }) : () -> ()
      %lt3A_61 = arith.constant 18 : i32
      %lt3A_62 = arith.cmpi slt, %add3A_51, %lt3A_61 : i32
      %convert_element_type3A_63 = arith.extui %lt3A_62 : i1 to i32
      %cond3A_64 = arith.constant 0 : i32
      %cond3A_65 = arith.cmpi ne, %convert_element_type3A_63, %cond3A_64 : i32
      scf.if %cond3A_65 {
        %add3A_66 = arith.constant 2 : i32
        %add3A_67 = arith.addi %add3A_51, %add3A_66 : i32
        %mul3A_68 = arith.constant 4 : i32
        %mul3A_69 = arith.muli %add3A_67, %mul3A_68 : i32
        %add3A_70 = arith.addi %mul3A_2, %mul3A_69 : i32
        %dma_start3A_71 = arith.constant 0 : i32
        %dma_start3A_72 = tpu.memref_slice %arg2[%add3A_70, %dma_start3A_71] : memref<2560x128xi32, #tpu.memory_space<hbm>> -> memref<4x128xi32, #tpu.memory_space<hbm>>
        %dma_start3A_73 = arith.constant 0 : i32
        %dma_start3A_74 = tpu.memref_slice %arg2[%add3A_70, %dma_start3A_73] : memref<2560x128xi32, #tpu.memory_space<hbm>> -> memref<4x128xi32, #tpu.memory_space<hbm>>
        tpu.enqueue_dma source(%dma_start3A_74 : memref<4x128xi32, #tpu.memory_space<hbm>>) target(%arg5 : memref<4x128xi32, #tpu.memory_space<vmem>>) target_semaphore(%arg9 : memref<!tpu.dma_semaphore, #tpu.memory_space<semaphore_mem>>)
      } else {
      }
    }
    %scan3A_26 = arith.constant 10 : i32
    %barrier3A_27 = arith.constant 0 : index
    tpu.barrier barrier_id(%barrier3A_27)
    %scan3A_28 = arith.constant 0 : i32
    %scan3A_29 = arith.constant 5 : i32
    %scan3A_30 = arith.addi %scan3A_28, %scan3A_29 : i32
    %scan3A_31 = arith.constant 1 : i32
    scf.for %scan3A_33 = %scan3A_28 to %scan3A_30 step %scan3A_31  : i32 {
      %mul3A_34 = arith.constant 1 : i32
      %mul3A_35 = arith.muli %scan3A_33, %mul3A_34 : i32
      %add3A_36 = arith.constant 0 : i32
      %add3A_37 = arith.addi %add3A_36, %mul3A_35 : i32
      %mul3A_38 = arith.constant 640 : i32
      %mul3A_39 = arith.muli %arg1, %mul3A_38 : i32
      %mul3A_40 = arith.constant 128 : i32
      %mul3A_41 = arith.muli %add3A_37, %mul3A_40 : i32
      %add3A_42 = arith.addi %mul3A_39, %mul3A_41 : i32
      "tpu.region"() ({
        %run_scoped3A = tpu.sem_alloc : memref<!tpu.dma_semaphore, #tpu.memory_space<semaphore_mem>>
        %dma_start3A_43 = arith.constant 0 : i32
        %dma_start3A_44 = tpu.memref_slice %arg7[%add3A_42, %dma_start3A_43] : memref<10240x16xf32, #tpu.memory_space<vmem_shared>> -> memref<128x16xf32, #tpu.memory_space<vmem_shared>>
        %dma_start3A_45 = arith.constant 0 : i32
        %dma_start3A_46 = tpu.memref_slice %arg7[%add3A_42, %dma_start3A_45] : memref<10240x16xf32, #tpu.memory_space<vmem_shared>> -> memref<128x16xf32, #tpu.memory_space<vmem_shared>>
        tpu.enqueue_dma source(%dma_start3A_46 : memref<128x16xf32, #tpu.memory_space<vmem_shared>>) target(%arg6 : memref<128x16xf32, #tpu.memory_space<vmem>>) target_semaphore(%run_scoped3A : memref<!tpu.dma_semaphore, #tpu.memory_space<semaphore_mem>>)
        %dma_wait3A = arith.constant 0 : i32
        %dma_wait3A_47 = tpu.memref_slice %arg7[%add3A_42, %dma_wait3A] : memref<10240x16xf32, #tpu.memory_space<vmem_shared>> -> memref<128x16xf32, #tpu.memory_space<vmem_shared>>
        %dma_wait3A_48 = arith.constant 0 : i32
        %dma_wait3A_49 = tpu.memref_slice %arg7[%add3A_42, %dma_wait3A_48] : memref<10240x16xf32, #tpu.memory_space<vmem_shared>> -> memref<128x16xf32, #tpu.memory_space<vmem_shared>>
        tpu.wait_dma2 semaphore(%run_scoped3A : memref<!tpu.dma_semaphore, #tpu.memory_space<semaphore_mem>>) src(%dma_wait3A_49 : memref<128x16xf32, #tpu.memory_space<vmem_shared>>) dst(%arg6 : memref<128x16xf32, #tpu.memory_space<vmem>>)
        tpu.yield
      }) : () -> ()
      "tpu.region"() ({
        %run_scoped3A = tpu.sem_alloc : memref<!tpu.dma_semaphore, #tpu.memory_space<semaphore_mem>>
        %dma_start3A_43 = arith.constant 0 : i32
        %dma_start3A_44 = arith.constant 0 : i32
        %dma_start3A_45 = tpu.memref_slice %arg3[%arg0, %dma_start3A_43, %dma_start3A_44] : memref<2x10240x16xf32, #tpu.memory_space<hbm>> -> memref<1x10240x16xf32, #tpu.memory_space<hbm>>
        %dma_start3A_46 = tpu.memref_squeeze %dma_start3A_45 : memref<1x10240x16xf32, #tpu.memory_space<hbm>> -> memref<10240x16xf32, #tpu.memory_space<hbm>>
        %dma_start3A_47 = arith.constant 0 : i32
        %dma_start3A_48 = tpu.memref_slice %dma_start3A_46[%add3A_42, %dma_start3A_47] : memref<10240x16xf32, #tpu.memory_space<hbm>> -> memref<128x16xf32, #tpu.memory_space<hbm>>
        %dma_start3A_49 = arith.constant 0 : i32
        %dma_start3A_50 = arith.constant 0 : i32
        %dma_start3A_51 = tpu.memref_slice %arg3[%arg0, %dma_start3A_49, %dma_start3A_50] : memref<2x10240x16xf32, #tpu.memory_space<hbm>> -> memref<1x10240x16xf32, #tpu.memory_space<hbm>>
        %dma_start3A_52 = tpu.memref_squeeze %dma_start3A_51 : memref<1x10240x16xf32, #tpu.memory_space<hbm>> -> memref<10240x16xf32, #tpu.memory_space<hbm>>
        %dma_start3A_53 = arith.constant 0 : i32
        %dma_start3A_54 = tpu.memref_slice %dma_start3A_52[%add3A_42, %dma_start3A_53] : memref<10240x16xf32, #tpu.memory_space<hbm>> -> memref<128x16xf32, #tpu.memory_space<hbm>>
        tpu.enqueue_dma source(%arg6 : memref<128x16xf32, #tpu.memory_space<vmem>>) target(%dma_start3A_54 : memref<128x16xf32, #tpu.memory_space<hbm>>) target_semaphore(%run_scoped3A : memref<!tpu.dma_semaphore, #tpu.memory_space<semaphore_mem>>)
        %dma_wait3A = arith.constant 0 : i32
        %dma_wait3A_55 = arith.constant 0 : i32
        %dma_wait3A_56 = tpu.memref_slice %arg3[%arg0, %dma_wait3A, %dma_wait3A_55] : memref<2x10240x16xf32, #tpu.memory_space<hbm>> -> memref<1x10240x16xf32, #tpu.memory_space<hbm>>
        %dma_wait3A_57 = tpu.memref_squeeze %dma_wait3A_56 : memref<1x10240x16xf32, #tpu.memory_space<hbm>> -> memref<10240x16xf32, #tpu.memory_space<hbm>>
        %dma_wait3A_58 = arith.constant 0 : i32
        %dma_wait3A_59 = tpu.memref_slice %dma_wait3A_57[%add3A_42, %dma_wait3A_58] : memref<10240x16xf32, #tpu.memory_space<hbm>> -> memref<128x16xf32, #tpu.memory_space<hbm>>
        %dma_wait3A_60 = arith.constant 0 : i32
        %dma_wait3A_61 = arith.constant 0 : i32
        %dma_wait3A_62 = tpu.memref_slice %arg3[%arg0, %dma_wait3A_60, %dma_wait3A_61] : memref<2x10240x16xf32, #tpu.memory_space<hbm>> -> memref<1x10240x16xf32, #tpu.memory_space<hbm>>
        %dma_wait3A_63 = tpu.memref_squeeze %dma_wait3A_62 : memref<1x10240x16xf32, #tpu.memory_space<hbm>> -> memref<10240x16xf32, #tpu.memory_space<hbm>>
        %dma_wait3A_64 = arith.constant 0 : i32
        %dma_wait3A_65 = tpu.memref_slice %dma_wait3A_63[%add3A_42, %dma_wait3A_64] : memref<10240x16xf32, #tpu.memory_space<hbm>> -> memref<128x16xf32, #tpu.memory_space<hbm>>
        tpu.wait_dma2 semaphore(%run_scoped3A : memref<!tpu.dma_semaphore, #tpu.memory_space<semaphore_mem>>) src(%arg6 : memref<128x16xf32, #tpu.memory_space<vmem>>) dst(%dma_wait3A_65 : memref<128x16xf32, #tpu.memory_space<hbm>>)
        tpu.yield
      }) : () -> ()
    }
    %scan3A_32 = arith.constant 5 : i32
    return
  }
}

#map = affine_map<(d0, d1) -> (0, 0)>
#map1 = affine_map<(d0, d1) -> (0, 0, 0)>
module attributes {stable_mosaic.version = 14 : i64} {
  func.func @_scat_body(%arg0: i32, %arg1: i32, %arg2: memref<10000x128xf32, #tpu.memory_space<hbm>>, %arg3: memref<2560x128xi32, #tpu.memory_space<hbm>>, %arg4: memref<2560x128xi32, #tpu.memory_space<hbm>>, %arg5: memref<2x10240x128xf32, #tpu.memory_space<hbm>>, %arg6: memref<2x128xi32, #tpu.memory_space<vmem>>, %arg7: memref<2x128xi32, #tpu.memory_space<vmem>>, %arg8: memref<2x128xi32, #tpu.memory_space<vmem>>, %arg9: memref<2x128xi32, #tpu.memory_space<vmem>>, %arg10: memref<128x128xf32, #tpu.memory_space<vmem>>, %arg11: memref<128x128xf32, #tpu.memory_space<vmem>>, %arg12: memref<10240x128xf32, #tpu.memory_space<vmem_shared>>, %arg13: memref<!tpu.dma_semaphore, #tpu.memory_space<semaphore_mem>>, %arg14: memref<!tpu.dma_semaphore, #tpu.memory_space<semaphore_mem>>, %arg15: memref<!tpu.dma_semaphore, #tpu.memory_space<semaphore_mem>>, %arg16: memref<!tpu.dma_semaphore, #tpu.memory_space<semaphore_mem>>, %arg17: memref<!tpu.dma_semaphore, #tpu.memory_space<semaphore_mem>>, %arg18: memref<!tpu.dma_semaphore, #tpu.memory_space<semaphore_mem>>) attributes {dimension_semantics = [#tpu.dimension_semantics<core_parallel>, #tpu.dimension_semantics<subcore_parallel>], iteration_bounds = array<i64: 2, 16>, scalar_prefetch = 0 : i64, scratch_operands = 13 : i64, tpu.core_type = #tpu.core_type<sc_vector_subcore>, window_params = [{transform_indices = #map}, {transform_indices = #map}, {transform_indices = #map}, {transform_indices = #map1}]} {
    %mul3A = arith.constant 16 : i32
    %mul3A_0 = arith.muli %arg0, %mul3A : i32
    %mul3A_1 = arith.constant 120 : i32
    %mul3A_2 = arith.muli %mul3A_0, %mul3A_1 : i32
    %mul3A_3 = arith.constant 80 : i32
    %mul3A_4 = arith.muli %arg0, %mul3A_3 : i32
    %sub3A = arith.constant 120 : i32
    %sub3A_5 = arith.subi %sub3A, %mul3A_4 : i32
    %mul3A_6 = arith.muli %arg1, %sub3A_5 : i32
    %add3A = arith.addi %mul3A_2, %mul3A_6 : i32
    %mul3A_7 = arith.constant 40 : i32
    %mul3A_8 = arith.muli %arg0, %mul3A_7 : i32
    %sub3A_9 = arith.constant 60 : i32
    %sub3A_10 = arith.subi %sub3A_9, %mul3A_8 : i32
    "tpu.trace_start"() <{level = 10 : i32, message = "zero_acc"}> : () -> ()
    %scan3A = arith.constant 0 : i32
    %scan3A_11 = arith.constant 128 : i32
    %scan3A_12 = arith.addi %scan3A, %scan3A_11 : i32
    %scan3A_13 = arith.constant 1 : i32
    scf.for %scan3A_68 = %scan3A to %scan3A_12 step %scan3A_13  : i32 {
      %mul3A_69 = arith.constant 1 : i32
      %mul3A_70 = arith.muli %scan3A_68, %mul3A_69 : i32
      %add3A_71 = arith.constant 0 : i32
      %add3A_72 = arith.addi %add3A_71, %mul3A_70 : i32
      %broadcast_in_dim3A = arith.constant 0.000000e+00 : f32
      %broadcast_in_dim3A_73 = vector.broadcast %broadcast_in_dim3A : f32 to vector<16xf32>
      %swap3A = arith.index_cast %add3A_72 : i32 to index
      %swap3A_74 = arith.constant 0 : index
      %swap3A_75 = tpu.vector_load %arg10[%swap3A, %swap3A_74] {strides = array<i32>} : memref<128x128xf32, #tpu.memory_space<vmem>>, vector<1x16xf32>,
      %swap3A_76 = vector.shape_cast %swap3A_75 : vector<1x16xf32> to vector<16xf32>
      %swap3A_77 = vector.shape_cast %broadcast_in_dim3A_73 : vector<16xf32> to vector<1x16xf32>
      tpu.vector_store %arg10[%swap3A, %swap3A_74], %swap3A_77 {strides = array<i32>} : memref<128x128xf32, #tpu.memory_space<vmem>>, vector<1x16xf32>,
      %broadcast_in_dim3A_78 = arith.constant 0.000000e+00 : f32
      %broadcast_in_dim3A_79 = vector.broadcast %broadcast_in_dim3A_78 : f32 to vector<16xf32>
      %swap3A_80 = arith.index_cast %add3A_72 : i32 to index
      %swap3A_81 = arith.constant 16 : index
      %swap3A_82 = tpu.vector_load %arg10[%swap3A_80, %swap3A_81] {strides = array<i32>} : memref<128x128xf32, #tpu.memory_space<vmem>>, vector<1x16xf32>,
      %swap3A_83 = vector.shape_cast %swap3A_82 : vector<1x16xf32> to vector<16xf32>
      %swap3A_84 = vector.shape_cast %broadcast_in_dim3A_79 : vector<16xf32> to vector<1x16xf32>
      tpu.vector_store %arg10[%swap3A_80, %swap3A_81], %swap3A_84 {strides = array<i32>} : memref<128x128xf32, #tpu.memory_space<vmem>>, vector<1x16xf32>,
      %broadcast_in_dim3A_85 = arith.constant 0.000000e+00 : f32
      %broadcast_in_dim3A_86 = vector.broadcast %broadcast_in_dim3A_85 : f32 to vector<16xf32>
      %swap3A_87 = arith.index_cast %add3A_72 : i32 to index
      %swap3A_88 = arith.constant 32 : index
      %swap3A_89 = tpu.vector_load %arg10[%swap3A_87, %swap3A_88] {strides = array<i32>} : memref<128x128xf32, #tpu.memory_space<vmem>>, vector<1x16xf32>,
      %swap3A_90 = vector.shape_cast %swap3A_89 : vector<1x16xf32> to vector<16xf32>
      %swap3A_91 = vector.shape_cast %broadcast_in_dim3A_86 : vector<16xf32> to vector<1x16xf32>
      tpu.vector_store %arg10[%swap3A_87, %swap3A_88], %swap3A_91 {strides = array<i32>} : memref<128x128xf32, #tpu.memory_space<vmem>>, vector<1x16xf32>,
      %broadcast_in_dim3A_92 = arith.constant 0.000000e+00 : f32
      %broadcast_in_dim3A_93 = vector.broadcast %broadcast_in_dim3A_92 : f32 to vector<16xf32>
      %swap3A_94 = arith.index_cast %add3A_72 : i32 to index
      %swap3A_95 = arith.constant 48 : index
      %swap3A_96 = tpu.vector_load %arg10[%swap3A_94, %swap3A_95] {strides = array<i32>} : memref<128x128xf32, #tpu.memory_space<vmem>>, vector<1x16xf32>,
      %swap3A_97 = vector.shape_cast %swap3A_96 : vector<1x16xf32> to vector<16xf32>
      %swap3A_98 = vector.shape_cast %broadcast_in_dim3A_93 : vector<16xf32> to vector<1x16xf32>
      tpu.vector_store %arg10[%swap3A_94, %swap3A_95], %swap3A_98 {strides = array<i32>} : memref<128x128xf32, #tpu.memory_space<vmem>>, vector<1x16xf32>,
      %broadcast_in_dim3A_99 = arith.constant 0.000000e+00 : f32
      %broadcast_in_dim3A_100 = vector.broadcast %broadcast_in_dim3A_99 : f32 to vector<16xf32>
      %swap3A_101 = arith.index_cast %add3A_72 : i32 to index
      %swap3A_102 = arith.constant 64 : index
      %swap3A_103 = tpu.vector_load %arg10[%swap3A_101, %swap3A_102] {strides = array<i32>} : memref<128x128xf32, #tpu.memory_space<vmem>>, vector<1x16xf32>,
      %swap3A_104 = vector.shape_cast %swap3A_103 : vector<1x16xf32> to vector<16xf32>
      %swap3A_105 = vector.shape_cast %broadcast_in_dim3A_100 : vector<16xf32> to vector<1x16xf32>
      tpu.vector_store %arg10[%swap3A_101, %swap3A_102], %swap3A_105 {strides = array<i32>} : memref<128x128xf32, #tpu.memory_space<vmem>>, vector<1x16xf32>,
      %broadcast_in_dim3A_106 = arith.constant 0.000000e+00 : f32
      %broadcast_in_dim3A_107 = vector.broadcast %broadcast_in_dim3A_106 : f32 to vector<16xf32>
      %swap3A_108 = arith.index_cast %add3A_72 : i32 to index
      %swap3A_109 = arith.constant 80 : index
      %swap3A_110 = tpu.vector_load %arg10[%swap3A_108, %swap3A_109] {strides = array<i32>} : memref<128x128xf32, #tpu.memory_space<vmem>>, vector<1x16xf32>,
      %swap3A_111 = vector.shape_cast %swap3A_110 : vector<1x16xf32> to vector<16xf32>
      %swap3A_112 = vector.shape_cast %broadcast_in_dim3A_107 : vector<16xf32> to vector<1x16xf32>
      tpu.vector_store %arg10[%swap3A_108, %swap3A_109], %swap3A_112 {strides = array<i32>} : memref<128x128xf32, #tpu.memory_space<vmem>>, vector<1x16xf32>,
      %broadcast_in_dim3A_113 = arith.constant 0.000000e+00 : f32
      %broadcast_in_dim3A_114 = vector.broadcast %broadcast_in_dim3A_113 : f32 to vector<16xf32>
      %swap3A_115 = arith.index_cast %add3A_72 : i32 to index
      %swap3A_116 = arith.constant 96 : index
      %swap3A_117 = tpu.vector_load %arg10[%swap3A_115, %swap3A_116] {strides = array<i32>} : memref<128x128xf32, #tpu.memory_space<vmem>>, vector<1x16xf32>,
      %swap3A_118 = vector.shape_cast %swap3A_117 : vector<1x16xf32> to vector<16xf32>
      %swap3A_119 = vector.shape_cast %broadcast_in_dim3A_114 : vector<16xf32> to vector<1x16xf32>
      tpu.vector_store %arg10[%swap3A_115, %swap3A_116], %swap3A_119 {strides = array<i32>} : memref<128x128xf32, #tpu.memory_space<vmem>>, vector<1x16xf32>,
      %broadcast_in_dim3A_120 = arith.constant 0.000000e+00 : f32
      %broadcast_in_dim3A_121 = vector.broadcast %broadcast_in_dim3A_120 : f32 to vector<16xf32>
      %swap3A_122 = arith.index_cast %add3A_72 : i32 to index
      %swap3A_123 = arith.constant 112 : index
      %swap3A_124 = tpu.vector_load %arg10[%swap3A_122, %swap3A_123] {strides = array<i32>} : memref<128x128xf32, #tpu.memory_space<vmem>>, vector<1x16xf32>,
      %swap3A_125 = vector.shape_cast %swap3A_124 : vector<1x16xf32> to vector<16xf32>
      %swap3A_126 = vector.shape_cast %broadcast_in_dim3A_121 : vector<16xf32> to vector<1x16xf32>
      tpu.vector_store %arg10[%swap3A_122, %swap3A_123], %swap3A_126 {strides = array<i32>} : memref<128x128xf32, #tpu.memory_space<vmem>>, vector<1x16xf32>,
    }
    %scan3A_14 = arith.constant 128 : i32
    %scan3A_15 = arith.constant 0 : i32
    %scan3A_16 = arith.constant 5 : i32
    %scan3A_17 = arith.addi %scan3A_15, %scan3A_16 : i32
    %scan3A_18 = arith.constant 1 : i32
    scf.for %scan3A_68 = %scan3A_15 to %scan3A_17 step %scan3A_18  : i32 {
      %mul3A_69 = arith.constant 1 : i32
      %mul3A_70 = arith.muli %scan3A_68, %mul3A_69 : i32
      %add3A_71 = arith.constant 0 : i32
      %add3A_72 = arith.addi %add3A_71, %mul3A_70 : i32
      %mul3A_73 = arith.constant 640 : i32
      %mul3A_74 = arith.muli %arg1, %mul3A_73 : i32
      %mul3A_75 = arith.constant 128 : i32
      %mul3A_76 = arith.muli %add3A_72, %mul3A_75 : i32
      %add3A_77 = arith.addi %mul3A_74, %mul3A_76 : i32
      "tpu.region"() ({
        %run_scoped3A = tpu.sem_alloc : memref<!tpu.dma_semaphore, #tpu.memory_space<semaphore_mem>>
        %dma_start3A_78 = arith.constant 0 : i32
        %dma_start3A_79 = tpu.memref_slice %arg12[%add3A_77, %dma_start3A_78] : memref<10240x128xf32, #tpu.memory_space<vmem_shared>> -> memref<128x128xf32, #tpu.memory_space<vmem_shared>>
        %dma_start3A_80 = arith.constant 0 : i32
        %dma_start3A_81 = tpu.memref_slice %arg12[%add3A_77, %dma_start3A_80] : memref<10240x128xf32, #tpu.memory_space<vmem_shared>> -> memref<128x128xf32, #tpu.memory_space<vmem_shared>>
        tpu.enqueue_dma source(%arg10 : memref<128x128xf32, #tpu.memory_space<vmem>>) target(%dma_start3A_81 : memref<128x128xf32, #tpu.memory_space<vmem_shared>>) target_semaphore(%run_scoped3A : memref<!tpu.dma_semaphore, #tpu.memory_space<semaphore_mem>>)
        %dma_wait3A = arith.constant 0 : i32
        %dma_wait3A_82 = tpu.memref_slice %arg12[%add3A_77, %dma_wait3A] : memref<10240x128xf32, #tpu.memory_space<vmem_shared>> -> memref<128x128xf32, #tpu.memory_space<vmem_shared>>
        %dma_wait3A_83 = arith.constant 0 : i32
        %dma_wait3A_84 = tpu.memref_slice %arg12[%add3A_77, %dma_wait3A_83] : memref<10240x128xf32, #tpu.memory_space<vmem_shared>> -> memref<128x128xf32, #tpu.memory_space<vmem_shared>>
        tpu.wait_dma2 semaphore(%run_scoped3A : memref<!tpu.dma_semaphore, #tpu.memory_space<semaphore_mem>>) src(%arg10 : memref<128x128xf32, #tpu.memory_space<vmem>>) dst(%dma_wait3A_84 : memref<128x128xf32, #tpu.memory_space<vmem_shared>>)
        tpu.yield
      }) : () -> ()
    }
    %scan3A_19 = arith.constant 5 : i32
    %barrier3A = arith.constant 0 : index
    tpu.barrier barrier_id(%barrier3A)
    "tpu.trace_stop"() : () -> ()
    "tpu.trace_start"() <{level = 10 : i32, message = "edge_loop"}> : () -> ()
    "tpu.region"() ({
      %run_scoped3A = tpu.sem_alloc : memref<!tpu.dma_semaphore, #tpu.memory_space<semaphore_mem>>
      %dma_start3A_68 = arith.constant 0 : i32
      %dma_start3A_69 = tpu.memref_slice %arg3[%add3A, %dma_start3A_68] : memref<2560x128xi32, #tpu.memory_space<hbm>> -> memref<2x128xi32, #tpu.memory_space<hbm>>
      %dma_start3A_70 = arith.constant 0 : i32
      %dma_start3A_71 = tpu.memref_slice %arg3[%add3A, %dma_start3A_70] : memref<2560x128xi32, #tpu.memory_space<hbm>> -> memref<2x128xi32, #tpu.memory_space<hbm>>
      tpu.enqueue_dma source(%dma_start3A_71 : memref<2x128xi32, #tpu.memory_space<hbm>>) target(%arg6 : memref<2x128xi32, #tpu.memory_space<vmem>>) target_semaphore(%run_scoped3A : memref<!tpu.dma_semaphore, #tpu.memory_space<semaphore_mem>>)
      %dma_wait3A = arith.constant 0 : i32
      %dma_wait3A_72 = tpu.memref_slice %arg3[%add3A, %dma_wait3A] : memref<2560x128xi32, #tpu.memory_space<hbm>> -> memref<2x128xi32, #tpu.memory_space<hbm>>
      %dma_wait3A_73 = arith.constant 0 : i32
      %dma_wait3A_74 = tpu.memref_slice %arg3[%add3A, %dma_wait3A_73] : memref<2560x128xi32, #tpu.memory_space<hbm>> -> memref<2x128xi32, #tpu.memory_space<hbm>>
      tpu.wait_dma2 semaphore(%run_scoped3A : memref<!tpu.dma_semaphore, #tpu.memory_space<semaphore_mem>>) src(%dma_wait3A_74 : memref<2x128xi32, #tpu.memory_space<hbm>>) dst(%arg6 : memref<2x128xi32, #tpu.memory_space<vmem>>)
      tpu.yield
    }) : () -> ()
    "tpu.region"() ({
      %run_scoped3A = tpu.sem_alloc : memref<!tpu.dma_semaphore, #tpu.memory_space<semaphore_mem>>
      %dma_start3A_68 = arith.constant 0 : i32
      %dma_start3A_69 = tpu.memref_slice %arg4[%add3A, %dma_start3A_68] : memref<2560x128xi32, #tpu.memory_space<hbm>> -> memref<2x128xi32, #tpu.memory_space<hbm>>
      %dma_start3A_70 = arith.constant 0 : i32
      %dma_start3A_71 = tpu.memref_slice %arg4[%add3A, %dma_start3A_70] : memref<2560x128xi32, #tpu.memory_space<hbm>> -> memref<2x128xi32, #tpu.memory_space<hbm>>
      tpu.enqueue_dma source(%dma_start3A_71 : memref<2x128xi32, #tpu.memory_space<hbm>>) target(%arg8 : memref<2x128xi32, #tpu.memory_space<vmem>>) target_semaphore(%run_scoped3A : memref<!tpu.dma_semaphore, #tpu.memory_space<semaphore_mem>>)
      %dma_wait3A = arith.constant 0 : i32
      %dma_wait3A_72 = tpu.memref_slice %arg4[%add3A, %dma_wait3A] : memref<2560x128xi32, #tpu.memory_space<hbm>> -> memref<2x128xi32, #tpu.memory_space<hbm>>
      %dma_wait3A_73 = arith.constant 0 : i32
      %dma_wait3A_74 = tpu.memref_slice %arg4[%add3A, %dma_wait3A_73] : memref<2560x128xi32, #tpu.memory_space<hbm>> -> memref<2x128xi32, #tpu.memory_space<hbm>>
      tpu.wait_dma2 semaphore(%run_scoped3A : memref<!tpu.dma_semaphore, #tpu.memory_space<semaphore_mem>>) src(%dma_wait3A_74 : memref<2x128xi32, #tpu.memory_space<hbm>>) dst(%arg8 : memref<2x128xi32, #tpu.memory_space<vmem>>)
      tpu.yield
    }) : () -> ()
    %add3A_20 = arith.constant 2 : i32
    %add3A_21 = arith.addi %add3A, %add3A_20 : i32
    %dma_start3A = arith.constant 0 : i32
    %dma_start3A_22 = tpu.memref_slice %arg3[%add3A_21, %dma_start3A] : memref<2560x128xi32, #tpu.memory_space<hbm>> -> memref<2x128xi32, #tpu.memory_space<hbm>>
    %dma_start3A_23 = arith.constant 0 : i32
    %dma_start3A_24 = tpu.memref_slice %arg3[%add3A_21, %dma_start3A_23] : memref<2560x128xi32, #tpu.memory_space<hbm>> -> memref<2x128xi32, #tpu.memory_space<hbm>>
    tpu.enqueue_dma source(%dma_start3A_24 : memref<2x128xi32, #tpu.memory_space<hbm>>) target(%arg7 : memref<2x128xi32, #tpu.memory_space<vmem>>) target_semaphore(%arg16 : memref<!tpu.dma_semaphore, #tpu.memory_space<semaphore_mem>>)
    %add3A_25 = arith.constant 2 : i32
    %add3A_26 = arith.addi %add3A, %add3A_25 : i32
    %dma_start3A_27 = arith.constant 0 : i32
    %dma_start3A_28 = tpu.memref_slice %arg4[%add3A_26, %dma_start3A_27] : memref<2560x128xi32, #tpu.memory_space<hbm>> -> memref<2x128xi32, #tpu.memory_space<hbm>>
    %dma_start3A_29 = arith.constant 0 : i32
    %dma_start3A_30 = tpu.memref_slice %arg4[%add3A_26, %dma_start3A_29] : memref<2560x128xi32, #tpu.memory_space<hbm>> -> memref<2x128xi32, #tpu.memory_space<hbm>>
    tpu.enqueue_dma source(%dma_start3A_30 : memref<2x128xi32, #tpu.memory_space<hbm>>) target(%arg9 : memref<2x128xi32, #tpu.memory_space<vmem>>) target_semaphore(%arg18 : memref<!tpu.dma_semaphore, #tpu.memory_space<semaphore_mem>>)
    %dma_start3A_31 = arith.constant 0 : i32
    %dma_start3A_32 = arith.constant 0 : i32
    %dma_start3A_33 = tpu.memref_slice %arg6[%dma_start3A_31, %dma_start3A_32] : memref<2x128xi32, #tpu.memory_space<vmem>> -> memref<1x128xi32, #tpu.memory_space<vmem>>
    %dma_start3A_34 = tpu.memref_squeeze %dma_start3A_33 : memref<1x128xi32, #tpu.memory_space<vmem>> -> memref<128xi32, #tpu.memory_space<vmem>>
    %dma_start3A_35 = arith.constant 0 : i32
    %dma_start3A_36 = arith.constant 0 : i32
    %dma_start3A_37 = tpu.memref_slice %arg2[%dma_start3A_35, %dma_start3A_36] : memref<10000x128xf32, #tpu.memory_space<hbm>> -> memref<10000x128xf32, #tpu.memory_space<hbm>>
    tpu.enqueue_indirect_dma source(%dma_start3A_37 : memref<10000x128xf32, #tpu.memory_space<hbm>>) target(%arg10 : memref<128x128xf32, #tpu.memory_space<vmem>>) offsets(%dma_start3A_34 : memref<128xi32, #tpu.memory_space<vmem>>) semaphore(%arg13 : memref<!tpu.dma_semaphore, #tpu.memory_space<semaphore_mem>>)
    %dma_start3A_38 = arith.constant 1 : i32
    %dma_start3A_39 = arith.constant 0 : i32
    %dma_start3A_40 = tpu.memref_slice %arg6[%dma_start3A_38, %dma_start3A_39] : memref<2x128xi32, #tpu.memory_space<vmem>> -> memref<1x128xi32, #tpu.memory_space<vmem>>
    %dma_start3A_41 = tpu.memref_squeeze %dma_start3A_40 : memref<1x128xi32, #tpu.memory_space<vmem>> -> memref<128xi32, #tpu.memory_space<vmem>>
    %dma_start3A_42 = arith.constant 0 : i32
    %dma_start3A_43 = arith.constant 0 : i32
    %dma_start3A_44 = tpu.memref_slice %arg2[%dma_start3A_42, %dma_start3A_43] : memref<10000x128xf32, #tpu.memory_space<hbm>> -> memref<10000x128xf32, #tpu.memory_space<hbm>>
    tpu.enqueue_indirect_dma source(%dma_start3A_44 : memref<10000x128xf32, #tpu.memory_space<hbm>>) target(%arg11 : memref<128x128xf32, #tpu.memory_space<vmem>>) offsets(%dma_start3A_41 : memref<128xi32, #tpu.memory_space<vmem>>) semaphore(%arg14 : memref<!tpu.dma_semaphore, #tpu.memory_space<semaphore_mem>>)
    %sub3A_45 = arith.constant 0 : i32
    %sub3A_46 = arith.subi %sub3A_10, %sub3A_45 : i32
    %sub3A_47 = arith.constant 2 : i32
    %sub3A_48 = arith.constant 1 : i32
    %sub3A_49 = arith.subi %sub3A_47, %sub3A_48 : i32
    %add3A_50 = arith.addi %sub3A_46, %sub3A_49 : i32
    %div3A = arith.constant 2 : i32
    %div3A_51 = arith.divsi %add3A_50, %div3A : i32
    %while3A = arith.constant 2 : i32
    %while3A_52 = arith.constant 0 : i32
    %while3A_53 = arith.constant 0 : i32
    %while3A_54 = arith.subi %div3A_51, %while3A_53 : i32
    %while3A_55 = arith.addi %while3A_53, %while3A_54 : i32
    %while3A_56 = arith.constant 1 : i32
    %while3A_57 = arith.divsi %while3A_54, %while3A_56 : i32
    %while3A_58 = arith.muli %while3A_57, %while3A_56 : i32
    %while3A_59 = arith.addi %while3A_53, %while3A_58 : i32
    %while3A_60 = arith.constant 1 : i32
    scf.for %while3A_68 = %while3A_53 to %while3A_59 step %while3A_60  : i32 {
      %mul3A_69 = arith.muli %while3A_68, %while3A : i32
      %add3A_70 = arith.addi %while3A_52, %mul3A_69 : i32
      %add3A_71 = arith.constant 0 : i32
      %add3A_72 = arith.addi %add3A_70, %add3A_71 : i32
      %sub3A_73 = arith.constant 1 : i32
      %sub3A_74 = arith.subi %sub3A_10, %sub3A_73 : i32
      %lt3A = arith.cmpi slt, %add3A_72, %sub3A_74 : i32
      %convert_element_type3A = arith.extui %lt3A : i1 to i32
      %cond3A = arith.constant 0 : i32
      %cond3A_75 = arith.cmpi ne, %convert_element_type3A, %cond3A : i32
      scf.if %cond3A_75 {
        %dma_wait3A_150 = arith.constant 0 : i32
        %dma_wait3A_151 = tpu.memref_slice %arg3[%add3A, %dma_wait3A_150] : memref<2560x128xi32, #tpu.memory_space<hbm>> -> memref<2x128xi32, #tpu.memory_space<hbm>>
        %dma_wait3A_152 = arith.constant 0 : i32
        %dma_wait3A_153 = tpu.memref_slice %arg3[%add3A, %dma_wait3A_152] : memref<2560x128xi32, #tpu.memory_space<hbm>> -> memref<2x128xi32, #tpu.memory_space<hbm>>
        tpu.wait_dma2 semaphore(%arg16 : memref<!tpu.dma_semaphore, #tpu.memory_space<semaphore_mem>>) src(%dma_wait3A_153 : memref<2x128xi32, #tpu.memory_space<hbm>>) dst(%arg7 : memref<2x128xi32, #tpu.memory_space<vmem>>)
        %dma_wait3A_154 = arith.constant 0 : i32
        %dma_wait3A_155 = tpu.memref_slice %arg4[%add3A, %dma_wait3A_154] : memref<2560x128xi32, #tpu.memory_space<hbm>> -> memref<2x128xi32, #tpu.memory_space<hbm>>
        %dma_wait3A_156 = arith.constant 0 : i32
        %dma_wait3A_157 = tpu.memref_slice %arg4[%add3A, %dma_wait3A_156] : memref<2560x128xi32, #tpu.memory_space<hbm>> -> memref<2x128xi32, #tpu.memory_space<hbm>>
        tpu.wait_dma2 semaphore(%arg18 : memref<!tpu.dma_semaphore, #tpu.memory_space<semaphore_mem>>) src(%dma_wait3A_157 : memref<2x128xi32, #tpu.memory_space<hbm>>) dst(%arg9 : memref<2x128xi32, #tpu.memory_space<vmem>>)
      } else {
      }
      %dma_wait3A = arith.constant 0 : i32
      %dma_wait3A_76 = arith.constant 0 : i32
      %dma_wait3A_77 = tpu.memref_slice %arg6[%dma_wait3A, %dma_wait3A_76] : memref<2x128xi32, #tpu.memory_space<vmem>> -> memref<1x128xi32, #tpu.memory_space<vmem>>
      %dma_wait3A_78 = tpu.memref_squeeze %dma_wait3A_77 : memref<1x128xi32, #tpu.memory_space<vmem>> -> memref<128xi32, #tpu.memory_space<vmem>>
      %dma_wait3A_79 = arith.constant 0 : i32
      %dma_wait3A_80 = arith.constant 0 : i32
      %dma_wait3A_81 = tpu.memref_slice %arg2[%dma_wait3A_79, %dma_wait3A_80] : memref<10000x128xf32, #tpu.memory_space<hbm>> -> memref<10000x128xf32, #tpu.memory_space<hbm>>
      tpu.wait_indirect_dma semaphore(%arg13 : memref<!tpu.dma_semaphore, #tpu.memory_space<semaphore_mem>>) src(%dma_wait3A_81 : memref<10000x128xf32, #tpu.memory_space<hbm>>) dst(%arg10 : memref<128x128xf32, #tpu.memory_space<vmem>>)
      %run_scoped3A = arith.constant 0 : i32
      "tpu.region"() ({
        %run_scoped3A_150 = tpu.sem_alloc : memref<!tpu.dma_semaphore, #tpu.memory_space<semaphore_mem>>
        %dma_start3A_151 = arith.constant 0 : i32
        %dma_start3A_152 = tpu.memref_slice %arg8[%run_scoped3A, %dma_start3A_151] : memref<2x128xi32, #tpu.memory_space<vmem>> -> memref<1x128xi32, #tpu.memory_space<vmem>>
        %dma_start3A_153 = tpu.memref_squeeze %dma_start3A_152 : memref<1x128xi32, #tpu.memory_space<vmem>> -> memref<128xi32, #tpu.memory_space<vmem>>
        %dma_start3A_154 = arith.constant 0 : i32
        %dma_start3A_155 = arith.constant 0 : i32
        %dma_start3A_156 = tpu.memref_slice %arg12[%dma_start3A_154, %dma_start3A_155] : memref<10240x128xf32, #tpu.memory_space<vmem_shared>> -> memref<10240x128xf32, #tpu.memory_space<vmem_shared>>
        tpu.enqueue_indirect_dma source(%arg10 : memref<128x128xf32, #tpu.memory_space<vmem>>) target(%dma_start3A_156 : memref<10240x128xf32, #tpu.memory_space<vmem_shared>>) offsets(%dma_start3A_153 : memref<128xi32, #tpu.memory_space<vmem>>) semaphore(%run_scoped3A_150 : memref<!tpu.dma_semaphore, #tpu.memory_space<semaphore_mem>>) {add = true}
        %dma_wait3A_157 = arith.constant 0 : i32
        %dma_wait3A_158 = tpu.memref_slice %arg8[%run_scoped3A, %dma_wait3A_157] : memref<2x128xi32, #tpu.memory_space<vmem>> -> memref<1x128xi32, #tpu.memory_space<vmem>>
        %dma_wait3A_159 = tpu.memref_squeeze %dma_wait3A_158 : memref<1x128xi32, #tpu.memory_space<vmem>> -> memref<128xi32, #tpu.memory_space<vmem>>
        %dma_wait3A_160 = arith.constant 0 : i32
        %dma_wait3A_161 = arith.constant 0 : i32
        %dma_wait3A_162 = tpu.memref_slice %arg12[%dma_wait3A_160, %dma_wait3A_161] : memref<10240x128xf32, #tpu.memory_space<vmem_shared>> -> memref<10240x128xf32, #tpu.memory_space<vmem_shared>>
        tpu.wait_indirect_dma semaphore(%run_scoped3A_150 : memref<!tpu.dma_semaphore, #tpu.memory_space<semaphore_mem>>) src(%arg10 : memref<128x128xf32, #tpu.memory_space<vmem>>) dst(%dma_wait3A_162 : memref<10240x128xf32, #tpu.memory_space<vmem_shared>>)
        tpu.yield
      }) : () -> ()
      %sub3A_82 = arith.constant 1 : i32
      %sub3A_83 = arith.subi %sub3A_10, %sub3A_82 : i32
      %lt3A_84 = arith.cmpi slt, %add3A_72, %sub3A_83 : i32
      %convert_element_type3A_85 = arith.extui %lt3A_84 : i1 to i32
      %cond3A_86 = arith.constant 0 : i32
      %cond3A_87 = arith.cmpi ne, %convert_element_type3A_85, %cond3A_86 : i32
      scf.if %cond3A_87 {
        %dma_start3A_150 = arith.constant 0 : i32
        %dma_start3A_151 = arith.constant 0 : i32
        %dma_start3A_152 = tpu.memref_slice %arg7[%dma_start3A_150, %dma_start3A_151] : memref<2x128xi32, #tpu.memory_space<vmem>> -> memref<1x128xi32, #tpu.memory_space<vmem>>
        %dma_start3A_153 = tpu.memref_squeeze %dma_start3A_152 : memref<1x128xi32, #tpu.memory_space<vmem>> -> memref<128xi32, #tpu.memory_space<vmem>>
        %dma_start3A_154 = arith.constant 0 : i32
        %dma_start3A_155 = arith.constant 0 : i32
        %dma_start3A_156 = tpu.memref_slice %arg2[%dma_start3A_154, %dma_start3A_155] : memref<10000x128xf32, #tpu.memory_space<hbm>> -> memref<10000x128xf32, #tpu.memory_space<hbm>>
        tpu.enqueue_indirect_dma source(%dma_start3A_156 : memref<10000x128xf32, #tpu.memory_space<hbm>>) target(%arg10 : memref<128x128xf32, #tpu.memory_space<vmem>>) offsets(%dma_start3A_153 : memref<128xi32, #tpu.memory_space<vmem>>) semaphore(%arg13 : memref<!tpu.dma_semaphore, #tpu.memory_space<semaphore_mem>>)
      } else {
      }
      %dma_wait3A_88 = arith.constant 1 : i32
      %dma_wait3A_89 = arith.constant 0 : i32
      %dma_wait3A_90 = tpu.memref_slice %arg6[%dma_wait3A_88, %dma_wait3A_89] : memref<2x128xi32, #tpu.memory_space<vmem>> -> memref<1x128xi32, #tpu.memory_space<vmem>>
      %dma_wait3A_91 = tpu.memref_squeeze %dma_wait3A_90 : memref<1x128xi32, #tpu.memory_space<vmem>> -> memref<128xi32, #tpu.memory_space<vmem>>
      %dma_wait3A_92 = arith.constant 0 : i32
      %dma_wait3A_93 = arith.constant 0 : i32
      %dma_wait3A_94 = tpu.memref_slice %arg2[%dma_wait3A_92, %dma_wait3A_93] : memref<10000x128xf32, #tpu.memory_space<hbm>> -> memref<10000x128xf32, #tpu.memory_space<hbm>>
      tpu.wait_indirect_dma semaphore(%arg14 : memref<!tpu.dma_semaphore, #tpu.memory_space<semaphore_mem>>) src(%dma_wait3A_94 : memref<10000x128xf32, #tpu.memory_space<hbm>>) dst(%arg11 : memref<128x128xf32, #tpu.memory_space<vmem>>)
      %run_scoped3A_95 = arith.constant 1 : i32
      "tpu.region"() ({
        %run_scoped3A_150 = tpu.sem_alloc : memref<!tpu.dma_semaphore, #tpu.memory_space<semaphore_mem>>
        %dma_start3A_151 = arith.constant 0 : i32
        %dma_start3A_152 = tpu.memref_slice %arg8[%run_scoped3A_95, %dma_start3A_151] : memref<2x128xi32, #tpu.memory_space<vmem>> -> memref<1x128xi32, #tpu.memory_space<vmem>>
        %dma_start3A_153 = tpu.memref_squeeze %dma_start3A_152 : memref<1x128xi32, #tpu.memory_space<vmem>> -> memref<128xi32, #tpu.memory_space<vmem>>
        %dma_start3A_154 = arith.constant 0 : i32
        %dma_start3A_155 = arith.constant 0 : i32
        %dma_start3A_156 = tpu.memref_slice %arg12[%dma_start3A_154, %dma_start3A_155] : memref<10240x128xf32, #tpu.memory_space<vmem_shared>> -> memref<10240x128xf32, #tpu.memory_space<vmem_shared>>
        tpu.enqueue_indirect_dma source(%arg11 : memref<128x128xf32, #tpu.memory_space<vmem>>) target(%dma_start3A_156 : memref<10240x128xf32, #tpu.memory_space<vmem_shared>>) offsets(%dma_start3A_153 : memref<128xi32, #tpu.memory_space<vmem>>) semaphore(%run_scoped3A_150 : memref<!tpu.dma_semaphore, #tpu.memory_space<semaphore_mem>>) {add = true}
        %dma_wait3A_157 = arith.constant 0 : i32
        %dma_wait3A_158 = tpu.memref_slice %arg8[%run_scoped3A_95, %dma_wait3A_157] : memref<2x128xi32, #tpu.memory_space<vmem>> -> memref<1x128xi32, #tpu.memory_space<vmem>>
        %dma_wait3A_159 = tpu.memref_squeeze %dma_wait3A_158 : memref<1x128xi32, #tpu.memory_space<vmem>> -> memref<128xi32, #tpu.memory_space<vmem>>
        %dma_wait3A_160 = arith.constant 0 : i32
        %dma_wait3A_161 = arith.constant 0 : i32
        %dma_wait3A_162 = tpu.memref_slice %arg12[%dma_wait3A_160, %dma_wait3A_161] : memref<10240x128xf32, #tpu.memory_space<vmem_shared>> -> memref<10240x128xf32, #tpu.memory_space<vmem_shared>>
        tpu.wait_indirect_dma semaphore(%run_scoped3A_150 : memref<!tpu.dma_semaphore, #tpu.memory_space<semaphore_mem>>) src(%arg11 : memref<128x128xf32, #tpu.memory_space<vmem>>) dst(%dma_wait3A_162 : memref<10240x128xf32, #tpu.memory_space<vmem_shared>>)
        tpu.yield
      }) : () -> ()
      %sub3A_96 = arith.constant 1 : i32
      %sub3A_97 = arith.subi %sub3A_10, %sub3A_96 : i32
      %lt3A_98 = arith.cmpi slt, %add3A_72, %sub3A_97 : i32
      %convert_element_type3A_99 = arith.extui %lt3A_98 : i1 to i32
      %cond3A_100 = arith.constant 0 : i32
      %cond3A_101 = arith.cmpi ne, %convert_element_type3A_99, %cond3A_100 : i32
      scf.if %cond3A_101 {
        %dma_start3A_150 = arith.constant 1 : i32
        %dma_start3A_151 = arith.constant 0 : i32
        %dma_start3A_152 = tpu.memref_slice %arg7[%dma_start3A_150, %dma_start3A_151] : memref<2x128xi32, #tpu.memory_space<vmem>> -> memref<1x128xi32, #tpu.memory_space<vmem>>
        %dma_start3A_153 = tpu.memref_squeeze %dma_start3A_152 : memref<1x128xi32, #tpu.memory_space<vmem>> -> memref<128xi32, #tpu.memory_space<vmem>>
        %dma_start3A_154 = arith.constant 0 : i32
        %dma_start3A_155 = arith.constant 0 : i32
        %dma_start3A_156 = tpu.memref_slice %arg2[%dma_start3A_154, %dma_start3A_155] : memref<10000x128xf32, #tpu.memory_space<hbm>> -> memref<10000x128xf32, #tpu.memory_space<hbm>>
        tpu.enqueue_indirect_dma source(%dma_start3A_156 : memref<10000x128xf32, #tpu.memory_space<hbm>>) target(%arg11 : memref<128x128xf32, #tpu.memory_space<vmem>>) offsets(%dma_start3A_153 : memref<128xi32, #tpu.memory_space<vmem>>) semaphore(%arg14 : memref<!tpu.dma_semaphore, #tpu.memory_space<semaphore_mem>>)
      } else {
      }
      %sub3A_102 = arith.constant 2 : i32
      %sub3A_103 = arith.subi %sub3A_10, %sub3A_102 : i32
      %lt3A_104 = arith.cmpi slt, %add3A_72, %sub3A_103 : i32
      %convert_element_type3A_105 = arith.extui %lt3A_104 : i1 to i32
      %cond3A_106 = arith.constant 0 : i32
      %cond3A_107 = arith.cmpi ne, %convert_element_type3A_105, %cond3A_106 : i32
      scf.if %cond3A_107 {
        %add3A_150 = arith.constant 2 : i32
        %add3A_151 = arith.addi %add3A_72, %add3A_150 : i32
        %mul3A_152 = arith.constant 2 : i32
        %mul3A_153 = arith.muli %add3A_151, %mul3A_152 : i32
        %add3A_154 = arith.addi %add3A, %mul3A_153 : i32
        %dma_start3A_155 = arith.constant 0 : i32
        %dma_start3A_156 = tpu.memref_slice %arg3[%add3A_154, %dma_start3A_155] : memref<2560x128xi32, #tpu.memory_space<hbm>> -> memref<2x128xi32, #tpu.memory_space<hbm>>
        %dma_start3A_157 = arith.constant 0 : i32
        %dma_start3A_158 = tpu.memref_slice %arg3[%add3A_154, %dma_start3A_157] : memref<2560x128xi32, #tpu.memory_space<hbm>> -> memref<2x128xi32, #tpu.memory_space<hbm>>
        tpu.enqueue_dma source(%dma_start3A_158 : memref<2x128xi32, #tpu.memory_space<hbm>>) target(%arg6 : memref<2x128xi32, #tpu.memory_space<vmem>>) target_semaphore(%arg15 : memref<!tpu.dma_semaphore, #tpu.memory_space<semaphore_mem>>)
        %add3A_159 = arith.constant 2 : i32
        %add3A_160 = arith.addi %add3A_72, %add3A_159 : i32
        %mul3A_161 = arith.constant 2 : i32
        %mul3A_162 = arith.muli %add3A_160, %mul3A_161 : i32
        %add3A_163 = arith.addi %add3A, %mul3A_162 : i32
        %dma_start3A_164 = arith.constant 0 : i32
        %dma_start3A_165 = tpu.memref_slice %arg4[%add3A_163, %dma_start3A_164] : memref<2560x128xi32, #tpu.memory_space<hbm>> -> memref<2x128xi32, #tpu.memory_space<hbm>>
        %dma_start3A_166 = arith.constant 0 : i32
        %dma_start3A_167 = tpu.memref_slice %arg4[%add3A_163, %dma_start3A_166] : memref<2560x128xi32, #tpu.memory_space<hbm>> -> memref<2x128xi32, #tpu.memory_space<hbm>>
        tpu.enqueue_dma source(%dma_start3A_167 : memref<2x128xi32, #tpu.memory_space<hbm>>) target(%arg8 : memref<2x128xi32, #tpu.memory_space<vmem>>) target_semaphore(%arg17 : memref<!tpu.dma_semaphore, #tpu.memory_space<semaphore_mem>>)
      } else {
      }
      %add3A_108 = arith.constant 1 : i32
      %add3A_109 = arith.addi %add3A_70, %add3A_108 : i32
      %sub3A_110 = arith.constant 1 : i32
      %sub3A_111 = arith.subi %sub3A_10, %sub3A_110 : i32
      %lt3A_112 = arith.cmpi slt, %add3A_109, %sub3A_111 : i32
      %convert_element_type3A_113 = arith.extui %lt3A_112 : i1 to i32
      %cond3A_114 = arith.constant 0 : i32
      %cond3A_115 = arith.cmpi ne, %convert_element_type3A_113, %cond3A_114 : i32
      scf.if %cond3A_115 {
        %dma_wait3A_150 = arith.constant 0 : i32
        %dma_wait3A_151 = tpu.memref_slice %arg3[%add3A, %dma_wait3A_150] : memref<2560x128xi32, #tpu.memory_space<hbm>> -> memref<2x128xi32, #tpu.memory_space<hbm>>
        %dma_wait3A_152 = arith.constant 0 : i32
        %dma_wait3A_153 = tpu.memref_slice %arg3[%add3A, %dma_wait3A_152] : memref<2560x128xi32, #tpu.memory_space<hbm>> -> memref<2x128xi32, #tpu.memory_space<hbm>>
        tpu.wait_dma2 semaphore(%arg15 : memref<!tpu.dma_semaphore, #tpu.memory_space<semaphore_mem>>) src(%dma_wait3A_153 : memref<2x128xi32, #tpu.memory_space<hbm>>) dst(%arg6 : memref<2x128xi32, #tpu.memory_space<vmem>>)
        %dma_wait3A_154 = arith.constant 0 : i32
        %dma_wait3A_155 = tpu.memref_slice %arg4[%add3A, %dma_wait3A_154] : memref<2560x128xi32, #tpu.memory_space<hbm>> -> memref<2x128xi32, #tpu.memory_space<hbm>>
        %dma_wait3A_156 = arith.constant 0 : i32
        %dma_wait3A_157 = tpu.memref_slice %arg4[%add3A, %dma_wait3A_156] : memref<2560x128xi32, #tpu.memory_space<hbm>> -> memref<2x128xi32, #tpu.memory_space<hbm>>
        tpu.wait_dma2 semaphore(%arg17 : memref<!tpu.dma_semaphore, #tpu.memory_space<semaphore_mem>>) src(%dma_wait3A_157 : memref<2x128xi32, #tpu.memory_space<hbm>>) dst(%arg8 : memref<2x128xi32, #tpu.memory_space<vmem>>)
      } else {
      }
      %dma_wait3A_116 = arith.constant 0 : i32
      %dma_wait3A_117 = arith.constant 0 : i32
      %dma_wait3A_118 = tpu.memref_slice %arg7[%dma_wait3A_116, %dma_wait3A_117] : memref<2x128xi32, #tpu.memory_space<vmem>> -> memref<1x128xi32, #tpu.memory_space<vmem>>
      %dma_wait3A_119 = tpu.memref_squeeze %dma_wait3A_118 : memref<1x128xi32, #tpu.memory_space<vmem>> -> memref<128xi32, #tpu.memory_space<vmem>>
      %dma_wait3A_120 = arith.constant 0 : i32
      %dma_wait3A_121 = arith.constant 0 : i32
      %dma_wait3A_122 = tpu.memref_slice %arg2[%dma_wait3A_120, %dma_wait3A_121] : memref<10000x128xf32, #tpu.memory_space<hbm>> -> memref<10000x128xf32, #tpu.memory_space<hbm>>
      tpu.wait_indirect_dma semaphore(%arg13 : memref<!tpu.dma_semaphore, #tpu.memory_space<semaphore_mem>>) src(%dma_wait3A_122 : memref<10000x128xf32, #tpu.memory_space<hbm>>) dst(%arg10 : memref<128x128xf32, #tpu.memory_space<vmem>>)
      %run_scoped3A_123 = arith.constant 0 : i32
      "tpu.region"() ({
        %run_scoped3A_150 = tpu.sem_alloc : memref<!tpu.dma_semaphore, #tpu.memory_space<semaphore_mem>>
        %dma_start3A_151 = arith.constant 0 : i32
        %dma_start3A_152 = tpu.memref_slice %arg9[%run_scoped3A_123, %dma_start3A_151] : memref<2x128xi32, #tpu.memory_space<vmem>> -> memref<1x128xi32, #tpu.memory_space<vmem>>
        %dma_start3A_153 = tpu.memref_squeeze %dma_start3A_152 : memref<1x128xi32, #tpu.memory_space<vmem>> -> memref<128xi32, #tpu.memory_space<vmem>>
        %dma_start3A_154 = arith.constant 0 : i32
        %dma_start3A_155 = arith.constant 0 : i32
        %dma_start3A_156 = tpu.memref_slice %arg12[%dma_start3A_154, %dma_start3A_155] : memref<10240x128xf32, #tpu.memory_space<vmem_shared>> -> memref<10240x128xf32, #tpu.memory_space<vmem_shared>>
        tpu.enqueue_indirect_dma source(%arg10 : memref<128x128xf32, #tpu.memory_space<vmem>>) target(%dma_start3A_156 : memref<10240x128xf32, #tpu.memory_space<vmem_shared>>) offsets(%dma_start3A_153 : memref<128xi32, #tpu.memory_space<vmem>>) semaphore(%run_scoped3A_150 : memref<!tpu.dma_semaphore, #tpu.memory_space<semaphore_mem>>) {add = true}
        %dma_wait3A_157 = arith.constant 0 : i32
        %dma_wait3A_158 = tpu.memref_slice %arg9[%run_scoped3A_123, %dma_wait3A_157] : memref<2x128xi32, #tpu.memory_space<vmem>> -> memref<1x128xi32, #tpu.memory_space<vmem>>
        %dma_wait3A_159 = tpu.memref_squeeze %dma_wait3A_158 : memref<1x128xi32, #tpu.memory_space<vmem>> -> memref<128xi32, #tpu.memory_space<vmem>>
        %dma_wait3A_160 = arith.constant 0 : i32
        %dma_wait3A_161 = arith.constant 0 : i32
        %dma_wait3A_162 = tpu.memref_slice %arg12[%dma_wait3A_160, %dma_wait3A_161] : memref<10240x128xf32, #tpu.memory_space<vmem_shared>> -> memref<10240x128xf32, #tpu.memory_space<vmem_shared>>
        tpu.wait_indirect_dma semaphore(%run_scoped3A_150 : memref<!tpu.dma_semaphore, #tpu.memory_space<semaphore_mem>>) src(%arg10 : memref<128x128xf32, #tpu.memory_space<vmem>>) dst(%dma_wait3A_162 : memref<10240x128xf32, #tpu.memory_space<vmem_shared>>)
        tpu.yield
      }) : () -> ()
      %sub3A_124 = arith.constant 1 : i32
      %sub3A_125 = arith.subi %sub3A_10, %sub3A_124 : i32
      %lt3A_126 = arith.cmpi slt, %add3A_109, %sub3A_125 : i32
      %convert_element_type3A_127 = arith.extui %lt3A_126 : i1 to i32
      %cond3A_128 = arith.constant 0 : i32
      %cond3A_129 = arith.cmpi ne, %convert_element_type3A_127, %cond3A_128 : i32
      scf.if %cond3A_129 {
        %dma_start3A_150 = arith.constant 0 : i32
        %dma_start3A_151 = arith.constant 0 : i32
        %dma_start3A_152 = tpu.memref_slice %arg6[%dma_start3A_150, %dma_start3A_151] : memref<2x128xi32, #tpu.memory_space<vmem>> -> memref<1x128xi32, #tpu.memory_space<vmem>>
        %dma_start3A_153 = tpu.memref_squeeze %dma_start3A_152 : memref<1x128xi32, #tpu.memory_space<vmem>> -> memref<128xi32, #tpu.memory_space<vmem>>
        %dma_start3A_154 = arith.constant 0 : i32
        %dma_start3A_155 = arith.constant 0 : i32
        %dma_start3A_156 = tpu.memref_slice %arg2[%dma_start3A_154, %dma_start3A_155] : memref<10000x128xf32, #tpu.memory_space<hbm>> -> memref<10000x128xf32, #tpu.memory_space<hbm>>
        tpu.enqueue_indirect_dma source(%dma_start3A_156 : memref<10000x128xf32, #tpu.memory_space<hbm>>) target(%arg10 : memref<128x128xf32, #tpu.memory_space<vmem>>) offsets(%dma_start3A_153 : memref<128xi32, #tpu.memory_space<vmem>>) semaphore(%arg13 : memref<!tpu.dma_semaphore, #tpu.memory_space<semaphore_mem>>)
      } else {
      }
      %dma_wait3A_130 = arith.constant 1 : i32
      %dma_wait3A_131 = arith.constant 0 : i32
      %dma_wait3A_132 = tpu.memref_slice %arg7[%dma_wait3A_130, %dma_wait3A_131] : memref<2x128xi32, #tpu.memory_space<vmem>> -> memref<1x128xi32, #tpu.memory_space<vmem>>
      %dma_wait3A_133 = tpu.memref_squeeze %dma_wait3A_132 : memref<1x128xi32, #tpu.memory_space<vmem>> -> memref<128xi32, #tpu.memory_space<vmem>>
      %dma_wait3A_134 = arith.constant 0 : i32
      %dma_wait3A_135 = arith.constant 0 : i32
      %dma_wait3A_136 = tpu.memref_slice %arg2[%dma_wait3A_134, %dma_wait3A_135] : memref<10000x128xf32, #tpu.memory_space<hbm>> -> memref<10000x128xf32, #tpu.memory_space<hbm>>
      tpu.wait_indirect_dma semaphore(%arg14 : memref<!tpu.dma_semaphore, #tpu.memory_space<semaphore_mem>>) src(%dma_wait3A_136 : memref<10000x128xf32, #tpu.memory_space<hbm>>) dst(%arg11 : memref<128x128xf32, #tpu.memory_space<vmem>>)
      %run_scoped3A_137 = arith.constant 1 : i32
      "tpu.region"() ({
        %run_scoped3A_150 = tpu.sem_alloc : memref<!tpu.dma_semaphore, #tpu.memory_space<semaphore_mem>>
        %dma_start3A_151 = arith.constant 0 : i32
        %dma_start3A_152 = tpu.memref_slice %arg9[%run_scoped3A_137, %dma_start3A_151] : memref<2x128xi32, #tpu.memory_space<vmem>> -> memref<1x128xi32, #tpu.memory_space<vmem>>
        %dma_start3A_153 = tpu.memref_squeeze %dma_start3A_152 : memref<1x128xi32, #tpu.memory_space<vmem>> -> memref<128xi32, #tpu.memory_space<vmem>>
        %dma_start3A_154 = arith.constant 0 : i32
        %dma_start3A_155 = arith.constant 0 : i32
        %dma_start3A_156 = tpu.memref_slice %arg12[%dma_start3A_154, %dma_start3A_155] : memref<10240x128xf32, #tpu.memory_space<vmem_shared>> -> memref<10240x128xf32, #tpu.memory_space<vmem_shared>>
        tpu.enqueue_indirect_dma source(%arg11 : memref<128x128xf32, #tpu.memory_space<vmem>>) target(%dma_start3A_156 : memref<10240x128xf32, #tpu.memory_space<vmem_shared>>) offsets(%dma_start3A_153 : memref<128xi32, #tpu.memory_space<vmem>>) semaphore(%run_scoped3A_150 : memref<!tpu.dma_semaphore, #tpu.memory_space<semaphore_mem>>) {add = true}
        %dma_wait3A_157 = arith.constant 0 : i32
        %dma_wait3A_158 = tpu.memref_slice %arg9[%run_scoped3A_137, %dma_wait3A_157] : memref<2x128xi32, #tpu.memory_space<vmem>> -> memref<1x128xi32, #tpu.memory_space<vmem>>
        %dma_wait3A_159 = tpu.memref_squeeze %dma_wait3A_158 : memref<1x128xi32, #tpu.memory_space<vmem>> -> memref<128xi32, #tpu.memory_space<vmem>>
        %dma_wait3A_160 = arith.constant 0 : i32
        %dma_wait3A_161 = arith.constant 0 : i32
        %dma_wait3A_162 = tpu.memref_slice %arg12[%dma_wait3A_160, %dma_wait3A_161] : memref<10240x128xf32, #tpu.memory_space<vmem_shared>> -> memref<10240x128xf32, #tpu.memory_space<vmem_shared>>
        tpu.wait_indirect_dma semaphore(%run_scoped3A_150 : memref<!tpu.dma_semaphore, #tpu.memory_space<semaphore_mem>>) src(%arg11 : memref<128x128xf32, #tpu.memory_space<vmem>>) dst(%dma_wait3A_162 : memref<10240x128xf32, #tpu.memory_space<vmem_shared>>)
        tpu.yield
      }) : () -> ()
      %sub3A_138 = arith.constant 1 : i32
      %sub3A_139 = arith.subi %sub3A_10, %sub3A_138 : i32
      %lt3A_140 = arith.cmpi slt, %add3A_109, %sub3A_139 : i32
      %convert_element_type3A_141 = arith.extui %lt3A_140 : i1 to i32
      %cond3A_142 = arith.constant 0 : i32
      %cond3A_143 = arith.cmpi ne, %convert_element_type3A_141, %cond3A_142 : i32
      scf.if %cond3A_143 {
        %dma_start3A_150 = arith.constant 1 : i32
        %dma_start3A_151 = arith.constant 0 : i32
        %dma_start3A_152 = tpu.memref_slice %arg6[%dma_start3A_150, %dma_start3A_151] : memref<2x128xi32, #tpu.memory_space<vmem>> -> memref<1x128xi32, #tpu.memory_space<vmem>>
        %dma_start3A_153 = tpu.memref_squeeze %dma_start3A_152 : memref<1x128xi32, #tpu.memory_space<vmem>> -> memref<128xi32, #tpu.memory_space<vmem>>
        %dma_start3A_154 = arith.constant 0 : i32
        %dma_start3A_155 = arith.constant 0 : i32
        %dma_start3A_156 = tpu.memref_slice %arg2[%dma_start3A_154, %dma_start3A_155] : memref<10000x128xf32, #tpu.memory_space<hbm>> -> memref<10000x128xf32, #tpu.memory_space<hbm>>
        tpu.enqueue_indirect_dma source(%dma_start3A_156 : memref<10000x128xf32, #tpu.memory_space<hbm>>) target(%arg11 : memref<128x128xf32, #tpu.memory_space<vmem>>) offsets(%dma_start3A_153 : memref<128xi32, #tpu.memory_space<vmem>>) semaphore(%arg14 : memref<!tpu.dma_semaphore, #tpu.memory_space<semaphore_mem>>)
      } else {
      }
      %sub3A_144 = arith.constant 2 : i32
      %sub3A_145 = arith.subi %sub3A_10, %sub3A_144 : i32
      %lt3A_146 = arith.cmpi slt, %add3A_109, %sub3A_145 : i32
      %convert_element_type3A_147 = arith.extui %lt3A_146 : i1 to i32
      %cond3A_148 = arith.constant 0 : i32
      %cond3A_149 = arith.cmpi ne, %convert_element_type3A_147, %cond3A_148 : i32
      scf.if %cond3A_149 {
        %add3A_150 = arith.constant 2 : i32
        %add3A_151 = arith.addi %add3A_109, %add3A_150 : i32
        %mul3A_152 = arith.constant 2 : i32
        %mul3A_153 = arith.muli %add3A_151, %mul3A_152 : i32
        %add3A_154 = arith.addi %add3A, %mul3A_153 : i32
        %dma_start3A_155 = arith.constant 0 : i32
        %dma_start3A_156 = tpu.memref_slice %arg3[%add3A_154, %dma_start3A_155] : memref<2560x128xi32, #tpu.memory_space<hbm>> -> memref<2x128xi32, #tpu.memory_space<hbm>>
        %dma_start3A_157 = arith.constant 0 : i32
        %dma_start3A_158 = tpu.memref_slice %arg3[%add3A_154, %dma_start3A_157] : memref<2560x128xi32, #tpu.memory_space<hbm>> -> memref<2x128xi32, #tpu.memory_space<hbm>>
        tpu.enqueue_dma source(%dma_start3A_158 : memref<2x128xi32, #tpu.memory_space<hbm>>) target(%arg7 : memref<2x128xi32, #tpu.memory_space<vmem>>) target_semaphore(%arg16 : memref<!tpu.dma_semaphore, #tpu.memory_space<semaphore_mem>>)
        %add3A_159 = arith.constant 2 : i32
        %add3A_160 = arith.addi %add3A_109, %add3A_159 : i32
        %mul3A_161 = arith.constant 2 : i32
        %mul3A_162 = arith.muli %add3A_160, %mul3A_161 : i32
        %add3A_163 = arith.addi %add3A, %mul3A_162 : i32
        %dma_start3A_164 = arith.constant 0 : i32
        %dma_start3A_165 = tpu.memref_slice %arg4[%add3A_163, %dma_start3A_164] : memref<2560x128xi32, #tpu.memory_space<hbm>> -> memref<2x128xi32, #tpu.memory_space<hbm>>
        %dma_start3A_166 = arith.constant 0 : i32
        %dma_start3A_167 = tpu.memref_slice %arg4[%add3A_163, %dma_start3A_166] : memref<2560x128xi32, #tpu.memory_space<hbm>> -> memref<2x128xi32, #tpu.memory_space<hbm>>
        tpu.enqueue_dma source(%dma_start3A_167 : memref<2x128xi32, #tpu.memory_space<hbm>>) target(%arg9 : memref<2x128xi32, #tpu.memory_space<vmem>>) target_semaphore(%arg18 : memref<!tpu.dma_semaphore, #tpu.memory_space<semaphore_mem>>)
      } else {
      }
    }
    %while3A_61 = arith.constant 1 : i32
    scf.for %while3A_68 = %while3A_59 to %while3A_55 step %while3A_61  : i32 {
      %mul3A_69 = arith.muli %while3A_68, %while3A : i32
      %add3A_70 = arith.addi %while3A_52, %mul3A_69 : i32
      %add3A_71 = arith.constant 0 : i32
      %add3A_72 = arith.addi %add3A_70, %add3A_71 : i32
      %sub3A_73 = arith.constant 1 : i32
      %sub3A_74 = arith.subi %sub3A_10, %sub3A_73 : i32
      %lt3A = arith.cmpi slt, %add3A_72, %sub3A_74 : i32
      %convert_element_type3A = arith.extui %lt3A : i1 to i32
      %cond3A = arith.constant 0 : i32
      %cond3A_75 = arith.cmpi ne, %convert_element_type3A, %cond3A : i32
      scf.if %cond3A_75 {
        %dma_wait3A_150 = arith.constant 0 : i32
        %dma_wait3A_151 = tpu.memref_slice %arg3[%add3A, %dma_wait3A_150] : memref<2560x128xi32, #tpu.memory_space<hbm>> -> memref<2x128xi32, #tpu.memory_space<hbm>>
        %dma_wait3A_152 = arith.constant 0 : i32
        %dma_wait3A_153 = tpu.memref_slice %arg3[%add3A, %dma_wait3A_152] : memref<2560x128xi32, #tpu.memory_space<hbm>> -> memref<2x128xi32, #tpu.memory_space<hbm>>
        tpu.wait_dma2 semaphore(%arg16 : memref<!tpu.dma_semaphore, #tpu.memory_space<semaphore_mem>>) src(%dma_wait3A_153 : memref<2x128xi32, #tpu.memory_space<hbm>>) dst(%arg7 : memref<2x128xi32, #tpu.memory_space<vmem>>)
        %dma_wait3A_154 = arith.constant 0 : i32
        %dma_wait3A_155 = tpu.memref_slice %arg4[%add3A, %dma_wait3A_154] : memref<2560x128xi32, #tpu.memory_space<hbm>> -> memref<2x128xi32, #tpu.memory_space<hbm>>
        %dma_wait3A_156 = arith.constant 0 : i32
        %dma_wait3A_157 = tpu.memref_slice %arg4[%add3A, %dma_wait3A_156] : memref<2560x128xi32, #tpu.memory_space<hbm>> -> memref<2x128xi32, #tpu.memory_space<hbm>>
        tpu.wait_dma2 semaphore(%arg18 : memref<!tpu.dma_semaphore, #tpu.memory_space<semaphore_mem>>) src(%dma_wait3A_157 : memref<2x128xi32, #tpu.memory_space<hbm>>) dst(%arg9 : memref<2x128xi32, #tpu.memory_space<vmem>>)
      } else {
      }
      %dma_wait3A = arith.constant 0 : i32
      %dma_wait3A_76 = arith.constant 0 : i32
      %dma_wait3A_77 = tpu.memref_slice %arg6[%dma_wait3A, %dma_wait3A_76] : memref<2x128xi32, #tpu.memory_space<vmem>> -> memref<1x128xi32, #tpu.memory_space<vmem>>
      %dma_wait3A_78 = tpu.memref_squeeze %dma_wait3A_77 : memref<1x128xi32, #tpu.memory_space<vmem>> -> memref<128xi32, #tpu.memory_space<vmem>>
      %dma_wait3A_79 = arith.constant 0 : i32
      %dma_wait3A_80 = arith.constant 0 : i32
      %dma_wait3A_81 = tpu.memref_slice %arg2[%dma_wait3A_79, %dma_wait3A_80] : memref<10000x128xf32, #tpu.memory_space<hbm>> -> memref<10000x128xf32, #tpu.memory_space<hbm>>
      tpu.wait_indirect_dma semaphore(%arg13 : memref<!tpu.dma_semaphore, #tpu.memory_space<semaphore_mem>>) src(%dma_wait3A_81 : memref<10000x128xf32, #tpu.memory_space<hbm>>) dst(%arg10 : memref<128x128xf32, #tpu.memory_space<vmem>>)
      %run_scoped3A = arith.constant 0 : i32
      "tpu.region"() ({
        %run_scoped3A_150 = tpu.sem_alloc : memref<!tpu.dma_semaphore, #tpu.memory_space<semaphore_mem>>
        %dma_start3A_151 = arith.constant 0 : i32
        %dma_start3A_152 = tpu.memref_slice %arg8[%run_scoped3A, %dma_start3A_151] : memref<2x128xi32, #tpu.memory_space<vmem>> -> memref<1x128xi32, #tpu.memory_space<vmem>>
        %dma_start3A_153 = tpu.memref_squeeze %dma_start3A_152 : memref<1x128xi32, #tpu.memory_space<vmem>> -> memref<128xi32, #tpu.memory_space<vmem>>
        %dma_start3A_154 = arith.constant 0 : i32
        %dma_start3A_155 = arith.constant 0 : i32
        %dma_start3A_156 = tpu.memref_slice %arg12[%dma_start3A_154, %dma_start3A_155] : memref<10240x128xf32, #tpu.memory_space<vmem_shared>> -> memref<10240x128xf32, #tpu.memory_space<vmem_shared>>
        tpu.enqueue_indirect_dma source(%arg10 : memref<128x128xf32, #tpu.memory_space<vmem>>) target(%dma_start3A_156 : memref<10240x128xf32, #tpu.memory_space<vmem_shared>>) offsets(%dma_start3A_153 : memref<128xi32, #tpu.memory_space<vmem>>) semaphore(%run_scoped3A_150 : memref<!tpu.dma_semaphore, #tpu.memory_space<semaphore_mem>>) {add = true}
        %dma_wait3A_157 = arith.constant 0 : i32
        %dma_wait3A_158 = tpu.memref_slice %arg8[%run_scoped3A, %dma_wait3A_157] : memref<2x128xi32, #tpu.memory_space<vmem>> -> memref<1x128xi32, #tpu.memory_space<vmem>>
        %dma_wait3A_159 = tpu.memref_squeeze %dma_wait3A_158 : memref<1x128xi32, #tpu.memory_space<vmem>> -> memref<128xi32, #tpu.memory_space<vmem>>
        %dma_wait3A_160 = arith.constant 0 : i32
        %dma_wait3A_161 = arith.constant 0 : i32
        %dma_wait3A_162 = tpu.memref_slice %arg12[%dma_wait3A_160, %dma_wait3A_161] : memref<10240x128xf32, #tpu.memory_space<vmem_shared>> -> memref<10240x128xf32, #tpu.memory_space<vmem_shared>>
        tpu.wait_indirect_dma semaphore(%run_scoped3A_150 : memref<!tpu.dma_semaphore, #tpu.memory_space<semaphore_mem>>) src(%arg10 : memref<128x128xf32, #tpu.memory_space<vmem>>) dst(%dma_wait3A_162 : memref<10240x128xf32, #tpu.memory_space<vmem_shared>>)
        tpu.yield
      }) : () -> ()
      %sub3A_82 = arith.constant 1 : i32
      %sub3A_83 = arith.subi %sub3A_10, %sub3A_82 : i32
      %lt3A_84 = arith.cmpi slt, %add3A_72, %sub3A_83 : i32
      %convert_element_type3A_85 = arith.extui %lt3A_84 : i1 to i32
      %cond3A_86 = arith.constant 0 : i32
      %cond3A_87 = arith.cmpi ne, %convert_element_type3A_85, %cond3A_86 : i32
      scf.if %cond3A_87 {
        %dma_start3A_150 = arith.constant 0 : i32
        %dma_start3A_151 = arith.constant 0 : i32
        %dma_start3A_152 = tpu.memref_slice %arg7[%dma_start3A_150, %dma_start3A_151] : memref<2x128xi32, #tpu.memory_space<vmem>> -> memref<1x128xi32, #tpu.memory_space<vmem>>
        %dma_start3A_153 = tpu.memref_squeeze %dma_start3A_152 : memref<1x128xi32, #tpu.memory_space<vmem>> -> memref<128xi32, #tpu.memory_space<vmem>>
        %dma_start3A_154 = arith.constant 0 : i32
        %dma_start3A_155 = arith.constant 0 : i32
        %dma_start3A_156 = tpu.memref_slice %arg2[%dma_start3A_154, %dma_start3A_155] : memref<10000x128xf32, #tpu.memory_space<hbm>> -> memref<10000x128xf32, #tpu.memory_space<hbm>>
        tpu.enqueue_indirect_dma source(%dma_start3A_156 : memref<10000x128xf32, #tpu.memory_space<hbm>>) target(%arg10 : memref<128x128xf32, #tpu.memory_space<vmem>>) offsets(%dma_start3A_153 : memref<128xi32, #tpu.memory_space<vmem>>) semaphore(%arg13 : memref<!tpu.dma_semaphore, #tpu.memory_space<semaphore_mem>>)
      } else {
      }
      %dma_wait3A_88 = arith.constant 1 : i32
      %dma_wait3A_89 = arith.constant 0 : i32
      %dma_wait3A_90 = tpu.memref_slice %arg6[%dma_wait3A_88, %dma_wait3A_89] : memref<2x128xi32, #tpu.memory_space<vmem>> -> memref<1x128xi32, #tpu.memory_space<vmem>>
      %dma_wait3A_91 = tpu.memref_squeeze %dma_wait3A_90 : memref<1x128xi32, #tpu.memory_space<vmem>> -> memref<128xi32, #tpu.memory_space<vmem>>
      %dma_wait3A_92 = arith.constant 0 : i32
      %dma_wait3A_93 = arith.constant 0 : i32
      %dma_wait3A_94 = tpu.memref_slice %arg2[%dma_wait3A_92, %dma_wait3A_93] : memref<10000x128xf32, #tpu.memory_space<hbm>> -> memref<10000x128xf32, #tpu.memory_space<hbm>>
      tpu.wait_indirect_dma semaphore(%arg14 : memref<!tpu.dma_semaphore, #tpu.memory_space<semaphore_mem>>) src(%dma_wait3A_94 : memref<10000x128xf32, #tpu.memory_space<hbm>>) dst(%arg11 : memref<128x128xf32, #tpu.memory_space<vmem>>)
      %run_scoped3A_95 = arith.constant 1 : i32
      "tpu.region"() ({
        %run_scoped3A_150 = tpu.sem_alloc : memref<!tpu.dma_semaphore, #tpu.memory_space<semaphore_mem>>
        %dma_start3A_151 = arith.constant 0 : i32
        %dma_start3A_152 = tpu.memref_slice %arg8[%run_scoped3A_95, %dma_start3A_151] : memref<2x128xi32, #tpu.memory_space<vmem>> -> memref<1x128xi32, #tpu.memory_space<vmem>>
        %dma_start3A_153 = tpu.memref_squeeze %dma_start3A_152 : memref<1x128xi32, #tpu.memory_space<vmem>> -> memref<128xi32, #tpu.memory_space<vmem>>
        %dma_start3A_154 = arith.constant 0 : i32
        %dma_start3A_155 = arith.constant 0 : i32
        %dma_start3A_156 = tpu.memref_slice %arg12[%dma_start3A_154, %dma_start3A_155] : memref<10240x128xf32, #tpu.memory_space<vmem_shared>> -> memref<10240x128xf32, #tpu.memory_space<vmem_shared>>
        tpu.enqueue_indirect_dma source(%arg11 : memref<128x128xf32, #tpu.memory_space<vmem>>) target(%dma_start3A_156 : memref<10240x128xf32, #tpu.memory_space<vmem_shared>>) offsets(%dma_start3A_153 : memref<128xi32, #tpu.memory_space<vmem>>) semaphore(%run_scoped3A_150 : memref<!tpu.dma_semaphore, #tpu.memory_space<semaphore_mem>>) {add = true}
        %dma_wait3A_157 = arith.constant 0 : i32
        %dma_wait3A_158 = tpu.memref_slice %arg8[%run_scoped3A_95, %dma_wait3A_157] : memref<2x128xi32, #tpu.memory_space<vmem>> -> memref<1x128xi32, #tpu.memory_space<vmem>>
        %dma_wait3A_159 = tpu.memref_squeeze %dma_wait3A_158 : memref<1x128xi32, #tpu.memory_space<vmem>> -> memref<128xi32, #tpu.memory_space<vmem>>
        %dma_wait3A_160 = arith.constant 0 : i32
        %dma_wait3A_161 = arith.constant 0 : i32
        %dma_wait3A_162 = tpu.memref_slice %arg12[%dma_wait3A_160, %dma_wait3A_161] : memref<10240x128xf32, #tpu.memory_space<vmem_shared>> -> memref<10240x128xf32, #tpu.memory_space<vmem_shared>>
        tpu.wait_indirect_dma semaphore(%run_scoped3A_150 : memref<!tpu.dma_semaphore, #tpu.memory_space<semaphore_mem>>) src(%arg11 : memref<128x128xf32, #tpu.memory_space<vmem>>) dst(%dma_wait3A_162 : memref<10240x128xf32, #tpu.memory_space<vmem_shared>>)
        tpu.yield
      }) : () -> ()
      %sub3A_96 = arith.constant 1 : i32
      %sub3A_97 = arith.subi %sub3A_10, %sub3A_96 : i32
      %lt3A_98 = arith.cmpi slt, %add3A_72, %sub3A_97 : i32
      %convert_element_type3A_99 = arith.extui %lt3A_98 : i1 to i32
      %cond3A_100 = arith.constant 0 : i32
      %cond3A_101 = arith.cmpi ne, %convert_element_type3A_99, %cond3A_100 : i32
      scf.if %cond3A_101 {
        %dma_start3A_150 = arith.constant 1 : i32
        %dma_start3A_151 = arith.constant 0 : i32
        %dma_start3A_152 = tpu.memref_slice %arg7[%dma_start3A_150, %dma_start3A_151] : memref<2x128xi32, #tpu.memory_space<vmem>> -> memref<1x128xi32, #tpu.memory_space<vmem>>
        %dma_start3A_153 = tpu.memref_squeeze %dma_start3A_152 : memref<1x128xi32, #tpu.memory_space<vmem>> -> memref<128xi32, #tpu.memory_space<vmem>>
        %dma_start3A_154 = arith.constant 0 : i32
        %dma_start3A_155 = arith.constant 0 : i32
        %dma_start3A_156 = tpu.memref_slice %arg2[%dma_start3A_154, %dma_start3A_155] : memref<10000x128xf32, #tpu.memory_space<hbm>> -> memref<10000x128xf32, #tpu.memory_space<hbm>>
        tpu.enqueue_indirect_dma source(%dma_start3A_156 : memref<10000x128xf32, #tpu.memory_space<hbm>>) target(%arg11 : memref<128x128xf32, #tpu.memory_space<vmem>>) offsets(%dma_start3A_153 : memref<128xi32, #tpu.memory_space<vmem>>) semaphore(%arg14 : memref<!tpu.dma_semaphore, #tpu.memory_space<semaphore_mem>>)
      } else {
      }
      %sub3A_102 = arith.constant 2 : i32
      %sub3A_103 = arith.subi %sub3A_10, %sub3A_102 : i32
      %lt3A_104 = arith.cmpi slt, %add3A_72, %sub3A_103 : i32
      %convert_element_type3A_105 = arith.extui %lt3A_104 : i1 to i32
      %cond3A_106 = arith.constant 0 : i32
      %cond3A_107 = arith.cmpi ne, %convert_element_type3A_105, %cond3A_106 : i32
      scf.if %cond3A_107 {
        %add3A_150 = arith.constant 2 : i32
        %add3A_151 = arith.addi %add3A_72, %add3A_150 : i32
        %mul3A_152 = arith.constant 2 : i32
        %mul3A_153 = arith.muli %add3A_151, %mul3A_152 : i32
        %add3A_154 = arith.addi %add3A, %mul3A_153 : i32
        %dma_start3A_155 = arith.constant 0 : i32
        %dma_start3A_156 = tpu.memref_slice %arg3[%add3A_154, %dma_start3A_155] : memref<2560x128xi32, #tpu.memory_space<hbm>> -> memref<2x128xi32, #tpu.memory_space<hbm>>
        %dma_start3A_157 = arith.constant 0 : i32
        %dma_start3A_158 = tpu.memref_slice %arg3[%add3A_154, %dma_start3A_157] : memref<2560x128xi32, #tpu.memory_space<hbm>> -> memref<2x128xi32, #tpu.memory_space<hbm>>
        tpu.enqueue_dma source(%dma_start3A_158 : memref<2x128xi32, #tpu.memory_space<hbm>>) target(%arg6 : memref<2x128xi32, #tpu.memory_space<vmem>>) target_semaphore(%arg15 : memref<!tpu.dma_semaphore, #tpu.memory_space<semaphore_mem>>)
        %add3A_159 = arith.constant 2 : i32
        %add3A_160 = arith.addi %add3A_72, %add3A_159 : i32
        %mul3A_161 = arith.constant 2 : i32
        %mul3A_162 = arith.muli %add3A_160, %mul3A_161 : i32
        %add3A_163 = arith.addi %add3A, %mul3A_162 : i32
        %dma_start3A_164 = arith.constant 0 : i32
        %dma_start3A_165 = tpu.memref_slice %arg4[%add3A_163, %dma_start3A_164] : memref<2560x128xi32, #tpu.memory_space<hbm>> -> memref<2x128xi32, #tpu.memory_space<hbm>>
        %dma_start3A_166 = arith.constant 0 : i32
        %dma_start3A_167 = tpu.memref_slice %arg4[%add3A_163, %dma_start3A_166] : memref<2560x128xi32, #tpu.memory_space<hbm>> -> memref<2x128xi32, #tpu.memory_space<hbm>>
        tpu.enqueue_dma source(%dma_start3A_167 : memref<2x128xi32, #tpu.memory_space<hbm>>) target(%arg8 : memref<2x128xi32, #tpu.memory_space<vmem>>) target_semaphore(%arg17 : memref<!tpu.dma_semaphore, #tpu.memory_space<semaphore_mem>>)
      } else {
      }
      %add3A_108 = arith.constant 1 : i32
      %add3A_109 = arith.addi %add3A_70, %add3A_108 : i32
      %sub3A_110 = arith.constant 1 : i32
      %sub3A_111 = arith.subi %sub3A_10, %sub3A_110 : i32
      %lt3A_112 = arith.cmpi slt, %add3A_109, %sub3A_111 : i32
      %convert_element_type3A_113 = arith.extui %lt3A_112 : i1 to i32
      %cond3A_114 = arith.constant 0 : i32
      %cond3A_115 = arith.cmpi ne, %convert_element_type3A_113, %cond3A_114 : i32
      scf.if %cond3A_115 {
        %dma_wait3A_150 = arith.constant 0 : i32
        %dma_wait3A_151 = tpu.memref_slice %arg3[%add3A, %dma_wait3A_150] : memref<2560x128xi32, #tpu.memory_space<hbm>> -> memref<2x128xi32, #tpu.memory_space<hbm>>
        %dma_wait3A_152 = arith.constant 0 : i32
        %dma_wait3A_153 = tpu.memref_slice %arg3[%add3A, %dma_wait3A_152] : memref<2560x128xi32, #tpu.memory_space<hbm>> -> memref<2x128xi32, #tpu.memory_space<hbm>>
        tpu.wait_dma2 semaphore(%arg15 : memref<!tpu.dma_semaphore, #tpu.memory_space<semaphore_mem>>) src(%dma_wait3A_153 : memref<2x128xi32, #tpu.memory_space<hbm>>) dst(%arg6 : memref<2x128xi32, #tpu.memory_space<vmem>>)
        %dma_wait3A_154 = arith.constant 0 : i32
        %dma_wait3A_155 = tpu.memref_slice %arg4[%add3A, %dma_wait3A_154] : memref<2560x128xi32, #tpu.memory_space<hbm>> -> memref<2x128xi32, #tpu.memory_space<hbm>>
        %dma_wait3A_156 = arith.constant 0 : i32
        %dma_wait3A_157 = tpu.memref_slice %arg4[%add3A, %dma_wait3A_156] : memref<2560x128xi32, #tpu.memory_space<hbm>> -> memref<2x128xi32, #tpu.memory_space<hbm>>
        tpu.wait_dma2 semaphore(%arg17 : memref<!tpu.dma_semaphore, #tpu.memory_space<semaphore_mem>>) src(%dma_wait3A_157 : memref<2x128xi32, #tpu.memory_space<hbm>>) dst(%arg8 : memref<2x128xi32, #tpu.memory_space<vmem>>)
      } else {
      }
      %dma_wait3A_116 = arith.constant 0 : i32
      %dma_wait3A_117 = arith.constant 0 : i32
      %dma_wait3A_118 = tpu.memref_slice %arg7[%dma_wait3A_116, %dma_wait3A_117] : memref<2x128xi32, #tpu.memory_space<vmem>> -> memref<1x128xi32, #tpu.memory_space<vmem>>
      %dma_wait3A_119 = tpu.memref_squeeze %dma_wait3A_118 : memref<1x128xi32, #tpu.memory_space<vmem>> -> memref<128xi32, #tpu.memory_space<vmem>>
      %dma_wait3A_120 = arith.constant 0 : i32
      %dma_wait3A_121 = arith.constant 0 : i32
      %dma_wait3A_122 = tpu.memref_slice %arg2[%dma_wait3A_120, %dma_wait3A_121] : memref<10000x128xf32, #tpu.memory_space<hbm>> -> memref<10000x128xf32, #tpu.memory_space<hbm>>
      tpu.wait_indirect_dma semaphore(%arg13 : memref<!tpu.dma_semaphore, #tpu.memory_space<semaphore_mem>>) src(%dma_wait3A_122 : memref<10000x128xf32, #tpu.memory_space<hbm>>) dst(%arg10 : memref<128x128xf32, #tpu.memory_space<vmem>>)
      %run_scoped3A_123 = arith.constant 0 : i32
      "tpu.region"() ({
        %run_scoped3A_150 = tpu.sem_alloc : memref<!tpu.dma_semaphore, #tpu.memory_space<semaphore_mem>>
        %dma_start3A_151 = arith.constant 0 : i32
        %dma_start3A_152 = tpu.memref_slice %arg9[%run_scoped3A_123, %dma_start3A_151] : memref<2x128xi32, #tpu.memory_space<vmem>> -> memref<1x128xi32, #tpu.memory_space<vmem>>
        %dma_start3A_153 = tpu.memref_squeeze %dma_start3A_152 : memref<1x128xi32, #tpu.memory_space<vmem>> -> memref<128xi32, #tpu.memory_space<vmem>>
        %dma_start3A_154 = arith.constant 0 : i32
        %dma_start3A_155 = arith.constant 0 : i32
        %dma_start3A_156 = tpu.memref_slice %arg12[%dma_start3A_154, %dma_start3A_155] : memref<10240x128xf32, #tpu.memory_space<vmem_shared>> -> memref<10240x128xf32, #tpu.memory_space<vmem_shared>>
        tpu.enqueue_indirect_dma source(%arg10 : memref<128x128xf32, #tpu.memory_space<vmem>>) target(%dma_start3A_156 : memref<10240x128xf32, #tpu.memory_space<vmem_shared>>) offsets(%dma_start3A_153 : memref<128xi32, #tpu.memory_space<vmem>>) semaphore(%run_scoped3A_150 : memref<!tpu.dma_semaphore, #tpu.memory_space<semaphore_mem>>) {add = true}
        %dma_wait3A_157 = arith.constant 0 : i32
        %dma_wait3A_158 = tpu.memref_slice %arg9[%run_scoped3A_123, %dma_wait3A_157] : memref<2x128xi32, #tpu.memory_space<vmem>> -> memref<1x128xi32, #tpu.memory_space<vmem>>
        %dma_wait3A_159 = tpu.memref_squeeze %dma_wait3A_158 : memref<1x128xi32, #tpu.memory_space<vmem>> -> memref<128xi32, #tpu.memory_space<vmem>>
        %dma_wait3A_160 = arith.constant 0 : i32
        %dma_wait3A_161 = arith.constant 0 : i32
        %dma_wait3A_162 = tpu.memref_slice %arg12[%dma_wait3A_160, %dma_wait3A_161] : memref<10240x128xf32, #tpu.memory_space<vmem_shared>> -> memref<10240x128xf32, #tpu.memory_space<vmem_shared>>
        tpu.wait_indirect_dma semaphore(%run_scoped3A_150 : memref<!tpu.dma_semaphore, #tpu.memory_space<semaphore_mem>>) src(%arg10 : memref<128x128xf32, #tpu.memory_space<vmem>>) dst(%dma_wait3A_162 : memref<10240x128xf32, #tpu.memory_space<vmem_shared>>)
        tpu.yield
      }) : () -> ()
      %sub3A_124 = arith.constant 1 : i32
      %sub3A_125 = arith.subi %sub3A_10, %sub3A_124 : i32
      %lt3A_126 = arith.cmpi slt, %add3A_109, %sub3A_125 : i32
      %convert_element_type3A_127 = arith.extui %lt3A_126 : i1 to i32
      %cond3A_128 = arith.constant 0 : i32
      %cond3A_129 = arith.cmpi ne, %convert_element_type3A_127, %cond3A_128 : i32
      scf.if %cond3A_129 {
        %dma_start3A_150 = arith.constant 0 : i32
        %dma_start3A_151 = arith.constant 0 : i32
        %dma_start3A_152 = tpu.memref_slice %arg6[%dma_start3A_150, %dma_start3A_151] : memref<2x128xi32, #tpu.memory_space<vmem>> -> memref<1x128xi32, #tpu.memory_space<vmem>>
        %dma_start3A_153 = tpu.memref_squeeze %dma_start3A_152 : memref<1x128xi32, #tpu.memory_space<vmem>> -> memref<128xi32, #tpu.memory_space<vmem>>
        %dma_start3A_154 = arith.constant 0 : i32
        %dma_start3A_155 = arith.constant 0 : i32
        %dma_start3A_156 = tpu.memref_slice %arg2[%dma_start3A_154, %dma_start3A_155] : memref<10000x128xf32, #tpu.memory_space<hbm>> -> memref<10000x128xf32, #tpu.memory_space<hbm>>
        tpu.enqueue_indirect_dma source(%dma_start3A_156 : memref<10000x128xf32, #tpu.memory_space<hbm>>) target(%arg10 : memref<128x128xf32, #tpu.memory_space<vmem>>) offsets(%dma_start3A_153 : memref<128xi32, #tpu.memory_space<vmem>>) semaphore(%arg13 : memref<!tpu.dma_semaphore, #tpu.memory_space<semaphore_mem>>)
      } else {
      }
      %dma_wait3A_130 = arith.constant 1 : i32
      %dma_wait3A_131 = arith.constant 0 : i32
      %dma_wait3A_132 = tpu.memref_slice %arg7[%dma_wait3A_130, %dma_wait3A_131] : memref<2x128xi32, #tpu.memory_space<vmem>> -> memref<1x128xi32, #tpu.memory_space<vmem>>
      %dma_wait3A_133 = tpu.memref_squeeze %dma_wait3A_132 : memref<1x128xi32, #tpu.memory_space<vmem>> -> memref<128xi32, #tpu.memory_space<vmem>>
      %dma_wait3A_134 = arith.constant 0 : i32
      %dma_wait3A_135 = arith.constant 0 : i32
      %dma_wait3A_136 = tpu.memref_slice %arg2[%dma_wait3A_134, %dma_wait3A_135] : memref<10000x128xf32, #tpu.memory_space<hbm>> -> memref<10000x128xf32, #tpu.memory_space<hbm>>
      tpu.wait_indirect_dma semaphore(%arg14 : memref<!tpu.dma_semaphore, #tpu.memory_space<semaphore_mem>>) src(%dma_wait3A_136 : memref<10000x128xf32, #tpu.memory_space<hbm>>) dst(%arg11 : memref<128x128xf32, #tpu.memory_space<vmem>>)
      %run_scoped3A_137 = arith.constant 1 : i32
      "tpu.region"() ({
        %run_scoped3A_150 = tpu.sem_alloc : memref<!tpu.dma_semaphore, #tpu.memory_space<semaphore_mem>>
        %dma_start3A_151 = arith.constant 0 : i32
        %dma_start3A_152 = tpu.memref_slice %arg9[%run_scoped3A_137, %dma_start3A_151] : memref<2x128xi32, #tpu.memory_space<vmem>> -> memref<1x128xi32, #tpu.memory_space<vmem>>
        %dma_start3A_153 = tpu.memref_squeeze %dma_start3A_152 : memref<1x128xi32, #tpu.memory_space<vmem>> -> memref<128xi32, #tpu.memory_space<vmem>>
        %dma_start3A_154 = arith.constant 0 : i32
        %dma_start3A_155 = arith.constant 0 : i32
        %dma_start3A_156 = tpu.memref_slice %arg12[%dma_start3A_154, %dma_start3A_155] : memref<10240x128xf32, #tpu.memory_space<vmem_shared>> -> memref<10240x128xf32, #tpu.memory_space<vmem_shared>>
        tpu.enqueue_indirect_dma source(%arg11 : memref<128x128xf32, #tpu.memory_space<vmem>>) target(%dma_start3A_156 : memref<10240x128xf32, #tpu.memory_space<vmem_shared>>) offsets(%dma_start3A_153 : memref<128xi32, #tpu.memory_space<vmem>>) semaphore(%run_scoped3A_150 : memref<!tpu.dma_semaphore, #tpu.memory_space<semaphore_mem>>) {add = true}
        %dma_wait3A_157 = arith.constant 0 : i32
        %dma_wait3A_158 = tpu.memref_slice %arg9[%run_scoped3A_137, %dma_wait3A_157] : memref<2x128xi32, #tpu.memory_space<vmem>> -> memref<1x128xi32, #tpu.memory_space<vmem>>
        %dma_wait3A_159 = tpu.memref_squeeze %dma_wait3A_158 : memref<1x128xi32, #tpu.memory_space<vmem>> -> memref<128xi32, #tpu.memory_space<vmem>>
        %dma_wait3A_160 = arith.constant 0 : i32
        %dma_wait3A_161 = arith.constant 0 : i32
        %dma_wait3A_162 = tpu.memref_slice %arg12[%dma_wait3A_160, %dma_wait3A_161] : memref<10240x128xf32, #tpu.memory_space<vmem_shared>> -> memref<10240x128xf32, #tpu.memory_space<vmem_shared>>
        tpu.wait_indirect_dma semaphore(%run_scoped3A_150 : memref<!tpu.dma_semaphore, #tpu.memory_space<semaphore_mem>>) src(%arg11 : memref<128x128xf32, #tpu.memory_space<vmem>>) dst(%dma_wait3A_162 : memref<10240x128xf32, #tpu.memory_space<vmem_shared>>)
        tpu.yield
      }) : () -> ()
      %sub3A_138 = arith.constant 1 : i32
      %sub3A_139 = arith.subi %sub3A_10, %sub3A_138 : i32
      %lt3A_140 = arith.cmpi slt, %add3A_109, %sub3A_139 : i32
      %convert_element_type3A_141 = arith.extui %lt3A_140 : i1 to i32
      %cond3A_142 = arith.constant 0 : i32
      %cond3A_143 = arith.cmpi ne, %convert_element_type3A_141, %cond3A_142 : i32
      scf.if %cond3A_143 {
        %dma_start3A_150 = arith.constant 1 : i32
        %dma_start3A_151 = arith.constant 0 : i32
        %dma_start3A_152 = tpu.memref_slice %arg6[%dma_start3A_150, %dma_start3A_151] : memref<2x128xi32, #tpu.memory_space<vmem>> -> memref<1x128xi32, #tpu.memory_space<vmem>>
        %dma_start3A_153 = tpu.memref_squeeze %dma_start3A_152 : memref<1x128xi32, #tpu.memory_space<vmem>> -> memref<128xi32, #tpu.memory_space<vmem>>
        %dma_start3A_154 = arith.constant 0 : i32
        %dma_start3A_155 = arith.constant 0 : i32
        %dma_start3A_156 = tpu.memref_slice %arg2[%dma_start3A_154, %dma_start3A_155] : memref<10000x128xf32, #tpu.memory_space<hbm>> -> memref<10000x128xf32, #tpu.memory_space<hbm>>
        tpu.enqueue_indirect_dma source(%dma_start3A_156 : memref<10000x128xf32, #tpu.memory_space<hbm>>) target(%arg11 : memref<128x128xf32, #tpu.memory_space<vmem>>) offsets(%dma_start3A_153 : memref<128xi32, #tpu.memory_space<vmem>>) semaphore(%arg14 : memref<!tpu.dma_semaphore, #tpu.memory_space<semaphore_mem>>)
      } else {
      }
      %sub3A_144 = arith.constant 2 : i32
      %sub3A_145 = arith.subi %sub3A_10, %sub3A_144 : i32
      %lt3A_146 = arith.cmpi slt, %add3A_109, %sub3A_145 : i32
      %convert_element_type3A_147 = arith.extui %lt3A_146 : i1 to i32
      %cond3A_148 = arith.constant 0 : i32
      %cond3A_149 = arith.cmpi ne, %convert_element_type3A_147, %cond3A_148 : i32
      scf.if %cond3A_149 {
        %add3A_150 = arith.constant 2 : i32
        %add3A_151 = arith.addi %add3A_109, %add3A_150 : i32
        %mul3A_152 = arith.constant 2 : i32
        %mul3A_153 = arith.muli %add3A_151, %mul3A_152 : i32
        %add3A_154 = arith.addi %add3A, %mul3A_153 : i32
        %dma_start3A_155 = arith.constant 0 : i32
        %dma_start3A_156 = tpu.memref_slice %arg3[%add3A_154, %dma_start3A_155] : memref<2560x128xi32, #tpu.memory_space<hbm>> -> memref<2x128xi32, #tpu.memory_space<hbm>>
        %dma_start3A_157 = arith.constant 0 : i32
        %dma_start3A_158 = tpu.memref_slice %arg3[%add3A_154, %dma_start3A_157] : memref<2560x128xi32, #tpu.memory_space<hbm>> -> memref<2x128xi32, #tpu.memory_space<hbm>>
        tpu.enqueue_dma source(%dma_start3A_158 : memref<2x128xi32, #tpu.memory_space<hbm>>) target(%arg7 : memref<2x128xi32, #tpu.memory_space<vmem>>) target_semaphore(%arg16 : memref<!tpu.dma_semaphore, #tpu.memory_space<semaphore_mem>>)
        %add3A_159 = arith.constant 2 : i32
        %add3A_160 = arith.addi %add3A_109, %add3A_159 : i32
        %mul3A_161 = arith.constant 2 : i32
        %mul3A_162 = arith.muli %add3A_160, %mul3A_161 : i32
        %add3A_163 = arith.addi %add3A, %mul3A_162 : i32
        %dma_start3A_164 = arith.constant 0 : i32
        %dma_start3A_165 = tpu.memref_slice %arg4[%add3A_163, %dma_start3A_164] : memref<2560x128xi32, #tpu.memory_space<hbm>> -> memref<2x128xi32, #tpu.memory_space<hbm>>
        %dma_start3A_166 = arith.constant 0 : i32
        %dma_start3A_167 = tpu.memref_slice %arg4[%add3A_163, %dma_start3A_166] : memref<2560x128xi32, #tpu.memory_space<hbm>> -> memref<2x128xi32, #tpu.memory_space<hbm>>
        tpu.enqueue_dma source(%dma_start3A_167 : memref<2x128xi32, #tpu.memory_space<hbm>>) target(%arg9 : memref<2x128xi32, #tpu.memory_space<vmem>>) target_semaphore(%arg18 : memref<!tpu.dma_semaphore, #tpu.memory_space<semaphore_mem>>)
      } else {
      }
    }
    %barrier3A_62 = arith.constant 0 : index
    tpu.barrier barrier_id(%barrier3A_62)
    "tpu.trace_stop"() : () -> ()
    "tpu.trace_start"() <{level = 10 : i32, message = "readout"}> : () -> ()
    %scan3A_63 = arith.constant 0 : i32
    %scan3A_64 = arith.constant 5 : i32
    %scan3A_65 = arith.addi %scan3A_63, %scan3A_64 : i32
    %scan3A_66 = arith.constant 1 : i32
    scf.for %scan3A_68 = %scan3A_63 to %scan3A_65 step %scan3A_66  : i32 {
      %mul3A_69 = arith.constant 1 : i32
      %mul3A_70 = arith.muli %scan3A_68, %mul3A_69 : i32
      %add3A_71 = arith.constant 0 : i32
      %add3A_72 = arith.addi %add3A_71, %mul3A_70 : i32
      %mul3A_73 = arith.constant 640 : i32
      %mul3A_74 = arith.muli %arg1, %mul3A_73 : i32
      %mul3A_75 = arith.constant 128 : i32
      %mul3A_76 = arith.muli %add3A_72, %mul3A_75 : i32
      %add3A_77 = arith.addi %mul3A_74, %mul3A_76 : i32
      "tpu.region"() ({
        %run_scoped3A = tpu.sem_alloc : memref<!tpu.dma_semaphore, #tpu.memory_space<semaphore_mem>>
        %dma_start3A_78 = arith.constant 0 : i32
        %dma_start3A_79 = tpu.memref_slice %arg12[%add3A_77, %dma_start3A_78] : memref<10240x128xf32, #tpu.memory_space<vmem_shared>> -> memref<128x128xf32, #tpu.memory_space<vmem_shared>>
        %dma_start3A_80 = arith.constant 0 : i32
        %dma_start3A_81 = tpu.memref_slice %arg12[%add3A_77, %dma_start3A_80] : memref<10240x128xf32, #tpu.memory_space<vmem_shared>> -> memref<128x128xf32, #tpu.memory_space<vmem_shared>>
        tpu.enqueue_dma source(%dma_start3A_81 : memref<128x128xf32, #tpu.memory_space<vmem_shared>>) target(%arg10 : memref<128x128xf32, #tpu.memory_space<vmem>>) target_semaphore(%run_scoped3A : memref<!tpu.dma_semaphore, #tpu.memory_space<semaphore_mem>>)
        %dma_wait3A = arith.constant 0 : i32
        %dma_wait3A_82 = tpu.memref_slice %arg12[%add3A_77, %dma_wait3A] : memref<10240x128xf32, #tpu.memory_space<vmem_shared>> -> memref<128x128xf32, #tpu.memory_space<vmem_shared>>
        %dma_wait3A_83 = arith.constant 0 : i32
        %dma_wait3A_84 = tpu.memref_slice %arg12[%add3A_77, %dma_wait3A_83] : memref<10240x128xf32, #tpu.memory_space<vmem_shared>> -> memref<128x128xf32, #tpu.memory_space<vmem_shared>>
        tpu.wait_dma2 semaphore(%run_scoped3A : memref<!tpu.dma_semaphore, #tpu.memory_space<semaphore_mem>>) src(%dma_wait3A_84 : memref<128x128xf32, #tpu.memory_space<vmem_shared>>) dst(%arg10 : memref<128x128xf32, #tpu.memory_space<vmem>>)
        tpu.yield
      }) : () -> ()
      "tpu.region"() ({
        %run_scoped3A = tpu.sem_alloc : memref<!tpu.dma_semaphore, #tpu.memory_space<semaphore_mem>>
        %dma_start3A_78 = arith.constant 0 : i32
        %dma_start3A_79 = arith.constant 0 : i32
        %dma_start3A_80 = tpu.memref_slice %arg5[%arg0, %dma_start3A_78, %dma_start3A_79] : memref<2x10240x128xf32, #tpu.memory_space<hbm>> -> memref<1x10240x128xf32, #tpu.memory_space<hbm>>
        %dma_start3A_81 = tpu.memref_squeeze %dma_start3A_80 : memref<1x10240x128xf32, #tpu.memory_space<hbm>> -> memref<10240x128xf32, #tpu.memory_space<hbm>>
        %dma_start3A_82 = arith.constant 0 : i32
        %dma_start3A_83 = tpu.memref_slice %dma_start3A_81[%add3A_77, %dma_start3A_82] : memref<10240x128xf32, #tpu.memory_space<hbm>> -> memref<128x128xf32, #tpu.memory_space<hbm>>
        %dma_start3A_84 = arith.constant 0 : i32
        %dma_start3A_85 = arith.constant 0 : i32
        %dma_start3A_86 = tpu.memref_slice %arg5[%arg0, %dma_start3A_84, %dma_start3A_85] : memref<2x10240x128xf32, #tpu.memory_space<hbm>> -> memref<1x10240x128xf32, #tpu.memory_space<hbm>>
        %dma_start3A_87 = tpu.memref_squeeze %dma_start3A_86 : memref<1x10240x128xf32, #tpu.memory_space<hbm>> -> memref<10240x128xf32, #tpu.memory_space<hbm>>
        %dma_start3A_88 = arith.constant 0 : i32
        %dma_start3A_89 = tpu.memref_slice %dma_start3A_87[%add3A_77, %dma_start3A_88] : memref<10240x128xf32, #tpu.memory_space<hbm>> -> memref<128x128xf32, #tpu.memory_space<hbm>>
        tpu.enqueue_dma source(%arg10 : memref<128x128xf32, #tpu.memory_space<vmem>>) target(%dma_start3A_89 : memref<128x128xf32, #tpu.memory_space<hbm>>) target_semaphore(%run_scoped3A : memref<!tpu.dma_semaphore, #tpu.memory_space<semaphore_mem>>)
        %dma_wait3A = arith.constant 0 : i32
        %dma_wait3A_90 = arith.constant 0 : i32
        %dma_wait3A_91 = tpu.memref_slice %arg5[%arg0, %dma_wait3A, %dma_wait3A_90] : memref<2x10240x128xf32, #tpu.memory_space<hbm>> -> memref<1x10240x128xf32, #tpu.memory_space<hbm>>
        %dma_wait3A_92 = tpu.memref_squeeze %dma_wait3A_91 : memref<1x10240x128xf32, #tpu.memory_space<hbm>> -> memref<10240x128xf32, #tpu.memory_space<hbm>>
        %dma_wait3A_93 = arith.constant 0 : i32
        %dma_wait3A_94 = tpu.memref_slice %dma_wait3A_92[%add3A_77, %dma_wait3A_93] : memref<10240x128xf32, #tpu.memory_space<hbm>> -> memref<128x128xf32, #tpu.memory_space<hbm>>
        %dma_wait3A_95 = arith.constant 0 : i32
        %dma_wait3A_96 = arith.constant 0 : i32
        %dma_wait3A_97 = tpu.memref_slice %arg5[%arg0, %dma_wait3A_95, %dma_wait3A_96] : memref<2x10240x128xf32, #tpu.memory_space<hbm>> -> memref<1x10240x128xf32, #tpu.memory_space<hbm>>
        %dma_wait3A_98 = tpu.memref_squeeze %dma_wait3A_97 : memref<1x10240x128xf32, #tpu.memory_space<hbm>> -> memref<10240x128xf32, #tpu.memory_space<hbm>>
        %dma_wait3A_99 = arith.constant 0 : i32
        %dma_wait3A_100 = tpu.memref_slice %dma_wait3A_98[%add3A_77, %dma_wait3A_99] : memref<10240x128xf32, #tpu.memory_space<hbm>> -> memref<128x128xf32, #tpu.memory_space<hbm>>
        tpu.wait_dma2 semaphore(%run_scoped3A : memref<!tpu.dma_semaphore, #tpu.memory_space<semaphore_mem>>) src(%arg10 : memref<128x128xf32, #tpu.memory_space<vmem>>) dst(%dma_wait3A_100 : memref<128x128xf32, #tpu.memory_space<hbm>>)
        tpu.yield
      }) : () -> ()
    }
    %scan3A_67 = arith.constant 5 : i32
    "tpu.trace_stop"() : () -> ()
    return
  }
}

#map = affine_map<(d0, d1) -> (0, 0)>
#map1 = affine_map<(d0, d1) -> (0, 0, 0)>
module attributes {stable_mosaic.version = 14 : i64} {
  func.func @_scat_body(%arg0: i32, %arg1: i32, %arg2: memref<10000x128xf32, #tpu.memory_space<hbm>>, %arg3: memref<2560x128xi32, #tpu.memory_space<hbm>>, %arg4: memref<2560x128xi32, #tpu.memory_space<hbm>>, %arg5: memref<2x10240x128xf32, #tpu.memory_space<hbm>>, %arg6: memref<2x128xi32, #tpu.memory_space<vmem>>, %arg7: memref<2x128xi32, #tpu.memory_space<vmem>>, %arg8: memref<2x128xi32, #tpu.memory_space<vmem>>, %arg9: memref<2x128xi32, #tpu.memory_space<vmem>>, %arg10: memref<128x128xf32, #tpu.memory_space<vmem>>, %arg11: memref<128x128xf32, #tpu.memory_space<vmem>>, %arg12: memref<10240x128xf32, #tpu.memory_space<vmem_shared>>, %arg13: memref<!tpu.dma_semaphore, #tpu.memory_space<semaphore_mem>>, %arg14: memref<!tpu.dma_semaphore, #tpu.memory_space<semaphore_mem>>, %arg15: memref<!tpu.dma_semaphore, #tpu.memory_space<semaphore_mem>>, %arg16: memref<!tpu.dma_semaphore, #tpu.memory_space<semaphore_mem>>, %arg17: memref<!tpu.dma_semaphore, #tpu.memory_space<semaphore_mem>>, %arg18: memref<!tpu.dma_semaphore, #tpu.memory_space<semaphore_mem>>) attributes {dimension_semantics = [#tpu.dimension_semantics<core_parallel>, #tpu.dimension_semantics<subcore_parallel>], iteration_bounds = array<i64: 2, 16>, scalar_prefetch = 0 : i64, scratch_operands = 13 : i64, tpu.core_type = #tpu.core_type<sc_vector_subcore>, window_params = [{transform_indices = #map}, {transform_indices = #map}, {transform_indices = #map}, {transform_indices = #map1}]} {
    %mul3A = arith.constant 16 : i32
    %mul3A_0 = arith.muli %arg0, %mul3A : i32
    %mul3A_1 = arith.constant 120 : i32
    %mul3A_2 = arith.muli %mul3A_0, %mul3A_1 : i32
    %mul3A_3 = arith.constant 80 : i32
    %mul3A_4 = arith.muli %arg0, %mul3A_3 : i32
    %sub3A = arith.constant 120 : i32
    %sub3A_5 = arith.subi %sub3A, %mul3A_4 : i32
    %mul3A_6 = arith.muli %arg1, %sub3A_5 : i32
    %add3A = arith.addi %mul3A_2, %mul3A_6 : i32
    %mul3A_7 = arith.constant 40 : i32
    %mul3A_8 = arith.muli %arg0, %mul3A_7 : i32
    %sub3A_9 = arith.constant 60 : i32
    %sub3A_10 = arith.subi %sub3A_9, %mul3A_8 : i32
    "tpu.trace_start"() <{level = 10 : i32, message = "zero_acc"}> : () -> ()
    %scan3A = arith.constant 0 : i32
    %scan3A_11 = arith.constant 128 : i32
    %scan3A_12 = arith.addi %scan3A, %scan3A_11 : i32
    %scan3A_13 = arith.constant 1 : i32
    scf.for %scan3A_68 = %scan3A to %scan3A_12 step %scan3A_13  : i32 {
      %mul3A_69 = arith.constant 1 : i32
      %mul3A_70 = arith.muli %scan3A_68, %mul3A_69 : i32
      %add3A_71 = arith.constant 0 : i32
      %add3A_72 = arith.addi %add3A_71, %mul3A_70 : i32
      %broadcast_in_dim3A = arith.constant 0.000000e+00 : f32
      %broadcast_in_dim3A_73 = vector.broadcast %broadcast_in_dim3A : f32 to vector<16xf32>
      %swap3A = arith.index_cast %add3A_72 : i32 to index
      %swap3A_74 = arith.constant 0 : index
      %swap3A_75 = tpu.vector_load %arg10[%swap3A, %swap3A_74] {strides = array<i32>} : memref<128x128xf32, #tpu.memory_space<vmem>>, vector<1x16xf32>,
      %swap3A_76 = vector.shape_cast %swap3A_75 : vector<1x16xf32> to vector<16xf32>
      %swap3A_77 = vector.shape_cast %broadcast_in_dim3A_73 : vector<16xf32> to vector<1x16xf32>
      tpu.vector_store %arg10[%swap3A, %swap3A_74], %swap3A_77 {strides = array<i32>} : memref<128x128xf32, #tpu.memory_space<vmem>>, vector<1x16xf32>,
      %broadcast_in_dim3A_78 = arith.constant 0.000000e+00 : f32
      %broadcast_in_dim3A_79 = vector.broadcast %broadcast_in_dim3A_78 : f32 to vector<16xf32>
      %swap3A_80 = arith.index_cast %add3A_72 : i32 to index
      %swap3A_81 = arith.constant 16 : index
      %swap3A_82 = tpu.vector_load %arg10[%swap3A_80, %swap3A_81] {strides = array<i32>} : memref<128x128xf32, #tpu.memory_space<vmem>>, vector<1x16xf32>,
      %swap3A_83 = vector.shape_cast %swap3A_82 : vector<1x16xf32> to vector<16xf32>
      %swap3A_84 = vector.shape_cast %broadcast_in_dim3A_79 : vector<16xf32> to vector<1x16xf32>
      tpu.vector_store %arg10[%swap3A_80, %swap3A_81], %swap3A_84 {strides = array<i32>} : memref<128x128xf32, #tpu.memory_space<vmem>>, vector<1x16xf32>,
      %broadcast_in_dim3A_85 = arith.constant 0.000000e+00 : f32
      %broadcast_in_dim3A_86 = vector.broadcast %broadcast_in_dim3A_85 : f32 to vector<16xf32>
      %swap3A_87 = arith.index_cast %add3A_72 : i32 to index
      %swap3A_88 = arith.constant 32 : index
      %swap3A_89 = tpu.vector_load %arg10[%swap3A_87, %swap3A_88] {strides = array<i32>} : memref<128x128xf32, #tpu.memory_space<vmem>>, vector<1x16xf32>,
      %swap3A_90 = vector.shape_cast %swap3A_89 : vector<1x16xf32> to vector<16xf32>
      %swap3A_91 = vector.shape_cast %broadcast_in_dim3A_86 : vector<16xf32> to vector<1x16xf32>
      tpu.vector_store %arg10[%swap3A_87, %swap3A_88], %swap3A_91 {strides = array<i32>} : memref<128x128xf32, #tpu.memory_space<vmem>>, vector<1x16xf32>,
      %broadcast_in_dim3A_92 = arith.constant 0.000000e+00 : f32
      %broadcast_in_dim3A_93 = vector.broadcast %broadcast_in_dim3A_92 : f32 to vector<16xf32>
      %swap3A_94 = arith.index_cast %add3A_72 : i32 to index
      %swap3A_95 = arith.constant 48 : index
      %swap3A_96 = tpu.vector_load %arg10[%swap3A_94, %swap3A_95] {strides = array<i32>} : memref<128x128xf32, #tpu.memory_space<vmem>>, vector<1x16xf32>,
      %swap3A_97 = vector.shape_cast %swap3A_96 : vector<1x16xf32> to vector<16xf32>
      %swap3A_98 = vector.shape_cast %broadcast_in_dim3A_93 : vector<16xf32> to vector<1x16xf32>
      tpu.vector_store %arg10[%swap3A_94, %swap3A_95], %swap3A_98 {strides = array<i32>} : memref<128x128xf32, #tpu.memory_space<vmem>>, vector<1x16xf32>,
      %broadcast_in_dim3A_99 = arith.constant 0.000000e+00 : f32
      %broadcast_in_dim3A_100 = vector.broadcast %broadcast_in_dim3A_99 : f32 to vector<16xf32>
      %swap3A_101 = arith.index_cast %add3A_72 : i32 to index
      %swap3A_102 = arith.constant 64 : index
      %swap3A_103 = tpu.vector_load %arg10[%swap3A_101, %swap3A_102] {strides = array<i32>} : memref<128x128xf32, #tpu.memory_space<vmem>>, vector<1x16xf32>,
      %swap3A_104 = vector.shape_cast %swap3A_103 : vector<1x16xf32> to vector<16xf32>
      %swap3A_105 = vector.shape_cast %broadcast_in_dim3A_100 : vector<16xf32> to vector<1x16xf32>
      tpu.vector_store %arg10[%swap3A_101, %swap3A_102], %swap3A_105 {strides = array<i32>} : memref<128x128xf32, #tpu.memory_space<vmem>>, vector<1x16xf32>,
      %broadcast_in_dim3A_106 = arith.constant 0.000000e+00 : f32
      %broadcast_in_dim3A_107 = vector.broadcast %broadcast_in_dim3A_106 : f32 to vector<16xf32>
      %swap3A_108 = arith.index_cast %add3A_72 : i32 to index
      %swap3A_109 = arith.constant 80 : index
      %swap3A_110 = tpu.vector_load %arg10[%swap3A_108, %swap3A_109] {strides = array<i32>} : memref<128x128xf32, #tpu.memory_space<vmem>>, vector<1x16xf32>,
      %swap3A_111 = vector.shape_cast %swap3A_110 : vector<1x16xf32> to vector<16xf32>
      %swap3A_112 = vector.shape_cast %broadcast_in_dim3A_107 : vector<16xf32> to vector<1x16xf32>
      tpu.vector_store %arg10[%swap3A_108, %swap3A_109], %swap3A_112 {strides = array<i32>} : memref<128x128xf32, #tpu.memory_space<vmem>>, vector<1x16xf32>,
      %broadcast_in_dim3A_113 = arith.constant 0.000000e+00 : f32
      %broadcast_in_dim3A_114 = vector.broadcast %broadcast_in_dim3A_113 : f32 to vector<16xf32>
      %swap3A_115 = arith.index_cast %add3A_72 : i32 to index
      %swap3A_116 = arith.constant 96 : index
      %swap3A_117 = tpu.vector_load %arg10[%swap3A_115, %swap3A_116] {strides = array<i32>} : memref<128x128xf32, #tpu.memory_space<vmem>>, vector<1x16xf32>,
      %swap3A_118 = vector.shape_cast %swap3A_117 : vector<1x16xf32> to vector<16xf32>
      %swap3A_119 = vector.shape_cast %broadcast_in_dim3A_114 : vector<16xf32> to vector<1x16xf32>
      tpu.vector_store %arg10[%swap3A_115, %swap3A_116], %swap3A_119 {strides = array<i32>} : memref<128x128xf32, #tpu.memory_space<vmem>>, vector<1x16xf32>,
      %broadcast_in_dim3A_120 = arith.constant 0.000000e+00 : f32
      %broadcast_in_dim3A_121 = vector.broadcast %broadcast_in_dim3A_120 : f32 to vector<16xf32>
      %swap3A_122 = arith.index_cast %add3A_72 : i32 to index
      %swap3A_123 = arith.constant 112 : index
      %swap3A_124 = tpu.vector_load %arg10[%swap3A_122, %swap3A_123] {strides = array<i32>} : memref<128x128xf32, #tpu.memory_space<vmem>>, vector<1x16xf32>,
      %swap3A_125 = vector.shape_cast %swap3A_124 : vector<1x16xf32> to vector<16xf32>
      %swap3A_126 = vector.shape_cast %broadcast_in_dim3A_121 : vector<16xf32> to vector<1x16xf32>
      tpu.vector_store %arg10[%swap3A_122, %swap3A_123], %swap3A_126 {strides = array<i32>} : memref<128x128xf32, #tpu.memory_space<vmem>>, vector<1x16xf32>,
    }
    %scan3A_14 = arith.constant 128 : i32
    %scan3A_15 = arith.constant 0 : i32
    %scan3A_16 = arith.constant 5 : i32
    %scan3A_17 = arith.addi %scan3A_15, %scan3A_16 : i32
    %scan3A_18 = arith.constant 1 : i32
    scf.for %scan3A_68 = %scan3A_15 to %scan3A_17 step %scan3A_18  : i32 {
      %mul3A_69 = arith.constant 1 : i32
      %mul3A_70 = arith.muli %scan3A_68, %mul3A_69 : i32
      %add3A_71 = arith.constant 0 : i32
      %add3A_72 = arith.addi %add3A_71, %mul3A_70 : i32
      %mul3A_73 = arith.constant 640 : i32
      %mul3A_74 = arith.muli %arg1, %mul3A_73 : i32
      %mul3A_75 = arith.constant 128 : i32
      %mul3A_76 = arith.muli %add3A_72, %mul3A_75 : i32
      %add3A_77 = arith.addi %mul3A_74, %mul3A_76 : i32
      "tpu.region"() ({
        %run_scoped3A = tpu.sem_alloc : memref<!tpu.dma_semaphore, #tpu.memory_space<semaphore_mem>>
        %dma_start3A_78 = arith.constant 0 : i32
        %dma_start3A_79 = tpu.memref_slice %arg12[%add3A_77, %dma_start3A_78] : memref<10240x128xf32, #tpu.memory_space<vmem_shared>> -> memref<128x128xf32, #tpu.memory_space<vmem_shared>>
        %dma_start3A_80 = arith.constant 0 : i32
        %dma_start3A_81 = tpu.memref_slice %arg12[%add3A_77, %dma_start3A_80] : memref<10240x128xf32, #tpu.memory_space<vmem_shared>> -> memref<128x128xf32, #tpu.memory_space<vmem_shared>>
        tpu.enqueue_dma source(%arg10 : memref<128x128xf32, #tpu.memory_space<vmem>>) target(%dma_start3A_81 : memref<128x128xf32, #tpu.memory_space<vmem_shared>>) target_semaphore(%run_scoped3A : memref<!tpu.dma_semaphore, #tpu.memory_space<semaphore_mem>>)
        %dma_wait3A = arith.constant 0 : i32
        %dma_wait3A_82 = tpu.memref_slice %arg12[%add3A_77, %dma_wait3A] : memref<10240x128xf32, #tpu.memory_space<vmem_shared>> -> memref<128x128xf32, #tpu.memory_space<vmem_shared>>
        %dma_wait3A_83 = arith.constant 0 : i32
        %dma_wait3A_84 = tpu.memref_slice %arg12[%add3A_77, %dma_wait3A_83] : memref<10240x128xf32, #tpu.memory_space<vmem_shared>> -> memref<128x128xf32, #tpu.memory_space<vmem_shared>>
        tpu.wait_dma2 semaphore(%run_scoped3A : memref<!tpu.dma_semaphore, #tpu.memory_space<semaphore_mem>>) src(%arg10 : memref<128x128xf32, #tpu.memory_space<vmem>>) dst(%dma_wait3A_84 : memref<128x128xf32, #tpu.memory_space<vmem_shared>>)
        tpu.yield
      }) : () -> ()
    }
    %scan3A_19 = arith.constant 5 : i32
    %barrier3A = arith.constant 0 : index
    tpu.barrier barrier_id(%barrier3A)
    "tpu.trace_stop"() : () -> ()
    "tpu.trace_start"() <{level = 10 : i32, message = "edge_loop"}> : () -> ()
    "tpu.region"() ({
      %run_scoped3A = tpu.sem_alloc : memref<!tpu.dma_semaphore, #tpu.memory_space<semaphore_mem>>
      %dma_start3A_68 = arith.constant 0 : i32
      %dma_start3A_69 = tpu.memref_slice %arg3[%add3A, %dma_start3A_68] : memref<2560x128xi32, #tpu.memory_space<hbm>> -> memref<2x128xi32, #tpu.memory_space<hbm>>
      %dma_start3A_70 = arith.constant 0 : i32
      %dma_start3A_71 = tpu.memref_slice %arg3[%add3A, %dma_start3A_70] : memref<2560x128xi32, #tpu.memory_space<hbm>> -> memref<2x128xi32, #tpu.memory_space<hbm>>
      tpu.enqueue_dma source(%dma_start3A_71 : memref<2x128xi32, #tpu.memory_space<hbm>>) target(%arg6 : memref<2x128xi32, #tpu.memory_space<vmem>>) target_semaphore(%run_scoped3A : memref<!tpu.dma_semaphore, #tpu.memory_space<semaphore_mem>>)
      %dma_wait3A = arith.constant 0 : i32
      %dma_wait3A_72 = tpu.memref_slice %arg3[%add3A, %dma_wait3A] : memref<2560x128xi32, #tpu.memory_space<hbm>> -> memref<2x128xi32, #tpu.memory_space<hbm>>
      %dma_wait3A_73 = arith.constant 0 : i32
      %dma_wait3A_74 = tpu.memref_slice %arg3[%add3A, %dma_wait3A_73] : memref<2560x128xi32, #tpu.memory_space<hbm>> -> memref<2x128xi32, #tpu.memory_space<hbm>>
      tpu.wait_dma2 semaphore(%run_scoped3A : memref<!tpu.dma_semaphore, #tpu.memory_space<semaphore_mem>>) src(%dma_wait3A_74 : memref<2x128xi32, #tpu.memory_space<hbm>>) dst(%arg6 : memref<2x128xi32, #tpu.memory_space<vmem>>)
      tpu.yield
    }) : () -> ()
    "tpu.region"() ({
      %run_scoped3A = tpu.sem_alloc : memref<!tpu.dma_semaphore, #tpu.memory_space<semaphore_mem>>
      %dma_start3A_68 = arith.constant 0 : i32
      %dma_start3A_69 = tpu.memref_slice %arg4[%add3A, %dma_start3A_68] : memref<2560x128xi32, #tpu.memory_space<hbm>> -> memref<2x128xi32, #tpu.memory_space<hbm>>
      %dma_start3A_70 = arith.constant 0 : i32
      %dma_start3A_71 = tpu.memref_slice %arg4[%add3A, %dma_start3A_70] : memref<2560x128xi32, #tpu.memory_space<hbm>> -> memref<2x128xi32, #tpu.memory_space<hbm>>
      tpu.enqueue_dma source(%dma_start3A_71 : memref<2x128xi32, #tpu.memory_space<hbm>>) target(%arg8 : memref<2x128xi32, #tpu.memory_space<vmem>>) target_semaphore(%run_scoped3A : memref<!tpu.dma_semaphore, #tpu.memory_space<semaphore_mem>>)
      %dma_wait3A = arith.constant 0 : i32
      %dma_wait3A_72 = tpu.memref_slice %arg4[%add3A, %dma_wait3A] : memref<2560x128xi32, #tpu.memory_space<hbm>> -> memref<2x128xi32, #tpu.memory_space<hbm>>
      %dma_wait3A_73 = arith.constant 0 : i32
      %dma_wait3A_74 = tpu.memref_slice %arg4[%add3A, %dma_wait3A_73] : memref<2560x128xi32, #tpu.memory_space<hbm>> -> memref<2x128xi32, #tpu.memory_space<hbm>>
      tpu.wait_dma2 semaphore(%run_scoped3A : memref<!tpu.dma_semaphore, #tpu.memory_space<semaphore_mem>>) src(%dma_wait3A_74 : memref<2x128xi32, #tpu.memory_space<hbm>>) dst(%arg8 : memref<2x128xi32, #tpu.memory_space<vmem>>)
      tpu.yield
    }) : () -> ()
    %add3A_20 = arith.constant 2 : i32
    %add3A_21 = arith.addi %add3A, %add3A_20 : i32
    %dma_start3A = arith.constant 0 : i32
    %dma_start3A_22 = tpu.memref_slice %arg3[%add3A_21, %dma_start3A] : memref<2560x128xi32, #tpu.memory_space<hbm>> -> memref<2x128xi32, #tpu.memory_space<hbm>>
    %dma_start3A_23 = arith.constant 0 : i32
    %dma_start3A_24 = tpu.memref_slice %arg3[%add3A_21, %dma_start3A_23] : memref<2560x128xi32, #tpu.memory_space<hbm>> -> memref<2x128xi32, #tpu.memory_space<hbm>>
    tpu.enqueue_dma source(%dma_start3A_24 : memref<2x128xi32, #tpu.memory_space<hbm>>) target(%arg7 : memref<2x128xi32, #tpu.memory_space<vmem>>) target_semaphore(%arg16 : memref<!tpu.dma_semaphore, #tpu.memory_space<semaphore_mem>>)
    %add3A_25 = arith.constant 2 : i32
    %add3A_26 = arith.addi %add3A, %add3A_25 : i32
    %dma_start3A_27 = arith.constant 0 : i32
    %dma_start3A_28 = tpu.memref_slice %arg4[%add3A_26, %dma_start3A_27] : memref<2560x128xi32, #tpu.memory_space<hbm>> -> memref<2x128xi32, #tpu.memory_space<hbm>>
    %dma_start3A_29 = arith.constant 0 : i32
    %dma_start3A_30 = tpu.memref_slice %arg4[%add3A_26, %dma_start3A_29] : memref<2560x128xi32, #tpu.memory_space<hbm>> -> memref<2x128xi32, #tpu.memory_space<hbm>>
    tpu.enqueue_dma source(%dma_start3A_30 : memref<2x128xi32, #tpu.memory_space<hbm>>) target(%arg9 : memref<2x128xi32, #tpu.memory_space<vmem>>) target_semaphore(%arg18 : memref<!tpu.dma_semaphore, #tpu.memory_space<semaphore_mem>>)
    %dma_start3A_31 = arith.constant 0 : i32
    %dma_start3A_32 = arith.constant 0 : i32
    %dma_start3A_33 = tpu.memref_slice %arg6[%dma_start3A_31, %dma_start3A_32] : memref<2x128xi32, #tpu.memory_space<vmem>> -> memref<1x128xi32, #tpu.memory_space<vmem>>
    %dma_start3A_34 = tpu.memref_squeeze %dma_start3A_33 : memref<1x128xi32, #tpu.memory_space<vmem>> -> memref<128xi32, #tpu.memory_space<vmem>>
    %dma_start3A_35 = arith.constant 0 : i32
    %dma_start3A_36 = arith.constant 0 : i32
    %dma_start3A_37 = tpu.memref_slice %arg2[%dma_start3A_35, %dma_start3A_36] : memref<10000x128xf32, #tpu.memory_space<hbm>> -> memref<10000x128xf32, #tpu.memory_space<hbm>>
    tpu.enqueue_indirect_dma source(%dma_start3A_37 : memref<10000x128xf32, #tpu.memory_space<hbm>>) target(%arg10 : memref<128x128xf32, #tpu.memory_space<vmem>>) offsets(%dma_start3A_34 : memref<128xi32, #tpu.memory_space<vmem>>) semaphore(%arg13 : memref<!tpu.dma_semaphore, #tpu.memory_space<semaphore_mem>>)
    %dma_start3A_38 = arith.constant 1 : i32
    %dma_start3A_39 = arith.constant 0 : i32
    %dma_start3A_40 = tpu.memref_slice %arg6[%dma_start3A_38, %dma_start3A_39] : memref<2x128xi32, #tpu.memory_space<vmem>> -> memref<1x128xi32, #tpu.memory_space<vmem>>
    %dma_start3A_41 = tpu.memref_squeeze %dma_start3A_40 : memref<1x128xi32, #tpu.memory_space<vmem>> -> memref<128xi32, #tpu.memory_space<vmem>>
    %dma_start3A_42 = arith.constant 0 : i32
    %dma_start3A_43 = arith.constant 0 : i32
    %dma_start3A_44 = tpu.memref_slice %arg2[%dma_start3A_42, %dma_start3A_43] : memref<10000x128xf32, #tpu.memory_space<hbm>> -> memref<10000x128xf32, #tpu.memory_space<hbm>>
    tpu.enqueue_indirect_dma source(%dma_start3A_44 : memref<10000x128xf32, #tpu.memory_space<hbm>>) target(%arg11 : memref<128x128xf32, #tpu.memory_space<vmem>>) offsets(%dma_start3A_41 : memref<128xi32, #tpu.memory_space<vmem>>) semaphore(%arg14 : memref<!tpu.dma_semaphore, #tpu.memory_space<semaphore_mem>>)
    %sub3A_45 = arith.constant 0 : i32
    %sub3A_46 = arith.subi %sub3A_10, %sub3A_45 : i32
    %sub3A_47 = arith.constant 2 : i32
    %sub3A_48 = arith.constant 1 : i32
    %sub3A_49 = arith.subi %sub3A_47, %sub3A_48 : i32
    %add3A_50 = arith.addi %sub3A_46, %sub3A_49 : i32
    %div3A = arith.constant 2 : i32
    %div3A_51 = arith.divsi %add3A_50, %div3A : i32
    %while3A = arith.constant 2 : i32
    %while3A_52 = arith.constant 0 : i32
    %while3A_53 = arith.constant 0 : i32
    %while3A_54 = arith.subi %div3A_51, %while3A_53 : i32
    %while3A_55 = arith.addi %while3A_53, %while3A_54 : i32
    %while3A_56 = arith.constant 1 : i32
    %while3A_57 = arith.divsi %while3A_54, %while3A_56 : i32
    %while3A_58 = arith.muli %while3A_57, %while3A_56 : i32
    %while3A_59 = arith.addi %while3A_53, %while3A_58 : i32
    %while3A_60 = arith.constant 1 : i32
    scf.for %while3A_68 = %while3A_53 to %while3A_59 step %while3A_60  : i32 {
      %mul3A_69 = arith.muli %while3A_68, %while3A : i32
      %add3A_70 = arith.addi %while3A_52, %mul3A_69 : i32
      %add3A_71 = arith.constant 0 : i32
      %add3A_72 = arith.addi %add3A_70, %add3A_71 : i32
      %sub3A_73 = arith.constant 1 : i32
      %sub3A_74 = arith.subi %sub3A_10, %sub3A_73 : i32
      %lt3A = arith.cmpi slt, %add3A_72, %sub3A_74 : i32
      %convert_element_type3A = arith.extui %lt3A : i1 to i32
      %cond3A = arith.constant 0 : i32
      %cond3A_75 = arith.cmpi ne, %convert_element_type3A, %cond3A : i32
      scf.if %cond3A_75 {
        %dma_wait3A_150 = arith.constant 0 : i32
        %dma_wait3A_151 = tpu.memref_slice %arg3[%add3A, %dma_wait3A_150] : memref<2560x128xi32, #tpu.memory_space<hbm>> -> memref<2x128xi32, #tpu.memory_space<hbm>>
        %dma_wait3A_152 = arith.constant 0 : i32
        %dma_wait3A_153 = tpu.memref_slice %arg3[%add3A, %dma_wait3A_152] : memref<2560x128xi32, #tpu.memory_space<hbm>> -> memref<2x128xi32, #tpu.memory_space<hbm>>
        tpu.wait_dma2 semaphore(%arg16 : memref<!tpu.dma_semaphore, #tpu.memory_space<semaphore_mem>>) src(%dma_wait3A_153 : memref<2x128xi32, #tpu.memory_space<hbm>>) dst(%arg7 : memref<2x128xi32, #tpu.memory_space<vmem>>)
        %dma_wait3A_154 = arith.constant 0 : i32
        %dma_wait3A_155 = tpu.memref_slice %arg4[%add3A, %dma_wait3A_154] : memref<2560x128xi32, #tpu.memory_space<hbm>> -> memref<2x128xi32, #tpu.memory_space<hbm>>
        %dma_wait3A_156 = arith.constant 0 : i32
        %dma_wait3A_157 = tpu.memref_slice %arg4[%add3A, %dma_wait3A_156] : memref<2560x128xi32, #tpu.memory_space<hbm>> -> memref<2x128xi32, #tpu.memory_space<hbm>>
        tpu.wait_dma2 semaphore(%arg18 : memref<!tpu.dma_semaphore, #tpu.memory_space<semaphore_mem>>) src(%dma_wait3A_157 : memref<2x128xi32, #tpu.memory_space<hbm>>) dst(%arg9 : memref<2x128xi32, #tpu.memory_space<vmem>>)
      } else {
      }
      %dma_wait3A = arith.constant 0 : i32
      %dma_wait3A_76 = arith.constant 0 : i32
      %dma_wait3A_77 = tpu.memref_slice %arg6[%dma_wait3A, %dma_wait3A_76] : memref<2x128xi32, #tpu.memory_space<vmem>> -> memref<1x128xi32, #tpu.memory_space<vmem>>
      %dma_wait3A_78 = tpu.memref_squeeze %dma_wait3A_77 : memref<1x128xi32, #tpu.memory_space<vmem>> -> memref<128xi32, #tpu.memory_space<vmem>>
      %dma_wait3A_79 = arith.constant 0 : i32
      %dma_wait3A_80 = arith.constant 0 : i32
      %dma_wait3A_81 = tpu.memref_slice %arg2[%dma_wait3A_79, %dma_wait3A_80] : memref<10000x128xf32, #tpu.memory_space<hbm>> -> memref<10000x128xf32, #tpu.memory_space<hbm>>
      tpu.wait_indirect_dma semaphore(%arg13 : memref<!tpu.dma_semaphore, #tpu.memory_space<semaphore_mem>>) src(%dma_wait3A_81 : memref<10000x128xf32, #tpu.memory_space<hbm>>) dst(%arg10 : memref<128x128xf32, #tpu.memory_space<vmem>>)
      %run_scoped3A = arith.constant 0 : i32
      "tpu.region"() ({
        %run_scoped3A_150 = tpu.sem_alloc : memref<!tpu.dma_semaphore, #tpu.memory_space<semaphore_mem>>
        %dma_start3A_151 = arith.constant 0 : i32
        %dma_start3A_152 = tpu.memref_slice %arg8[%run_scoped3A, %dma_start3A_151] : memref<2x128xi32, #tpu.memory_space<vmem>> -> memref<1x128xi32, #tpu.memory_space<vmem>>
        %dma_start3A_153 = tpu.memref_squeeze %dma_start3A_152 : memref<1x128xi32, #tpu.memory_space<vmem>> -> memref<128xi32, #tpu.memory_space<vmem>>
        %dma_start3A_154 = arith.constant 0 : i32
        %dma_start3A_155 = arith.constant 0 : i32
        %dma_start3A_156 = tpu.memref_slice %arg12[%dma_start3A_154, %dma_start3A_155] : memref<10240x128xf32, #tpu.memory_space<vmem_shared>> -> memref<10240x128xf32, #tpu.memory_space<vmem_shared>>
        tpu.enqueue_indirect_dma source(%arg10 : memref<128x128xf32, #tpu.memory_space<vmem>>) target(%dma_start3A_156 : memref<10240x128xf32, #tpu.memory_space<vmem_shared>>) offsets(%dma_start3A_153 : memref<128xi32, #tpu.memory_space<vmem>>) semaphore(%run_scoped3A_150 : memref<!tpu.dma_semaphore, #tpu.memory_space<semaphore_mem>>) {add = true}
        %dma_wait3A_157 = arith.constant 0 : i32
        %dma_wait3A_158 = tpu.memref_slice %arg8[%run_scoped3A, %dma_wait3A_157] : memref<2x128xi32, #tpu.memory_space<vmem>> -> memref<1x128xi32, #tpu.memory_space<vmem>>
        %dma_wait3A_159 = tpu.memref_squeeze %dma_wait3A_158 : memref<1x128xi32, #tpu.memory_space<vmem>> -> memref<128xi32, #tpu.memory_space<vmem>>
        %dma_wait3A_160 = arith.constant 0 : i32
        %dma_wait3A_161 = arith.constant 0 : i32
        %dma_wait3A_162 = tpu.memref_slice %arg12[%dma_wait3A_160, %dma_wait3A_161] : memref<10240x128xf32, #tpu.memory_space<vmem_shared>> -> memref<10240x128xf32, #tpu.memory_space<vmem_shared>>
        tpu.wait_indirect_dma semaphore(%run_scoped3A_150 : memref<!tpu.dma_semaphore, #tpu.memory_space<semaphore_mem>>) src(%arg10 : memref<128x128xf32, #tpu.memory_space<vmem>>) dst(%dma_wait3A_162 : memref<10240x128xf32, #tpu.memory_space<vmem_shared>>)
        tpu.yield
      }) : () -> ()
      %sub3A_82 = arith.constant 1 : i32
      %sub3A_83 = arith.subi %sub3A_10, %sub3A_82 : i32
      %lt3A_84 = arith.cmpi slt, %add3A_72, %sub3A_83 : i32
      %convert_element_type3A_85 = arith.extui %lt3A_84 : i1 to i32
      %cond3A_86 = arith.constant 0 : i32
      %cond3A_87 = arith.cmpi ne, %convert_element_type3A_85, %cond3A_86 : i32
      scf.if %cond3A_87 {
        %dma_start3A_150 = arith.constant 0 : i32
        %dma_start3A_151 = arith.constant 0 : i32
        %dma_start3A_152 = tpu.memref_slice %arg7[%dma_start3A_150, %dma_start3A_151] : memref<2x128xi32, #tpu.memory_space<vmem>> -> memref<1x128xi32, #tpu.memory_space<vmem>>
        %dma_start3A_153 = tpu.memref_squeeze %dma_start3A_152 : memref<1x128xi32, #tpu.memory_space<vmem>> -> memref<128xi32, #tpu.memory_space<vmem>>
        %dma_start3A_154 = arith.constant 0 : i32
        %dma_start3A_155 = arith.constant 0 : i32
        %dma_start3A_156 = tpu.memref_slice %arg2[%dma_start3A_154, %dma_start3A_155] : memref<10000x128xf32, #tpu.memory_space<hbm>> -> memref<10000x128xf32, #tpu.memory_space<hbm>>
        tpu.enqueue_indirect_dma source(%dma_start3A_156 : memref<10000x128xf32, #tpu.memory_space<hbm>>) target(%arg10 : memref<128x128xf32, #tpu.memory_space<vmem>>) offsets(%dma_start3A_153 : memref<128xi32, #tpu.memory_space<vmem>>) semaphore(%arg13 : memref<!tpu.dma_semaphore, #tpu.memory_space<semaphore_mem>>)
      } else {
      }
      %dma_wait3A_88 = arith.constant 1 : i32
      %dma_wait3A_89 = arith.constant 0 : i32
      %dma_wait3A_90 = tpu.memref_slice %arg6[%dma_wait3A_88, %dma_wait3A_89] : memref<2x128xi32, #tpu.memory_space<vmem>> -> memref<1x128xi32, #tpu.memory_space<vmem>>
      %dma_wait3A_91 = tpu.memref_squeeze %dma_wait3A_90 : memref<1x128xi32, #tpu.memory_space<vmem>> -> memref<128xi32, #tpu.memory_space<vmem>>
      %dma_wait3A_92 = arith.constant 0 : i32
      %dma_wait3A_93 = arith.constant 0 : i32
      %dma_wait3A_94 = tpu.memref_slice %arg2[%dma_wait3A_92, %dma_wait3A_93] : memref<10000x128xf32, #tpu.memory_space<hbm>> -> memref<10000x128xf32, #tpu.memory_space<hbm>>
      tpu.wait_indirect_dma semaphore(%arg14 : memref<!tpu.dma_semaphore, #tpu.memory_space<semaphore_mem>>) src(%dma_wait3A_94 : memref<10000x128xf32, #tpu.memory_space<hbm>>) dst(%arg11 : memref<128x128xf32, #tpu.memory_space<vmem>>)
      %run_scoped3A_95 = arith.constant 1 : i32
      "tpu.region"() ({
        %run_scoped3A_150 = tpu.sem_alloc : memref<!tpu.dma_semaphore, #tpu.memory_space<semaphore_mem>>
        %dma_start3A_151 = arith.constant 0 : i32
        %dma_start3A_152 = tpu.memref_slice %arg8[%run_scoped3A_95, %dma_start3A_151] : memref<2x128xi32, #tpu.memory_space<vmem>> -> memref<1x128xi32, #tpu.memory_space<vmem>>
        %dma_start3A_153 = tpu.memref_squeeze %dma_start3A_152 : memref<1x128xi32, #tpu.memory_space<vmem>> -> memref<128xi32, #tpu.memory_space<vmem>>
        %dma_start3A_154 = arith.constant 0 : i32
        %dma_start3A_155 = arith.constant 0 : i32
        %dma_start3A_156 = tpu.memref_slice %arg12[%dma_start3A_154, %dma_start3A_155] : memref<10240x128xf32, #tpu.memory_space<vmem_shared>> -> memref<10240x128xf32, #tpu.memory_space<vmem_shared>>
        tpu.enqueue_indirect_dma source(%arg11 : memref<128x128xf32, #tpu.memory_space<vmem>>) target(%dma_start3A_156 : memref<10240x128xf32, #tpu.memory_space<vmem_shared>>) offsets(%dma_start3A_153 : memref<128xi32, #tpu.memory_space<vmem>>) semaphore(%run_scoped3A_150 : memref<!tpu.dma_semaphore, #tpu.memory_space<semaphore_mem>>) {add = true}
        %dma_wait3A_157 = arith.constant 0 : i32
        %dma_wait3A_158 = tpu.memref_slice %arg8[%run_scoped3A_95, %dma_wait3A_157] : memref<2x128xi32, #tpu.memory_space<vmem>> -> memref<1x128xi32, #tpu.memory_space<vmem>>
        %dma_wait3A_159 = tpu.memref_squeeze %dma_wait3A_158 : memref<1x128xi32, #tpu.memory_space<vmem>> -> memref<128xi32, #tpu.memory_space<vmem>>
        %dma_wait3A_160 = arith.constant 0 : i32
        %dma_wait3A_161 = arith.constant 0 : i32
        %dma_wait3A_162 = tpu.memref_slice %arg12[%dma_wait3A_160, %dma_wait3A_161] : memref<10240x128xf32, #tpu.memory_space<vmem_shared>> -> memref<10240x128xf32, #tpu.memory_space<vmem_shared>>
        tpu.wait_indirect_dma semaphore(%run_scoped3A_150 : memref<!tpu.dma_semaphore, #tpu.memory_space<semaphore_mem>>) src(%arg11 : memref<128x128xf32, #tpu.memory_space<vmem>>) dst(%dma_wait3A_162 : memref<10240x128xf32, #tpu.memory_space<vmem_shared>>)
        tpu.yield
      }) : () -> ()
      %sub3A_96 = arith.constant 1 : i32
      %sub3A_97 = arith.subi %sub3A_10, %sub3A_96 : i32
      %lt3A_98 = arith.cmpi slt, %add3A_72, %sub3A_97 : i32
      %convert_element_type3A_99 = arith.extui %lt3A_98 : i1 to i32
      %cond3A_100 = arith.constant 0 : i32
      %cond3A_101 = arith.cmpi ne, %convert_element_type3A_99, %cond3A_100 : i32
      scf.if %cond3A_101 {
        %dma_start3A_150 = arith.constant 1 : i32
        %dma_start3A_151 = arith.constant 0 : i32
        %dma_start3A_152 = tpu.memref_slice %arg7[%dma_start3A_150, %dma_start3A_151] : memref<2x128xi32, #tpu.memory_space<vmem>> -> memref<1x128xi32, #tpu.memory_space<vmem>>
        %dma_start3A_153 = tpu.memref_squeeze %dma_start3A_152 : memref<1x128xi32, #tpu.memory_space<vmem>> -> memref<128xi32, #tpu.memory_space<vmem>>
        %dma_start3A_154 = arith.constant 0 : i32
        %dma_start3A_155 = arith.constant 0 : i32
        %dma_start3A_156 = tpu.memref_slice %arg2[%dma_start3A_154, %dma_start3A_155] : memref<10000x128xf32, #tpu.memory_space<hbm>> -> memref<10000x128xf32, #tpu.memory_space<hbm>>
        tpu.enqueue_indirect_dma source(%dma_start3A_156 : memref<10000x128xf32, #tpu.memory_space<hbm>>) target(%arg11 : memref<128x128xf32, #tpu.memory_space<vmem>>) offsets(%dma_start3A_153 : memref<128xi32, #tpu.memory_space<vmem>>) semaphore(%arg14 : memref<!tpu.dma_semaphore, #tpu.memory_space<semaphore_mem>>)
      } else {
      }
      %sub3A_102 = arith.constant 2 : i32
      %sub3A_103 = arith.subi %sub3A_10, %sub3A_102 : i32
      %lt3A_104 = arith.cmpi slt, %add3A_72, %sub3A_103 : i32
      %convert_element_type3A_105 = arith.extui %lt3A_104 : i1 to i32
      %cond3A_106 = arith.constant 0 : i32
      %cond3A_107 = arith.cmpi ne, %convert_element_type3A_105, %cond3A_106 : i32
      scf.if %cond3A_107 {
        %add3A_150 = arith.constant 2 : i32
        %add3A_151 = arith.addi %add3A_72, %add3A_150 : i32
        %mul3A_152 = arith.constant 2 : i32
        %mul3A_153 = arith.muli %add3A_151, %mul3A_152 : i32
        %add3A_154 = arith.addi %add3A, %mul3A_153 : i32
        %dma_start3A_155 = arith.constant 0 : i32
        %dma_start3A_156 = tpu.memref_slice %arg3[%add3A_154, %dma_start3A_155] : memref<2560x128xi32, #tpu.memory_space<hbm>> -> memref<2x128xi32, #tpu.memory_space<hbm>>
        %dma_start3A_157 = arith.constant 0 : i32
        %dma_start3A_158 = tpu.memref_slice %arg3[%add3A_154, %dma_start3A_157] : memref<2560x128xi32, #tpu.memory_space<hbm>> -> memref<2x128xi32, #tpu.memory_space<hbm>>
        tpu.enqueue_dma source(%dma_start3A_158 : memref<2x128xi32, #tpu.memory_space<hbm>>) target(%arg6 : memref<2x128xi32, #tpu.memory_space<vmem>>) target_semaphore(%arg15 : memref<!tpu.dma_semaphore, #tpu.memory_space<semaphore_mem>>)
        %add3A_159 = arith.constant 2 : i32
        %add3A_160 = arith.addi %add3A_72, %add3A_159 : i32
        %mul3A_161 = arith.constant 2 : i32
        %mul3A_162 = arith.muli %add3A_160, %mul3A_161 : i32
        %add3A_163 = arith.addi %add3A, %mul3A_162 : i32
        %dma_start3A_164 = arith.constant 0 : i32
        %dma_start3A_165 = tpu.memref_slice %arg4[%add3A_163, %dma_start3A_164] : memref<2560x128xi32, #tpu.memory_space<hbm>> -> memref<2x128xi32, #tpu.memory_space<hbm>>
        %dma_start3A_166 = arith.constant 0 : i32
        %dma_start3A_167 = tpu.memref_slice %arg4[%add3A_163, %dma_start3A_166] : memref<2560x128xi32, #tpu.memory_space<hbm>> -> memref<2x128xi32, #tpu.memory_space<hbm>>
        tpu.enqueue_dma source(%dma_start3A_167 : memref<2x128xi32, #tpu.memory_space<hbm>>) target(%arg8 : memref<2x128xi32, #tpu.memory_space<vmem>>) target_semaphore(%arg17 : memref<!tpu.dma_semaphore, #tpu.memory_space<semaphore_mem>>)
      } else {
      }
      %add3A_108 = arith.constant 1 : i32
      %add3A_109 = arith.addi %add3A_70, %add3A_108 : i32
      %sub3A_110 = arith.constant 1 : i32
      %sub3A_111 = arith.subi %sub3A_10, %sub3A_110 : i32
      %lt3A_112 = arith.cmpi slt, %add3A_109, %sub3A_111 : i32
      %convert_element_type3A_113 = arith.extui %lt3A_112 : i1 to i32
      %cond3A_114 = arith.constant 0 : i32
      %cond3A_115 = arith.cmpi ne, %convert_element_type3A_113, %cond3A_114 : i32
      scf.if %cond3A_115 {
        %dma_wait3A_150 = arith.constant 0 : i32
        %dma_wait3A_151 = tpu.memref_slice %arg3[%add3A, %dma_wait3A_150] : memref<2560x128xi32, #tpu.memory_space<hbm>> -> memref<2x128xi32, #tpu.memory_space<hbm>>
        %dma_wait3A_152 = arith.constant 0 : i32
        %dma_wait3A_153 = tpu.memref_slice %arg3[%add3A, %dma_wait3A_152] : memref<2560x128xi32, #tpu.memory_space<hbm>> -> memref<2x128xi32, #tpu.memory_space<hbm>>
        tpu.wait_dma2 semaphore(%arg15 : memref<!tpu.dma_semaphore, #tpu.memory_space<semaphore_mem>>) src(%dma_wait3A_153 : memref<2x128xi32, #tpu.memory_space<hbm>>) dst(%arg6 : memref<2x128xi32, #tpu.memory_space<vmem>>)
        %dma_wait3A_154 = arith.constant 0 : i32
        %dma_wait3A_155 = tpu.memref_slice %arg4[%add3A, %dma_wait3A_154] : memref<2560x128xi32, #tpu.memory_space<hbm>> -> memref<2x128xi32, #tpu.memory_space<hbm>>
        %dma_wait3A_156 = arith.constant 0 : i32
        %dma_wait3A_157 = tpu.memref_slice %arg4[%add3A, %dma_wait3A_156] : memref<2560x128xi32, #tpu.memory_space<hbm>> -> memref<2x128xi32, #tpu.memory_space<hbm>>
        tpu.wait_dma2 semaphore(%arg17 : memref<!tpu.dma_semaphore, #tpu.memory_space<semaphore_mem>>) src(%dma_wait3A_157 : memref<2x128xi32, #tpu.memory_space<hbm>>) dst(%arg8 : memref<2x128xi32, #tpu.memory_space<vmem>>)
      } else {
      }
      %dma_wait3A_116 = arith.constant 0 : i32
      %dma_wait3A_117 = arith.constant 0 : i32
      %dma_wait3A_118 = tpu.memref_slice %arg7[%dma_wait3A_116, %dma_wait3A_117] : memref<2x128xi32, #tpu.memory_space<vmem>> -> memref<1x128xi32, #tpu.memory_space<vmem>>
      %dma_wait3A_119 = tpu.memref_squeeze %dma_wait3A_118 : memref<1x128xi32, #tpu.memory_space<vmem>> -> memref<128xi32, #tpu.memory_space<vmem>>
      %dma_wait3A_120 = arith.constant 0 : i32
      %dma_wait3A_121 = arith.constant 0 : i32
      %dma_wait3A_122 = tpu.memref_slice %arg2[%dma_wait3A_120, %dma_wait3A_121] : memref<10000x128xf32, #tpu.memory_space<hbm>> -> memref<10000x128xf32, #tpu.memory_space<hbm>>
      tpu.wait_indirect_dma semaphore(%arg13 : memref<!tpu.dma_semaphore, #tpu.memory_space<semaphore_mem>>) src(%dma_wait3A_122 : memref<10000x128xf32, #tpu.memory_space<hbm>>) dst(%arg10 : memref<128x128xf32, #tpu.memory_space<vmem>>)
      %run_scoped3A_123 = arith.constant 0 : i32
      "tpu.region"() ({
        %run_scoped3A_150 = tpu.sem_alloc : memref<!tpu.dma_semaphore, #tpu.memory_space<semaphore_mem>>
        %dma_start3A_151 = arith.constant 0 : i32
        %dma_start3A_152 = tpu.memref_slice %arg9[%run_scoped3A_123, %dma_start3A_151] : memref<2x128xi32, #tpu.memory_space<vmem>> -> memref<1x128xi32, #tpu.memory_space<vmem>>
        %dma_start3A_153 = tpu.memref_squeeze %dma_start3A_152 : memref<1x128xi32, #tpu.memory_space<vmem>> -> memref<128xi32, #tpu.memory_space<vmem>>
        %dma_start3A_154 = arith.constant 0 : i32
        %dma_start3A_155 = arith.constant 0 : i32
        %dma_start3A_156 = tpu.memref_slice %arg12[%dma_start3A_154, %dma_start3A_155] : memref<10240x128xf32, #tpu.memory_space<vmem_shared>> -> memref<10240x128xf32, #tpu.memory_space<vmem_shared>>
        tpu.enqueue_indirect_dma source(%arg10 : memref<128x128xf32, #tpu.memory_space<vmem>>) target(%dma_start3A_156 : memref<10240x128xf32, #tpu.memory_space<vmem_shared>>) offsets(%dma_start3A_153 : memref<128xi32, #tpu.memory_space<vmem>>) semaphore(%run_scoped3A_150 : memref<!tpu.dma_semaphore, #tpu.memory_space<semaphore_mem>>) {add = true}
        %dma_wait3A_157 = arith.constant 0 : i32
        %dma_wait3A_158 = tpu.memref_slice %arg9[%run_scoped3A_123, %dma_wait3A_157] : memref<2x128xi32, #tpu.memory_space<vmem>> -> memref<1x128xi32, #tpu.memory_space<vmem>>
        %dma_wait3A_159 = tpu.memref_squeeze %dma_wait3A_158 : memref<1x128xi32, #tpu.memory_space<vmem>> -> memref<128xi32, #tpu.memory_space<vmem>>
        %dma_wait3A_160 = arith.constant 0 : i32
        %dma_wait3A_161 = arith.constant 0 : i32
        %dma_wait3A_162 = tpu.memref_slice %arg12[%dma_wait3A_160, %dma_wait3A_161] : memref<10240x128xf32, #tpu.memory_space<vmem_shared>> -> memref<10240x128xf32, #tpu.memory_space<vmem_shared>>
        tpu.wait_indirect_dma semaphore(%run_scoped3A_150 : memref<!tpu.dma_semaphore, #tpu.memory_space<semaphore_mem>>) src(%arg10 : memref<128x128xf32, #tpu.memory_space<vmem>>) dst(%dma_wait3A_162 : memref<10240x128xf32, #tpu.memory_space<vmem_shared>>)
        tpu.yield
      }) : () -> ()
      %sub3A_124 = arith.constant 1 : i32
      %sub3A_125 = arith.subi %sub3A_10, %sub3A_124 : i32
      %lt3A_126 = arith.cmpi slt, %add3A_109, %sub3A_125 : i32
      %convert_element_type3A_127 = arith.extui %lt3A_126 : i1 to i32
      %cond3A_128 = arith.constant 0 : i32
      %cond3A_129 = arith.cmpi ne, %convert_element_type3A_127, %cond3A_128 : i32
      scf.if %cond3A_129 {
        %dma_start3A_150 = arith.constant 0 : i32
        %dma_start3A_151 = arith.constant 0 : i32
        %dma_start3A_152 = tpu.memref_slice %arg6[%dma_start3A_150, %dma_start3A_151] : memref<2x128xi32, #tpu.memory_space<vmem>> -> memref<1x128xi32, #tpu.memory_space<vmem>>
        %dma_start3A_153 = tpu.memref_squeeze %dma_start3A_152 : memref<1x128xi32, #tpu.memory_space<vmem>> -> memref<128xi32, #tpu.memory_space<vmem>>
        %dma_start3A_154 = arith.constant 0 : i32
        %dma_start3A_155 = arith.constant 0 : i32
        %dma_start3A_156 = tpu.memref_slice %arg2[%dma_start3A_154, %dma_start3A_155] : memref<10000x128xf32, #tpu.memory_space<hbm>> -> memref<10000x128xf32, #tpu.memory_space<hbm>>
        tpu.enqueue_indirect_dma source(%dma_start3A_156 : memref<10000x128xf32, #tpu.memory_space<hbm>>) target(%arg10 : memref<128x128xf32, #tpu.memory_space<vmem>>) offsets(%dma_start3A_153 : memref<128xi32, #tpu.memory_space<vmem>>) semaphore(%arg13 : memref<!tpu.dma_semaphore, #tpu.memory_space<semaphore_mem>>)
      } else {
      }
      %dma_wait3A_130 = arith.constant 1 : i32
      %dma_wait3A_131 = arith.constant 0 : i32
      %dma_wait3A_132 = tpu.memref_slice %arg7[%dma_wait3A_130, %dma_wait3A_131] : memref<2x128xi32, #tpu.memory_space<vmem>> -> memref<1x128xi32, #tpu.memory_space<vmem>>
      %dma_wait3A_133 = tpu.memref_squeeze %dma_wait3A_132 : memref<1x128xi32, #tpu.memory_space<vmem>> -> memref<128xi32, #tpu.memory_space<vmem>>
      %dma_wait3A_134 = arith.constant 0 : i32
      %dma_wait3A_135 = arith.constant 0 : i32
      %dma_wait3A_136 = tpu.memref_slice %arg2[%dma_wait3A_134, %dma_wait3A_135] : memref<10000x128xf32, #tpu.memory_space<hbm>> -> memref<10000x128xf32, #tpu.memory_space<hbm>>
      tpu.wait_indirect_dma semaphore(%arg14 : memref<!tpu.dma_semaphore, #tpu.memory_space<semaphore_mem>>) src(%dma_wait3A_136 : memref<10000x128xf32, #tpu.memory_space<hbm>>) dst(%arg11 : memref<128x128xf32, #tpu.memory_space<vmem>>)
      %run_scoped3A_137 = arith.constant 1 : i32
      "tpu.region"() ({
        %run_scoped3A_150 = tpu.sem_alloc : memref<!tpu.dma_semaphore, #tpu.memory_space<semaphore_mem>>
        %dma_start3A_151 = arith.constant 0 : i32
        %dma_start3A_152 = tpu.memref_slice %arg9[%run_scoped3A_137, %dma_start3A_151] : memref<2x128xi32, #tpu.memory_space<vmem>> -> memref<1x128xi32, #tpu.memory_space<vmem>>
        %dma_start3A_153 = tpu.memref_squeeze %dma_start3A_152 : memref<1x128xi32, #tpu.memory_space<vmem>> -> memref<128xi32, #tpu.memory_space<vmem>>
        %dma_start3A_154 = arith.constant 0 : i32
        %dma_start3A_155 = arith.constant 0 : i32
        %dma_start3A_156 = tpu.memref_slice %arg12[%dma_start3A_154, %dma_start3A_155] : memref<10240x128xf32, #tpu.memory_space<vmem_shared>> -> memref<10240x128xf32, #tpu.memory_space<vmem_shared>>
        tpu.enqueue_indirect_dma source(%arg11 : memref<128x128xf32, #tpu.memory_space<vmem>>) target(%dma_start3A_156 : memref<10240x128xf32, #tpu.memory_space<vmem_shared>>) offsets(%dma_start3A_153 : memref<128xi32, #tpu.memory_space<vmem>>) semaphore(%run_scoped3A_150 : memref<!tpu.dma_semaphore, #tpu.memory_space<semaphore_mem>>) {add = true}
        %dma_wait3A_157 = arith.constant 0 : i32
        %dma_wait3A_158 = tpu.memref_slice %arg9[%run_scoped3A_137, %dma_wait3A_157] : memref<2x128xi32, #tpu.memory_space<vmem>> -> memref<1x128xi32, #tpu.memory_space<vmem>>
        %dma_wait3A_159 = tpu.memref_squeeze %dma_wait3A_158 : memref<1x128xi32, #tpu.memory_space<vmem>> -> memref<128xi32, #tpu.memory_space<vmem>>
        %dma_wait3A_160 = arith.constant 0 : i32
        %dma_wait3A_161 = arith.constant 0 : i32
        %dma_wait3A_162 = tpu.memref_slice %arg12[%dma_wait3A_160, %dma_wait3A_161] : memref<10240x128xf32, #tpu.memory_space<vmem_shared>> -> memref<10240x128xf32, #tpu.memory_space<vmem_shared>>
        tpu.wait_indirect_dma semaphore(%run_scoped3A_150 : memref<!tpu.dma_semaphore, #tpu.memory_space<semaphore_mem>>) src(%arg11 : memref<128x128xf32, #tpu.memory_space<vmem>>) dst(%dma_wait3A_162 : memref<10240x128xf32, #tpu.memory_space<vmem_shared>>)
        tpu.yield
      }) : () -> ()
      %sub3A_138 = arith.constant 1 : i32
      %sub3A_139 = arith.subi %sub3A_10, %sub3A_138 : i32
      %lt3A_140 = arith.cmpi slt, %add3A_109, %sub3A_139 : i32
      %convert_element_type3A_141 = arith.extui %lt3A_140 : i1 to i32
      %cond3A_142 = arith.constant 0 : i32
      %cond3A_143 = arith.cmpi ne, %convert_element_type3A_141, %cond3A_142 : i32
      scf.if %cond3A_143 {
        %dma_start3A_150 = arith.constant 1 : i32
        %dma_start3A_151 = arith.constant 0 : i32
        %dma_start3A_152 = tpu.memref_slice %arg6[%dma_start3A_150, %dma_start3A_151] : memref<2x128xi32, #tpu.memory_space<vmem>> -> memref<1x128xi32, #tpu.memory_space<vmem>>
        %dma_start3A_153 = tpu.memref_squeeze %dma_start3A_152 : memref<1x128xi32, #tpu.memory_space<vmem>> -> memref<128xi32, #tpu.memory_space<vmem>>
        %dma_start3A_154 = arith.constant 0 : i32
        %dma_start3A_155 = arith.constant 0 : i32
        %dma_start3A_156 = tpu.memref_slice %arg2[%dma_start3A_154, %dma_start3A_155] : memref<10000x128xf32, #tpu.memory_space<hbm>> -> memref<10000x128xf32, #tpu.memory_space<hbm>>
        tpu.enqueue_indirect_dma source(%dma_start3A_156 : memref<10000x128xf32, #tpu.memory_space<hbm>>) target(%arg11 : memref<128x128xf32, #tpu.memory_space<vmem>>) offsets(%dma_start3A_153 : memref<128xi32, #tpu.memory_space<vmem>>) semaphore(%arg14 : memref<!tpu.dma_semaphore, #tpu.memory_space<semaphore_mem>>)
      } else {
      }
      %sub3A_144 = arith.constant 2 : i32
      %sub3A_145 = arith.subi %sub3A_10, %sub3A_144 : i32
      %lt3A_146 = arith.cmpi slt, %add3A_109, %sub3A_145 : i32
      %convert_element_type3A_147 = arith.extui %lt3A_146 : i1 to i32
      %cond3A_148 = arith.constant 0 : i32
      %cond3A_149 = arith.cmpi ne, %convert_element_type3A_147, %cond3A_148 : i32
      scf.if %cond3A_149 {
        %add3A_150 = arith.constant 2 : i32
        %add3A_151 = arith.addi %add3A_109, %add3A_150 : i32
        %mul3A_152 = arith.constant 2 : i32
        %mul3A_153 = arith.muli %add3A_151, %mul3A_152 : i32
        %add3A_154 = arith.addi %add3A, %mul3A_153 : i32
        %dma_start3A_155 = arith.constant 0 : i32
        %dma_start3A_156 = tpu.memref_slice %arg3[%add3A_154, %dma_start3A_155] : memref<2560x128xi32, #tpu.memory_space<hbm>> -> memref<2x128xi32, #tpu.memory_space<hbm>>
        %dma_start3A_157 = arith.constant 0 : i32
        %dma_start3A_158 = tpu.memref_slice %arg3[%add3A_154, %dma_start3A_157] : memref<2560x128xi32, #tpu.memory_space<hbm>> -> memref<2x128xi32, #tpu.memory_space<hbm>>
        tpu.enqueue_dma source(%dma_start3A_158 : memref<2x128xi32, #tpu.memory_space<hbm>>) target(%arg7 : memref<2x128xi32, #tpu.memory_space<vmem>>) target_semaphore(%arg16 : memref<!tpu.dma_semaphore, #tpu.memory_space<semaphore_mem>>)
        %add3A_159 = arith.constant 2 : i32
        %add3A_160 = arith.addi %add3A_109, %add3A_159 : i32
        %mul3A_161 = arith.constant 2 : i32
        %mul3A_162 = arith.muli %add3A_160, %mul3A_161 : i32
        %add3A_163 = arith.addi %add3A, %mul3A_162 : i32
        %dma_start3A_164 = arith.constant 0 : i32
        %dma_start3A_165 = tpu.memref_slice %arg4[%add3A_163, %dma_start3A_164] : memref<2560x128xi32, #tpu.memory_space<hbm>> -> memref<2x128xi32, #tpu.memory_space<hbm>>
        %dma_start3A_166 = arith.constant 0 : i32
        %dma_start3A_167 = tpu.memref_slice %arg4[%add3A_163, %dma_start3A_166] : memref<2560x128xi32, #tpu.memory_space<hbm>> -> memref<2x128xi32, #tpu.memory_space<hbm>>
        tpu.enqueue_dma source(%dma_start3A_167 : memref<2x128xi32, #tpu.memory_space<hbm>>) target(%arg9 : memref<2x128xi32, #tpu.memory_space<vmem>>) target_semaphore(%arg18 : memref<!tpu.dma_semaphore, #tpu.memory_space<semaphore_mem>>)
      } else {
      }
    }
    %while3A_61 = arith.constant 1 : i32
    scf.for %while3A_68 = %while3A_59 to %while3A_55 step %while3A_61  : i32 {
      %mul3A_69 = arith.muli %while3A_68, %while3A : i32
      %add3A_70 = arith.addi %while3A_52, %mul3A_69 : i32
      %add3A_71 = arith.constant 0 : i32
      %add3A_72 = arith.addi %add3A_70, %add3A_71 : i32
      %sub3A_73 = arith.constant 1 : i32
      %sub3A_74 = arith.subi %sub3A_10, %sub3A_73 : i32
      %lt3A = arith.cmpi slt, %add3A_72, %sub3A_74 : i32
      %convert_element_type3A = arith.extui %lt3A : i1 to i32
      %cond3A = arith.constant 0 : i32
      %cond3A_75 = arith.cmpi ne, %convert_element_type3A, %cond3A : i32
      scf.if %cond3A_75 {
        %dma_wait3A_150 = arith.constant 0 : i32
        %dma_wait3A_151 = tpu.memref_slice %arg3[%add3A, %dma_wait3A_150] : memref<2560x128xi32, #tpu.memory_space<hbm>> -> memref<2x128xi32, #tpu.memory_space<hbm>>
        %dma_wait3A_152 = arith.constant 0 : i32
        %dma_wait3A_153 = tpu.memref_slice %arg3[%add3A, %dma_wait3A_152] : memref<2560x128xi32, #tpu.memory_space<hbm>> -> memref<2x128xi32, #tpu.memory_space<hbm>>
        tpu.wait_dma2 semaphore(%arg16 : memref<!tpu.dma_semaphore, #tpu.memory_space<semaphore_mem>>) src(%dma_wait3A_153 : memref<2x128xi32, #tpu.memory_space<hbm>>) dst(%arg7 : memref<2x128xi32, #tpu.memory_space<vmem>>)
        %dma_wait3A_154 = arith.constant 0 : i32
        %dma_wait3A_155 = tpu.memref_slice %arg4[%add3A, %dma_wait3A_154] : memref<2560x128xi32, #tpu.memory_space<hbm>> -> memref<2x128xi32, #tpu.memory_space<hbm>>
        %dma_wait3A_156 = arith.constant 0 : i32
        %dma_wait3A_157 = tpu.memref_slice %arg4[%add3A, %dma_wait3A_156] : memref<2560x128xi32, #tpu.memory_space<hbm>> -> memref<2x128xi32, #tpu.memory_space<hbm>>
        tpu.wait_dma2 semaphore(%arg18 : memref<!tpu.dma_semaphore, #tpu.memory_space<semaphore_mem>>) src(%dma_wait3A_157 : memref<2x128xi32, #tpu.memory_space<hbm>>) dst(%arg9 : memref<2x128xi32, #tpu.memory_space<vmem>>)
      } else {
      }
      %dma_wait3A = arith.constant 0 : i32
      %dma_wait3A_76 = arith.constant 0 : i32
      %dma_wait3A_77 = tpu.memref_slice %arg6[%dma_wait3A, %dma_wait3A_76] : memref<2x128xi32, #tpu.memory_space<vmem>> -> memref<1x128xi32, #tpu.memory_space<vmem>>
      %dma_wait3A_78 = tpu.memref_squeeze %dma_wait3A_77 : memref<1x128xi32, #tpu.memory_space<vmem>> -> memref<128xi32, #tpu.memory_space<vmem>>
      %dma_wait3A_79 = arith.constant 0 : i32
      %dma_wait3A_80 = arith.constant 0 : i32
      %dma_wait3A_81 = tpu.memref_slice %arg2[%dma_wait3A_79, %dma_wait3A_80] : memref<10000x128xf32, #tpu.memory_space<hbm>> -> memref<10000x128xf32, #tpu.memory_space<hbm>>
      tpu.wait_indirect_dma semaphore(%arg13 : memref<!tpu.dma_semaphore, #tpu.memory_space<semaphore_mem>>) src(%dma_wait3A_81 : memref<10000x128xf32, #tpu.memory_space<hbm>>) dst(%arg10 : memref<128x128xf32, #tpu.memory_space<vmem>>)
      %run_scoped3A = arith.constant 0 : i32
      "tpu.region"() ({
        %run_scoped3A_150 = tpu.sem_alloc : memref<!tpu.dma_semaphore, #tpu.memory_space<semaphore_mem>>
        %dma_start3A_151 = arith.constant 0 : i32
        %dma_start3A_152 = tpu.memref_slice %arg8[%run_scoped3A, %dma_start3A_151] : memref<2x128xi32, #tpu.memory_space<vmem>> -> memref<1x128xi32, #tpu.memory_space<vmem>>
        %dma_start3A_153 = tpu.memref_squeeze %dma_start3A_152 : memref<1x128xi32, #tpu.memory_space<vmem>> -> memref<128xi32, #tpu.memory_space<vmem>>
        %dma_start3A_154 = arith.constant 0 : i32
        %dma_start3A_155 = arith.constant 0 : i32
        %dma_start3A_156 = tpu.memref_slice %arg12[%dma_start3A_154, %dma_start3A_155] : memref<10240x128xf32, #tpu.memory_space<vmem_shared>> -> memref<10240x128xf32, #tpu.memory_space<vmem_shared>>
        tpu.enqueue_indirect_dma source(%arg10 : memref<128x128xf32, #tpu.memory_space<vmem>>) target(%dma_start3A_156 : memref<10240x128xf32, #tpu.memory_space<vmem_shared>>) offsets(%dma_start3A_153 : memref<128xi32, #tpu.memory_space<vmem>>) semaphore(%run_scoped3A_150 : memref<!tpu.dma_semaphore, #tpu.memory_space<semaphore_mem>>) {add = true}
        %dma_wait3A_157 = arith.constant 0 : i32
        %dma_wait3A_158 = tpu.memref_slice %arg8[%run_scoped3A, %dma_wait3A_157] : memref<2x128xi32, #tpu.memory_space<vmem>> -> memref<1x128xi32, #tpu.memory_space<vmem>>
        %dma_wait3A_159 = tpu.memref_squeeze %dma_wait3A_158 : memref<1x128xi32, #tpu.memory_space<vmem>> -> memref<128xi32, #tpu.memory_space<vmem>>
        %dma_wait3A_160 = arith.constant 0 : i32
        %dma_wait3A_161 = arith.constant 0 : i32
        %dma_wait3A_162 = tpu.memref_slice %arg12[%dma_wait3A_160, %dma_wait3A_161] : memref<10240x128xf32, #tpu.memory_space<vmem_shared>> -> memref<10240x128xf32, #tpu.memory_space<vmem_shared>>
        tpu.wait_indirect_dma semaphore(%run_scoped3A_150 : memref<!tpu.dma_semaphore, #tpu.memory_space<semaphore_mem>>) src(%arg10 : memref<128x128xf32, #tpu.memory_space<vmem>>) dst(%dma_wait3A_162 : memref<10240x128xf32, #tpu.memory_space<vmem_shared>>)
        tpu.yield
      }) : () -> ()
      %sub3A_82 = arith.constant 1 : i32
      %sub3A_83 = arith.subi %sub3A_10, %sub3A_82 : i32
      %lt3A_84 = arith.cmpi slt, %add3A_72, %sub3A_83 : i32
      %convert_element_type3A_85 = arith.extui %lt3A_84 : i1 to i32
      %cond3A_86 = arith.constant 0 : i32
      %cond3A_87 = arith.cmpi ne, %convert_element_type3A_85, %cond3A_86 : i32
      scf.if %cond3A_87 {
        %dma_start3A_150 = arith.constant 0 : i32
        %dma_start3A_151 = arith.constant 0 : i32
        %dma_start3A_152 = tpu.memref_slice %arg7[%dma_start3A_150, %dma_start3A_151] : memref<2x128xi32, #tpu.memory_space<vmem>> -> memref<1x128xi32, #tpu.memory_space<vmem>>
        %dma_start3A_153 = tpu.memref_squeeze %dma_start3A_152 : memref<1x128xi32, #tpu.memory_space<vmem>> -> memref<128xi32, #tpu.memory_space<vmem>>
        %dma_start3A_154 = arith.constant 0 : i32
        %dma_start3A_155 = arith.constant 0 : i32
        %dma_start3A_156 = tpu.memref_slice %arg2[%dma_start3A_154, %dma_start3A_155] : memref<10000x128xf32, #tpu.memory_space<hbm>> -> memref<10000x128xf32, #tpu.memory_space<hbm>>
        tpu.enqueue_indirect_dma source(%dma_start3A_156 : memref<10000x128xf32, #tpu.memory_space<hbm>>) target(%arg10 : memref<128x128xf32, #tpu.memory_space<vmem>>) offsets(%dma_start3A_153 : memref<128xi32, #tpu.memory_space<vmem>>) semaphore(%arg13 : memref<!tpu.dma_semaphore, #tpu.memory_space<semaphore_mem>>)
      } else {
      }
      %dma_wait3A_88 = arith.constant 1 : i32
      %dma_wait3A_89 = arith.constant 0 : i32
      %dma_wait3A_90 = tpu.memref_slice %arg6[%dma_wait3A_88, %dma_wait3A_89] : memref<2x128xi32, #tpu.memory_space<vmem>> -> memref<1x128xi32, #tpu.memory_space<vmem>>
      %dma_wait3A_91 = tpu.memref_squeeze %dma_wait3A_90 : memref<1x128xi32, #tpu.memory_space<vmem>> -> memref<128xi32, #tpu.memory_space<vmem>>
      %dma_wait3A_92 = arith.constant 0 : i32
      %dma_wait3A_93 = arith.constant 0 : i32
      %dma_wait3A_94 = tpu.memref_slice %arg2[%dma_wait3A_92, %dma_wait3A_93] : memref<10000x128xf32, #tpu.memory_space<hbm>> -> memref<10000x128xf32, #tpu.memory_space<hbm>>
      tpu.wait_indirect_dma semaphore(%arg14 : memref<!tpu.dma_semaphore, #tpu.memory_space<semaphore_mem>>) src(%dma_wait3A_94 : memref<10000x128xf32, #tpu.memory_space<hbm>>) dst(%arg11 : memref<128x128xf32, #tpu.memory_space<vmem>>)
      %run_scoped3A_95 = arith.constant 1 : i32
      "tpu.region"() ({
        %run_scoped3A_150 = tpu.sem_alloc : memref<!tpu.dma_semaphore, #tpu.memory_space<semaphore_mem>>
        %dma_start3A_151 = arith.constant 0 : i32
        %dma_start3A_152 = tpu.memref_slice %arg8[%run_scoped3A_95, %dma_start3A_151] : memref<2x128xi32, #tpu.memory_space<vmem>> -> memref<1x128xi32, #tpu.memory_space<vmem>>
        %dma_start3A_153 = tpu.memref_squeeze %dma_start3A_152 : memref<1x128xi32, #tpu.memory_space<vmem>> -> memref<128xi32, #tpu.memory_space<vmem>>
        %dma_start3A_154 = arith.constant 0 : i32
        %dma_start3A_155 = arith.constant 0 : i32
        %dma_start3A_156 = tpu.memref_slice %arg12[%dma_start3A_154, %dma_start3A_155] : memref<10240x128xf32, #tpu.memory_space<vmem_shared>> -> memref<10240x128xf32, #tpu.memory_space<vmem_shared>>
        tpu.enqueue_indirect_dma source(%arg11 : memref<128x128xf32, #tpu.memory_space<vmem>>) target(%dma_start3A_156 : memref<10240x128xf32, #tpu.memory_space<vmem_shared>>) offsets(%dma_start3A_153 : memref<128xi32, #tpu.memory_space<vmem>>) semaphore(%run_scoped3A_150 : memref<!tpu.dma_semaphore, #tpu.memory_space<semaphore_mem>>) {add = true}
        %dma_wait3A_157 = arith.constant 0 : i32
        %dma_wait3A_158 = tpu.memref_slice %arg8[%run_scoped3A_95, %dma_wait3A_157] : memref<2x128xi32, #tpu.memory_space<vmem>> -> memref<1x128xi32, #tpu.memory_space<vmem>>
        %dma_wait3A_159 = tpu.memref_squeeze %dma_wait3A_158 : memref<1x128xi32, #tpu.memory_space<vmem>> -> memref<128xi32, #tpu.memory_space<vmem>>
        %dma_wait3A_160 = arith.constant 0 : i32
        %dma_wait3A_161 = arith.constant 0 : i32
        %dma_wait3A_162 = tpu.memref_slice %arg12[%dma_wait3A_160, %dma_wait3A_161] : memref<10240x128xf32, #tpu.memory_space<vmem_shared>> -> memref<10240x128xf32, #tpu.memory_space<vmem_shared>>
        tpu.wait_indirect_dma semaphore(%run_scoped3A_150 : memref<!tpu.dma_semaphore, #tpu.memory_space<semaphore_mem>>) src(%arg11 : memref<128x128xf32, #tpu.memory_space<vmem>>) dst(%dma_wait3A_162 : memref<10240x128xf32, #tpu.memory_space<vmem_shared>>)
        tpu.yield
      }) : () -> ()
      %sub3A_96 = arith.constant 1 : i32
      %sub3A_97 = arith.subi %sub3A_10, %sub3A_96 : i32
      %lt3A_98 = arith.cmpi slt, %add3A_72, %sub3A_97 : i32
      %convert_element_type3A_99 = arith.extui %lt3A_98 : i1 to i32
      %cond3A_100 = arith.constant 0 : i32
      %cond3A_101 = arith.cmpi ne, %convert_element_type3A_99, %cond3A_100 : i32
      scf.if %cond3A_101 {
        %dma_start3A_150 = arith.constant 1 : i32
        %dma_start3A_151 = arith.constant 0 : i32
        %dma_start3A_152 = tpu.memref_slice %arg7[%dma_start3A_150, %dma_start3A_151] : memref<2x128xi32, #tpu.memory_space<vmem>> -> memref<1x128xi32, #tpu.memory_space<vmem>>
        %dma_start3A_153 = tpu.memref_squeeze %dma_start3A_152 : memref<1x128xi32, #tpu.memory_space<vmem>> -> memref<128xi32, #tpu.memory_space<vmem>>
        %dma_start3A_154 = arith.constant 0 : i32
        %dma_start3A_155 = arith.constant 0 : i32
        %dma_start3A_156 = tpu.memref_slice %arg2[%dma_start3A_154, %dma_start3A_155] : memref<10000x128xf32, #tpu.memory_space<hbm>> -> memref<10000x128xf32, #tpu.memory_space<hbm>>
        tpu.enqueue_indirect_dma source(%dma_start3A_156 : memref<10000x128xf32, #tpu.memory_space<hbm>>) target(%arg11 : memref<128x128xf32, #tpu.memory_space<vmem>>) offsets(%dma_start3A_153 : memref<128xi32, #tpu.memory_space<vmem>>) semaphore(%arg14 : memref<!tpu.dma_semaphore, #tpu.memory_space<semaphore_mem>>)
      } else {
      }
      %sub3A_102 = arith.constant 2 : i32
      %sub3A_103 = arith.subi %sub3A_10, %sub3A_102 : i32
      %lt3A_104 = arith.cmpi slt, %add3A_72, %sub3A_103 : i32
      %convert_element_type3A_105 = arith.extui %lt3A_104 : i1 to i32
      %cond3A_106 = arith.constant 0 : i32
      %cond3A_107 = arith.cmpi ne, %convert_element_type3A_105, %cond3A_106 : i32
      scf.if %cond3A_107 {
        %add3A_150 = arith.constant 2 : i32
        %add3A_151 = arith.addi %add3A_72, %add3A_150 : i32
        %mul3A_152 = arith.constant 2 : i32
        %mul3A_153 = arith.muli %add3A_151, %mul3A_152 : i32
        %add3A_154 = arith.addi %add3A, %mul3A_153 : i32
        %dma_start3A_155 = arith.constant 0 : i32
        %dma_start3A_156 = tpu.memref_slice %arg3[%add3A_154, %dma_start3A_155] : memref<2560x128xi32, #tpu.memory_space<hbm>> -> memref<2x128xi32, #tpu.memory_space<hbm>>
        %dma_start3A_157 = arith.constant 0 : i32
        %dma_start3A_158 = tpu.memref_slice %arg3[%add3A_154, %dma_start3A_157] : memref<2560x128xi32, #tpu.memory_space<hbm>> -> memref<2x128xi32, #tpu.memory_space<hbm>>
        tpu.enqueue_dma source(%dma_start3A_158 : memref<2x128xi32, #tpu.memory_space<hbm>>) target(%arg6 : memref<2x128xi32, #tpu.memory_space<vmem>>) target_semaphore(%arg15 : memref<!tpu.dma_semaphore, #tpu.memory_space<semaphore_mem>>)
        %add3A_159 = arith.constant 2 : i32
        %add3A_160 = arith.addi %add3A_72, %add3A_159 : i32
        %mul3A_161 = arith.constant 2 : i32
        %mul3A_162 = arith.muli %add3A_160, %mul3A_161 : i32
        %add3A_163 = arith.addi %add3A, %mul3A_162 : i32
        %dma_start3A_164 = arith.constant 0 : i32
        %dma_start3A_165 = tpu.memref_slice %arg4[%add3A_163, %dma_start3A_164] : memref<2560x128xi32, #tpu.memory_space<hbm>> -> memref<2x128xi32, #tpu.memory_space<hbm>>
        %dma_start3A_166 = arith.constant 0 : i32
        %dma_start3A_167 = tpu.memref_slice %arg4[%add3A_163, %dma_start3A_166] : memref<2560x128xi32, #tpu.memory_space<hbm>> -> memref<2x128xi32, #tpu.memory_space<hbm>>
        tpu.enqueue_dma source(%dma_start3A_167 : memref<2x128xi32, #tpu.memory_space<hbm>>) target(%arg8 : memref<2x128xi32, #tpu.memory_space<vmem>>) target_semaphore(%arg17 : memref<!tpu.dma_semaphore, #tpu.memory_space<semaphore_mem>>)
      } else {
      }
      %add3A_108 = arith.constant 1 : i32
      %add3A_109 = arith.addi %add3A_70, %add3A_108 : i32
      %sub3A_110 = arith.constant 1 : i32
      %sub3A_111 = arith.subi %sub3A_10, %sub3A_110 : i32
      %lt3A_112 = arith.cmpi slt, %add3A_109, %sub3A_111 : i32
      %convert_element_type3A_113 = arith.extui %lt3A_112 : i1 to i32
      %cond3A_114 = arith.constant 0 : i32
      %cond3A_115 = arith.cmpi ne, %convert_element_type3A_113, %cond3A_114 : i32
      scf.if %cond3A_115 {
        %dma_wait3A_150 = arith.constant 0 : i32
        %dma_wait3A_151 = tpu.memref_slice %arg3[%add3A, %dma_wait3A_150] : memref<2560x128xi32, #tpu.memory_space<hbm>> -> memref<2x128xi32, #tpu.memory_space<hbm>>
        %dma_wait3A_152 = arith.constant 0 : i32
        %dma_wait3A_153 = tpu.memref_slice %arg3[%add3A, %dma_wait3A_152] : memref<2560x128xi32, #tpu.memory_space<hbm>> -> memref<2x128xi32, #tpu.memory_space<hbm>>
        tpu.wait_dma2 semaphore(%arg15 : memref<!tpu.dma_semaphore, #tpu.memory_space<semaphore_mem>>) src(%dma_wait3A_153 : memref<2x128xi32, #tpu.memory_space<hbm>>) dst(%arg6 : memref<2x128xi32, #tpu.memory_space<vmem>>)
        %dma_wait3A_154 = arith.constant 0 : i32
        %dma_wait3A_155 = tpu.memref_slice %arg4[%add3A, %dma_wait3A_154] : memref<2560x128xi32, #tpu.memory_space<hbm>> -> memref<2x128xi32, #tpu.memory_space<hbm>>
        %dma_wait3A_156 = arith.constant 0 : i32
        %dma_wait3A_157 = tpu.memref_slice %arg4[%add3A, %dma_wait3A_156] : memref<2560x128xi32, #tpu.memory_space<hbm>> -> memref<2x128xi32, #tpu.memory_space<hbm>>
        tpu.wait_dma2 semaphore(%arg17 : memref<!tpu.dma_semaphore, #tpu.memory_space<semaphore_mem>>) src(%dma_wait3A_157 : memref<2x128xi32, #tpu.memory_space<hbm>>) dst(%arg8 : memref<2x128xi32, #tpu.memory_space<vmem>>)
      } else {
      }
      %dma_wait3A_116 = arith.constant 0 : i32
      %dma_wait3A_117 = arith.constant 0 : i32
      %dma_wait3A_118 = tpu.memref_slice %arg7[%dma_wait3A_116, %dma_wait3A_117] : memref<2x128xi32, #tpu.memory_space<vmem>> -> memref<1x128xi32, #tpu.memory_space<vmem>>
      %dma_wait3A_119 = tpu.memref_squeeze %dma_wait3A_118 : memref<1x128xi32, #tpu.memory_space<vmem>> -> memref<128xi32, #tpu.memory_space<vmem>>
      %dma_wait3A_120 = arith.constant 0 : i32
      %dma_wait3A_121 = arith.constant 0 : i32
      %dma_wait3A_122 = tpu.memref_slice %arg2[%dma_wait3A_120, %dma_wait3A_121] : memref<10000x128xf32, #tpu.memory_space<hbm>> -> memref<10000x128xf32, #tpu.memory_space<hbm>>
      tpu.wait_indirect_dma semaphore(%arg13 : memref<!tpu.dma_semaphore, #tpu.memory_space<semaphore_mem>>) src(%dma_wait3A_122 : memref<10000x128xf32, #tpu.memory_space<hbm>>) dst(%arg10 : memref<128x128xf32, #tpu.memory_space<vmem>>)
      %run_scoped3A_123 = arith.constant 0 : i32
      "tpu.region"() ({
        %run_scoped3A_150 = tpu.sem_alloc : memref<!tpu.dma_semaphore, #tpu.memory_space<semaphore_mem>>
        %dma_start3A_151 = arith.constant 0 : i32
        %dma_start3A_152 = tpu.memref_slice %arg9[%run_scoped3A_123, %dma_start3A_151] : memref<2x128xi32, #tpu.memory_space<vmem>> -> memref<1x128xi32, #tpu.memory_space<vmem>>
        %dma_start3A_153 = tpu.memref_squeeze %dma_start3A_152 : memref<1x128xi32, #tpu.memory_space<vmem>> -> memref<128xi32, #tpu.memory_space<vmem>>
        %dma_start3A_154 = arith.constant 0 : i32
        %dma_start3A_155 = arith.constant 0 : i32
        %dma_start3A_156 = tpu.memref_slice %arg12[%dma_start3A_154, %dma_start3A_155] : memref<10240x128xf32, #tpu.memory_space<vmem_shared>> -> memref<10240x128xf32, #tpu.memory_space<vmem_shared>>
        tpu.enqueue_indirect_dma source(%arg10 : memref<128x128xf32, #tpu.memory_space<vmem>>) target(%dma_start3A_156 : memref<10240x128xf32, #tpu.memory_space<vmem_shared>>) offsets(%dma_start3A_153 : memref<128xi32, #tpu.memory_space<vmem>>) semaphore(%run_scoped3A_150 : memref<!tpu.dma_semaphore, #tpu.memory_space<semaphore_mem>>) {add = true}
        %dma_wait3A_157 = arith.constant 0 : i32
        %dma_wait3A_158 = tpu.memref_slice %arg9[%run_scoped3A_123, %dma_wait3A_157] : memref<2x128xi32, #tpu.memory_space<vmem>> -> memref<1x128xi32, #tpu.memory_space<vmem>>
        %dma_wait3A_159 = tpu.memref_squeeze %dma_wait3A_158 : memref<1x128xi32, #tpu.memory_space<vmem>> -> memref<128xi32, #tpu.memory_space<vmem>>
        %dma_wait3A_160 = arith.constant 0 : i32
        %dma_wait3A_161 = arith.constant 0 : i32
        %dma_wait3A_162 = tpu.memref_slice %arg12[%dma_wait3A_160, %dma_wait3A_161] : memref<10240x128xf32, #tpu.memory_space<vmem_shared>> -> memref<10240x128xf32, #tpu.memory_space<vmem_shared>>
        tpu.wait_indirect_dma semaphore(%run_scoped3A_150 : memref<!tpu.dma_semaphore, #tpu.memory_space<semaphore_mem>>) src(%arg10 : memref<128x128xf32, #tpu.memory_space<vmem>>) dst(%dma_wait3A_162 : memref<10240x128xf32, #tpu.memory_space<vmem_shared>>)
        tpu.yield
      }) : () -> ()
      %sub3A_124 = arith.constant 1 : i32
      %sub3A_125 = arith.subi %sub3A_10, %sub3A_124 : i32
      %lt3A_126 = arith.cmpi slt, %add3A_109, %sub3A_125 : i32
      %convert_element_type3A_127 = arith.extui %lt3A_126 : i1 to i32
      %cond3A_128 = arith.constant 0 : i32
      %cond3A_129 = arith.cmpi ne, %convert_element_type3A_127, %cond3A_128 : i32
      scf.if %cond3A_129 {
        %dma_start3A_150 = arith.constant 0 : i32
        %dma_start3A_151 = arith.constant 0 : i32
        %dma_start3A_152 = tpu.memref_slice %arg6[%dma_start3A_150, %dma_start3A_151] : memref<2x128xi32, #tpu.memory_space<vmem>> -> memref<1x128xi32, #tpu.memory_space<vmem>>
        %dma_start3A_153 = tpu.memref_squeeze %dma_start3A_152 : memref<1x128xi32, #tpu.memory_space<vmem>> -> memref<128xi32, #tpu.memory_space<vmem>>
        %dma_start3A_154 = arith.constant 0 : i32
        %dma_start3A_155 = arith.constant 0 : i32
        %dma_start3A_156 = tpu.memref_slice %arg2[%dma_start3A_154, %dma_start3A_155] : memref<10000x128xf32, #tpu.memory_space<hbm>> -> memref<10000x128xf32, #tpu.memory_space<hbm>>
        tpu.enqueue_indirect_dma source(%dma_start3A_156 : memref<10000x128xf32, #tpu.memory_space<hbm>>) target(%arg10 : memref<128x128xf32, #tpu.memory_space<vmem>>) offsets(%dma_start3A_153 : memref<128xi32, #tpu.memory_space<vmem>>) semaphore(%arg13 : memref<!tpu.dma_semaphore, #tpu.memory_space<semaphore_mem>>)
      } else {
      }
      %dma_wait3A_130 = arith.constant 1 : i32
      %dma_wait3A_131 = arith.constant 0 : i32
      %dma_wait3A_132 = tpu.memref_slice %arg7[%dma_wait3A_130, %dma_wait3A_131] : memref<2x128xi32, #tpu.memory_space<vmem>> -> memref<1x128xi32, #tpu.memory_space<vmem>>
      %dma_wait3A_133 = tpu.memref_squeeze %dma_wait3A_132 : memref<1x128xi32, #tpu.memory_space<vmem>> -> memref<128xi32, #tpu.memory_space<vmem>>
      %dma_wait3A_134 = arith.constant 0 : i32
      %dma_wait3A_135 = arith.constant 0 : i32
      %dma_wait3A_136 = tpu.memref_slice %arg2[%dma_wait3A_134, %dma_wait3A_135] : memref<10000x128xf32, #tpu.memory_space<hbm>> -> memref<10000x128xf32, #tpu.memory_space<hbm>>
      tpu.wait_indirect_dma semaphore(%arg14 : memref<!tpu.dma_semaphore, #tpu.memory_space<semaphore_mem>>) src(%dma_wait3A_136 : memref<10000x128xf32, #tpu.memory_space<hbm>>) dst(%arg11 : memref<128x128xf32, #tpu.memory_space<vmem>>)
      %run_scoped3A_137 = arith.constant 1 : i32
      "tpu.region"() ({
        %run_scoped3A_150 = tpu.sem_alloc : memref<!tpu.dma_semaphore, #tpu.memory_space<semaphore_mem>>
        %dma_start3A_151 = arith.constant 0 : i32
        %dma_start3A_152 = tpu.memref_slice %arg9[%run_scoped3A_137, %dma_start3A_151] : memref<2x128xi32, #tpu.memory_space<vmem>> -> memref<1x128xi32, #tpu.memory_space<vmem>>
        %dma_start3A_153 = tpu.memref_squeeze %dma_start3A_152 : memref<1x128xi32, #tpu.memory_space<vmem>> -> memref<128xi32, #tpu.memory_space<vmem>>
        %dma_start3A_154 = arith.constant 0 : i32
        %dma_start3A_155 = arith.constant 0 : i32
        %dma_start3A_156 = tpu.memref_slice %arg12[%dma_start3A_154, %dma_start3A_155] : memref<10240x128xf32, #tpu.memory_space<vmem_shared>> -> memref<10240x128xf32, #tpu.memory_space<vmem_shared>>
        tpu.enqueue_indirect_dma source(%arg11 : memref<128x128xf32, #tpu.memory_space<vmem>>) target(%dma_start3A_156 : memref<10240x128xf32, #tpu.memory_space<vmem_shared>>) offsets(%dma_start3A_153 : memref<128xi32, #tpu.memory_space<vmem>>) semaphore(%run_scoped3A_150 : memref<!tpu.dma_semaphore, #tpu.memory_space<semaphore_mem>>) {add = true}
        %dma_wait3A_157 = arith.constant 0 : i32
        %dma_wait3A_158 = tpu.memref_slice %arg9[%run_scoped3A_137, %dma_wait3A_157] : memref<2x128xi32, #tpu.memory_space<vmem>> -> memref<1x128xi32, #tpu.memory_space<vmem>>
        %dma_wait3A_159 = tpu.memref_squeeze %dma_wait3A_158 : memref<1x128xi32, #tpu.memory_space<vmem>> -> memref<128xi32, #tpu.memory_space<vmem>>
        %dma_wait3A_160 = arith.constant 0 : i32
        %dma_wait3A_161 = arith.constant 0 : i32
        %dma_wait3A_162 = tpu.memref_slice %arg12[%dma_wait3A_160, %dma_wait3A_161] : memref<10240x128xf32, #tpu.memory_space<vmem_shared>> -> memref<10240x128xf32, #tpu.memory_space<vmem_shared>>
        tpu.wait_indirect_dma semaphore(%run_scoped3A_150 : memref<!tpu.dma_semaphore, #tpu.memory_space<semaphore_mem>>) src(%arg11 : memref<128x128xf32, #tpu.memory_space<vmem>>) dst(%dma_wait3A_162 : memref<10240x128xf32, #tpu.memory_space<vmem_shared>>)
        tpu.yield
      }) : () -> ()
      %sub3A_138 = arith.constant 1 : i32
      %sub3A_139 = arith.subi %sub3A_10, %sub3A_138 : i32
      %lt3A_140 = arith.cmpi slt, %add3A_109, %sub3A_139 : i32
      %convert_element_type3A_141 = arith.extui %lt3A_140 : i1 to i32
      %cond3A_142 = arith.constant 0 : i32
      %cond3A_143 = arith.cmpi ne, %convert_element_type3A_141, %cond3A_142 : i32
      scf.if %cond3A_143 {
        %dma_start3A_150 = arith.constant 1 : i32
        %dma_start3A_151 = arith.constant 0 : i32
        %dma_start3A_152 = tpu.memref_slice %arg6[%dma_start3A_150, %dma_start3A_151] : memref<2x128xi32, #tpu.memory_space<vmem>> -> memref<1x128xi32, #tpu.memory_space<vmem>>
        %dma_start3A_153 = tpu.memref_squeeze %dma_start3A_152 : memref<1x128xi32, #tpu.memory_space<vmem>> -> memref<128xi32, #tpu.memory_space<vmem>>
        %dma_start3A_154 = arith.constant 0 : i32
        %dma_start3A_155 = arith.constant 0 : i32
        %dma_start3A_156 = tpu.memref_slice %arg2[%dma_start3A_154, %dma_start3A_155] : memref<10000x128xf32, #tpu.memory_space<hbm>> -> memref<10000x128xf32, #tpu.memory_space<hbm>>
        tpu.enqueue_indirect_dma source(%dma_start3A_156 : memref<10000x128xf32, #tpu.memory_space<hbm>>) target(%arg11 : memref<128x128xf32, #tpu.memory_space<vmem>>) offsets(%dma_start3A_153 : memref<128xi32, #tpu.memory_space<vmem>>) semaphore(%arg14 : memref<!tpu.dma_semaphore, #tpu.memory_space<semaphore_mem>>)
      } else {
      }
      %sub3A_144 = arith.constant 2 : i32
      %sub3A_145 = arith.subi %sub3A_10, %sub3A_144 : i32
      %lt3A_146 = arith.cmpi slt, %add3A_109, %sub3A_145 : i32
      %convert_element_type3A_147 = arith.extui %lt3A_146 : i1 to i32
      %cond3A_148 = arith.constant 0 : i32
      %cond3A_149 = arith.cmpi ne, %convert_element_type3A_147, %cond3A_148 : i32
      scf.if %cond3A_149 {
        %add3A_150 = arith.constant 2 : i32
        %add3A_151 = arith.addi %add3A_109, %add3A_150 : i32
        %mul3A_152 = arith.constant 2 : i32
        %mul3A_153 = arith.muli %add3A_151, %mul3A_152 : i32
        %add3A_154 = arith.addi %add3A, %mul3A_153 : i32
        %dma_start3A_155 = arith.constant 0 : i32
        %dma_start3A_156 = tpu.memref_slice %arg3[%add3A_154, %dma_start3A_155] : memref<2560x128xi32, #tpu.memory_space<hbm>> -> memref<2x128xi32, #tpu.memory_space<hbm>>
        %dma_start3A_157 = arith.constant 0 : i32
        %dma_start3A_158 = tpu.memref_slice %arg3[%add3A_154, %dma_start3A_157] : memref<2560x128xi32, #tpu.memory_space<hbm>> -> memref<2x128xi32, #tpu.memory_space<hbm>>
        tpu.enqueue_dma source(%dma_start3A_158 : memref<2x128xi32, #tpu.memory_space<hbm>>) target(%arg7 : memref<2x128xi32, #tpu.memory_space<vmem>>) target_semaphore(%arg16 : memref<!tpu.dma_semaphore, #tpu.memory_space<semaphore_mem>>)
        %add3A_159 = arith.constant 2 : i32
        %add3A_160 = arith.addi %add3A_109, %add3A_159 : i32
        %mul3A_161 = arith.constant 2 : i32
        %mul3A_162 = arith.muli %add3A_160, %mul3A_161 : i32
        %add3A_163 = arith.addi %add3A, %mul3A_162 : i32
        %dma_start3A_164 = arith.constant 0 : i32
        %dma_start3A_165 = tpu.memref_slice %arg4[%add3A_163, %dma_start3A_164] : memref<2560x128xi32, #tpu.memory_space<hbm>> -> memref<2x128xi32, #tpu.memory_space<hbm>>
        %dma_start3A_166 = arith.constant 0 : i32
        %dma_start3A_167 = tpu.memref_slice %arg4[%add3A_163, %dma_start3A_166] : memref<2560x128xi32, #tpu.memory_space<hbm>> -> memref<2x128xi32, #tpu.memory_space<hbm>>
        tpu.enqueue_dma source(%dma_start3A_167 : memref<2x128xi32, #tpu.memory_space<hbm>>) target(%arg9 : memref<2x128xi32, #tpu.memory_space<vmem>>) target_semaphore(%arg18 : memref<!tpu.dma_semaphore, #tpu.memory_space<semaphore_mem>>)
      } else {
      }
    }
    %barrier3A_62 = arith.constant 0 : index
    tpu.barrier barrier_id(%barrier3A_62)
    "tpu.trace_stop"() : () -> ()
    "tpu.trace_start"() <{level = 10 : i32, message = "readout"}> : () -> ()
    %scan3A_63 = arith.constant 0 : i32
    %scan3A_64 = arith.constant 5 : i32
    %scan3A_65 = arith.addi %scan3A_63, %scan3A_64 : i32
    %scan3A_66 = arith.constant 1 : i32
    scf.for %scan3A_68 = %scan3A_63 to %scan3A_65 step %scan3A_66  : i32 {
      %mul3A_69 = arith.constant 1 : i32
      %mul3A_70 = arith.muli %scan3A_68, %mul3A_69 : i32
      %add3A_71 = arith.constant 0 : i32
      %add3A_72 = arith.addi %add3A_71, %mul3A_70 : i32
      %mul3A_73 = arith.constant 640 : i32
      %mul3A_74 = arith.muli %arg1, %mul3A_73 : i32
      %mul3A_75 = arith.constant 128 : i32
      %mul3A_76 = arith.muli %add3A_72, %mul3A_75 : i32
      %add3A_77 = arith.addi %mul3A_74, %mul3A_76 : i32
      "tpu.region"() ({
        %run_scoped3A = tpu.sem_alloc : memref<!tpu.dma_semaphore, #tpu.memory_space<semaphore_mem>>
        %dma_start3A_78 = arith.constant 0 : i32
        %dma_start3A_79 = tpu.memref_slice %arg12[%add3A_77, %dma_start3A_78] : memref<10240x128xf32, #tpu.memory_space<vmem_shared>> -> memref<128x128xf32, #tpu.memory_space<vmem_shared>>
        %dma_start3A_80 = arith.constant 0 : i32
        %dma_start3A_81 = tpu.memref_slice %arg12[%add3A_77, %dma_start3A_80] : memref<10240x128xf32, #tpu.memory_space<vmem_shared>> -> memref<128x128xf32, #tpu.memory_space<vmem_shared>>
        tpu.enqueue_dma source(%dma_start3A_81 : memref<128x128xf32, #tpu.memory_space<vmem_shared>>) target(%arg10 : memref<128x128xf32, #tpu.memory_space<vmem>>) target_semaphore(%run_scoped3A : memref<!tpu.dma_semaphore, #tpu.memory_space<semaphore_mem>>)
        %dma_wait3A = arith.constant 0 : i32
        %dma_wait3A_82 = tpu.memref_slice %arg12[%add3A_77, %dma_wait3A] : memref<10240x128xf32, #tpu.memory_space<vmem_shared>> -> memref<128x128xf32, #tpu.memory_space<vmem_shared>>
        %dma_wait3A_83 = arith.constant 0 : i32
        %dma_wait3A_84 = tpu.memref_slice %arg12[%add3A_77, %dma_wait3A_83] : memref<10240x128xf32, #tpu.memory_space<vmem_shared>> -> memref<128x128xf32, #tpu.memory_space<vmem_shared>>
        tpu.wait_dma2 semaphore(%run_scoped3A : memref<!tpu.dma_semaphore, #tpu.memory_space<semaphore_mem>>) src(%dma_wait3A_84 : memref<128x128xf32, #tpu.memory_space<vmem_shared>>) dst(%arg10 : memref<128x128xf32, #tpu.memory_space<vmem>>)
        tpu.yield
      }) : () -> ()
      "tpu.region"() ({
        %run_scoped3A = tpu.sem_alloc : memref<!tpu.dma_semaphore, #tpu.memory_space<semaphore_mem>>
        %dma_start3A_78 = arith.constant 0 : i32
        %dma_start3A_79 = arith.constant 0 : i32
        %dma_start3A_80 = tpu.memref_slice %arg5[%arg0, %dma_start3A_78, %dma_start3A_79] : memref<2x10240x128xf32, #tpu.memory_space<hbm>> -> memref<1x10240x128xf32, #tpu.memory_space<hbm>>
        %dma_start3A_81 = tpu.memref_squeeze %dma_start3A_80 : memref<1x10240x128xf32, #tpu.memory_space<hbm>> -> memref<10240x128xf32, #tpu.memory_space<hbm>>
        %dma_start3A_82 = arith.constant 0 : i32
        %dma_start3A_83 = tpu.memref_slice %dma_start3A_81[%add3A_77, %dma_start3A_82] : memref<10240x128xf32, #tpu.memory_space<hbm>> -> memref<128x128xf32, #tpu.memory_space<hbm>>
        %dma_start3A_84 = arith.constant 0 : i32
        %dma_start3A_85 = arith.constant 0 : i32
        %dma_start3A_86 = tpu.memref_slice %arg5[%arg0, %dma_start3A_84, %dma_start3A_85] : memref<2x10240x128xf32, #tpu.memory_space<hbm>> -> memref<1x10240x128xf32, #tpu.memory_space<hbm>>
        %dma_start3A_87 = tpu.memref_squeeze %dma_start3A_86 : memref<1x10240x128xf32, #tpu.memory_space<hbm>> -> memref<10240x128xf32, #tpu.memory_space<hbm>>
        %dma_start3A_88 = arith.constant 0 : i32
        %dma_start3A_89 = tpu.memref_slice %dma_start3A_87[%add3A_77, %dma_start3A_88] : memref<10240x128xf32, #tpu.memory_space<hbm>> -> memref<128x128xf32, #tpu.memory_space<hbm>>
        tpu.enqueue_dma source(%arg10 : memref<128x128xf32, #tpu.memory_space<vmem>>) target(%dma_start3A_89 : memref<128x128xf32, #tpu.memory_space<hbm>>) target_semaphore(%run_scoped3A : memref<!tpu.dma_semaphore, #tpu.memory_space<semaphore_mem>>)
        %dma_wait3A = arith.constant 0 : i32
        %dma_wait3A_90 = arith.constant 0 : i32
        %dma_wait3A_91 = tpu.memref_slice %arg5[%arg0, %dma_wait3A, %dma_wait3A_90] : memref<2x10240x128xf32, #tpu.memory_space<hbm>> -> memref<1x10240x128xf32, #tpu.memory_space<hbm>>
        %dma_wait3A_92 = tpu.memref_squeeze %dma_wait3A_91 : memref<1x10240x128xf32, #tpu.memory_space<hbm>> -> memref<10240x128xf32, #tpu.memory_space<hbm>>
        %dma_wait3A_93 = arith.constant 0 : i32
        %dma_wait3A_94 = tpu.memref_slice %dma_wait3A_92[%add3A_77, %dma_wait3A_93] : memref<10240x128xf32, #tpu.memory_space<hbm>> -> memref<128x128xf32, #tpu.memory_space<hbm>>
        %dma_wait3A_95 = arith.constant 0 : i32
        %dma_wait3A_96 = arith.constant 0 : i32
        %dma_wait3A_97 = tpu.memref_slice %arg5[%arg0, %dma_wait3A_95, %dma_wait3A_96] : memref<2x10240x128xf32, #tpu.memory_space<hbm>> -> memref<1x10240x128xf32, #tpu.memory_space<hbm>>
        %dma_wait3A_98 = tpu.memref_squeeze %dma_wait3A_97 : memref<1x10240x128xf32, #tpu.memory_space<hbm>> -> memref<10240x128xf32, #tpu.memory_space<hbm>>
        %dma_wait3A_99 = arith.constant 0 : i32
        %dma_wait3A_100 = tpu.memref_slice %dma_wait3A_98[%add3A_77, %dma_wait3A_99] : memref<10240x128xf32, #tpu.memory_space<hbm>> -> memref<128x128xf32, #tpu.memory_space<hbm>>
        tpu.wait_dma2 semaphore(%run_scoped3A : memref<!tpu.dma_semaphore, #tpu.memory_space<semaphore_mem>>) src(%arg10 : memref<128x128xf32, #tpu.memory_space<vmem>>) dst(%dma_wait3A_100 : memref<128x128xf32, #tpu.memory_space<hbm>>)
        tpu.yield
      }) : () -> ()
    }
    %scan3A_67 = arith.constant 5 : i32
    "tpu.trace_stop"() : () -> ()
    return
  }
}

module attributes {stable_mosaic.version = 14 : i64} {
  func.func @_scale1_body(%arg0: i32, %arg1: memref<2000x128xf32, #tpu.memory_space<vmem>>, %arg2: memref<2x2000x16xf32, #tpu.memory_space<vmem>>, %arg3: memref<2000x128xf32, #tpu.memory_space<vmem>>, %arg4: memref<2000x16xf32, #tpu.memory_space<vmem>>) attributes {dimension_semantics = [#tpu.dimension_semantics<arbitrary>], iteration_bounds = array<i64: 5>, scalar_prefetch = 0 : i64, scratch_operands = 0 : i64, tpu.core_type = #tpu.core_type<tc>, window_params = [{transform_indices = @transform_0, window_bounds = array<i64: 2000, 128>}, {transform_indices = @transform_1, window_bounds = array<i64: 2, 2000, 16>}, {transform_indices = @transform_2, window_bounds = array<i64: 2000, 128>}, {transform_indices = @transform_3, window_bounds = array<i64: 2000, 16>}]} {
    %get3A = arith.constant 0 : index
    %get3A_0 = arith.constant 0 : index
    %get3A_1 = arith.constant 0 : index
    %get3A_2 = vector.load %arg2[%get3A, %get3A_0, %get3A_1] : memref<2x2000x16xf32, #tpu.memory_space<vmem>>, vector<1x2000x16xf32>
    %get3A_3 = vector.shape_cast %get3A_2 : vector<1x2000x16xf32> to vector<2000x16xf32>
    %get3A_4 = arith.constant 1 : index
    %get3A_5 = arith.constant 0 : index
    %get3A_6 = arith.constant 0 : index
    %get3A_7 = vector.load %arg2[%get3A_4, %get3A_5, %get3A_6] : memref<2x2000x16xf32, #tpu.memory_space<vmem>>, vector<1x2000x16xf32>
    %get3A_8 = vector.shape_cast %get3A_7 : vector<1x2000x16xf32> to vector<2000x16xf32>
    %add3A = arith.addf %get3A_3, %get3A_8 : vector<2000x16xf32>
    %add3A_9 = arith.constant 1.000000e+00 : f32
    %add3A_10 = vector.broadcast %add3A_9 : f32 to vector<2000x16xf32>
    %add3A_11 = arith.addf %add3A, %add3A_10 : vector<2000x16xf32>
    %rsqrt3A = math.rsqrt %add3A_11 : vector<2000x16xf32>
    %swap3A = arith.constant 0 : index
    %swap3A_12 = arith.constant 0 : index
    %swap3A_13 = vector.load %arg4[%swap3A, %swap3A_12] : memref<2000x16xf32, #tpu.memory_space<vmem>>, vector<2000x16xf32>
    tpu.vector_store %arg4[%swap3A, %swap3A_12], %rsqrt3A {strides = array<i32>} : memref<2000x16xf32, #tpu.memory_space<vmem>>, vector<2000x16xf32>,
    %slice3A = vector.extract_strided_slice %rsqrt3A {offsets = [0, 0], sizes = [2000, 1], strides = [1, 1]} : vector<2000x16xf32> to vector<2000x1xf32>
    %get3A_14 = arith.constant 0 : index
    %get3A_15 = arith.constant 0 : index
    %get3A_16 = vector.load %arg1[%get3A_14, %get3A_15] : memref<2000x128xf32, #tpu.memory_space<vmem>>, vector<2000x128xf32>
    %mul3A = vector.broadcast %slice3A : vector<2000x1xf32> to vector<2000x128xf32>
    %mul3A_17 = arith.mulf %mul3A, %get3A_16 : vector<2000x128xf32>
    %swap3A_18 = arith.constant 0 : index
    %swap3A_19 = arith.constant 0 : index
    %swap3A_20 = vector.load %arg3[%swap3A_18, %swap3A_19] : memref<2000x128xf32, #tpu.memory_space<vmem>>, vector<2000x128xf32>
    tpu.vector_store %arg3[%swap3A_18, %swap3A_19], %mul3A_17 {strides = array<i32>} : memref<2000x128xf32, #tpu.memory_space<vmem>>, vector<2000x128xf32>,
    return
  }
  func.func @transform_0(%arg0: i32) -> (i32, i32) {
    %c0_i32 = arith.constant 0 : i32
    %c0_i32_0 = arith.constant 0 : i32
    return %arg0, %c0_i32 : i32, i32
  }
  func.func @transform_1(%arg0: i32) -> (i32, i32, i32) {
    %c0_i32 = arith.constant 0 : i32
    %c0_i32_0 = arith.constant 0 : i32
    %c0_i32_1 = arith.constant 0 : i32
    return %c0_i32, %arg0, %c0_i32_0 : i32, i32, i32
  }
  func.func @transform_2(%arg0: i32) -> (i32, i32) {
    %c0_i32 = arith.constant 0 : i32
    %c0_i32_0 = arith.constant 0 : i32
    return %arg0, %c0_i32 : i32, i32
  }
  func.func @transform_3(%arg0: i32) -> (i32, i32) {
    %c0_i32 = arith.constant 0 : i32
    %c0_i32_0 = arith.constant 0 : i32
    return %arg0, %c0_i32 : i32, i32
  }
}

module attributes {stable_mosaic.version = 14 : i64} {
  func.func @_mm_body(%arg0: i32, %arg1: memref<2000x128xf32, #tpu.memory_space<vmem>>, %arg2: memref<128x128xf32, #tpu.memory_space<vmem>>, %arg3: memref<2000x128xf32, #tpu.memory_space<vmem>>) attributes {dimension_semantics = [#tpu.dimension_semantics<arbitrary>], iteration_bounds = array<i64: 5>, scalar_prefetch = 0 : i64, scratch_operands = 0 : i64, tpu.core_type = #tpu.core_type<tc>, window_params = [{transform_indices = @transform_0, window_bounds = array<i64: 2000, 128>}, {pipeline_mode = #tpu.pipeline_mode<synchronous>, transform_indices = @transform_1, window_bounds = array<i64: 128, 128>}, {transform_indices = @transform_2, window_bounds = array<i64: 2000, 128>}]} {
    %get3A = arith.constant 0 : index
    %get3A_0 = arith.constant 0 : index
    %get3A_1 = vector.load %arg1[%get3A, %get3A_0] : memref<2000x128xf32, #tpu.memory_space<vmem>>, vector<2000x128xf32>
    %get3A_2 = arith.constant 0 : index
    %get3A_3 = arith.constant 0 : index
    %get3A_4 = vector.load %arg2[%get3A_2, %get3A_3] : memref<128x128xf32, #tpu.memory_space<vmem>>, vector<128x128xf32>
    %dot_general3A = arith.constant dense<0.000000e+00> : vector<2000x128xf32>
    %dot_general3A_5 = tpu.matmul %get3A_1, %get3A_4, %dot_general3A {dimension_numbers = #tpu.dot_dimension_numbers<[1], [0], [0], [1], [0, 0, 1, 1], [], []>, transpose_lhs_hint = false} : vector<2000x128xf32>, vector<128x128xf32>, vector<2000x128xf32> -> vector<2000x128xf32>
    %swap3A = arith.constant 0 : index
    %swap3A_6 = arith.constant 0 : index
    %swap3A_7 = vector.load %arg3[%swap3A, %swap3A_6] : memref<2000x128xf32, #tpu.memory_space<vmem>>, vector<2000x128xf32>
    tpu.vector_store %arg3[%swap3A, %swap3A_6], %dot_general3A_5 {strides = array<i32>} : memref<2000x128xf32, #tpu.memory_space<vmem>>, vector<2000x128xf32>,
    return
  }
  func.func @transform_0(%arg0: i32) -> (i32, i32) {
    %c0_i32 = arith.constant 0 : i32
    %c0_i32_0 = arith.constant 0 : i32
    return %arg0, %c0_i32 : i32, i32
  }
  func.func @transform_1(%arg0: i32) -> (i32, i32) {
    %c0_i32 = arith.constant 0 : i32
    %c0_i32_0 = arith.constant 0 : i32
    %c0_i32_1 = arith.constant 0 : i32
    return %c0_i32, %c0_i32_0 : i32, i32
  }
  func.func @transform_2(%arg0: i32) -> (i32, i32) {
    %c0_i32 = arith.constant 0 : i32
    %c0_i32_0 = arith.constant 0 : i32
    return %arg0, %c0_i32 : i32, i32
  }
}

module attributes {stable_mosaic.version = 14 : i64} {
  func.func @_mid_body(%arg0: i32, %arg1: memref<2x2000x128xf32, #tpu.memory_space<vmem>>, %arg2: memref<2000x128xf32, #tpu.memory_space<vmem>>, %arg3: memref<2000x16xf32, #tpu.memory_space<vmem>>, %arg4: memref<1x128xf32, #tpu.memory_space<vmem>>, %arg5: memref<128x128xf32, #tpu.memory_space<vmem>>, %arg6: memref<2000x128xf32, #tpu.memory_space<vmem>>) attributes {dimension_semantics = [#tpu.dimension_semantics<arbitrary>], iteration_bounds = array<i64: 5>, scalar_prefetch = 0 : i64, scratch_operands = 0 : i64, tpu.core_type = #tpu.core_type<tc>, window_params = [{transform_indices = @transform_0, window_bounds = array<i64: 2, 2000, 128>}, {transform_indices = @transform_1, window_bounds = array<i64: 2000, 128>}, {transform_indices = @transform_2, window_bounds = array<i64: 2000, 16>}, {pipeline_mode = #tpu.pipeline_mode<synchronous>, transform_indices = @transform_3, window_bounds = array<i64: 1, 128>}, {pipeline_mode = #tpu.pipeline_mode<synchronous>, transform_indices = @transform_4, window_bounds = array<i64: 128, 128>}, {transform_indices = @transform_5, window_bounds = array<i64: 2000, 128>}]} {
    %get3A = arith.constant 0 : index
    %get3A_0 = arith.constant 0 : index
    %get3A_1 = arith.constant 0 : index
    %get3A_2 = vector.load %arg1[%get3A, %get3A_0, %get3A_1] : memref<2x2000x128xf32, #tpu.memory_space<vmem>>, vector<1x2000x128xf32>
    %get3A_3 = vector.shape_cast %get3A_2 : vector<1x2000x128xf32> to vector<2000x128xf32>
    %get3A_4 = arith.constant 1 : index
    %get3A_5 = arith.constant 0 : index
    %get3A_6 = arith.constant 0 : index
    %get3A_7 = vector.load %arg1[%get3A_4, %get3A_5, %get3A_6] : memref<2x2000x128xf32, #tpu.memory_space<vmem>>, vector<1x2000x128xf32>
    %get3A_8 = vector.shape_cast %get3A_7 : vector<1x2000x128xf32> to vector<2000x128xf32>
    %add3A = arith.addf %get3A_3, %get3A_8 : vector<2000x128xf32>
    %get3A_9 = arith.constant 0 : index
    %get3A_10 = arith.constant 0 : index
    %get3A_11 = vector.load %arg2[%get3A_9, %get3A_10] : memref<2000x128xf32, #tpu.memory_space<vmem>>, vector<2000x128xf32>
    %add3A_12 = arith.addf %add3A, %get3A_11 : vector<2000x128xf32>
    %get3A_13 = arith.constant 0 : index
    %get3A_14 = arith.constant 0 : index
    %get3A_15 = vector.load %arg3[%get3A_13, %get3A_14] : memref<2000x16xf32, #tpu.memory_space<vmem>>, vector<2000x1xf32>
    %mul3A = vector.broadcast %get3A_15 : vector<2000x1xf32> to vector<2000x128xf32>
    %mul3A_16 = arith.mulf %mul3A, %add3A_12 : vector<2000x128xf32>
    %get3A_17 = arith.constant 0 : index
    %get3A_18 = arith.constant 0 : index
    %get3A_19 = vector.load %arg4[%get3A_17, %get3A_18] : memref<1x128xf32, #tpu.memory_space<vmem>>, vector<1x128xf32>
    %add3A_20 = vector.broadcast %get3A_19 : vector<1x128xf32> to vector<2000x128xf32>
    %add3A_21 = arith.addf %mul3A_16, %add3A_20 : vector<2000x128xf32>
    %max3A = arith.constant 0.000000e+00 : f32
    %max3A_22 = vector.broadcast %max3A : f32 to vector<2000x128xf32>
    %max3A_23 = arith.maximumf %add3A_21, %max3A_22 : vector<2000x128xf32>
    %get3A_24 = arith.constant 0 : index
    %get3A_25 = arith.constant 0 : index
    %get3A_26 = vector.load %arg5[%get3A_24, %get3A_25] : memref<128x128xf32, #tpu.memory_space<vmem>>, vector<128x128xf32>
    %dot_general3A = arith.constant dense<0.000000e+00> : vector<2000x128xf32>
    %dot_general3A_27 = tpu.matmul %max3A_23, %get3A_26, %dot_general3A {dimension_numbers = #tpu.dot_dimension_numbers<[1], [0], [0], [1], [0, 0, 1, 1], [], []>, transpose_lhs_hint = false} : vector<2000x128xf32>, vector<128x128xf32>, vector<2000x128xf32> -> vector<2000x128xf32>
    %mul3A_28 = vector.broadcast %get3A_15 : vector<2000x1xf32> to vector<2000x128xf32>
    %mul3A_29 = arith.mulf %mul3A_28, %dot_general3A_27 : vector<2000x128xf32>
    %swap3A = arith.constant 0 : index
    %swap3A_30 = arith.constant 0 : index
    %swap3A_31 = vector.load %arg6[%swap3A, %swap3A_30] : memref<2000x128xf32, #tpu.memory_space<vmem>>, vector<2000x128xf32>
    tpu.vector_store %arg6[%swap3A, %swap3A_30], %mul3A_29 {strides = array<i32>} : memref<2000x128xf32, #tpu.memory_space<vmem>>, vector<2000x128xf32>,
    return
  }
  func.func @transform_0(%arg0: i32) -> (i32, i32, i32) {
    %c0_i32 = arith.constant 0 : i32
    %c0_i32_0 = arith.constant 0 : i32
    %c0_i32_1 = arith.constant 0 : i32
    return %c0_i32, %arg0, %c0_i32_0 : i32, i32, i32
  }
  func.func @transform_1(%arg0: i32) -> (i32, i32) {
    %c0_i32 = arith.constant 0 : i32
    %c0_i32_0 = arith.constant 0 : i32
    return %arg0, %c0_i32 : i32, i32
  }
  func.func @transform_2(%arg0: i32) -> (i32, i32) {
    %c0_i32 = arith.constant 0 : i32
    %c0_i32_0 = arith.constant 0 : i32
    return %arg0, %c0_i32 : i32, i32
  }
  func.func @transform_3(%arg0: i32) -> (i32, i32) {
    %c0_i32 = arith.constant 0 : i32
    %c0_i32_0 = arith.constant 0 : i32
    %c0_i32_1 = arith.constant 0 : i32
    return %c0_i32, %c0_i32_0 : i32, i32
  }
  func.func @transform_4(%arg0: i32) -> (i32, i32) {
    %c0_i32 = arith.constant 0 : i32
    %c0_i32_0 = arith.constant 0 : i32
    %c0_i32_1 = arith.constant 0 : i32
    return %c0_i32, %c0_i32_0 : i32, i32
  }
  func.func @transform_5(%arg0: i32) -> (i32, i32) {
    %c0_i32 = arith.constant 0 : i32
    %c0_i32_0 = arith.constant 0 : i32
    return %arg0, %c0_i32 : i32, i32
  }
}

module attributes {stable_mosaic.version = 14 : i64} {
  func.func @_final_body(%arg0: i32, %arg1: memref<2x2000x128xf32, #tpu.memory_space<vmem>>, %arg2: memref<2000x128xf32, #tpu.memory_space<vmem>>, %arg3: memref<2000x16xf32, #tpu.memory_space<vmem>>, %arg4: memref<1x128xf32, #tpu.memory_space<vmem>>, %arg5: memref<2000x128xf32, #tpu.memory_space<vmem>>) attributes {dimension_semantics = [#tpu.dimension_semantics<arbitrary>], iteration_bounds = array<i64: 5>, scalar_prefetch = 0 : i64, scratch_operands = 0 : i64, tpu.core_type = #tpu.core_type<tc>, window_params = [{transform_indices = @transform_0, window_bounds = array<i64: 2, 2000, 128>}, {transform_indices = @transform_1, window_bounds = array<i64: 2000, 128>}, {transform_indices = @transform_2, window_bounds = array<i64: 2000, 16>}, {pipeline_mode = #tpu.pipeline_mode<synchronous>, transform_indices = @transform_3, window_bounds = array<i64: 1, 128>}, {transform_indices = @transform_4, window_bounds = array<i64: 2000, 128>}]} {
    %get3A = arith.constant 0 : index
    %get3A_0 = arith.constant 0 : index
    %get3A_1 = arith.constant 0 : index
    %get3A_2 = vector.load %arg1[%get3A, %get3A_0, %get3A_1] : memref<2x2000x128xf32, #tpu.memory_space<vmem>>, vector<1x2000x128xf32>
    %get3A_3 = vector.shape_cast %get3A_2 : vector<1x2000x128xf32> to vector<2000x128xf32>
    %get3A_4 = arith.constant 1 : index
    %get3A_5 = arith.constant 0 : index
    %get3A_6 = arith.constant 0 : index
    %get3A_7 = vector.load %arg1[%get3A_4, %get3A_5, %get3A_6] : memref<2x2000x128xf32, #tpu.memory_space<vmem>>, vector<1x2000x128xf32>
    %get3A_8 = vector.shape_cast %get3A_7 : vector<1x2000x128xf32> to vector<2000x128xf32>
    %add3A = arith.addf %get3A_3, %get3A_8 : vector<2000x128xf32>
    %get3A_9 = arith.constant 0 : index
    %get3A_10 = arith.constant 0 : index
    %get3A_11 = vector.load %arg2[%get3A_9, %get3A_10] : memref<2000x128xf32, #tpu.memory_space<vmem>>, vector<2000x128xf32>
    %add3A_12 = arith.addf %add3A, %get3A_11 : vector<2000x128xf32>
    %get3A_13 = arith.constant 0 : index
    %get3A_14 = arith.constant 0 : index
    %get3A_15 = vector.load %arg3[%get3A_13, %get3A_14] : memref<2000x16xf32, #tpu.memory_space<vmem>>, vector<2000x1xf32>
    %mul3A = vector.broadcast %get3A_15 : vector<2000x1xf32> to vector<2000x128xf32>
    %mul3A_16 = arith.mulf %mul3A, %add3A_12 : vector<2000x128xf32>
    %get3A_17 = arith.constant 0 : index
    %get3A_18 = arith.constant 0 : index
    %get3A_19 = vector.load %arg4[%get3A_17, %get3A_18] : memref<1x128xf32, #tpu.memory_space<vmem>>, vector<1x128xf32>
    %add3A_20 = vector.broadcast %get3A_19 : vector<1x128xf32> to vector<2000x128xf32>
    %add3A_21 = arith.addf %mul3A_16, %add3A_20 : vector<2000x128xf32>
    %swap3A = arith.constant 0 : index
    %swap3A_22 = arith.constant 0 : index
    %swap3A_23 = vector.load %arg5[%swap3A, %swap3A_22] : memref<2000x128xf32, #tpu.memory_space<vmem>>, vector<2000x128xf32>
    tpu.vector_store %arg5[%swap3A, %swap3A_22], %add3A_21 {strides = array<i32>} : memref<2000x128xf32, #tpu.memory_space<vmem>>, vector<2000x128xf32>,
    return
  }
  func.func @transform_0(%arg0: i32) -> (i32, i32, i32) {
    %c0_i32 = arith.constant 0 : i32
    %c0_i32_0 = arith.constant 0 : i32
    %c0_i32_1 = arith.constant 0 : i32
    return %c0_i32, %arg0, %c0_i32_0 : i32, i32, i32
  }
  func.func @transform_1(%arg0: i32) -> (i32, i32) {
    %c0_i32 = arith.constant 0 : i32
    %c0_i32_0 = arith.constant 0 : i32
    return %arg0, %c0_i32 : i32, i32
  }
  func.func @transform_2(%arg0: i32) -> (i32, i32) {
    %c0_i32 = arith.constant 0 : i32
    %c0_i32_0 = arith.constant 0 : i32
    return %arg0, %c0_i32 : i32, i32
  }
  func.func @transform_3(%arg0: i32) -> (i32, i32) {
    %c0_i32 = arith.constant 0 : i32
    %c0_i32_0 = arith.constant 0 : i32
    %c0_i32_1 = arith.constant 0 : i32
    return %c0_i32, %c0_i32_0 : i32, i32
  }
  func.func @transform_4(%arg0: i32) -> (i32, i32) {
    %c0_i32 = arith.constant 0 : i32
    %c0_i32_0 = arith.constant 0 : i32
    return %arg0, %c0_i32 : i32, i32
  }
}

</mosaic_0001>

<sc_bundles>
// kernel: kernel.12.cloned.1.call-start
scs
__scs_entry_jumppad:
0x0: {  	(pc) =	sbr.rel $0x88, $3  }
0x1: {  	(tag) =	ssettag $0x0;
	lr =	simm.s32 $0x1  }
0x2: {  	[smem:$0x3F9B] =	sst lr;
	_ =	strace $0xD0000000  }
0x3: {  	_ = 	snop  }
0x4: {  	_ = 	snop  }
0x5: {  	_ = 	snop  }
0x6: {  	_ = 	snop  }
0x7: {  	_ = 	snop  }
__scs_overlays_trampoline_lowered:
0x8: {  	[smem:$0x3FAA] =	sst s0  }
0x9: {  	[smem:$0x3FAB] =	sst s1  }
0xa: {  	[smem:$0x3FAC] =	sst s2  }
0xb: {  	[smem:$0x3FAD] =	sst s3  }
0xc: {  	[smem:$0x3FAE] =	sst s4  }
0xd: {  	[smem:$0x3FAF] =	sst s5  }
0xe: {  	[smem:$0x3FB0] =	sst s6  }
0xf: {  	[smem:$0x3FB1] =	sst s7  }
0x10: {  	[smem:$0x3FB2] =	sst s8  }
0x11: {  	[smem:$0x3FB3] =	sst s9;
	s0 =	simm.s32 @!p0 $0x0  }
0x12: {  	s1 =	sld [smem:$0x3F99];
	s0 =	simm.s32 @p0 $0x1  }
0x13: {  	[smem:$0x3FB4] =	sst s0;
	s0 =	simm.s32 @!p1 $0x0  }
0x14: {  	s2 =	sld [smem:$0x3F98];
	s0 =	simm.s32 @p1 $0x1  }
0x15: {  	[smem:$0x3FB5] =	sst s0;
	s0 =	simm.s32 @!p2 $0x0  }
0x16: {  	s3 =	sld [smem:$0x3FDB];
	s0 =	simm.s32 @p2 $0x1  }
0x17: {  	s4 =	simm.s32 $0x1BF5;
	[smem:$0x3FB7] =	sst s0  }
0x18: {  	s0 =	sld [smem:$0x3F9A];
	_ =	swait.ge [sflag:s4], $0x0  }
0x19: {  	s7 =	sld [smem:$0x3F9B]  }
0x1a: {  	s8 =	sadd.s32 $0xFFFFE003, lr  }
0x1b: {  	s9 =	sadd.s32 $0xFFFFFEF7, lr;
	s5 =	simm.s32 $0xFFFFFFFF;
	p2 =	slt.u32 s8, $0xFFFFF086  }
0x1c: {  	p1 =	slt.u32 s9, $0xF7A;
	s5 =	simm.s32 @!p2 $0x0  }
0x1d: {  	s5 =	simm.s32 @p1 $0x1;
	p0 =	seq.s32 s7, s2  }
0x1e: {  	s7 =	smul.u32 @!p0 $0xF7A, s2;
	p2 =	seq.s32 @!p0 s5, $0x0  }
0x1f: {  	s9 =	smul.u32 $0xF7A, s1;
	s8 =	simm.s32 @!p0 $0x1BF5;
	p2 =	por !p2, p0  }
0x20: {  	[sflag:s8] =	ssyncset.s32 @!p0 $0xFFFFF086;
	s6 =	sadd.s32 @!p0 s3, s7;
	s7 =	simm.s32 @!p0 $0x108  }
0x21: {  	s3 =	sadd.s32 s3, s9;
	s6 =	sadd.s32 @!p0 $0x88, s6;
	s7 =	simm.s32 @p2 $0x1082  }
0x22: {  	[simem:s7], [sflag:s8] =	dma.local @!p0 [hbm:s6], $0xF7A  }
0x23: {  	s9 =	sor.u32 $0xD0000000, s2;
	s6 =	simm.s32 $0x108;
	_ =	swait.ge @!p0 [sflag:s8], $0x0  }
0x24: {  	s3 =	sadd.s32 $0x88, s3;
	s6 =	simm.s32 @!p1 $0x1082;
	[sflag:s4] =	ssyncset.s32 $0xFFFFF086  }
0x25: {  	[simem:s6], [sflag:s4] =	dma.local [hbm:s3], $0xF7A  }
0x26: {  	[smem:$0x3F9B] =	sst s1;
	(tag) =	ssettag s2;
	_ =	strace s9  }
0x27: {  	s1 =	sld [smem:$0x3FAB]  }
0x28: {  	s2 =	sld [smem:$0x3FAC]  }
0x29: {  	s4 =	sld [smem:$0x3FAE]  }
0x2a: {  	p0 =	seq.s32 s5, $0x0;
	s5 =	sld [smem:$0x3FAF]  }
0x2b: {  	s6 =	sld [smem:$0x3FB0]  }
0x2c: {  	s7 =	sld [smem:$0x3FB1]  }
0x2d: {  	s3 =	simm.s32 $0x108;
	s8 =	sld [smem:$0x3FB2]  }
0x2e: {  	s3 =	simm.s32 @!p0 $0x1082;
	s9 =	sld [smem:$0x3FB3]  }
0x2f: {  	lr =	sadd.s32 s0, s3;
	s0 =	sld [smem:$0x3FAA]  }
0x30: {  	s3 =	sld [smem:$0x3FAD]  }
0x31: {  	[smem:$0x3FB6] =	sst s10  }
0x32: {  	s10 =	sld [smem:$0x3FB4];
	_ =	sdelay $0x3  }
0x33: {  	p0 =	seq.s32 s10, $0x1;
	s10 =	sld [smem:$0x3FB6];
	_ =	sdelay $0x3  }
0x34: {  	[smem:$0x3FB6] =	sst s10  }
0x35: {  	s10 =	sld [smem:$0x3FB5];
	_ =	sdelay $0x3  }
0x36: {  	p1 =	seq.s32 s10, $0x1;
	s10 =	sld [smem:$0x3FB6];
	_ =	sdelay $0x3  }
0x37: {  	[smem:$0x3FB6] =	sst s10  }
0x38: {  	s10 =	sld [smem:$0x3FB7]  }
0x39: {  	_ = 	snop;
	(pc) =	sbr.ind lr, $3  }
0x3a: {  	_ = 	snop  }
0x3b: {  	_ = 	snop  }
0x3c: {  	p2 =	seq.s32 s10, $0x1;
	s10 =	sld [smem:$0x3FB6]  }
0x3d: {  	_ =	shalt  }
0x3e: {  	_ =	shalt  }
0x3f: {  	_ =	shalt  }
0x40: {  	_ =	shalt  }
0x41: {  	_ =	shalt  }
0x42: {  	_ =	shalt  }
0x43: {  	_ =	shalt  }
0x44: {  	_ =	shalt  }
0x45: {  	_ =	shalt  }
0x46: {  	_ =	shalt  }
0x47: {  	_ =	shalt  }
0x48: {  	_ =	shalt  }
0x49: {  	_ =	shalt  }
0x4a: {  	_ =	shalt  }
0x4b: {  	_ =	shalt  }
0x4c: {  	_ =	shalt  }
0x4d: {  	_ =	shalt  }
0x4e: {  	_ =	shalt  }
0x4f: {  	_ =	shalt  }
0x50: {  	_ =	shalt  }
0x51: {  	_ =	shalt  }
0x52: {  	_ =	shalt  }
0x53: {  	_ =	shalt  }
0x54: {  	_ =	shalt  }
0x55: {  	_ =	shalt  }
0x56: {  	_ =	shalt  }
0x57: {  	_ =	shalt  }
0x58: {  	_ =	shalt  }
0x59: {  	_ =	shalt  }
0x5a: {  	_ =	shalt  }
0x5b: {  	_ =	shalt  }
0x5c: {  	_ =	shalt  }
0x5d: {  	_ =	shalt  }
0x5e: {  	_ =	shalt  }
0x5f: {  	_ =	shalt  }
0x60: {  	_ =	shalt  }
0x61: {  	_ =	shalt  }
0x62: {  	_ =	shalt  }
0x63: {  	_ =	shalt  }
0x64: {  	_ =	shalt  }
0x65: {  	_ =	shalt  }
0x66: {  	_ =	shalt  }
0x67: {  	_ =	shalt  }
0x68: {  	_ =	shalt  }
0x69: {  	_ =	shalt  }
0x6a: {  	_ =	shalt  }
0x6b: {  	_ =	shalt  }
0x6c: {  	_ =	shalt  }
0x6d: {  	_ =	shalt  }
0x6e: {  	_ =	shalt  }
0x6f: {  	_ =	shalt  }
0x70: {  	_ =	shalt  }
0x71: {  	_ =	shalt  }
0x72: {  	_ =	shalt  }
0x73: {  	_ =	shalt  }
0x74: {  	_ =	shalt  }
0x75: {  	_ =	shalt  }
0x76: {  	_ =	shalt  }
0x77: {  	_ =	shalt  }
0x78: {  	_ =	shalt  }
0x79: {  	_ =	shalt  }
0x7a: {  	_ =	shalt  }
0x7b: {  	_ =	shalt  }
0x7c: {  	_ =	shalt  }
0x7d: {  	_ =	shalt  }
0x7e: {  	_ =	shalt  }
0x7f: {  	_ =	shalt  }
0x80: {  	_ =	shalt  }
0x81: {  	_ =	shalt  }
0x82: {  	_ =	shalt  }
0x83: {  	_ =	shalt  }
0x84: {  	_ =	shalt  }
0x85: {  	_ =	shalt  }
0x86: {  	_ =	shalt  }
0x87: {  	_ =	shalt  }
.Lfunc_end0:
.L_simem_size_0:
called_computation.1_lowered:
.L_overlay_start_0:
0x88: {  	s2 =	sld [smem:$0x3FD9]  }
0x89: {  	s3 =	sld [smem:$0x3FFE];
	_ =	sdelay $0x1  }
0x8a: {  	s1 =	srdreg.scid  }
0x8b: {  	s0 =	sand.u32 $0x1, s1  }
0x8c: {  	s17 =	sshll.u32 s0, $0xA;
	s2 =	sadd.s32 s3, s2  }
0x8d: {  	s2 =	sadd.s32 s2, s17  }
0x8e: {  	[smem:$0x3FC2] =	sst s2  }
0x8f: {  	_ = 	snop  }
0x90: {  	s2 =	sld [smem:$0x3FD0];
	(tm) =	ssettm $0x1  }
0x91: {  	s18 =	sld [smem:$0x3FFB];
	_ =	sdelay $0x3  }
0x92: {  	_ =	strace s18  }
0x93: {  	s3 =	sld [smem:$0x3FFC];
	_ =	sdelay $0x3  }
0x94: {  	_ =	strace s3  }
0x95: {  	s3 =	sld [smem:$0x3FFD];
	_ =	sdelay $0x3  }
0x96: {  	_ =	strace s3  }
0x97: {  	_ =	strace $0x8FFFFFFF  }
0x98: {  	s19 =	sld [smem:$0x3FDB];
	_ =	sdelay $0x1  }
0x99: {  	s4 =	simm.s32 $_scs_section_size  }
0x9a: {  	s5 =	simm.s32 $_size__tile_overlayer_lowered;
	s6 =	simm.s32 $_tile_overlayer_lowered  }
0x9b: {  	s22 =	simm.s32 $0x1BFF;
	s21 =	sshll.u32 s6, $0x1;
	s3 =	sadd.s32 s4, s19  }
0x9c: {  	s7 =	simm.s32 $0x0;
	s20 =	sshll.u32 s5, $0x1;
	s5 =	sadd.s32 s21, s3  }
0x9d: {  	[timem:s7], [sflag:s22] =	dma.local [hbm:s5], s20  }
0x9e: {  	_ =	swait.ge [sflag:s22], s20  }
0x9f: {  	s4 =	ssub.s32 $0x0, s20;
	[sflag:s22] =	ssyncset.done $0x0  }
0xa0: {  	[sflag:s22] =	ssyncadd.s32 s4;
	_ =	sdelay $0x1  }
0xa1: {  	s23 =	simm.s32 $0x1B8B  }
0xa2: {  	_ =	swait.ge [sflag:s23], $0x1  }
0xa3: {  	[sflag:s23] =	ssyncset.done $0x0  }
0xa4: {  	s25 =	simm.s32 $0x1B8E;
	s24 =	sld [smem:$0x3FFE];
	[sflag:s23] =	ssyncadd.s32 $0xFFFFFFFF  }
0xa5: {  	s26 =	simm.s32 $execute0_lowered;
	[smem:$0x3FD2] =	sst s25  }
0xa6: {  	s5 =	sshll.u32 s26, $0x1;
	_ =	strace $0x80000049;
	[dreg:$0x1] =	wrdreg $0xFFFFFFFF  }
0xa7: {  	s28 =	simm.s32 $_size_execute0_lowered;
	s3 =	sadd.s32 s3, s5;
	[dreg:$0x0] =	wrdreg $0x0  }
0xa8: {  	s5 =	sshll.u32 s28, $0x1;
	[dreg:$0x2] =	wrdreg s3  }
0xa9: {  	[dreg:$0x3] =	wrdreg s5  }
0xaa: {  	[dreg:$0x4] =	wrdreg $0xC0  }
0xab: {  	_ =	task [dreg:s7], $0x5FFFF  }
0xac: {  	[dreg:$0x1] =	wrdreg $0xFFFFFFFF  }
0xad: {  	[dreg:$0x0] =	wrdreg $0x60  }
0xae: {  	[dreg:$0x2] =	wrdreg s2  }
0xaf: {  	[dreg:$0x3] =	wrdreg s24  }
0xb0: {  	[dreg:$0x4] =	wrdreg $0x84000  }
0xb1: {  	[dreg:$0x5] =	wrdreg $0x9  }
0xb2: {  	_ =	task.clear_ibuf [dreg:s7], $0x6FFFF;
	_ =	strace $0x90000049  }
0xb3: {  	s29 =	simm.s32 $0x9;
	_ =	strace $0x8000004E  }
0xb4: {  	_ =	swait.ge [sflag:s29], $0x1  }
0xb5: {  	[sflag:s29] =	ssyncadd.s32 $0xFFFFFFFF  }
0xb6: {  	_ =	strace $0x9000004E  }
0xb7: {  	_ =	sfence  }
0xb8: {  	s30 =	sld [smem:$0x0];
	_ =	sdelay $0x2  }
0xb9: {  	s31 =	sshll.u32 s1, $0xD;
	s1 =	sshrl.u32 s1, $0x2  }
0xba: {  	s3 =	sand.u32 $0x4000, s31;
	s1 =	sadd.s32 s1, s30  }
0xbb: {  	s0 =	sor.u32 s3, s0;
	s1 =	sshll.u32 s1, $0x11  }
0xbc: {  	s0 =	sor.u32 s1, s0  }
0xbd: {  	s0 =	sadd.s32 $0x8F2B, s0  }
0xbe: {  	[sflag:s0] =	ssyncadd.remote.s32 $0x1  }
0xbf: {  	_ =	sfence.sel $0xFFFF  }
0xc0: {  	[dreg:$0x0] =	wrdreg $0xFFFFFFFF;
	(pc) =	sbr.abs _section_cstart, $3  }
0xc1: {  	[dreg:$0x1] =	wrdreg $0xFFFFFFFF  }
0xc2: {  	_ =	task.clear_ibuf [dreg:s7], $0x2FFFF;
	_ =	strace $0x9FFFFFFF  }
0xc3: {  	(tm) =	ssettm $0x7FFFFFFF  }
tec
execute0_lowered:
.L_overlay_start_1:
0x0: {  	(tag) =	ssettag $0x1  }
0x1: {  	s1 =	rddreg [dreg:$0x0]  }
0x2: {  	s0 =	rddreg [dreg:$0x1];
	s13 =	stileid.u32  }
0x3: {  	s3 =	srdreg.scid;
	s12 =	smul.u32 $0x50000, s13  }
0x4: {  	s2 =	rddreg [dreg:$0x2];
	s14 =	smul.u32 $0x280, s13  }
0x5: {  	s4 =	simm.s32 $0x0;
	s3 =	sand.u32 $0x1, s3;
	s22 =	smul.u32 $0x2800, s13  }
0x6: {  	s25 =	simm.s32 $0x280;
	s26 =	simm.s32 $0x380;
	s5 =	smul.u32 $0xFFFFFFB0, s3  }
0x7: {  	s31 =	simm.s32 $0x400;
	[smem:$0x7FF] =	sst s4;
	s7 =	smul.u32 $0x780, s3  }
0x8: {  	_ =	strace $0x8000004A;
	s10 =	ssub.s32 $0x2, s3;
	[dreg:$0x4] =	wrdreg s25  }
0x9: {  	s9 =	smul.u32 $0x28000, s3;
	[dreg:$0x5] =	wrdreg s26;
	s11 =	sshrl.u32 s10, $0x1  }
0xa: {  	s15 =	sshrl.u32 s12, $0x2;
	s23 =	sadd.s32 $0x80, s14;
	s6 =	sadd.s32 $0x78, s5  }
0xb: {  	s5 =	sadd.s32 $0xC800, s0;
	s8 =	smul.u32 s13, s6;
	s6 =	sadd.s32 $0x2800, s0  }
0xc: {  	s0 =	sadd.s32 s9, s0;
	s9 =	ssub.s32 s10, s11;
	s10 =	smul.u32 $0x28, s3  }
0xd: {  	s24 =	sshll.u32 s23, $0x4;
	s23 =	sshll.u32 s23, $0x7;
	s3 =	smul.u32 $0x3C000, s3  }
0xe: {  	s0 =	sadd.s32 $0x16800, s0;
	s7 =	sadd.s32 s7, s8;
	s20 =	sxor.u32 $0x3C, s10  }
0xf: {  	s8 =	sshll.u32 s8, $0x7;
	s7 =	sshll.u32 s7, $0x4;
	s21 =	sshrl.u32 s20, $0x1  }
0x10: {  	s13 =	sadd.s32 s3, s8;
	s8 =	sadd.s32 $0x200, s14;
	s20 =	sadd.s32 s24, s0  }
0x11: {  	s24 =	smax.u32 s9, $0x1;
	s3 =	simm.s32 $0x80;
	[dreg:$0xa] =	wrdreg s21  }
0x12: {  	s9 =	simm.s32 $0x2;
	s16 =	sand.u32 $0x1FFFFF80, s7;
	[dreg:$0xc] =	wrdreg s20  }
0x13: {  	s7 =	sadd.s32 s15, s2;
	s20 =	sxor.u32 $0x3A, s10;
	[dreg:$0x10] =	wrdreg s24  }
0x14: {  	s17 =	sadd.s32 s5, s16;
	s18 =	sadd.s32 s6, s16;
	s19 =	sor.u32 $0x20, s16  }
0x15: {  	s16 =	sadd.s32 $0x100, s14;
	s28 =	sadd.s32 $0x8000, s7;
	[dreg:$0x6] =	wrdreg s17  }
0x16: {  	s29 =	sadd.s32 $0xC000, s7;
	s30 =	sadd.s32 $0x10000, s7;
	[dreg:$0x7] =	wrdreg s18  }
0x17: {  	s15 =	sadd.s32 s5, s19;
	s11 =	sadd.s32 s6, s19;
	s17 =	sshll.u32 s16, $0x4  }
0x18: {  	s18 =	sadd.s32 $0x180, s14;
	s14 =	sshll.u32 s8, $0x4;
	[dreg:$0x8] =	wrdreg s15  }
0x19: {  	s25 =	sshll.u32 s16, $0x7;
	[dreg:$0x9] =	wrdreg s11;
	s11 =	sadd.s32 s22, s0  }
0x1a: {  	s8 =	sshll.u32 s8, $0x7;
	s21 =	sadd.s32 s17, s0;
	[dreg:$0xb] =	wrdreg s11  }
0x1b: {  	s19 =	sshll.u32 s18, $0x4;
	s26 =	sshll.u32 s18, $0x7;
	[dreg:$0xd] =	wrdreg s21  }
0x1c: {  	s22 =	sadd.s32 s19, s0;
	s0 =	sadd.s32 s14, s0;
	s19 =	sxor.u32 $0x3B, s10  }
0x1d: {  	s24 =	sadd.s32 s26, s2;
	s26 =	sadd.s32 $0x4000, s7;
	[dreg:$0xe] =	wrdreg s22  }
0x1e: {  	s10 =	simm.s32 $0x0;
	[dreg:$0xf] =	wrdreg s0;
	s0 =	sadd.s32 s23, s2  }
0x1f: {  	[dreg:$0x11] =	wrdreg s0;
	s0 =	sadd.s32 s25, s2;
	s25 =	sadd.s32 s8, s2  }
0x20: {  	v0 =	vimm.f32 $0.0e+00;
	s8 =	simm.s32 $0x4400;
	[dreg:$0x12] =	wrdreg s0;
	s0 =	simm.s32 $0x7  }
.LBB2_1:
0x21: {  	_ =	strace $0x8000004B;
	s11 =	simm.s32 $0x0;
	s12 =	simm.s32 $0x200  }
.LBB2_2:
0x22: {  	p0 =	seq.s32 s12, $0xFE00;
	[tilespmem:s11+$0x470] =	vst v0  }
0x23: {  	[tilespmem:s11+$0x400] =	vst v0  }
0x24: {  	[tilespmem:s11+$0x410] =	vst v0  }
.Ltmp0:
0x25: {  	[tilespmem:s11+$0x420] =	vst v0;
	(pc) =	sbr.rel @!p0 .LBB2_2-.Ltmp0, $4  }
0x26: {  	[tilespmem:s11+$0x430] =	vst v0  }
0x27: {  	[tilespmem:s11+$0x440] =	vst v0  }
0x28: {  	[tilespmem:s11+$0x450] =	vst v0  }
0x29: {  	[tilespmem:s11+$0x460] =	vst v0;
	s11 =	sshra.s32 s12, $0x2;
	s12 =	sadd.s32 $0x200, s12  }
0x2a: {  	[tilespmem:s11+$0x470] =	vst v0  }
0x2b: {  	[tilespmem:s11+$0x400] =	vst v0  }
0x2c: {  	[tilespmem:s11+$0x410] =	vst v0  }
0x2d: {  	[tilespmem:s11+$0x420] =	vst v0  }
0x2e: {  	[tilespmem:s11+$0x430] =	vst v0  }
0x2f: {  	[tilespmem:s11+$0x440] =	vst v0  }
0x30: {  	[tilespmem:s11+$0x450] =	vst v0  }
0x31: {  	[tilespmem:s11+$0x460] =	vst v0  }
0x32: {  	[spmem:s7] =	stream.linear.scatter [tilespmem:s31], [sflag:$0x7], $0x4000, $0x200038;
	[tilespmem:$0x1C400] =	vst v63  }
0x33: {  	_ =	swait.ge [sflag:s0], $0x4000  }
0x34: {  	[sflag:s0] =	ssyncset.done $0x0  }
0x35: {  	[sflag:s0] =	ssyncadd.s32 $0xFFFFC000  }
0x36: {  	[spmem:s26] =	stream.linear.scatter [tilespmem:s31], [sflag:$0x7], $0x4000, $0x200038;
	[tilespmem:$0x1C400] =	vst v63  }
0x37: {  	_ =	swait.ge [sflag:s0], $0x4000  }
0x38: {  	[sflag:s0] =	ssyncset.done $0x0  }
0x39: {  	[sflag:s0] =	ssyncadd.s32 $0xFFFFC000  }
0x3a: {  	[spmem:s28] =	stream.linear.scatter [tilespmem:s31], [sflag:$0x7], $0x4000, $0x200038;
	[tilespmem:$0x1C400] =	vst v63  }
0x3b: {  	_ =	swait.ge [sflag:s0], $0x4000  }
0x3c: {  	[sflag:s0] =	ssyncset.done $0x0  }
0x3d: {  	[sflag:s0] =	ssyncadd.s32 $0xFFFFC000  }
0x3e: {  	[spmem:s29] =	stream.linear.scatter [tilespmem:s31], [sflag:$0x7], $0x4000, $0x200038;
	[tilespmem:$0x1C400] =	vst v63  }
0x3f: {  	_ =	swait.ge [sflag:s0], $0x4000  }
0x40: {  	[sflag:s0] =	ssyncset.done $0x0  }
0x41: {  	[sflag:s0] =	ssyncadd.s32 $0xFFFFC000  }
0x42: {  	[spmem:s30] =	stream.linear.scatter [tilespmem:s31], [sflag:$0x7], $0x4000, $0x200038;
	[tilespmem:$0x1C400] =	vst v63  }
0x43: {  	_ =	swait.ge [sflag:s0], $0x4000  }
0x44: {  	[sflag:s0] =	ssyncset.done $0x0  }
0x45: {  	[sflag:s0] =	ssyncadd.s32 $0xFFFFC000  }
0x46: {  	[bflag:$0x0] =	sbarrier.arrive $0xFFFF  }
0x47: {  	_ =	strace $0x9000004B  }
0x48: {  	_ =	strace $0x8000004C  }
0x49: {  	s17 =	rddreg [dreg:$0x6]  }
0x4a: {  	[tilespmem:s4], [sflag:$0x7] =	stream.linear.gather [hbm4b:s17+s4], $0x100, $0x200038;
	[tilespmem:$0x1C400] =	vst v63  }
0x4b: {  	_ =	swait.ge [sflag:s0], $0x100  }
0x4c: {  	[sflag:s0] =	ssyncset.done $0x0  }
0x4d: {  	s12 =	simm.s32 $0x200;
	s18 =	rddreg [dreg:$0x7];
	[sflag:s0] =	ssyncadd.s32 $0xFFFFFF00  }
0x4e: {  	[tilespmem:s12], [sflag:$0x7] =	stream.linear.gather [hbm4b:s18+s4], $0x100, $0x200038;
	[tilespmem:$0x1C400] =	vst v63  }
0x4f: {  	_ =	swait.ge [sflag:s0], $0x100  }
0x50: {  	s22 =	simm.s32 $0x100;
	[sflag:s0] =	ssyncset.done $0x0;
	s14 =	rddreg [dreg:$0xa]  }
0x51: {  	s21 =	rddreg [dreg:$0x8];
	[sflag:s0] =	ssyncadd.s32 $0xFFFFFF00;
	s14 =	sadd.s32 $0xFFFFFFFF, s14  }
0x52: {  	[tilespmem:s22], [sflag:$0x4] =	stream.linear.gather [hbm4b:s21+s4], $0x100, $0x200038;
	[tilespmem:$0x1C400] =	vst v63  }
0x53: {  	s11 =	simm.s32 $0x300;
	s23 =	rddreg [dreg:$0x9];
	p1 =	sne.s32 s14, $0x0  }
0x54: {  	[tilespmem:s11], [sflag:$0x6] =	stream.linear.gather [hbm4b:s23+s4], $0x100, $0x200038;
	[tilespmem:$0x1C400] =	vst v63  }
.Ltmp1:
0x55: {  	_ = 	snop;
	(pc) =	sbr.rel @!p1 .LBB2_4-.Ltmp1, $4  }
0x56: {  	_ = 	snop  }
0x57: {  	[tilespmem:s31], [sflag:$0x1] =	stream.indirect.gather [hbm4b:s1+s3], $0x80, s4, s3, $0x2000b8;
	[tilespmem:$0x1C400] =	vst v63  }
0x58: {  	p0 =	por $0x0, $0x0;
	s12 =	simm.s32 $0x1  }
0x59: {  	[tilespmem:s8], [sflag:$0x2] =	stream.indirect.gather [hbm4b:s1+s3], $0x80, s3, s3, $0x2000b8;
	[tilespmem:$0x1C400] =	vst v63  }
0x5a: {  	p0 =	sle.s32 s19, $0x0  }
0x5b: {  	s12 =	simm.s32 @p0 $0x1  }
0x5c: {  	_ =	swait.ge @p0 [sflag:s12], $0x4000  }
0x5d: {  	s15 =	simm.s32 @p0 $0x80;
	s16 =	simm.s32 @p0 $0x200;
	[sflag:s12] =	ssyncset.done @p0 $0x0  }
0x5e: {  	s17 =	simm.s32 @p0 $0x400;
	s18 =	simm.s32 @p0 $0x7;
	[sflag:s12] =	ssyncadd.s32 @p0 $0xFFFFC000  }
0x5f: {  	[spmem:s2] =	stream.indirect.scatter.add.f32 @p0 [tilespmem:s17], [sflag:$0x7], $0x80, s16, s15, $0x2000b8;
	[tilespmem:$0x1C400] =	vst v63  }
0x60: {  	_ =	swait.ge @p0 [sflag:s18], $0x4000  }
0x61: {  	[sflag:s18] =	ssyncset.done @p0 $0x0  }
0x62: {  	s12 =	simm.s32 @!p0 $0x4;
	[sflag:s18] =	ssyncadd.s32 @p0 $0xFFFFC000  }
0x63: {  	_ =	swait.ge @!p0 [sflag:s12], $0x100  }
0x64: {  	[sflag:s12] =	ssyncset.done @!p0 $0x0  }
0x65: {  	s15 =	simm.s32 @!p0 $0x6;
	[sflag:s12] =	ssyncadd.s32 @!p0 $0xFFFFFF00  }
0x66: {  	_ =	swait.ge @!p0 [sflag:s15], $0x100  }
0x67: {  	[sflag:s15] =	ssyncset.done @!p0 $0x0  }
0x68: {  	s12 =	simm.s32 @!p0 $0x1;
	[sflag:s15] =	ssyncadd.s32 @!p0 $0xFFFFFF00  }
0x69: {  	_ =	swait.ge @!p0 [sflag:s12], $0x4000  }
0x6a: {  	s16 =	simm.s32 @!p0 $0x7;
	s17 =	simm.s32 @!p0 $0x80;
	[sflag:s12] =	ssyncset.done @!p0 $0x0  }
0x6b: {  	s18 =	simm.s32 @!p0 $0x200;
	s15 =	simm.s32 @!p0 $0x400;
	[sflag:s12] =	ssyncadd.s32 @!p0 $0xFFFFC000  }
0x6c: {  	[spmem:s2] =	stream.indirect.scatter.add.f32 @!p0 [tilespmem:s15], [sflag:$0x7], $0x80, s18, s17, $0x2000b8;
	[tilespmem:$0x1C400] =	vst v63  }
0x6d: {  	_ =	swait.ge @!p0 [sflag:s16], $0x4000  }
0x6e: {  	[sflag:s16] =	ssyncset.done @!p0 $0x0  }
0x6f: {  	s12 =	simm.s32 @!p0 $0x100;
	[sflag:s16] =	ssyncadd.s32 @!p0 $0xFFFFC000  }
0x70: {  	[tilespmem:s15], [sflag:$0x1] =	stream.indirect.gather @!p0 [hbm4b:s1+s17], $0x80, s12, s17, $0x2000b8;
	[tilespmem:$0x1C400] =	vst v63  }
0x71: {  	p1 =	sle.s32 s20, $0x0;
	_ =	swait.ge [sflag:s9], $0x4000  }
0x72: {  	s16 =	sadd.s32 @!p1 $0x200, s13;
	[sflag:s9] =	ssyncset.done $0x0  }
0x73: {  	s15 =	simm.s32 @!p1 $0x200;
	s22 =	rddreg [dreg:$0x4];
	[sflag:s9] =	ssyncadd.s32 $0xFFFFC000  }
0x74: {  	[spmem:s2] =	stream.indirect.scatter.add.f32 [tilespmem:s8], [sflag:$0x7], $0x80, s22, s3, $0x2000b8;
	[tilespmem:$0x1C400] =	vst v63  }
0x75: {  	s12 =	sand.u32 @!p1 $0x200, s15;
	s15 =	sand.u32 @!p1 $0xFFFFFC00, s16;
	_ =	swait.ge [sflag:s0], $0x4000  }
0x76: {  	s16 =	simm.s32 @!p0 $0x180;
	s12 =	sor.u32 @!p1 s12, s15;
	[sflag:s0] =	ssyncset.done $0x0  }
0x77: {  	s15 =	simm.s32 @!p0 $0x4400;
	s12 =	sshrl.u32 @!p1 s12, $0x3;
	[sflag:s0] =	ssyncadd.s32 $0xFFFFC000  }
0x78: {  	[tilespmem:s15], [sflag:$0x2] =	stream.indirect.gather @!p0 [hbm4b:s1+s17], $0x80, s16, s17, $0x2000b8;
	[tilespmem:$0x1C400] =	vst v63  }
0x79: {  	p2 =	sle.s32 s19, $0x1;
	s15 =	sadd.s32 @!p1 s5, s12;
	s16 =	simm.s32 @!p1 $0x0  }
0x7a: {  	[tilespmem:s16], [sflag:$0x3] =	stream.linear.gather @!p1 [hbm4b:s15+s16], $0x100, $0x200038;
	[tilespmem:$0x1C400] =	vst v63  }
0x7b: {  	s12 =	sadd.s32 @!p1 s6, s12;
	s17 =	simm.s32 @p2 $0x1;
	s15 =	simm.s32 @!p1 $0x200  }
0x7c: {  	[tilespmem:s15], [sflag:$0x5] =	stream.linear.gather @!p1 [hbm4b:s12+s16], $0x100, $0x200038;
	[tilespmem:$0x1C400] =	vst v63  }
0x7d: {  	_ =	swait.ge @p2 [sflag:s17], $0x4000  }
0x7e: {  	s12 =	simm.s32 @p2 $0x400;
	s15 =	simm.s32 @p2 $0x80;
	[sflag:s17] =	ssyncset.done @p2 $0x0  }
0x7f: {  	s16 =	simm.s32 @p2 $0x300;
	[sflag:s17] =	ssyncadd.s32 @p2 $0xFFFFC000;
	s17 =	simm.s32 @p2 $0x7  }
0x80: {  	[spmem:s2] =	stream.indirect.scatter.add.f32 @p2 [tilespmem:s12], [sflag:$0x7], $0x80, s16, s15, $0x2000b8;
	[tilespmem:$0x1C400] =	vst v63  }
0x81: {  	_ =	swait.ge @p2 [sflag:s17], $0x4000  }
0x82: {  	[sflag:s17] =	ssyncset.done @p2 $0x0  }
0x83: {  	s12 =	simm.s32 @!p2 $0x3;
	[sflag:s17] =	ssyncadd.s32 @p2 $0xFFFFC000  }
0x84: {  	_ =	swait.ge @!p2 [sflag:s12], $0x100  }
0x85: {  	[sflag:s12] =	ssyncset.done @!p2 $0x0  }
0x86: {  	s15 =	simm.s32 @!p2 $0x5;
	[sflag:s12] =	ssyncadd.s32 @!p2 $0xFFFFFF00  }
0x87: {  	_ =	swait.ge @!p2 [sflag:s15], $0x100  }
0x88: {  	[sflag:s15] =	ssyncset.done @!p2 $0x0  }
0x89: {  	s12 =	simm.s32 @!p2 $0x1;
	[sflag:s15] =	ssyncadd.s32 @!p2 $0xFFFFFF00  }
0x8a: {  	_ =	swait.ge @!p2 [sflag:s12], $0x4000  }
0x8b: {  	s18 =	simm.s32 @!p2 $0x7;
	s16 =	simm.s32 @!p2 $0x400;
	[sflag:s12] =	ssyncset.done @!p2 $0x0  }
0x8c: {  	s17 =	simm.s32 @!p2 $0x300;
	s15 =	simm.s32 @!p2 $0x80;
	[sflag:s12] =	ssyncadd.s32 @!p2 $0xFFFFC000  }
0x8d: {  	[spmem:s2] =	stream.indirect.scatter.add.f32 @!p2 [tilespmem:s16], [sflag:$0x7], $0x80, s17, s15, $0x2000b8;
	[tilespmem:$0x1C400] =	vst v63  }
0x8e: {  	p3 =	sle.s32 s20, $0x1;
	_ =	swait.ge @!p2 [sflag:s18], $0x4000  }
0x8f: {  	s14 =	sadd.s32 $0xFFFFFFFF, s14;
	s11 =	sand.u32 @!p3 $0x300, s11;
	[sflag:s18] =	ssyncset.done @!p2 $0x0  }
0x90: {  	p1 =	sne.s32 s14, $0x0;
	s12 =	simm.s32 @!p2 $0x0;
	[sflag:s18] =	ssyncadd.s32 @!p2 $0xFFFFC000  }
0x91: {  	[tilespmem:s16], [sflag:$0x1] =	stream.indirect.gather @!p2 [hbm4b:s1+s15], $0x80, s12, s15, $0x2000b8;
	[tilespmem:$0x1C400] =	vst v63  }
.Ltmp2:
0x92: {  	p0 =	por $0x1, $0x1;
	s17 =	sadd.s32 @!p3 $0x300, s13;
	(pc) =	sbr.rel @!p1 .LBB2_7-.Ltmp2, $4  }
0x93: {  	s12 =	simm.s32 $0x3;
	s16 =	sand.u32 @!p3 $0xFFFFFC00, s17;
	_ =	swait.ge [sflag:s9], $0x4000  }
0x94: {  	s17 =	simm.s32 @!p3 $0x300;
	s18 =	sor.u32 @!p3 s11, s16;
	[sflag:s9] =	ssyncset.done $0x0  }
0x95: {  	s11 =	simm.s32 $0x500;
	s23 =	rddreg [dreg:$0x5];
	[sflag:s9] =	ssyncadd.s32 $0xFFFFC000  }
0x96: {  	[spmem:s2] =	stream.indirect.scatter.add.f32 [tilespmem:s8], [sflag:$0x7], $0x80, s23, s3, $0x2000b8;
	[tilespmem:$0x1C400] =	vst v63  }
.LBB2_6:
0x97: {  	_ =	swait.ge [sflag:s0], $0x4000  }
0x98: {  	s16 =	sadd.s32 $0xFFFFFFFF, s12;
	[sflag:s0] =	ssyncset.done $0x0  }
0x99: {  	s18 =	sshrl.u32 @!p3 s18, $0x3;
	s22 =	simm.s32 @!p2 $0x4400;
	[sflag:s0] =	ssyncadd.s32 $0xFFFFC000  }
0x9a: {  	[tilespmem:s22], [sflag:$0x2] =	stream.indirect.gather @!p2 [hbm4b:s1+s15], $0x80, s15, s15, $0x2000b8;
	[tilespmem:$0x1C400] =	vst v63  }
0x9b: {  	s21 =	sadd.s32 @!p3 s5, s18;
	s15 =	simm.s32 @!p3 $0x0;
	s22 =	simm.s32 @!p3 $0x100  }
0x9c: {  	[tilespmem:s22], [sflag:$0x4] =	stream.linear.gather @!p3 [hbm4b:s21+s15], $0x100, $0x200038;
	[tilespmem:$0x1C400] =	vst v63  }
0x9d: {  	s18 =	sadd.s32 @!p3 s6, s18;
	p2 =	sge.s32 s16, s19  }
0x9e: {  	[tilespmem:s17], [sflag:$0x6] =	stream.linear.gather @!p3 [hbm4b:s18+s15], $0x100, $0x200038;
	[tilespmem:$0x1C400] =	vst v63  }
0x9f: {  	s15 =	simm.s32 @p2 $0x1  }
0xa0: {  	_ =	swait.ge @p2 [sflag:s15], $0x4000  }
0xa1: {  	s21 =	simm.s32 @p2 $0x400;
	s22 =	simm.s32 @p2 $0x7;
	[sflag:s15] =	ssyncset.done @p2 $0x0  }
0xa2: {  	s17 =	simm.s32 @p2 $0x80;
	s18 =	simm.s32 @p2 $0x200;
	[sflag:s15] =	ssyncadd.s32 @p2 $0xFFFFC000  }
0xa3: {  	[spmem:s2] =	stream.indirect.scatter.add.f32 @p2 [tilespmem:s21], [sflag:$0x7], $0x80, s18, s17, $0x2000b8;
	[tilespmem:$0x1C400] =	vst v63  }
0xa4: {  	_ =	swait.ge @p2 [sflag:s22], $0x4000  }
0xa5: {  	[sflag:s22] =	ssyncset.done @p2 $0x0  }
0xa6: {  	s15 =	simm.s32 @!p2 $0x4;
	[sflag:s22] =	ssyncadd.s32 @p2 $0xFFFFC000  }
0xa7: {  	_ =	swait.ge @!p2 [sflag:s15], $0x100  }
0xa8: {  	[sflag:s15] =	ssyncset.done @!p2 $0x0  }
0xa9: {  	s18 =	simm.s32 @!p2 $0x6;
	[sflag:s15] =	ssyncadd.s32 @!p2 $0xFFFFFF00  }
0xaa: {  	_ =	swait.ge @!p2 [sflag:s18], $0x100  }
0xab: {  	[sflag:s18] =	ssyncset.done @!p2 $0x0  }
0xac: {  	s17 =	simm.s32 @!p2 $0x1;
	[sflag:s18] =	ssyncadd.s32 @!p2 $0xFFFFFF00  }
0xad: {  	_ =	swait.ge @!p2 [sflag:s17], $0x4000  }
0xae: {  	s23 =	simm.s32 @!p2 $0x200;
	s21 =	simm.s32 @!p2 $0x400;
	[sflag:s17] =	ssyncset.done @!p2 $0x0  }
0xaf: {  	s22 =	simm.s32 @!p2 $0x7;
	s15 =	simm.s32 @!p2 $0x80;
	[sflag:s17] =	ssyncadd.s32 @!p2 $0xFFFFC000  }
0xb0: {  	[spmem:s2] =	stream.indirect.scatter.add.f32 @!p2 [tilespmem:s21], [sflag:$0x7], $0x80, s23, s15, $0x2000b8;
	[tilespmem:$0x1C400] =	vst v63  }
0xb1: {  	_ =	swait.ge @!p2 [sflag:s22], $0x4000  }
0xb2: {  	[sflag:s22] =	ssyncset.done @!p2 $0x0  }
0xb3: {  	p3 =	sge.s32 s16, s20;
	s16 =	simm.s32 @!p2 $0x100;
	[sflag:s22] =	ssyncadd.s32 @!p2 $0xFFFFC000  }
0xb4: {  	[tilespmem:s21], [sflag:$0x1] =	stream.indirect.gather @!p2 [hbm4b:s1+s15], $0x80, s16, s15, $0x2000b8;
	[tilespmem:$0x1C400] =	vst v63  }
0xb5: {  	_ =	swait.ge [sflag:s9], $0x4000  }
0xb6: {  	s16 =	sadd.s32 @!p3 $0xFFFFFF00, s11;
	[sflag:s9] =	ssyncset.done $0x0  }
0xb7: {  	s18 =	sadd.s32 @!p3 s13, s16;
	s22 =	rddreg [dreg:$0x4];
	[sflag:s9] =	ssyncadd.s32 $0xFFFFC000  }
0xb8: {  	[spmem:s2] =	stream.indirect.scatter.add.f32 [tilespmem:s8], [sflag:$0x7], $0x80, s22, s3, $0x2000b8;
	[tilespmem:$0x1C400] =	vst v63  }
0xb9: {  	s16 =	sand.u32 @!p3 $0x200, s16;
	s18 =	sand.u32 @!p3 $0xFFFFFC00, s18;
	_ =	swait.ge [sflag:s0], $0x4000  }
0xba: {  	s17 =	simm.s32 @!p2 $0x4400;
	s16 =	sor.u32 @!p3 s16, s18;
	[sflag:s0] =	ssyncset.done $0x0  }
0xbb: {  	s21 =	simm.s32 @!p2 $0x180;
	s16 =	sshrl.u32 @!p3 s16, $0x3;
	[sflag:s0] =	ssyncadd.s32 $0xFFFFC000  }
0xbc: {  	[tilespmem:s17], [sflag:$0x2] =	stream.indirect.gather @!p2 [hbm4b:s1+s15], $0x80, s21, s15, $0x2000b8;
	[tilespmem:$0x1C400] =	vst v63  }
0xbd: {  	s18 =	sadd.s32 @!p3 s5, s16;
	s15 =	simm.s32 @!p3 $0x0;
	p2 =	sge.s32 s12, s19  }
0xbe: {  	[tilespmem:s15], [sflag:$0x3] =	stream.linear.gather @!p3 [hbm4b:s18+s15], $0x100, $0x200038;
	[tilespmem:$0x1C400] =	vst v63  }
0xbf: {  	s16 =	sadd.s32 @!p3 s6, s16;
	s17 =	simm.s32 @!p3 $0x200;
	s18 =	simm.s32 @p2 $0x1  }
0xc0: {  	[tilespmem:s17], [sflag:$0x5] =	stream.linear.gather @!p3 [hbm4b:s16+s15], $0x100, $0x200038;
	[tilespmem:$0x1C400] =	vst v63  }
0xc1: {  	_ =	swait.ge @p2 [sflag:s18], $0x4000  }
0xc2: {  	s15 =	simm.s32 @p2 $0x400;
	s16 =	simm.s32 @p2 $0x80;
	[sflag:s18] =	ssyncset.done @p2 $0x0  }
0xc3: {  	s17 =	simm.s32 @p2 $0x300;
	[sflag:s18] =	ssyncadd.s32 @p2 $0xFFFFC000;
	s18 =	simm.s32 @p2 $0x7  }
0xc4: {  	[spmem:s2] =	stream.indirect.scatter.add.f32 @p2 [tilespmem:s15], [sflag:$0x7], $0x80, s17, s16, $0x2000b8;
	[tilespmem:$0x1C400] =	vst v63  }
0xc5: {  	_ =	swait.ge @p2 [sflag:s18], $0x4000  }
0xc6: {  	[sflag:s18] =	ssyncset.done @p2 $0x0  }
0xc7: {  	s15 =	simm.s32 @!p2 $0x3;
	[sflag:s18] =	ssyncadd.s32 @p2 $0xFFFFC000  }
0xc8: {  	_ =	swait.ge @!p2 [sflag:s15], $0x100  }
0xc9: {  	[sflag:s15] =	ssyncset.done @!p2 $0x0  }
0xca: {  	s16 =	simm.s32 @!p2 $0x5;
	[sflag:s15] =	ssyncadd.s32 @!p2 $0xFFFFFF00  }
0xcb: {  	_ =	swait.ge @!p2 [sflag:s16], $0x100  }
0xcc: {  	[sflag:s16] =	ssyncset.done @!p2 $0x0  }
0xcd: {  	s17 =	simm.s32 @!p2 $0x1;
	[sflag:s16] =	ssyncadd.s32 @!p2 $0xFFFFFF00  }
0xce: {  	_ =	swait.ge @!p2 [sflag:s17], $0x4000  }
0xcf: {  	s21 =	simm.s32 @!p2 $0x300;
	s18 =	simm.s32 @!p2 $0x400;
	[sflag:s17] =	ssyncset.done @!p2 $0x0  }
0xd0: {  	s15 =	simm.s32 @!p2 $0x80;
	s16 =	simm.s32 @!p2 $0x7;
	[sflag:s17] =	ssyncadd.s32 @!p2 $0xFFFFC000  }
0xd1: {  	[spmem:s2] =	stream.indirect.scatter.add.f32 @!p2 [tilespmem:s18], [sflag:$0x7], $0x80, s21, s15, $0x2000b8;
	[tilespmem:$0x1C400] =	vst v63  }
0xd2: {  	s14 =	sadd.s32 $0xFFFFFFFF, s14;
	_ =	swait.ge @!p2 [sflag:s16], $0x4000  }
0xd3: {  	p1 =	sne.s32 s14, $0x0;
	[sflag:s16] =	ssyncset.done @!p2 $0x0  }
0xd4: {  	p3 =	sge.s32 s12, s20;
	[sflag:s16] =	ssyncadd.s32 @!p2 $0xFFFFC000;
	s16 =	simm.s32 @!p2 $0x0  }
0xd5: {  	[tilespmem:s18], [sflag:$0x1] =	stream.indirect.gather @!p2 [hbm4b:s1+s15], $0x80, s16, s15, $0x2000b8;
	[tilespmem:$0x1C400] =	vst v63  }
.Ltmp3:
0xd6: {  	s12 =	sadd.s32 $0x2, s12;
	s17 =	sadd.s32 @!p3 s11, s13;
	(pc) =	sbr.rel @p1 .LBB2_6-.Ltmp3, $4  }
0xd7: {  	s21 =	sand.u32 @!p3 $0xFFFFFC00, s17;
	s17 =	simm.s32 @!p3 $0x300;
	_ =	swait.ge [sflag:s9], $0x4000  }
0xd8: {  	s18 =	sand.u32 @!p3 $0x300, s11;
	s11 =	sadd.s32 $0x200, s11;
	[sflag:s9] =	ssyncset.done $0x0  }
0xd9: {  	s18 =	sor.u32 @!p3 s18, s21;
	s23 =	rddreg [dreg:$0x5];
	[sflag:s9] =	ssyncadd.s32 $0xFFFFC000  }
0xda: {  	[spmem:s2] =	stream.indirect.scatter.add.f32 [tilespmem:s8], [sflag:$0x7], $0x80, s23, s3, $0x2000b8;
	[tilespmem:$0x1C400] =	vst v63  }
.LBB2_7:
0xdb: {  	_ =	swait.ge @p0 [sflag:s0], $0x4000;
	p1 =	por p3, !p0  }
0xdc: {  	p2 =	por p2, !p0;
	s21 =	sadd.s32 $0xFFFFFFFF, s12;
	[sflag:s0] =	ssyncset.done @p0 $0x0  }
0xdd: {  	s14 =	sshrl.u32 @!p1 s18, $0x3;
	s16 =	simm.s32 @!p2 $0x4400;
	[sflag:s0] =	ssyncadd.s32 @p0 $0xFFFFC000  }
0xde: {  	[tilespmem:s16], [sflag:$0x2] =	stream.indirect.gather @!p2 [hbm4b:s1+s15], $0x80, s15, s15, $0x2000b8;
	[tilespmem:$0x1C400] =	vst v63  }
0xdf: {  	s18 =	simm.s32 @!p1 $0x100;
	s15 =	sadd.s32 @!p1 s5, s14;
	s16 =	simm.s32 @!p1 $0x0  }
0xe0: {  	[tilespmem:s18], [sflag:$0x4] =	stream.linear.gather @!p1 [hbm4b:s15+s16], $0x100, $0x200038;
	[tilespmem:$0x1C400] =	vst v63  }
0xe1: {  	p0 =	sge.s32 s21, s19;
	s14 =	sadd.s32 @!p1 s6, s14  }
0xe2: {  	[tilespmem:s17], [sflag:$0x6] =	stream.linear.gather @!p1 [hbm4b:s14+s16], $0x100, $0x200038;
	[tilespmem:$0x1C400] =	vst v63  }
0xe3: {  	s14 =	simm.s32 @p0 $0x1  }
0xe4: {  	_ =	swait.ge @p0 [sflag:s14], $0x4000  }
0xe5: {  	s16 =	simm.s32 @p0 $0x80;
	[sflag:s14] =	ssyncset.done @p0 $0x0  }
0xe6: {  	s17 =	simm.s32 @p0 $0x200;
	[sflag:s14] =	ssyncadd.s32 @p0 $0xFFFFC000;
	s14 =	simm.s32 @p0 $0x400  }
0xe7: {  	[spmem:s2] =	stream.indirect.scatter.add.f32 @p0 [tilespmem:s14], [sflag:$0x7], $0x80, s17, s16, $0x2000b8;
	[tilespmem:$0x1C400] =	vst v63  }
0xe8: {  	s14 =	simm.s32 @p0 $0x7  }
0xe9: {  	_ =	swait.ge @p0 [sflag:s14], $0x4000  }
0xea: {  	[sflag:s14] =	ssyncset.done @p0 $0x0  }
0xeb: {  	[sflag:s14] =	ssyncadd.s32 @p0 $0xFFFFC000;
	s14 =	simm.s32 @!p0 $0x4  }
0xec: {  	_ =	swait.ge @!p0 [sflag:s14], $0x100  }
0xed: {  	[sflag:s14] =	ssyncset.done @!p0 $0x0  }
0xee: {  	s16 =	simm.s32 @!p0 $0x6;
	[sflag:s14] =	ssyncadd.s32 @!p0 $0xFFFFFF00  }
0xef: {  	_ =	swait.ge @!p0 [sflag:s16], $0x100  }
0xf0: {  	[sflag:s16] =	ssyncset.done @!p0 $0x0  }
0xf1: {  	s14 =	simm.s32 @!p0 $0x1;
	[sflag:s16] =	ssyncadd.s32 @!p0 $0xFFFFFF00  }
0xf2: {  	_ =	swait.ge @!p0 [sflag:s14], $0x4000  }
0xf3: {  	s17 =	simm.s32 @!p0 $0x80;
	[sflag:s14] =	ssyncset.done @!p0 $0x0  }
0xf4: {  	s16 =	simm.s32 @!p0 $0x400;
	[sflag:s14] =	ssyncadd.s32 @!p0 $0xFFFFC000;
	s14 =	simm.s32 @!p0 $0x200  }
0xf5: {  	[spmem:s2] =	stream.indirect.scatter.add.f32 @!p0 [tilespmem:s16], [sflag:$0x7], $0x80, s14, s17, $0x2000b8;
	[tilespmem:$0x1C400] =	vst v63  }
0xf6: {  	s14 =	simm.s32 @!p0 $0x7  }
0xf7: {  	_ =	swait.ge @!p0 [sflag:s14], $0x4000  }
0xf8: {  	[sflag:s14] =	ssyncset.done @!p0 $0x0  }
0xf9: {  	[sflag:s14] =	ssyncadd.s32 @!p0 $0xFFFFC000;
	s14 =	simm.s32 @!p0 $0x100  }
0xfa: {  	[tilespmem:s16], [sflag:$0x1] =	stream.indirect.gather @!p0 [hbm4b:s1+s17], $0x80, s14, s17, $0x2000b8;
	[tilespmem:$0x1C400] =	vst v63  }
0xfb: {  	_ =	swait.ge [sflag:s9], $0x4000  }
0xfc: {  	[sflag:s9] =	ssyncset.done $0x0  }
0xfd: {  	s22 =	rddreg [dreg:$0x4];
	[sflag:s9] =	ssyncadd.s32 $0xFFFFC000  }
0xfe: {  	[spmem:s2] =	stream.indirect.scatter.add.f32 [tilespmem:s8], [sflag:$0x7], $0x80, s22, s3, $0x2000b8;
	[tilespmem:$0x1C400] =	vst v63  }
0xff: {  	_ =	swait.ge [sflag:s0], $0x4000  }
0x100: {  	s15 =	simm.s32 @!p0 $0x180;
	[sflag:s0] =	ssyncset.done $0x0  }
0x101: {  	p1 =	sge.s32 s21, s20;
	s14 =	simm.s32 @!p0 $0x4400;
	[sflag:s0] =	ssyncadd.s32 $0xFFFFC000  }
0x102: {  	[tilespmem:s14], [sflag:$0x2] =	stream.indirect.gather @!p0 [hbm4b:s1+s17], $0x80, s15, s17, $0x2000b8;
	[tilespmem:$0x1C400] =	vst v63  }
0x103: {  	s14 =	sadd.s32 @!p1 $0xFFFFFF00, s11  }
0x104: {  	s15 =	sadd.s32 @!p1 s13, s14  }
0x105: {  	s14 =	sand.u32 @!p1 $0x200, s14;
	s15 =	sand.u32 @!p1 $0xFFFFFC00, s15  }
0x106: {  	s14 =	sor.u32 @!p1 s14, s15  }
0x107: {  	s14 =	sshrl.u32 @!p1 s14, $0x3  }
0x108: {  	s16 =	simm.s32 @!p1 $0x0;
	s15 =	sadd.s32 @!p1 s5, s14  }
0x109: {  	[tilespmem:s16], [sflag:$0x3] =	stream.linear.gather @!p1 [hbm4b:s15+s16], $0x100, $0x200038;
	[tilespmem:$0x1C400] =	vst v63  }
0x10a: {  	p0 =	sge.s32 s12, s19;
	s14 =	sadd.s32 @!p1 s6, s14;
	s15 =	simm.s32 @!p1 $0x200  }
0x10b: {  	[tilespmem:s15], [sflag:$0x5] =	stream.linear.gather @!p1 [hbm4b:s14+s16], $0x100, $0x200038;
	[tilespmem:$0x1C400] =	vst v63  }
0x10c: {  	s14 =	simm.s32 @p0 $0x1  }
0x10d: {  	_ =	swait.ge @p0 [sflag:s14], $0x4000  }
0x10e: {  	s15 =	simm.s32 @p0 $0x400;
	[sflag:s14] =	ssyncset.done @p0 $0x0  }
0x10f: {  	s16 =	simm.s32 @p0 $0x80;
	[sflag:s14] =	ssyncadd.s32 @p0 $0xFFFFC000;
	s14 =	simm.s32 @p0 $0x300  }
0x110: {  	[spmem:s2] =	stream.indirect.scatter.add.f32 @p0 [tilespmem:s15], [sflag:$0x7], $0x80, s14, s16, $0x2000b8;
	[tilespmem:$0x1C400] =	vst v63  }
0x111: {  	s14 =	simm.s32 @p0 $0x7  }
0x112: {  	_ =	swait.ge @p0 [sflag:s14], $0x4000  }
0x113: {  	[sflag:s14] =	ssyncset.done @p0 $0x0  }
0x114: {  	[sflag:s14] =	ssyncadd.s32 @p0 $0xFFFFC000;
	s14 =	simm.s32 @!p0 $0x3  }
0x115: {  	_ =	swait.ge @!p0 [sflag:s14], $0x100  }
0x116: {  	[sflag:s14] =	ssyncset.done @!p0 $0x0  }
0x117: {  	s15 =	simm.s32 @!p0 $0x5;
	[sflag:s14] =	ssyncadd.s32 @!p0 $0xFFFFFF00  }
0x118: {  	_ =	swait.ge @!p0 [sflag:s15], $0x100  }
0x119: {  	[sflag:s15] =	ssyncset.done @!p0 $0x0  }
0x11a: {  	s14 =	simm.s32 @!p0 $0x1;
	[sflag:s15] =	ssyncadd.s32 @!p0 $0xFFFFFF00  }
0x11b: {  	_ =	swait.ge @!p0 [sflag:s14], $0x4000  }
0x11c: {  	s16 =	simm.s32 @!p0 $0x80;
	[sflag:s14] =	ssyncset.done @!p0 $0x0  }
0x11d: {  	s15 =	simm.s32 @!p0 $0x400;
	[sflag:s14] =	ssyncadd.s32 @!p0 $0xFFFFC000;
	s14 =	simm.s32 @!p0 $0x300  }
0x11e: {  	[spmem:s2] =	stream.indirect.scatter.add.f32 @!p0 [tilespmem:s15], [sflag:$0x7], $0x80, s14, s16, $0x2000b8;
	[tilespmem:$0x1C400] =	vst v63  }
0x11f: {  	s14 =	simm.s32 @!p0 $0x7  }
0x120: {  	_ =	swait.ge @!p0 [sflag:s14], $0x4000  }
0x121: {  	[sflag:s14] =	ssyncset.done @!p0 $0x0  }
0x122: {  	[sflag:s14] =	ssyncadd.s32 @!p0 $0xFFFFC000;
	s14 =	simm.s32 @!p0 $0x0  }
0x123: {  	[tilespmem:s15], [sflag:$0x1] =	stream.indirect.gather @!p0 [hbm4b:s1+s16], $0x80, s14, s16, $0x2000b8;
	[tilespmem:$0x1C400] =	vst v63  }
0x124: {  	_ =	swait.ge [sflag:s9], $0x4000  }
0x125: {  	p1 =	sge.s32 s12, s20;
	[sflag:s9] =	ssyncset.done $0x0  }
0x126: {  	s12 =	sadd.s32 @!p1 s11, s13;
	s23 =	rddreg [dreg:$0x5];
	[sflag:s9] =	ssyncadd.s32 $0xFFFFC000  }
0x127: {  	[spmem:s2] =	stream.indirect.scatter.add.f32 [tilespmem:s8], [sflag:$0x7], $0x80, s23, s3, $0x2000b8;
	[tilespmem:$0x1C400] =	vst v63  }
0x128: {  	s11 =	sand.u32 @!p1 $0x300, s11;
	s12 =	sand.u32 @!p1 $0xFFFFFC00, s12;
	_ =	swait.ge [sflag:s0], $0x4000  }
0x129: {  	s11 =	sor.u32 @!p1 s11, s12;
	[sflag:s0] =	ssyncset.done $0x0  }
0x12a: {  	s12 =	simm.s32 @!p0 $0x4400;
	s11 =	sshrl.u32 @!p1 s11, $0x3;
	[sflag:s0] =	ssyncadd.s32 $0xFFFFC000  }
0x12b: {  	[tilespmem:s12], [sflag:$0x2] =	stream.indirect.gather @!p0 [hbm4b:s1+s16], $0x80, s16, s16, $0x2000b8;
	[tilespmem:$0x1C400] =	vst v63  }
0x12c: {  	s14 =	simm.s32 @!p1 $0x0;
	s15 =	simm.s32 @!p1 $0x100;
	s12 =	sadd.s32 @!p1 s5, s11  }
0x12d: {  	[tilespmem:s15], [sflag:$0x4] =	stream.linear.gather @!p1 [hbm4b:s12+s14], $0x100, $0x200038;
	[tilespmem:$0x1C400] =	vst v63  }
0x12e: {  	s11 =	sadd.s32 @!p1 s6, s11;
	s12 =	simm.s32 @!p1 $0x300  }
0x12f: {  	[tilespmem:s12], [sflag:$0x6] =	stream.linear.gather @!p1 [hbm4b:s11+s14], $0x100, $0x200038;
	[tilespmem:$0x1C400] =	vst v63  }
0x130: {  	[bflag:$0x0] =	sbarrier.arrive $0xFFFF  }
0x131: {  	_ =	strace $0x9000004C  }
0x132: {  	_ =	strace $0x8000004D  }
0x133: {  	[tilespmem:s31], [sflag:$0x7] =	stream.linear.gather [spmem:s7], $0x4000, $0x200038;
	[tilespmem:$0x1C400] =	vst v63  }
0x134: {  	_ =	swait.ge [sflag:s0], $0x4000  }
0x135: {  	[sflag:s0] =	ssyncset.done $0x0  }
0x136: {  	s14 =	rddreg [dreg:$0xb];
	[sflag:s0] =	ssyncadd.s32 $0xFFFFC000  }
0x137: {  	[hbm4b:s14+s4] =	stream.linear.scatter [tilespmem:s31], [sflag:$0x7], $0x4000, $0x200038;
	[tilespmem:$0x1C400] =	vst v63  }
0x138: {  	_ =	swait.ge [sflag:s0], $0x4000  }
0x139: {  	[sflag:s0] =	ssyncset.done $0x0  }
0x13a: {  	s15 =	rddreg [dreg:$0x11];
	[sflag:s0] =	ssyncadd.s32 $0xFFFFC000  }
0x13b: {  	[tilespmem:s31], [sflag:$0x7] =	stream.linear.gather [spmem:s15], $0x4000, $0x200038;
	[tilespmem:$0x1C400] =	vst v63  }
0x13c: {  	_ =	swait.ge [sflag:s0], $0x4000  }
0x13d: {  	[sflag:s0] =	ssyncset.done $0x0  }
0x13e: {  	s16 =	rddreg [dreg:$0xc];
	[sflag:s0] =	ssyncadd.s32 $0xFFFFC000  }
0x13f: {  	[hbm4b:s16+s4] =	stream.linear.scatter [tilespmem:s31], [sflag:$0x7], $0x4000, $0x200038;
	[tilespmem:$0x1C400] =	vst v63  }
0x140: {  	_ =	swait.ge [sflag:s0], $0x4000  }
0x141: {  	[sflag:s0] =	ssyncset.done $0x0  }
0x142: {  	s17 =	rddreg [dreg:$0x12];
	[sflag:s0] =	ssyncadd.s32 $0xFFFFC000  }
0x143: {  	[tilespmem:s31], [sflag:$0x7] =	stream.linear.gather [spmem:s17], $0x4000, $0x200038;
	[tilespmem:$0x1C400] =	vst v63  }
0x144: {  	_ =	swait.ge [sflag:s0], $0x4000  }
0x145: {  	[sflag:s0] =	ssyncset.done $0x0  }
0x146: {  	s18 =	rddreg [dreg:$0xd];
	[sflag:s0] =	ssyncadd.s32 $0xFFFFC000  }
0x147: {  	[hbm4b:s18+s4] =	stream.linear.scatter [tilespmem:s31], [sflag:$0x7], $0x4000, $0x200038;
	[tilespmem:$0x1C400] =	vst v63  }
0x148: {  	_ =	swait.ge [sflag:s0], $0x4000  }
0x149: {  	[sflag:s0] =	ssyncset.done $0x0  }
0x14a: {  	[sflag:s0] =	ssyncadd.s32 $0xFFFFC000  }
0x14b: {  	[tilespmem:s31], [sflag:$0x7] =	stream.linear.gather [spmem:s24], $0x4000, $0x200038;
	[tilespmem:$0x1C400] =	vst v63  }
0x14c: {  	_ =	swait.ge [sflag:s0], $0x4000  }
0x14d: {  	[sflag:s0] =	ssyncset.done $0x0  }
0x14e: {  	s21 =	rddreg [dreg:$0xe];
	[sflag:s0] =	ssyncadd.s32 $0xFFFFC000  }
0x14f: {  	[hbm4b:s21+s4] =	stream.linear.scatter [tilespmem:s31], [sflag:$0x7], $0x4000, $0x200038;
	[tilespmem:$0x1C400] =	vst v63  }
0x150: {  	_ =	swait.ge [sflag:s0], $0x4000  }
0x151: {  	[sflag:s0] =	ssyncset.done $0x0  }
0x152: {  	[sflag:s0] =	ssyncadd.s32 $0xFFFFC000  }
0x153: {  	[tilespmem:s31], [sflag:$0x7] =	stream.linear.gather [spmem:s25], $0x4000, $0x200038;
	[tilespmem:$0x1C400] =	vst v63  }
0x154: {  	_ =	swait.ge [sflag:s0], $0x4000  }
0x155: {  	[sflag:s0] =	ssyncset.done $0x0  }
0x156: {  	s22 =	rddreg [dreg:$0xf];
	[sflag:s0] =	ssyncadd.s32 $0xFFFFC000  }
0x157: {  	[hbm4b:s22+s4] =	stream.linear.scatter [tilespmem:s31], [sflag:$0x7], $0x4000, $0x200038;
	[tilespmem:$0x1C400] =	vst v63  }
0x158: {  	_ =	swait.ge [sflag:s0], $0x4000  }
0x159: {  	s10 =	sadd.s32 $0x1, s10;
	s23 =	rddreg [dreg:$0x10]  }
0x15a: {  	p0 =	sne.s32 s10, s23  }
.Ltmp4:
0x15b: {  	_ = 	snop;
	(pc) =	sbr.rel @p0 .LBB2_1-.Ltmp4, $4  }
.Ltmp5:
0x15c: {  	_ = 	snop;
	(pc) =	sbr.rel @!p0 .LBB2_8-.Ltmp5, $4  }
0x15d: {  	[sflag:s0] =	ssyncset.done $0x0  }
0x15e: {  	[sflag:s0] =	ssyncadd.s32 $0xFFFFC000  }
0x15f: {  	_ =	strace $0x9000004D  }
0x160: {  	_ = 	snop  }
.LBB2_4:
.Ltmp6:
0x161: {  	(pc) =	sbr.rel .LBB2_7-.Ltmp6, $2  }
0x162: {  	_ =	sdelay $0x2  }
0x163: {  	_ = 	snop  }
.LBB2_8:
0x164: {  	_ =	sfence.sel $0x180000  }
0x165: {  	[bflag:$0x0] =	sbarrier.arrive $0xFFFF  }
0x166: {  	_ =	strace $0x9000004A  }
0x167: {  	s0 =	stileid.u32;
	[bflag:$0x2] =	sbarrier.arrive $0xFFFF  }
0x168: {  	p0 =	sne.s32 s0, $0x0;
	s0 =	rddreg [dreg:$0x3]  }
0x169: {  	s0 =	sadd.s32 @!p0 $0x100000, s0  }
0x16a: {  	[sflag:s0] =	ssyncadd.tile.s32 @!p0 $0x1;
	_ =	shalt  }
.Lfunc_end2:
_tile_overlayer_lowered:
.L_overlay_start_2:
0x16b: {  	(tag) =	ssettag $0x2  }
0x16c: {  	s0 =	rddreg [dreg:$0x0];
	s2 =	stileid.u32  }
0x16d: {  	s1 =	rddreg [dreg:$0x1];
	p0 =	sne.s32 s2, $0x0  }
0x16e: {  	s3 =	rddreg [dreg:$0x2];
	[bflag:$0x3] =	sbarrier.arrive $0xFFFF;
	s2 =	simm.s32 @!p0 $0x1C07  }
0x16f: {  	[timem:s3], [sflag:s2] =	dma.local @!p0 [hbm:s0], s1  }
0x170: {  	s0 =	simm.s32 @!p0 $0x7  }
0x171: {  	_ =	swait.ge @!p0 [sflag:s0], s1  }
0x172: {  	s1 =	ssub.s32 @!p0 $0x0, s1;
	[sflag:s0] =	ssyncset.done @!p0 $0x0  }
0x173: {  	[sflag:s0] =	ssyncadd.s32 @!p0 s1  }
0x174: {  	[bflag:$0x3] =	sbarrier.arrive $0xFFFF  }
0x175: {  	_ =	shalt  }

// kernel: kernel.15.cloned.1.call-start
scs
__scs_entry_jumppad:
0x0: {  	(pc) =	sbr.rel $0x88, $3  }
0x1: {  	(tag) =	ssettag $0x0;
	lr =	simm.s32 $0x1  }
0x2: {  	[smem:$0x3F9B] =	sst lr;
	_ =	strace $0xD0000000  }
0x3: {  	_ = 	snop  }
0x4: {  	_ = 	snop  }
0x5: {  	_ = 	snop  }
0x6: {  	_ = 	snop  }
0x7: {  	_ = 	snop  }
__scs_overlays_trampoline_lowered:
0x8: {  	[smem:$0x3FAA] =	sst s0  }
0x9: {  	[smem:$0x3FAB] =	sst s1  }
0xa: {  	[smem:$0x3FAC] =	sst s2  }
0xb: {  	[smem:$0x3FAD] =	sst s3  }
0xc: {  	[smem:$0x3FAE] =	sst s4  }
0xd: {  	[smem:$0x3FAF] =	sst s5  }
0xe: {  	[smem:$0x3FB0] =	sst s6  }
0xf: {  	[smem:$0x3FB1] =	sst s7  }
0x10: {  	[smem:$0x3FB2] =	sst s8  }
0x11: {  	[smem:$0x3FB3] =	sst s9;
	s0 =	simm.s32 @!p0 $0x0  }
0x12: {  	s1 =	sld [smem:$0x3F99];
	s0 =	simm.s32 @p0 $0x1  }
0x13: {  	[smem:$0x3FB4] =	sst s0;
	s0 =	simm.s32 @!p1 $0x0  }
0x14: {  	s2 =	sld [smem:$0x3F98];
	s0 =	simm.s32 @p1 $0x1  }
0x15: {  	[smem:$0x3FB5] =	sst s0;
	s0 =	simm.s32 @!p2 $0x0  }
0x16: {  	s3 =	sld [smem:$0x3FDB];
	s0 =	simm.s32 @p2 $0x1  }
0x17: {  	s4 =	simm.s32 $0x1BF5;
	[smem:$0x3FB7] =	sst s0  }
0x18: {  	s0 =	sld [smem:$0x3F9A];
	_ =	swait.ge [sflag:s4], $0x0  }
0x19: {  	s7 =	sld [smem:$0x3F9B]  }
0x1a: {  	s8 =	sadd.s32 $0xFFFFE003, lr  }
0x1b: {  	s9 =	sadd.s32 $0xFFFFFEF7, lr;
	s5 =	simm.s32 $0xFFFFFFFF;
	p2 =	slt.u32 s8, $0xFFFFF086  }
0x1c: {  	p1 =	slt.u32 s9, $0xF7A;
	s5 =	simm.s32 @!p2 $0x0  }
0x1d: {  	s5 =	simm.s32 @p1 $0x1;
	p0 =	seq.s32 s7, s2  }
0x1e: {  	s7 =	smul.u32 @!p0 $0xF7A, s2;
	p2 =	seq.s32 @!p0 s5, $0x0  }
0x1f: {  	s9 =	smul.u32 $0xF7A, s1;
	s8 =	simm.s32 @!p0 $0x1BF5;
	p2 =	por !p2, p0  }
0x20: {  	[sflag:s8] =	ssyncset.s32 @!p0 $0xFFFFF086;
	s6 =	sadd.s32 @!p0 s3, s7;
	s7 =	simm.s32 @!p0 $0x108  }
0x21: {  	s3 =	sadd.s32 s3, s9;
	s6 =	sadd.s32 @!p0 $0x88, s6;
	s7 =	simm.s32 @p2 $0x1082  }
0x22: {  	[simem:s7], [sflag:s8] =	dma.local @!p0 [hbm:s6], $0xF7A  }
0x23: {  	s9 =	sor.u32 $0xD0000000, s2;
	s6 =	simm.s32 $0x108;
	_ =	swait.ge @!p0 [sflag:s8], $0x0  }
0x24: {  	s3 =	sadd.s32 $0x88, s3;
	s6 =	simm.s32 @!p1 $0x1082;
	[sflag:s4] =	ssyncset.s32 $0xFFFFF086  }
0x25: {  	[simem:s6], [sflag:s4] =	dma.local [hbm:s3], $0xF7A  }
0x26: {  	[smem:$0x3F9B] =	sst s1;
	(tag) =	ssettag s2;
	_ =	strace s9  }
0x27: {  	s1 =	sld [smem:$0x3FAB]  }
0x28: {  	s2 =	sld [smem:$0x3FAC]  }
0x29: {  	s4 =	sld [smem:$0x3FAE]  }
0x2a: {  	p0 =	seq.s32 s5, $0x0;
	s5 =	sld [smem:$0x3FAF]  }
0x2b: {  	s6 =	sld [smem:$0x3FB0]  }
0x2c: {  	s7 =	sld [smem:$0x3FB1]  }
0x2d: {  	s3 =	simm.s32 $0x108;
	s8 =	sld [smem:$0x3FB2]  }
0x2e: {  	s3 =	simm.s32 @!p0 $0x1082;
	s9 =	sld [smem:$0x3FB3]  }
0x2f: {  	lr =	sadd.s32 s0, s3;
	s0 =	sld [smem:$0x3FAA]  }
0x30: {  	s3 =	sld [smem:$0x3FAD]  }
0x31: {  	[smem:$0x3FB6] =	sst s10  }
0x32: {  	s10 =	sld [smem:$0x3FB4];
	_ =	sdelay $0x3  }
0x33: {  	p0 =	seq.s32 s10, $0x1;
	s10 =	sld [smem:$0x3FB6];
	_ =	sdelay $0x3  }
0x34: {  	[smem:$0x3FB6] =	sst s10  }
0x35: {  	s10 =	sld [smem:$0x3FB5];
	_ =	sdelay $0x3  }
0x36: {  	p1 =	seq.s32 s10, $0x1;
	s10 =	sld [smem:$0x3FB6];
	_ =	sdelay $0x3  }
0x37: {  	[smem:$0x3FB6] =	sst s10  }
0x38: {  	s10 =	sld [smem:$0x3FB7]  }
0x39: {  	_ = 	snop;
	(pc) =	sbr.ind lr, $3  }
0x3a: {  	_ = 	snop  }
0x3b: {  	_ = 	snop  }
0x3c: {  	p2 =	seq.s32 s10, $0x1;
	s10 =	sld [smem:$0x3FB6]  }
0x3d: {  	_ =	shalt  }
0x3e: {  	_ =	shalt  }
0x3f: {  	_ =	shalt  }
0x40: {  	_ =	shalt  }
0x41: {  	_ =	shalt  }
0x42: {  	_ =	shalt  }
0x43: {  	_ =	shalt  }
0x44: {  	_ =	shalt  }
0x45: {  	_ =	shalt  }
0x46: {  	_ =	shalt  }
0x47: {  	_ =	shalt  }
0x48: {  	_ =	shalt  }
0x49: {  	_ =	shalt  }
0x4a: {  	_ =	shalt  }
0x4b: {  	_ =	shalt  }
0x4c: {  	_ =	shalt  }
0x4d: {  	_ =	shalt  }
0x4e: {  	_ =	shalt  }
0x4f: {  	_ =	shalt  }
0x50: {  	_ =	shalt  }
0x51: {  	_ =	shalt  }
0x52: {  	_ =	shalt  }
0x53: {  	_ =	shalt  }
0x54: {  	_ =	shalt  }
0x55: {  	_ =	shalt  }
0x56: {  	_ =	shalt  }
0x57: {  	_ =	shalt  }
0x58: {  	_ =	shalt  }
0x59: {  	_ =	shalt  }
0x5a: {  	_ =	shalt  }
0x5b: {  	_ =	shalt  }
0x5c: {  	_ =	shalt  }
0x5d: {  	_ =	shalt  }
0x5e: {  	_ =	shalt  }
0x5f: {  	_ =	shalt  }
0x60: {  	_ =	shalt  }
0x61: {  	_ =	shalt  }
0x62: {  	_ =	shalt  }
0x63: {  	_ =	shalt  }
0x64: {  	_ =	shalt  }
0x65: {  	_ =	shalt  }
0x66: {  	_ =	shalt  }
0x67: {  	_ =	shalt  }
0x68: {  	_ =	shalt  }
0x69: {  	_ =	shalt  }
0x6a: {  	_ =	shalt  }
0x6b: {  	_ =	shalt  }
0x6c: {  	_ =	shalt  }
0x6d: {  	_ =	shalt  }
0x6e: {  	_ =	shalt  }
0x6f: {  	_ =	shalt  }
0x70: {  	_ =	shalt  }
0x71: {  	_ =	shalt  }
0x72: {  	_ =	shalt  }
0x73: {  	_ =	shalt  }
0x74: {  	_ =	shalt  }
0x75: {  	_ =	shalt  }
0x76: {  	_ =	shalt  }
0x77: {  	_ =	shalt  }
0x78: {  	_ =	shalt  }
0x79: {  	_ =	shalt  }
0x7a: {  	_ =	shalt  }
0x7b: {  	_ =	shalt  }
0x7c: {  	_ =	shalt  }
0x7d: {  	_ =	shalt  }
0x7e: {  	_ =	shalt  }
0x7f: {  	_ =	shalt  }
0x80: {  	_ =	shalt  }
0x81: {  	_ =	shalt  }
0x82: {  	_ =	shalt  }
0x83: {  	_ =	shalt  }
0x84: {  	_ =	shalt  }
0x85: {  	_ =	shalt  }
0x86: {  	_ =	shalt  }
0x87: {  	_ =	shalt  }
.Lfunc_end0:
.L_simem_size_0:
called_computation.2_lowered:
.L_overlay_start_0:
0x88: {  	s2 =	sld [smem:$0x3FD9]  }
0x89: {  	s3 =	sld [smem:$0x3FFE];
	_ =	sdelay $0x1  }
0x8a: {  	s1 =	srdreg.scid  }
0x8b: {  	s0 =	sand.u32 $0x1, s1  }
0x8c: {  	s17 =	sshll.u32 s0, $0xA;
	s2 =	sadd.s32 s3, s2  }
0x8d: {  	s2 =	sadd.s32 s2, s17  }
0x8e: {  	[smem:$0x3FC2] =	sst s2  }
0x8f: {  	_ = 	snop  }
0x90: {  	s2 =	sld [smem:$0x3FD0];
	(tm) =	ssettm $0x1  }
0x91: {  	s18 =	sld [smem:$0x3FFB];
	_ =	sdelay $0x3  }
0x92: {  	_ =	strace s18  }
0x93: {  	s3 =	sld [smem:$0x3FFC];
	_ =	sdelay $0x3  }
0x94: {  	_ =	strace s3  }
0x95: {  	s3 =	sld [smem:$0x3FFD];
	_ =	sdelay $0x3  }
0x96: {  	_ =	strace s3  }
0x97: {  	_ =	strace $0x8FFFFFFF  }
0x98: {  	s19 =	sld [smem:$0x3FDB];
	_ =	sdelay $0x1  }
0x99: {  	s4 =	simm.s32 $_scs_section_size  }
0x9a: {  	s5 =	simm.s32 $_size__tile_overlayer_lowered;
	s6 =	simm.s32 $_tile_overlayer_lowered  }
0x9b: {  	s22 =	simm.s32 $0x1BFF;
	s21 =	sshll.u32 s6, $0x1;
	s3 =	sadd.s32 s4, s19  }
0x9c: {  	s7 =	simm.s32 $0x0;
	s20 =	sshll.u32 s5, $0x1;
	s5 =	sadd.s32 s21, s3  }
0x9d: {  	[timem:s7], [sflag:s22] =	dma.local [hbm:s5], s20  }
0x9e: {  	_ =	swait.ge [sflag:s22], s20  }
0x9f: {  	s4 =	ssub.s32 $0x0, s20;
	[sflag:s22] =	ssyncset.done $0x0  }
0xa0: {  	[sflag:s22] =	ssyncadd.s32 s4;
	_ =	sdelay $0x1  }
0xa1: {  	s23 =	simm.s32 $0x1B8B  }
0xa2: {  	_ =	swait.ge [sflag:s23], $0x1  }
0xa3: {  	[sflag:s23] =	ssyncset.done $0x0  }
0xa4: {  	s25 =	simm.s32 $0x1B8E;
	s24 =	sld [smem:$0x3FFE];
	[sflag:s23] =	ssyncadd.s32 $0xFFFFFFFF  }
0xa5: {  	s26 =	simm.s32 $execute0_lowered;
	[smem:$0x3FD2] =	sst s25  }
0xa6: {  	s5 =	sshll.u32 s26, $0x1;
	_ =	strace $0x8000004F;
	[dreg:$0x1] =	wrdreg $0xFFFFFFFF  }
0xa7: {  	s28 =	simm.s32 $_size_execute0_lowered;
	s3 =	sadd.s32 s3, s5;
	[dreg:$0x0] =	wrdreg $0x0  }
0xa8: {  	s5 =	sshll.u32 s28, $0x1;
	[dreg:$0x2] =	wrdreg s3  }
0xa9: {  	[dreg:$0x3] =	wrdreg s5  }
0xaa: {  	[dreg:$0x4] =	wrdreg $0xC0  }
0xab: {  	_ =	task [dreg:s7], $0x5FFFF  }
0xac: {  	[dreg:$0x1] =	wrdreg $0xFFFFFFFF  }
0xad: {  	[dreg:$0x0] =	wrdreg $0x60  }
0xae: {  	[dreg:$0x2] =	wrdreg s2  }
0xaf: {  	[dreg:$0x3] =	wrdreg s24  }
0xb0: {  	[dreg:$0x4] =	wrdreg $0x84000  }
0xb1: {  	[dreg:$0x5] =	wrdreg $0x9  }
0xb2: {  	_ =	task.clear_ibuf [dreg:s7], $0x6FFFF;
	_ =	strace $0x9000004F  }
0xb3: {  	s29 =	simm.s32 $0x9;
	_ =	strace $0x80000054  }
0xb4: {  	_ =	swait.ge [sflag:s29], $0x1  }
0xb5: {  	[sflag:s29] =	ssyncadd.s32 $0xFFFFFFFF  }
0xb6: {  	_ =	strace $0x90000054  }
0xb7: {  	_ =	sfence  }
0xb8: {  	s30 =	sld [smem:$0x0];
	_ =	sdelay $0x2  }
0xb9: {  	s31 =	sshll.u32 s1, $0xD;
	s1 =	sshrl.u32 s1, $0x2  }
0xba: {  	s3 =	sand.u32 $0x4000, s31;
	s1 =	sadd.s32 s1, s30  }
0xbb: {  	s0 =	sor.u32 s3, s0;
	s1 =	sshll.u32 s1, $0x11  }
0xbc: {  	s0 =	sor.u32 s1, s0  }
0xbd: {  	s0 =	sadd.s32 $0x8F2B, s0  }
0xbe: {  	[sflag:s0] =	ssyncadd.remote.s32 $0x1  }
0xbf: {  	_ =	sfence.sel $0xFFFF  }
0xc0: {  	[dreg:$0x0] =	wrdreg $0xFFFFFFFF;
	(pc) =	sbr.abs _section_cstart, $3  }
0xc1: {  	[dreg:$0x1] =	wrdreg $0xFFFFFFFF  }
0xc2: {  	_ =	task.clear_ibuf [dreg:s7], $0x2FFFF;
	_ =	strace $0x9FFFFFFF  }
0xc3: {  	(tm) =	ssettm $0x7FFFFFFF  }
tec
execute0_lowered:
.L_overlay_start_1:
0x0: {  	(tag) =	ssettag $0x1  }
0x1: {  	s1 =	rddreg [dreg:$0x0]  }
0x2: {  	s0 =	rddreg [dreg:$0x1];
	s13 =	stileid.u32  }
0x3: {  	s3 =	srdreg.scid;
	s12 =	smul.u32 $0x50000, s13  }
0x4: {  	s2 =	rddreg [dreg:$0x2];
	s14 =	smul.u32 $0x280, s13  }
0x5: {  	s4 =	simm.s32 $0x0;
	s3 =	sand.u32 $0x1, s3;
	s22 =	smul.u32 $0x2800, s13  }
0x6: {  	s25 =	simm.s32 $0x280;
	s26 =	simm.s32 $0x380;
	s5 =	smul.u32 $0xFFFFFFB0, s3  }
0x7: {  	s31 =	simm.s32 $0x400;
	[smem:$0x7FF] =	sst s4;
	s7 =	smul.u32 $0x780, s3  }
0x8: {  	_ =	strace $0x80000050;
	s10 =	ssub.s32 $0x2, s3;
	[dreg:$0x4] =	wrdreg s25  }
0x9: {  	s9 =	smul.u32 $0x28000, s3;
	[dreg:$0x5] =	wrdreg s26;
	s11 =	sshrl.u32 s10, $0x1  }
0xa: {  	s15 =	sshrl.u32 s12, $0x2;
	s23 =	sadd.s32 $0x80, s14;
	s6 =	sadd.s32 $0x78, s5  }
0xb: {  	s5 =	sadd.s32 $0xC800, s0;
	s8 =	smul.u32 s13, s6;
	s6 =	sadd.s32 $0x2800, s0  }
0xc: {  	s0 =	sadd.s32 s9, s0;
	s9 =	ssub.s32 s10, s11;
	s10 =	smul.u32 $0x28, s3  }
0xd: {  	s24 =	sshll.u32 s23, $0x4;
	s23 =	sshll.u32 s23, $0x7;
	s3 =	smul.u32 $0x3C000, s3  }
0xe: {  	s0 =	sadd.s32 $0x16800, s0;
	s7 =	sadd.s32 s7, s8;
	s20 =	sxor.u32 $0x3C, s10  }
0xf: {  	s8 =	sshll.u32 s8, $0x7;
	s7 =	sshll.u32 s7, $0x4;
	s21 =	sshrl.u32 s20, $0x1  }
0x10: {  	s13 =	sadd.s32 s3, s8;
	s8 =	sadd.s32 $0x200, s14;
	s20 =	sadd.s32 s24, s0  }
0x11: {  	s24 =	smax.u32 s9, $0x1;
	s3 =	simm.s32 $0x80;
	[dreg:$0xa] =	wrdreg s21  }
0x12: {  	s9 =	simm.s32 $0x2;
	s16 =	sand.u32 $0x1FFFFF80, s7;
	[dreg:$0xc] =	wrdreg s20  }
0x13: {  	s7 =	sadd.s32 s15, s2;
	s20 =	sxor.u32 $0x3A, s10;
	[dreg:$0x10] =	wrdreg s24  }
0x14: {  	s17 =	sadd.s32 s5, s16;
	s18 =	sadd.s32 s6, s16;
	s19 =	sor.u32 $0x20, s16  }
0x15: {  	s16 =	sadd.s32 $0x100, s14;
	s28 =	sadd.s32 $0x8000, s7;
	[dreg:$0x6] =	wrdreg s17  }
0x16: {  	s29 =	sadd.s32 $0xC000, s7;
	s30 =	sadd.s32 $0x10000, s7;
	[dreg:$0x7] =	wrdreg s18  }
0x17: {  	s15 =	sadd.s32 s5, s19;
	s11 =	sadd.s32 s6, s19;
	s17 =	sshll.u32 s16, $0x4  }
0x18: {  	s18 =	sadd.s32 $0x180, s14;
	s14 =	sshll.u32 s8, $0x4;
	[dreg:$0x8] =	wrdreg s15  }
0x19: {  	s25 =	sshll.u32 s16, $0x7;
	[dreg:$0x9] =	wrdreg s11;
	s11 =	sadd.s32 s22, s0  }
0x1a: {  	s8 =	sshll.u32 s8, $0x7;
	s21 =	sadd.s32 s17, s0;
	[dreg:$0xb] =	wrdreg s11  }
0x1b: {  	s19 =	sshll.u32 s18, $0x4;
	s26 =	sshll.u32 s18, $0x7;
	[dreg:$0xd] =	wrdreg s21  }
0x1c: {  	s22 =	sadd.s32 s19, s0;
	s0 =	sadd.s32 s14, s0;
	s19 =	sxor.u32 $0x3B, s10  }
0x1d: {  	s24 =	sadd.s32 s26, s2;
	s26 =	sadd.s32 $0x4000, s7;
	[dreg:$0xe] =	wrdreg s22  }
0x1e: {  	s10 =	simm.s32 $0x0;
	[dreg:$0xf] =	wrdreg s0;
	s0 =	sadd.s32 s23, s2  }
0x1f: {  	[dreg:$0x11] =	wrdreg s0;
	s0 =	sadd.s32 s25, s2;
	s25 =	sadd.s32 s8, s2  }
0x20: {  	v0 =	vimm.f32 $0.0e+00;
	s8 =	simm.s32 $0x4400;
	[dreg:$0x12] =	wrdreg s0;
	s0 =	simm.s32 $0x7  }
.LBB2_1:
0x21: {  	_ =	strace $0x80000051;
	s11 =	simm.s32 $0x0;
	s12 =	simm.s32 $0x200  }
.LBB2_2:
0x22: {  	p0 =	seq.s32 s12, $0xFE00;
	[tilespmem:s11+$0x470] =	vst v0  }
0x23: {  	[tilespmem:s11+$0x400] =	vst v0  }
0x24: {  	[tilespmem:s11+$0x410] =	vst v0  }
.Ltmp0:
0x25: {  	[tilespmem:s11+$0x420] =	vst v0;
	(pc) =	sbr.rel @!p0 .LBB2_2-.Ltmp0, $4  }
0x26: {  	[tilespmem:s11+$0x430] =	vst v0  }
0x27: {  	[tilespmem:s11+$0x440] =	vst v0  }
0x28: {  	[tilespmem:s11+$0x450] =	vst v0  }
0x29: {  	[tilespmem:s11+$0x460] =	vst v0;
	s11 =	sshra.s32 s12, $0x2;
	s12 =	sadd.s32 $0x200, s12  }
0x2a: {  	[tilespmem:s11+$0x470] =	vst v0  }
0x2b: {  	[tilespmem:s11+$0x400] =	vst v0  }
0x2c: {  	[tilespmem:s11+$0x410] =	vst v0  }
0x2d: {  	[tilespmem:s11+$0x420] =	vst v0  }
0x2e: {  	[tilespmem:s11+$0x430] =	vst v0  }
0x2f: {  	[tilespmem:s11+$0x440] =	vst v0  }
0x30: {  	[tilespmem:s11+$0x450] =	vst v0  }
0x31: {  	[tilespmem:s11+$0x460] =	vst v0  }
0x32: {  	[spmem:s7] =	stream.linear.scatter [tilespmem:s31], [sflag:$0x7], $0x4000, $0x200038;
	[tilespmem:$0x1C400] =	vst v63  }
0x33: {  	_ =	swait.ge [sflag:s0], $0x4000  }
0x34: {  	[sflag:s0] =	ssyncset.done $0x0  }
0x35: {  	[sflag:s0] =	ssyncadd.s32 $0xFFFFC000  }
0x36: {  	[spmem:s26] =	stream.linear.scatter [tilespmem:s31], [sflag:$0x7], $0x4000, $0x200038;
	[tilespmem:$0x1C400] =	vst v63  }
0x37: {  	_ =	swait.ge [sflag:s0], $0x4000  }
0x38: {  	[sflag:s0] =	ssyncset.done $0x0  }
0x39: {  	[sflag:s0] =	ssyncadd.s32 $0xFFFFC000  }
0x3a: {  	[spmem:s28] =	stream.linear.scatter [tilespmem:s31], [sflag:$0x7], $0x4000, $0x200038;
	[tilespmem:$0x1C400] =	vst v63  }
0x3b: {  	_ =	swait.ge [sflag:s0], $0x4000  }
0x3c: {  	[sflag:s0] =	ssyncset.done $0x0  }
0x3d: {  	[sflag:s0] =	ssyncadd.s32 $0xFFFFC000  }
0x3e: {  	[spmem:s29] =	stream.linear.scatter [tilespmem:s31], [sflag:$0x7], $0x4000, $0x200038;
	[tilespmem:$0x1C400] =	vst v63  }
0x3f: {  	_ =	swait.ge [sflag:s0], $0x4000  }
0x40: {  	[sflag:s0] =	ssyncset.done $0x0  }
0x41: {  	[sflag:s0] =	ssyncadd.s32 $0xFFFFC000  }
0x42: {  	[spmem:s30] =	stream.linear.scatter [tilespmem:s31], [sflag:$0x7], $0x4000, $0x200038;
	[tilespmem:$0x1C400] =	vst v63  }
0x43: {  	_ =	swait.ge [sflag:s0], $0x4000  }
0x44: {  	[sflag:s0] =	ssyncset.done $0x0  }
0x45: {  	[sflag:s0] =	ssyncadd.s32 $0xFFFFC000  }
0x46: {  	[bflag:$0x0] =	sbarrier.arrive $0xFFFF  }
0x47: {  	_ =	strace $0x90000051  }
0x48: {  	_ =	strace $0x80000052  }
0x49: {  	s17 =	rddreg [dreg:$0x6]  }
0x4a: {  	[tilespmem:s4], [sflag:$0x7] =	stream.linear.gather [hbm4b:s17+s4], $0x100, $0x200038;
	[tilespmem:$0x1C400] =	vst v63  }
0x4b: {  	_ =	swait.ge [sflag:s0], $0x100  }
0x4c: {  	[sflag:s0] =	ssyncset.done $0x0  }
0x4d: {  	s12 =	simm.s32 $0x200;
	s18 =	rddreg [dreg:$0x7];
	[sflag:s0] =	ssyncadd.s32 $0xFFFFFF00  }
0x4e: {  	[tilespmem:s12], [sflag:$0x7] =	stream.linear.gather [hbm4b:s18+s4], $0x100, $0x200038;
	[tilespmem:$0x1C400] =	vst v63  }
0x4f: {  	_ =	swait.ge [sflag:s0], $0x100  }
0x50: {  	s22 =	simm.s32 $0x100;
	[sflag:s0] =	ssyncset.done $0x0;
	s14 =	rddreg [dreg:$0xa]  }
0x51: {  	s21 =	rddreg [dreg:$0x8];
	[sflag:s0] =	ssyncadd.s32 $0xFFFFFF00;
	s14 =	sadd.s32 $0xFFFFFFFF, s14  }
0x52: {  	[tilespmem:s22], [sflag:$0x4] =	stream.linear.gather [hbm4b:s21+s4], $0x100, $0x200038;
	[tilespmem:$0x1C400] =	vst v63  }
0x53: {  	s11 =	simm.s32 $0x300;
	s23 =	rddreg [dreg:$0x9];
	p1 =	sne.s32 s14, $0x0  }
0x54: {  	[tilespmem:s11], [sflag:$0x6] =	stream.linear.gather [hbm4b:s23+s4], $0x100, $0x200038;
	[tilespmem:$0x1C400] =	vst v63  }
.Ltmp1:
0x55: {  	_ = 	snop;
	(pc) =	sbr.rel @!p1 .LBB2_4-.Ltmp1, $4  }
0x56: {  	_ = 	snop  }
0x57: {  	[tilespmem:s31], [sflag:$0x1] =	stream.indirect.gather [hbm4b:s1+s3], $0x80, s4, s3, $0x2000b8;
	[tilespmem:$0x1C400] =	vst v63  }
0x58: {  	p0 =	por $0x0, $0x0;
	s12 =	simm.s32 $0x1  }
0x59: {  	[tilespmem:s8], [sflag:$0x2] =	stream.indirect.gather [hbm4b:s1+s3], $0x80, s3, s3, $0x2000b8;
	[tilespmem:$0x1C400] =	vst v63  }
0x5a: {  	p0 =	sle.s32 s19, $0x0  }
0x5b: {  	s12 =	simm.s32 @p0 $0x1  }
0x5c: {  	_ =	swait.ge @p0 [sflag:s12], $0x4000  }
0x5d: {  	s15 =	simm.s32 @p0 $0x80;
	s16 =	simm.s32 @p0 $0x200;
	[sflag:s12] =	ssyncset.done @p0 $0x0  }
0x5e: {  	s17 =	simm.s32 @p0 $0x400;
	s18 =	simm.s32 @p0 $0x7;
	[sflag:s12] =	ssyncadd.s32 @p0 $0xFFFFC000  }
0x5f: {  	[spmem:s2] =	stream.indirect.scatter.add.f32 @p0 [tilespmem:s17], [sflag:$0x7], $0x80, s16, s15, $0x2000b8;
	[tilespmem:$0x1C400] =	vst v63  }
0x60: {  	_ =	swait.ge @p0 [sflag:s18], $0x4000  }
0x61: {  	[sflag:s18] =	ssyncset.done @p0 $0x0  }
0x62: {  	s12 =	simm.s32 @!p0 $0x4;
	[sflag:s18] =	ssyncadd.s32 @p0 $0xFFFFC000  }
0x63: {  	_ =	swait.ge @!p0 [sflag:s12], $0x100  }
0x64: {  	[sflag:s12] =	ssyncset.done @!p0 $0x0  }
0x65: {  	s15 =	simm.s32 @!p0 $0x6;
	[sflag:s12] =	ssyncadd.s32 @!p0 $0xFFFFFF00  }
0x66: {  	_ =	swait.ge @!p0 [sflag:s15], $0x100  }
0x67: {  	[sflag:s15] =	ssyncset.done @!p0 $0x0  }
0x68: {  	s12 =	simm.s32 @!p0 $0x1;
	[sflag:s15] =	ssyncadd.s32 @!p0 $0xFFFFFF00  }
0x69: {  	_ =	swait.ge @!p0 [sflag:s12], $0x4000  }
0x6a: {  	s16 =	simm.s32 @!p0 $0x7;
	s17 =	simm.s32 @!p0 $0x80;
	[sflag:s12] =	ssyncset.done @!p0 $0x0  }
0x6b: {  	s18 =	simm.s32 @!p0 $0x200;
	s15 =	simm.s32 @!p0 $0x400;
	[sflag:s12] =	ssyncadd.s32 @!p0 $0xFFFFC000  }
0x6c: {  	[spmem:s2] =	stream.indirect.scatter.add.f32 @!p0 [tilespmem:s15], [sflag:$0x7], $0x80, s18, s17, $0x2000b8;
	[tilespmem:$0x1C400] =	vst v63  }
0x6d: {  	_ =	swait.ge @!p0 [sflag:s16], $0x4000  }
0x6e: {  	[sflag:s16] =	ssyncset.done @!p0 $0x0  }
0x6f: {  	s12 =	simm.s32 @!p0 $0x100;
	[sflag:s16] =	ssyncadd.s32 @!p0 $0xFFFFC000  }
0x70: {  	[tilespmem:s15], [sflag:$0x1] =	stream.indirect.gather @!p0 [hbm4b:s1+s17], $0x80, s12, s17, $0x2000b8;
	[tilespmem:$0x1C400] =	vst v63  }
0x71: {  	p1 =	sle.s32 s20, $0x0;
	_ =	swait.ge [sflag:s9], $0x4000  }
0x72: {  	s16 =	sadd.s32 @!p1 $0x200, s13;
	[sflag:s9] =	ssyncset.done $0x0  }
0x73: {  	s15 =	simm.s32 @!p1 $0x200;
	s22 =	rddreg [dreg:$0x4];
	[sflag:s9] =	ssyncadd.s32 $0xFFFFC000  }
0x74: {  	[spmem:s2] =	stream.indirect.scatter.add.f32 [tilespmem:s8], [sflag:$0x7], $0x80, s22, s3, $0x2000b8;
	[tilespmem:$0x1C400] =	vst v63  }
0x75: {  	s12 =	sand.u32 @!p1 $0x200, s15;
	s15 =	sand.u32 @!p1 $0xFFFFFC00, s16;
	_ =	swait.ge [sflag:s0], $0x4000  }
0x76: {  	s16 =	simm.s32 @!p0 $0x180;
	s12 =	sor.u32 @!p1 s12, s15;
	[sflag:s0] =	ssyncset.done $0x0  }
0x77: {  	s15 =	simm.s32 @!p0 $0x4400;
	s12 =	sshrl.u32 @!p1 s12, $0x3;
	[sflag:s0] =	ssyncadd.s32 $0xFFFFC000  }
0x78: {  	[tilespmem:s15], [sflag:$0x2] =	stream.indirect.gather @!p0 [hbm4b:s1+s17], $0x80, s16, s17, $0x2000b8;
	[tilespmem:$0x1C400] =	vst v63  }
0x79: {  	p2 =	sle.s32 s19, $0x1;
	s15 =	sadd.s32 @!p1 s5, s12;
	s16 =	simm.s32 @!p1 $0x0  }
0x7a: {  	[tilespmem:s16], [sflag:$0x3] =	stream.linear.gather @!p1 [hbm4b:s15+s16], $0x100, $0x200038;
	[tilespmem:$0x1C400] =	vst v63  }
0x7b: {  	s12 =	sadd.s32 @!p1 s6, s12;
	s17 =	simm.s32 @p2 $0x1;
	s15 =	simm.s32 @!p1 $0x200  }
0x7c: {  	[tilespmem:s15], [sflag:$0x5] =	stream.linear.gather @!p1 [hbm4b:s12+s16], $0x100, $0x200038;
	[tilespmem:$0x1C400] =	vst v63  }
0x7d: {  	_ =	swait.ge @p2 [sflag:s17], $0x4000  }
0x7e: {  	s12 =	simm.s32 @p2 $0x400;
	s15 =	simm.s32 @p2 $0x80;
	[sflag:s17] =	ssyncset.done @p2 $0x0  }
0x7f: {  	s16 =	simm.s32 @p2 $0x300;
	[sflag:s17] =	ssyncadd.s32 @p2 $0xFFFFC000;
	s17 =	simm.s32 @p2 $0x7  }
0x80: {  	[spmem:s2] =	stream.indirect.scatter.add.f32 @p2 [tilespmem:s12], [sflag:$0x7], $0x80, s16, s15, $0x2000b8;
	[tilespmem:$0x1C400] =	vst v63  }
0x81: {  	_ =	swait.ge @p2 [sflag:s17], $0x4000  }
0x82: {  	[sflag:s17] =	ssyncset.done @p2 $0x0  }
0x83: {  	s12 =	simm.s32 @!p2 $0x3;
	[sflag:s17] =	ssyncadd.s32 @p2 $0xFFFFC000  }
0x84: {  	_ =	swait.ge @!p2 [sflag:s12], $0x100  }
0x85: {  	[sflag:s12] =	ssyncset.done @!p2 $0x0  }
0x86: {  	s15 =	simm.s32 @!p2 $0x5;
	[sflag:s12] =	ssyncadd.s32 @!p2 $0xFFFFFF00  }
0x87: {  	_ =	swait.ge @!p2 [sflag:s15], $0x100  }
0x88: {  	[sflag:s15] =	ssyncset.done @!p2 $0x0  }
0x89: {  	s12 =	simm.s32 @!p2 $0x1;
	[sflag:s15] =	ssyncadd.s32 @!p2 $0xFFFFFF00  }
0x8a: {  	_ =	swait.ge @!p2 [sflag:s12], $0x4000  }
0x8b: {  	s18 =	simm.s32 @!p2 $0x7;
	s16 =	simm.s32 @!p2 $0x400;
	[sflag:s12] =	ssyncset.done @!p2 $0x0  }
0x8c: {  	s17 =	simm.s32 @!p2 $0x300;
	s15 =	simm.s32 @!p2 $0x80;
	[sflag:s12] =	ssyncadd.s32 @!p2 $0xFFFFC000  }
0x8d: {  	[spmem:s2] =	stream.indirect.scatter.add.f32 @!p2 [tilespmem:s16], [sflag:$0x7], $0x80, s17, s15, $0x2000b8;
	[tilespmem:$0x1C400] =	vst v63  }
0x8e: {  	p3 =	sle.s32 s20, $0x1;
	_ =	swait.ge @!p2 [sflag:s18], $0x4000  }
0x8f: {  	s14 =	sadd.s32 $0xFFFFFFFF, s14;
	s11 =	sand.u32 @!p3 $0x300, s11;
	[sflag:s18] =	ssyncset.done @!p2 $0x0  }
0x90: {  	p1 =	sne.s32 s14, $0x0;
	s12 =	simm.s32 @!p2 $0x0;
	[sflag:s18] =	ssyncadd.s32 @!p2 $0xFFFFC000  }
0x91: {  	[tilespmem:s16], [sflag:$0x1] =	stream.indirect.gather @!p2 [hbm4b:s1+s15], $0x80, s12, s15, $0x2000b8;
	[tilespmem:$0x1C400] =	vst v63  }
.Ltmp2:
0x92: {  	p0 =	por $0x1, $0x1;
	s17 =	sadd.s32 @!p3 $0x300, s13;
	(pc) =	sbr.rel @!p1 .LBB2_7-.Ltmp2, $4  }
0x93: {  	s12 =	simm.s32 $0x3;
	s16 =	sand.u32 @!p3 $0xFFFFFC00, s17;
	_ =	swait.ge [sflag:s9], $0x4000  }
0x94: {  	s17 =	simm.s32 @!p3 $0x300;
	s18 =	sor.u32 @!p3 s11, s16;
	[sflag:s9] =	ssyncset.done $0x0  }
0x95: {  	s11 =	simm.s32 $0x500;
	s23 =	rddreg [dreg:$0x5];
	[sflag:s9] =	ssyncadd.s32 $0xFFFFC000  }
0x96: {  	[spmem:s2] =	stream.indirect.scatter.add.f32 [tilespmem:s8], [sflag:$0x7], $0x80, s23, s3, $0x2000b8;
	[tilespmem:$0x1C400] =	vst v63  }
.LBB2_6:
0x97: {  	_ =	swait.ge [sflag:s0], $0x4000  }
0x98: {  	s16 =	sadd.s32 $0xFFFFFFFF, s12;
	[sflag:s0] =	ssyncset.done $0x0  }
0x99: {  	s18 =	sshrl.u32 @!p3 s18, $0x3;
	s22 =	simm.s32 @!p2 $0x4400;
	[sflag:s0] =	ssyncadd.s32 $0xFFFFC000  }
0x9a: {  	[tilespmem:s22], [sflag:$0x2] =	stream.indirect.gather @!p2 [hbm4b:s1+s15], $0x80, s15, s15, $0x2000b8;
	[tilespmem:$0x1C400] =	vst v63  }
0x9b: {  	s21 =	sadd.s32 @!p3 s5, s18;
	s15 =	simm.s32 @!p3 $0x0;
	s22 =	simm.s32 @!p3 $0x100  }
0x9c: {  	[tilespmem:s22], [sflag:$0x4] =	stream.linear.gather @!p3 [hbm4b:s21+s15], $0x100, $0x200038;
	[tilespmem:$0x1C400] =	vst v63  }
0x9d: {  	s18 =	sadd.s32 @!p3 s6, s18;
	p2 =	sge.s32 s16, s19  }
0x9e: {  	[tilespmem:s17], [sflag:$0x6] =	stream.linear.gather @!p3 [hbm4b:s18+s15], $0x100, $0x200038;
	[tilespmem:$0x1C400] =	vst v63  }
0x9f: {  	s15 =	simm.s32 @p2 $0x1  }
0xa0: {  	_ =	swait.ge @p2 [sflag:s15], $0x4000  }
0xa1: {  	s21 =	simm.s32 @p2 $0x400;
	s22 =	simm.s32 @p2 $0x7;
	[sflag:s15] =	ssyncset.done @p2 $0x0  }
0xa2: {  	s17 =	simm.s32 @p2 $0x80;
	s18 =	simm.s32 @p2 $0x200;
	[sflag:s15] =	ssyncadd.s32 @p2 $0xFFFFC000  }
0xa3: {  	[spmem:s2] =	stream.indirect.scatter.add.f32 @p2 [tilespmem:s21], [sflag:$0x7], $0x80, s18, s17, $0x2000b8;
	[tilespmem:$0x1C400] =	vst v63  }
0xa4: {  	_ =	swait.ge @p2 [sflag:s22], $0x4000  }
0xa5: {  	[sflag:s22] =	ssyncset.done @p2 $0x0  }
0xa6: {  	s15 =	simm.s32 @!p2 $0x4;
	[sflag:s22] =	ssyncadd.s32 @p2 $0xFFFFC000  }
0xa7: {  	_ =	swait.ge @!p2 [sflag:s15], $0x100  }
0xa8: {  	[sflag:s15] =	ssyncset.done @!p2 $0x0  }
0xa9: {  	s18 =	simm.s32 @!p2 $0x6;
	[sflag:s15] =	ssyncadd.s32 @!p2 $0xFFFFFF00  }
0xaa: {  	_ =	swait.ge @!p2 [sflag:s18], $0x100  }
0xab: {  	[sflag:s18] =	ssyncset.done @!p2 $0x0  }
0xac: {  	s17 =	simm.s32 @!p2 $0x1;
	[sflag:s18] =	ssyncadd.s32 @!p2 $0xFFFFFF00  }
0xad: {  	_ =	swait.ge @!p2 [sflag:s17], $0x4000  }
0xae: {  	s23 =	simm.s32 @!p2 $0x200;
	s21 =	simm.s32 @!p2 $0x400;
	[sflag:s17] =	ssyncset.done @!p2 $0x0  }
0xaf: {  	s22 =	simm.s32 @!p2 $0x7;
	s15 =	simm.s32 @!p2 $0x80;
	[sflag:s17] =	ssyncadd.s32 @!p2 $0xFFFFC000  }
0xb0: {  	[spmem:s2] =	stream.indirect.scatter.add.f32 @!p2 [tilespmem:s21], [sflag:$0x7], $0x80, s23, s15, $0x2000b8;
	[tilespmem:$0x1C400] =	vst v63  }
0xb1: {  	_ =	swait.ge @!p2 [sflag:s22], $0x4000  }
0xb2: {  	[sflag:s22] =	ssyncset.done @!p2 $0x0  }
0xb3: {  	p3 =	sge.s32 s16, s20;
	s16 =	simm.s32 @!p2 $0x100;
	[sflag:s22] =	ssyncadd.s32 @!p2 $0xFFFFC000  }
0xb4: {  	[tilespmem:s21], [sflag:$0x1] =	stream.indirect.gather @!p2 [hbm4b:s1+s15], $0x80, s16, s15, $0x2000b8;
	[tilespmem:$0x1C400] =	vst v63  }
0xb5: {  	_ =	swait.ge [sflag:s9], $0x4000  }
0xb6: {  	s16 =	sadd.s32 @!p3 $0xFFFFFF00, s11;
	[sflag:s9] =	ssyncset.done $0x0  }
0xb7: {  	s18 =	sadd.s32 @!p3 s13, s16;
	s22 =	rddreg [dreg:$0x4];
	[sflag:s9] =	ssyncadd.s32 $0xFFFFC000  }
0xb8: {  	[spmem:s2] =	stream.indirect.scatter.add.f32 [tilespmem:s8], [sflag:$0x7], $0x80, s22, s3, $0x2000b8;
	[tilespmem:$0x1C400] =	vst v63  }
0xb9: {  	s16 =	sand.u32 @!p3 $0x200, s16;
	s18 =	sand.u32 @!p3 $0xFFFFFC00, s18;
	_ =	swait.ge [sflag:s0], $0x4000  }
0xba: {  	s17 =	simm.s32 @!p2 $0x4400;
	s16 =	sor.u32 @!p3 s16, s18;
	[sflag:s0] =	ssyncset.done $0x0  }
0xbb: {  	s21 =	simm.s32 @!p2 $0x180;
	s16 =	sshrl.u32 @!p3 s16, $0x3;
	[sflag:s0] =	ssyncadd.s32 $0xFFFFC000  }
0xbc: {  	[tilespmem:s17], [sflag:$0x2] =	stream.indirect.gather @!p2 [hbm4b:s1+s15], $0x80, s21, s15, $0x2000b8;
	[tilespmem:$0x1C400] =	vst v63  }
0xbd: {  	s18 =	sadd.s32 @!p3 s5, s16;
	s15 =	simm.s32 @!p3 $0x0;
	p2 =	sge.s32 s12, s19  }
0xbe: {  	[tilespmem:s15], [sflag:$0x3] =	stream.linear.gather @!p3 [hbm4b:s18+s15], $0x100, $0x200038;
	[tilespmem:$0x1C400] =	vst v63  }
0xbf: {  	s16 =	sadd.s32 @!p3 s6, s16;
	s17 =	simm.s32 @!p3 $0x200;
	s18 =	simm.s32 @p2 $0x1  }
0xc0: {  	[tilespmem:s17], [sflag:$0x5] =	stream.linear.gather @!p3 [hbm4b:s16+s15], $0x100, $0x200038;
	[tilespmem:$0x1C400] =	vst v63  }
0xc1: {  	_ =	swait.ge @p2 [sflag:s18], $0x4000  }
0xc2: {  	s15 =	simm.s32 @p2 $0x400;
	s16 =	simm.s32 @p2 $0x80;
	[sflag:s18] =	ssyncset.done @p2 $0x0  }
0xc3: {  	s17 =	simm.s32 @p2 $0x300;
	[sflag:s18] =	ssyncadd.s32 @p2 $0xFFFFC000;
	s18 =	simm.s32 @p2 $0x7  }
0xc4: {  	[spmem:s2] =	stream.indirect.scatter.add.f32 @p2 [tilespmem:s15], [sflag:$0x7], $0x80, s17, s16, $0x2000b8;
	[tilespmem:$0x1C400] =	vst v63  }
0xc5: {  	_ =	swait.ge @p2 [sflag:s18], $0x4000  }
0xc6: {  	[sflag:s18] =	ssyncset.done @p2 $0x0  }
0xc7: {  	s15 =	simm.s32 @!p2 $0x3;
	[sflag:s18] =	ssyncadd.s32 @p2 $0xFFFFC000  }
0xc8: {  	_ =	swait.ge @!p2 [sflag:s15], $0x100  }
0xc9: {  	[sflag:s15] =	ssyncset.done @!p2 $0x0  }
0xca: {  	s16 =	simm.s32 @!p2 $0x5;
	[sflag:s15] =	ssyncadd.s32 @!p2 $0xFFFFFF00  }
0xcb: {  	_ =	swait.ge @!p2 [sflag:s16], $0x100  }
0xcc: {  	[sflag:s16] =	ssyncset.done @!p2 $0x0  }
0xcd: {  	s17 =	simm.s32 @!p2 $0x1;
	[sflag:s16] =	ssyncadd.s32 @!p2 $0xFFFFFF00  }
0xce: {  	_ =	swait.ge @!p2 [sflag:s17], $0x4000  }
0xcf: {  	s21 =	simm.s32 @!p2 $0x300;
	s18 =	simm.s32 @!p2 $0x400;
	[sflag:s17] =	ssyncset.done @!p2 $0x0  }
0xd0: {  	s15 =	simm.s32 @!p2 $0x80;
	s16 =	simm.s32 @!p2 $0x7;
	[sflag:s17] =	ssyncadd.s32 @!p2 $0xFFFFC000  }
0xd1: {  	[spmem:s2] =	stream.indirect.scatter.add.f32 @!p2 [tilespmem:s18], [sflag:$0x7], $0x80, s21, s15, $0x2000b8;
	[tilespmem:$0x1C400] =	vst v63  }
0xd2: {  	s14 =	sadd.s32 $0xFFFFFFFF, s14;
	_ =	swait.ge @!p2 [sflag:s16], $0x4000  }
0xd3: {  	p1 =	sne.s32 s14, $0x0;
	[sflag:s16] =	ssyncset.done @!p2 $0x0  }
0xd4: {  	p3 =	sge.s32 s12, s20;
	[sflag:s16] =	ssyncadd.s32 @!p2 $0xFFFFC000;
	s16 =	simm.s32 @!p2 $0x0  }
0xd5: {  	[tilespmem:s18], [sflag:$0x1] =	stream.indirect.gather @!p2 [hbm4b:s1+s15], $0x80, s16, s15, $0x2000b8;
	[tilespmem:$0x1C400] =	vst v63  }
.Ltmp3:
0xd6: {  	s12 =	sadd.s32 $0x2, s12;
	s17 =	sadd.s32 @!p3 s11, s13;
	(pc) =	sbr.rel @p1 .LBB2_6-.Ltmp3, $4  }
0xd7: {  	s21 =	sand.u32 @!p3 $0xFFFFFC00, s17;
	s17 =	simm.s32 @!p3 $0x300;
	_ =	swait.ge [sflag:s9], $0x4000  }
0xd8: {  	s18 =	sand.u32 @!p3 $0x300, s11;
	s11 =	sadd.s32 $0x200, s11;
	[sflag:s9] =	ssyncset.done $0x0  }
0xd9: {  	s18 =	sor.u32 @!p3 s18, s21;
	s23 =	rddreg [dreg:$0x5];
	[sflag:s9] =	ssyncadd.s32 $0xFFFFC000  }
0xda: {  	[spmem:s2] =	stream.indirect.scatter.add.f32 [tilespmem:s8], [sflag:$0x7], $0x80, s23, s3, $0x2000b8;
	[tilespmem:$0x1C400] =	vst v63  }
.LBB2_7:
0xdb: {  	_ =	swait.ge @p0 [sflag:s0], $0x4000;
	p1 =	por p3, !p0  }
0xdc: {  	p2 =	por p2, !p0;
	s21 =	sadd.s32 $0xFFFFFFFF, s12;
	[sflag:s0] =	ssyncset.done @p0 $0x0  }
0xdd: {  	s14 =	sshrl.u32 @!p1 s18, $0x3;
	s16 =	simm.s32 @!p2 $0x4400;
	[sflag:s0] =	ssyncadd.s32 @p0 $0xFFFFC000  }
0xde: {  	[tilespmem:s16], [sflag:$0x2] =	stream.indirect.gather @!p2 [hbm4b:s1+s15], $0x80, s15, s15, $0x2000b8;
	[tilespmem:$0x1C400] =	vst v63  }
0xdf: {  	s18 =	simm.s32 @!p1 $0x100;
	s15 =	sadd.s32 @!p1 s5, s14;
	s16 =	simm.s32 @!p1 $0x0  }
0xe0: {  	[tilespmem:s18], [sflag:$0x4] =	stream.linear.gather @!p1 [hbm4b:s15+s16], $0x100, $0x200038;
	[tilespmem:$0x1C400] =	vst v63  }
0xe1: {  	p0 =	sge.s32 s21, s19;
	s14 =	sadd.s32 @!p1 s6, s14  }
0xe2: {  	[tilespmem:s17], [sflag:$0x6] =	stream.linear.gather @!p1 [hbm4b:s14+s16], $0x100, $0x200038;
	[tilespmem:$0x1C400] =	vst v63  }
0xe3: {  	s14 =	simm.s32 @p0 $0x1  }
0xe4: {  	_ =	swait.ge @p0 [sflag:s14], $0x4000  }
0xe5: {  	s16 =	simm.s32 @p0 $0x80;
	[sflag:s14] =	ssyncset.done @p0 $0x0  }
0xe6: {  	s17 =	simm.s32 @p0 $0x200;
	[sflag:s14] =	ssyncadd.s32 @p0 $0xFFFFC000;
	s14 =	simm.s32 @p0 $0x400  }
0xe7: {  	[spmem:s2] =	stream.indirect.scatter.add.f32 @p0 [tilespmem:s14], [sflag:$0x7], $0x80, s17, s16, $0x2000b8;
	[tilespmem:$0x1C400] =	vst v63  }
0xe8: {  	s14 =	simm.s32 @p0 $0x7  }
0xe9: {  	_ =	swait.ge @p0 [sflag:s14], $0x4000  }
0xea: {  	[sflag:s14] =	ssyncset.done @p0 $0x0  }
0xeb: {  	[sflag:s14] =	ssyncadd.s32 @p0 $0xFFFFC000;
	s14 =	simm.s32 @!p0 $0x4  }
0xec: {  	_ =	swait.ge @!p0 [sflag:s14], $0x100  }
0xed: {  	[sflag:s14] =	ssyncset.done @!p0 $0x0  }
0xee: {  	s16 =	simm.s32 @!p0 $0x6;
	[sflag:s14] =	ssyncadd.s32 @!p0 $0xFFFFFF00  }
0xef: {  	_ =	swait.ge @!p0 [sflag:s16], $0x100  }
0xf0: {  	[sflag:s16] =	ssyncset.done @!p0 $0x0  }
0xf1: {  	s14 =	simm.s32 @!p0 $0x1;
	[sflag:s16] =	ssyncadd.s32 @!p0 $0xFFFFFF00  }
0xf2: {  	_ =	swait.ge @!p0 [sflag:s14], $0x4000  }
0xf3: {  	s17 =	simm.s32 @!p0 $0x80;
	[sflag:s14] =	ssyncset.done @!p0 $0x0  }
0xf4: {  	s16 =	simm.s32 @!p0 $0x400;
	[sflag:s14] =	ssyncadd.s32 @!p0 $0xFFFFC000;
	s14 =	simm.s32 @!p0 $0x200  }
0xf5: {  	[spmem:s2] =	stream.indirect.scatter.add.f32 @!p0 [tilespmem:s16], [sflag:$0x7], $0x80, s14, s17, $0x2000b8;
	[tilespmem:$0x1C400] =	vst v63  }
0xf6: {  	s14 =	simm.s32 @!p0 $0x7  }
0xf7: {  	_ =	swait.ge @!p0 [sflag:s14], $0x4000  }
0xf8: {  	[sflag:s14] =	ssyncset.done @!p0 $0x0  }
0xf9: {  	[sflag:s14] =	ssyncadd.s32 @!p0 $0xFFFFC000;
	s14 =	simm.s32 @!p0 $0x100  }
0xfa: {  	[tilespmem:s16], [sflag:$0x1] =	stream.indirect.gather @!p0 [hbm4b:s1+s17], $0x80, s14, s17, $0x2000b8;
	[tilespmem:$0x1C400] =	vst v63  }
0xfb: {  	_ =	swait.ge [sflag:s9], $0x4000  }
0xfc: {  	[sflag:s9] =	ssyncset.done $0x0  }
0xfd: {  	s22 =	rddreg [dreg:$0x4];
	[sflag:s9] =	ssyncadd.s32 $0xFFFFC000  }
0xfe: {  	[spmem:s2] =	stream.indirect.scatter.add.f32 [tilespmem:s8], [sflag:$0x7], $0x80, s22, s3, $0x2000b8;
	[tilespmem:$0x1C400] =	vst v63  }
0xff: {  	_ =	swait.ge [sflag:s0], $0x4000  }
0x100: {  	s15 =	simm.s32 @!p0 $0x180;
	[sflag:s0] =	ssyncset.done $0x0  }
0x101: {  	p1 =	sge.s32 s21, s20;
	s14 =	simm.s32 @!p0 $0x4400;
	[sflag:s0] =	ssyncadd.s32 $0xFFFFC000  }
0x102: {  	[tilespmem:s14], [sflag:$0x2] =	stream.indirect.gather @!p0 [hbm4b:s1+s17], $0x80, s15, s17, $0x2000b8;
	[tilespmem:$0x1C400] =	vst v63  }
0x103: {  	s14 =	sadd.s32 @!p1 $0xFFFFFF00, s11  }
0x104: {  	s15 =	sadd.s32 @!p1 s13, s14  }
0x105: {  	s14 =	sand.u32 @!p1 $0x200, s14;
	s15 =	sand.u32 @!p1 $0xFFFFFC00, s15  }
0x106: {  	s14 =	sor.u32 @!p1 s14, s15  }
0x107: {  	s14 =	sshrl.u32 @!p1 s14, $0x3  }
0x108: {  	s16 =	simm.s32 @!p1 $0x0;
	s15 =	sadd.s32 @!p1 s5, s14  }
0x109: {  	[tilespmem:s16], [sflag:$0x3] =	stream.linear.gather @!p1 [hbm4b:s15+s16], $0x100, $0x200038;
	[tilespmem:$0x1C400] =	vst v63  }
0x10a: {  	p0 =	sge.s32 s12, s19;
	s14 =	sadd.s32 @!p1 s6, s14;
	s15 =	simm.s32 @!p1 $0x200  }
0x10b: {  	[tilespmem:s15], [sflag:$0x5] =	stream.linear.gather @!p1 [hbm4b:s14+s16], $0x100, $0x200038;
	[tilespmem:$0x1C400] =	vst v63  }
0x10c: {  	s14 =	simm.s32 @p0 $0x1  }
0x10d: {  	_ =	swait.ge @p0 [sflag:s14], $0x4000  }
0x10e: {  	s15 =	simm.s32 @p0 $0x400;
	[sflag:s14] =	ssyncset.done @p0 $0x0  }
0x10f: {  	s16 =	simm.s32 @p0 $0x80;
	[sflag:s14] =	ssyncadd.s32 @p0 $0xFFFFC000;
	s14 =	simm.s32 @p0 $0x300  }
0x110: {  	[spmem:s2] =	stream.indirect.scatter.add.f32 @p0 [tilespmem:s15], [sflag:$0x7], $0x80, s14, s16, $0x2000b8;
	[tilespmem:$0x1C400] =	vst v63  }
0x111: {  	s14 =	simm.s32 @p0 $0x7  }
0x112: {  	_ =	swait.ge @p0 [sflag:s14], $0x4000  }
0x113: {  	[sflag:s14] =	ssyncset.done @p0 $0x0  }
0x114: {  	[sflag:s14] =	ssyncadd.s32 @p0 $0xFFFFC000;
	s14 =	simm.s32 @!p0 $0x3  }
0x115: {  	_ =	swait.ge @!p0 [sflag:s14], $0x100  }
0x116: {  	[sflag:s14] =	ssyncset.done @!p0 $0x0  }
0x117: {  	s15 =	simm.s32 @!p0 $0x5;
	[sflag:s14] =	ssyncadd.s32 @!p0 $0xFFFFFF00  }
0x118: {  	_ =	swait.ge @!p0 [sflag:s15], $0x100  }
0x119: {  	[sflag:s15] =	ssyncset.done @!p0 $0x0  }
0x11a: {  	s14 =	simm.s32 @!p0 $0x1;
	[sflag:s15] =	ssyncadd.s32 @!p0 $0xFFFFFF00  }
0x11b: {  	_ =	swait.ge @!p0 [sflag:s14], $0x4000  }
0x11c: {  	s16 =	simm.s32 @!p0 $0x80;
	[sflag:s14] =	ssyncset.done @!p0 $0x0  }
0x11d: {  	s15 =	simm.s32 @!p0 $0x400;
	[sflag:s14] =	ssyncadd.s32 @!p0 $0xFFFFC000;
	s14 =	simm.s32 @!p0 $0x300  }
0x11e: {  	[spmem:s2] =	stream.indirect.scatter.add.f32 @!p0 [tilespmem:s15], [sflag:$0x7], $0x80, s14, s16, $0x2000b8;
	[tilespmem:$0x1C400] =	vst v63  }
0x11f: {  	s14 =	simm.s32 @!p0 $0x7  }
0x120: {  	_ =	swait.ge @!p0 [sflag:s14], $0x4000  }
0x121: {  	[sflag:s14] =	ssyncset.done @!p0 $0x0  }
0x122: {  	[sflag:s14] =	ssyncadd.s32 @!p0 $0xFFFFC000;
	s14 =	simm.s32 @!p0 $0x0  }
0x123: {  	[tilespmem:s15], [sflag:$0x1] =	stream.indirect.gather @!p0 [hbm4b:s1+s16], $0x80, s14, s16, $0x2000b8;
	[tilespmem:$0x1C400] =	vst v63  }
0x124: {  	_ =	swait.ge [sflag:s9], $0x4000  }
0x125: {  	p1 =	sge.s32 s12, s20;
	[sflag:s9] =	ssyncset.done $0x0  }
0x126: {  	s12 =	sadd.s32 @!p1 s11, s13;
	s23 =	rddreg [dreg:$0x5];
	[sflag:s9] =	ssyncadd.s32 $0xFFFFC000  }
0x127: {  	[spmem:s2] =	stream.indirect.scatter.add.f32 [tilespmem:s8], [sflag:$0x7], $0x80, s23, s3, $0x2000b8;
	[tilespmem:$0x1C400] =	vst v63  }
0x128: {  	s11 =	sand.u32 @!p1 $0x300, s11;
	s12 =	sand.u32 @!p1 $0xFFFFFC00, s12;
	_ =	swait.ge [sflag:s0], $0x4000  }
0x129: {  	s11 =	sor.u32 @!p1 s11, s12;
	[sflag:s0] =	ssyncset.done $0x0  }
0x12a: {  	s12 =	simm.s32 @!p0 $0x4400;
	s11 =	sshrl.u32 @!p1 s11, $0x3;
	[sflag:s0] =	ssyncadd.s32 $0xFFFFC000  }
0x12b: {  	[tilespmem:s12], [sflag:$0x2] =	stream.indirect.gather @!p0 [hbm4b:s1+s16], $0x80, s16, s16, $0x2000b8;
	[tilespmem:$0x1C400] =	vst v63  }
0x12c: {  	s14 =	simm.s32 @!p1 $0x0;
	s15 =	simm.s32 @!p1 $0x100;
	s12 =	sadd.s32 @!p1 s5, s11  }
0x12d: {  	[tilespmem:s15], [sflag:$0x4] =	stream.linear.gather @!p1 [hbm4b:s12+s14], $0x100, $0x200038;
	[tilespmem:$0x1C400] =	vst v63  }
0x12e: {  	s11 =	sadd.s32 @!p1 s6, s11;
	s12 =	simm.s32 @!p1 $0x300  }
0x12f: {  	[tilespmem:s12], [sflag:$0x6] =	stream.linear.gather @!p1 [hbm4b:s11+s14], $0x100, $0x200038;
	[tilespmem:$0x1C400] =	vst v63  }
0x130: {  	[bflag:$0x0] =	sbarrier.arrive $0xFFFF  }
0x131: {  	_ =	strace $0x90000052  }
0x132: {  	_ =	strace $0x80000053  }
0x133: {  	[tilespmem:s31], [sflag:$0x7] =	stream.linear.gather [spmem:s7], $0x4000, $0x200038;
	[tilespmem:$0x1C400] =	vst v63  }
0x134: {  	_ =	swait.ge [sflag:s0], $0x4000  }
0x135: {  	[sflag:s0] =	ssyncset.done $0x0  }
0x136: {  	s14 =	rddreg [dreg:$0xb];
	[sflag:s0] =	ssyncadd.s32 $0xFFFFC000  }
0x137: {  	[hbm4b:s14+s4] =	stream.linear.scatter [tilespmem:s31], [sflag:$0x7], $0x4000, $0x200038;
	[tilespmem:$0x1C400] =	vst v63  }
0x138: {  	_ =	swait.ge [sflag:s0], $0x4000  }
0x139: {  	[sflag:s0] =	ssyncset.done $0x0  }
0x13a: {  	s15 =	rddreg [dreg:$0x11];
	[sflag:s0] =	ssyncadd.s32 $0xFFFFC000  }
0x13b: {  	[tilespmem:s31], [sflag:$0x7] =	stream.linear.gather [spmem:s15], $0x4000, $0x200038;
	[tilespmem:$0x1C400] =	vst v63  }
0x13c: {  	_ =	swait.ge [sflag:s0], $0x4000  }
0x13d: {  	[sflag:s0] =	ssyncset.done $0x0  }
0x13e: {  	s16 =	rddreg [dreg:$0xc];
	[sflag:s0] =	ssyncadd.s32 $0xFFFFC000  }
0x13f: {  	[hbm4b:s16+s4] =	stream.linear.scatter [tilespmem:s31], [sflag:$0x7], $0x4000, $0x200038;
	[tilespmem:$0x1C400] =	vst v63  }
0x140: {  	_ =	swait.ge [sflag:s0], $0x4000  }
0x141: {  	[sflag:s0] =	ssyncset.done $0x0  }
0x142: {  	s17 =	rddreg [dreg:$0x12];
	[sflag:s0] =	ssyncadd.s32 $0xFFFFC000  }
0x143: {  	[tilespmem:s31], [sflag:$0x7] =	stream.linear.gather [spmem:s17], $0x4000, $0x200038;
	[tilespmem:$0x1C400] =	vst v63  }
0x144: {  	_ =	swait.ge [sflag:s0], $0x4000  }
0x145: {  	[sflag:s0] =	ssyncset.done $0x0  }
0x146: {  	s18 =	rddreg [dreg:$0xd];
	[sflag:s0] =	ssyncadd.s32 $0xFFFFC000  }
0x147: {  	[hbm4b:s18+s4] =	stream.linear.scatter [tilespmem:s31], [sflag:$0x7], $0x4000, $0x200038;
	[tilespmem:$0x1C400] =	vst v63  }
0x148: {  	_ =	swait.ge [sflag:s0], $0x4000  }
0x149: {  	[sflag:s0] =	ssyncset.done $0x0  }
0x14a: {  	[sflag:s0] =	ssyncadd.s32 $0xFFFFC000  }
0x14b: {  	[tilespmem:s31], [sflag:$0x7] =	stream.linear.gather [spmem:s24], $0x4000, $0x200038;
	[tilespmem:$0x1C400] =	vst v63  }
0x14c: {  	_ =	swait.ge [sflag:s0], $0x4000  }
0x14d: {  	[sflag:s0] =	ssyncset.done $0x0  }
0x14e: {  	s21 =	rddreg [dreg:$0xe];
	[sflag:s0] =	ssyncadd.s32 $0xFFFFC000  }
0x14f: {  	[hbm4b:s21+s4] =	stream.linear.scatter [tilespmem:s31], [sflag:$0x7], $0x4000, $0x200038;
	[tilespmem:$0x1C400] =	vst v63  }
0x150: {  	_ =	swait.ge [sflag:s0], $0x4000  }
0x151: {  	[sflag:s0] =	ssyncset.done $0x0  }
0x152: {  	[sflag:s0] =	ssyncadd.s32 $0xFFFFC000  }
0x153: {  	[tilespmem:s31], [sflag:$0x7] =	stream.linear.gather [spmem:s25], $0x4000, $0x200038;
	[tilespmem:$0x1C400] =	vst v63  }
0x154: {  	_ =	swait.ge [sflag:s0], $0x4000  }
0x155: {  	[sflag:s0] =	ssyncset.done $0x0  }
0x156: {  	s22 =	rddreg [dreg:$0xf];
	[sflag:s0] =	ssyncadd.s32 $0xFFFFC000  }
0x157: {  	[hbm4b:s22+s4] =	stream.linear.scatter [tilespmem:s31], [sflag:$0x7], $0x4000, $0x200038;
	[tilespmem:$0x1C400] =	vst v63  }
0x158: {  	_ =	swait.ge [sflag:s0], $0x4000  }
0x159: {  	s10 =	sadd.s32 $0x1, s10;
	s23 =	rddreg [dreg:$0x10]  }
0x15a: {  	p0 =	sne.s32 s10, s23  }
.Ltmp4:
0x15b: {  	_ = 	snop;
	(pc) =	sbr.rel @p0 .LBB2_1-.Ltmp4, $4  }
.Ltmp5:
0x15c: {  	_ = 	snop;
	(pc) =	sbr.rel @!p0 .LBB2_8-.Ltmp5, $4  }
0x15d: {  	[sflag:s0] =	ssyncset.done $0x0  }
0x15e: {  	[sflag:s0] =	ssyncadd.s32 $0xFFFFC000  }
0x15f: {  	_ =	strace $0x90000053  }
0x160: {  	_ = 	snop  }
.LBB2_4:
.Ltmp6:
0x161: {  	(pc) =	sbr.rel .LBB2_7-.Ltmp6, $2  }
0x162: {  	_ =	sdelay $0x2  }
0x163: {  	_ = 	snop  }
.LBB2_8:
0x164: {  	_ =	sfence.sel $0x180000  }
0x165: {  	[bflag:$0x0] =	sbarrier.arrive $0xFFFF  }
0x166: {  	_ =	strace $0x90000050  }
0x167: {  	s0 =	stileid.u32;
	[bflag:$0x2] =	sbarrier.arrive $0xFFFF  }
0x168: {  	p0 =	sne.s32 s0, $0x0;
	s0 =	rddreg [dreg:$0x3]  }
0x169: {  	s0 =	sadd.s32 @!p0 $0x100000, s0  }
0x16a: {  	[sflag:s0] =	ssyncadd.tile.s32 @!p0 $0x1;
	_ =	shalt  }
.Lfunc_end2:
_tile_overlayer_lowered:
.L_overlay_start_2:
0x16b: {  	(tag) =	ssettag $0x2  }
0x16c: {  	s0 =	rddreg [dreg:$0x0];
	s2 =	stileid.u32  }
0x16d: {  	s1 =	rddreg [dreg:$0x1];
	p0 =	sne.s32 s2, $0x0  }
0x16e: {  	s3 =	rddreg [dreg:$0x2];
	[bflag:$0x3] =	sbarrier.arrive $0xFFFF;
	s2 =	simm.s32 @!p0 $0x1C07  }
0x16f: {  	[timem:s3], [sflag:s2] =	dma.local @!p0 [hbm:s0], s1  }
0x170: {  	s0 =	simm.s32 @!p0 $0x7  }
0x171: {  	_ =	swait.ge @!p0 [sflag:s0], s1  }
0x172: {  	s1 =	ssub.s32 @!p0 $0x0, s1;
	[sflag:s0] =	ssyncset.done @!p0 $0x0  }
0x173: {  	[sflag:s0] =	ssyncadd.s32 @!p0 s1  }
0x174: {  	[bflag:$0x3] =	sbarrier.arrive $0xFFFF  }
0x175: {  	_ =	shalt  }

// kernel: kernel.9.cloned.1.call-start
scs
__scs_entry_jumppad:
0x0: {  	(pc) =	sbr.rel $0x88, $3  }
0x1: {  	(tag) =	ssettag $0x0;
	lr =	simm.s32 $0x1  }
0x2: {  	[smem:$0x3F9B] =	sst lr;
	_ =	strace $0xD0000000  }
0x3: {  	_ = 	snop  }
0x4: {  	_ = 	snop  }
0x5: {  	_ = 	snop  }
0x6: {  	_ = 	snop  }
0x7: {  	_ = 	snop  }
__scs_overlays_trampoline_lowered:
0x8: {  	[smem:$0x3FAA] =	sst s0  }
0x9: {  	[smem:$0x3FAB] =	sst s1  }
0xa: {  	[smem:$0x3FAC] =	sst s2  }
0xb: {  	[smem:$0x3FAD] =	sst s3  }
0xc: {  	[smem:$0x3FAE] =	sst s4  }
0xd: {  	[smem:$0x3FAF] =	sst s5  }
0xe: {  	[smem:$0x3FB0] =	sst s6  }
0xf: {  	[smem:$0x3FB1] =	sst s7  }
0x10: {  	[smem:$0x3FB2] =	sst s8  }
0x11: {  	[smem:$0x3FB3] =	sst s9;
	s0 =	simm.s32 @!p0 $0x0  }
0x12: {  	s1 =	sld [smem:$0x3F99];
	s0 =	simm.s32 @p0 $0x1  }
0x13: {  	[smem:$0x3FB4] =	sst s0;
	s0 =	simm.s32 @!p1 $0x0  }
0x14: {  	s2 =	sld [smem:$0x3F98];
	s0 =	simm.s32 @p1 $0x1  }
0x15: {  	[smem:$0x3FB5] =	sst s0;
	s0 =	simm.s32 @!p2 $0x0  }
0x16: {  	s3 =	sld [smem:$0x3FDB];
	s0 =	simm.s32 @p2 $0x1  }
0x17: {  	s4 =	simm.s32 $0x1BF5;
	[smem:$0x3FB7] =	sst s0  }
0x18: {  	s0 =	sld [smem:$0x3F9A];
	_ =	swait.ge [sflag:s4], $0x0  }
0x19: {  	s7 =	sld [smem:$0x3F9B]  }
0x1a: {  	s8 =	sadd.s32 $0xFFFFE003, lr  }
0x1b: {  	s9 =	sadd.s32 $0xFFFFFEF7, lr;
	s5 =	simm.s32 $0xFFFFFFFF;
	p2 =	slt.u32 s8, $0xFFFFF086  }
0x1c: {  	p1 =	slt.u32 s9, $0xF7A;
	s5 =	simm.s32 @!p2 $0x0  }
0x1d: {  	s5 =	simm.s32 @p1 $0x1;
	p0 =	seq.s32 s7, s2  }
0x1e: {  	s7 =	smul.u32 @!p0 $0xF7A, s2;
	p2 =	seq.s32 @!p0 s5, $0x0  }
0x1f: {  	s9 =	smul.u32 $0xF7A, s1;
	s8 =	simm.s32 @!p0 $0x1BF5;
	p2 =	por !p2, p0  }
0x20: {  	[sflag:s8] =	ssyncset.s32 @!p0 $0xFFFFF086;
	s6 =	sadd.s32 @!p0 s3, s7;
	s7 =	simm.s32 @!p0 $0x108  }
0x21: {  	s3 =	sadd.s32 s3, s9;
	s6 =	sadd.s32 @!p0 $0x88, s6;
	s7 =	simm.s32 @p2 $0x1082  }
0x22: {  	[simem:s7], [sflag:s8] =	dma.local @!p0 [hbm:s6], $0xF7A  }
0x23: {  	s9 =	sor.u32 $0xD0000000, s2;
	s6 =	simm.s32 $0x108;
	_ =	swait.ge @!p0 [sflag:s8], $0x0  }
0x24: {  	s3 =	sadd.s32 $0x88, s3;
	s6 =	simm.s32 @!p1 $0x1082;
	[sflag:s4] =	ssyncset.s32 $0xFFFFF086  }
0x25: {  	[simem:s6], [sflag:s4] =	dma.local [hbm:s3], $0xF7A  }
0x26: {  	[smem:$0x3F9B] =	sst s1;
	(tag) =	ssettag s2;
	_ =	strace s9  }
0x27: {  	s1 =	sld [smem:$0x3FAB]  }
0x28: {  	s2 =	sld [smem:$0x3FAC]  }
0x29: {  	s4 =	sld [smem:$0x3FAE]  }
0x2a: {  	p0 =	seq.s32 s5, $0x0;
	s5 =	sld [smem:$0x3FAF]  }
0x2b: {  	s6 =	sld [smem:$0x3FB0]  }
0x2c: {  	s7 =	sld [smem:$0x3FB1]  }
0x2d: {  	s3 =	simm.s32 $0x108;
	s8 =	sld [smem:$0x3FB2]  }
0x2e: {  	s3 =	simm.s32 @!p0 $0x1082;
	s9 =	sld [smem:$0x3FB3]  }
0x2f: {  	lr =	sadd.s32 s0, s3;
	s0 =	sld [smem:$0x3FAA]  }
0x30: {  	s3 =	sld [smem:$0x3FAD]  }
0x31: {  	[smem:$0x3FB6] =	sst s10  }
0x32: {  	s10 =	sld [smem:$0x3FB4];
	_ =	sdelay $0x3  }
0x33: {  	p0 =	seq.s32 s10, $0x1;
	s10 =	sld [smem:$0x3FB6];
	_ =	sdelay $0x3  }
0x34: {  	[smem:$0x3FB6] =	sst s10  }
0x35: {  	s10 =	sld [smem:$0x3FB5];
	_ =	sdelay $0x3  }
0x36: {  	p1 =	seq.s32 s10, $0x1;
	s10 =	sld [smem:$0x3FB6];
	_ =	sdelay $0x3  }
0x37: {  	[smem:$0x3FB6] =	sst s10  }
0x38: {  	s10 =	sld [smem:$0x3FB7]  }
0x39: {  	_ = 	snop;
	(pc) =	sbr.ind lr, $3  }
0x3a: {  	_ = 	snop  }
0x3b: {  	_ = 	snop  }
0x3c: {  	p2 =	seq.s32 s10, $0x1;
	s10 =	sld [smem:$0x3FB6]  }
0x3d: {  	_ =	shalt  }
0x3e: {  	_ =	shalt  }
0x3f: {  	_ =	shalt  }
0x40: {  	_ =	shalt  }
0x41: {  	_ =	shalt  }
0x42: {  	_ =	shalt  }
0x43: {  	_ =	shalt  }
0x44: {  	_ =	shalt  }
0x45: {  	_ =	shalt  }
0x46: {  	_ =	shalt  }
0x47: {  	_ =	shalt  }
0x48: {  	_ =	shalt  }
0x49: {  	_ =	shalt  }
0x4a: {  	_ =	shalt  }
0x4b: {  	_ =	shalt  }
0x4c: {  	_ =	shalt  }
0x4d: {  	_ =	shalt  }
0x4e: {  	_ =	shalt  }
0x4f: {  	_ =	shalt  }
0x50: {  	_ =	shalt  }
0x51: {  	_ =	shalt  }
0x52: {  	_ =	shalt  }
0x53: {  	_ =	shalt  }
0x54: {  	_ =	shalt  }
0x55: {  	_ =	shalt  }
0x56: {  	_ =	shalt  }
0x57: {  	_ =	shalt  }
0x58: {  	_ =	shalt  }
0x59: {  	_ =	shalt  }
0x5a: {  	_ =	shalt  }
0x5b: {  	_ =	shalt  }
0x5c: {  	_ =	shalt  }
0x5d: {  	_ =	shalt  }
0x5e: {  	_ =	shalt  }
0x5f: {  	_ =	shalt  }
0x60: {  	_ =	shalt  }
0x61: {  	_ =	shalt  }
0x62: {  	_ =	shalt  }
0x63: {  	_ =	shalt  }
0x64: {  	_ =	shalt  }
0x65: {  	_ =	shalt  }
0x66: {  	_ =	shalt  }
0x67: {  	_ =	shalt  }
0x68: {  	_ =	shalt  }
0x69: {  	_ =	shalt  }
0x6a: {  	_ =	shalt  }
0x6b: {  	_ =	shalt  }
0x6c: {  	_ =	shalt  }
0x6d: {  	_ =	shalt  }
0x6e: {  	_ =	shalt  }
0x6f: {  	_ =	shalt  }
0x70: {  	_ =	shalt  }
0x71: {  	_ =	shalt  }
0x72: {  	_ =	shalt  }
0x73: {  	_ =	shalt  }
0x74: {  	_ =	shalt  }
0x75: {  	_ =	shalt  }
0x76: {  	_ =	shalt  }
0x77: {  	_ =	shalt  }
0x78: {  	_ =	shalt  }
0x79: {  	_ =	shalt  }
0x7a: {  	_ =	shalt  }
0x7b: {  	_ =	shalt  }
0x7c: {  	_ =	shalt  }
0x7d: {  	_ =	shalt  }
0x7e: {  	_ =	shalt  }
0x7f: {  	_ =	shalt  }
0x80: {  	_ =	shalt  }
0x81: {  	_ =	shalt  }
0x82: {  	_ =	shalt  }
0x83: {  	_ =	shalt  }
0x84: {  	_ =	shalt  }
0x85: {  	_ =	shalt  }
0x86: {  	_ =	shalt  }
0x87: {  	_ =	shalt  }
.Lfunc_end0:
.L_simem_size_0:
called_computation_lowered:
.L_overlay_start_0:
0x88: {  	s2 =	sld [smem:$0x3FD9]  }
0x89: {  	s3 =	sld [smem:$0x3FFE];
	_ =	sdelay $0x1  }
0x8a: {  	s1 =	srdreg.scid  }
0x8b: {  	s0 =	sand.u32 $0x1, s1  }
0x8c: {  	s16 =	sshll.u32 s0, $0xA;
	s2 =	sadd.s32 s3, s2  }
0x8d: {  	s2 =	sadd.s32 s2, s16  }
0x8e: {  	[smem:$0x3FC2] =	sst s2  }
0x8f: {  	_ = 	snop  }
0x90: {  	(tm) =	ssettm $0x1  }
0x91: {  	s17 =	sld [smem:$0x3FFB];
	_ =	sdelay $0x3  }
0x92: {  	_ =	strace s17  }
0x93: {  	s2 =	sld [smem:$0x3FFC];
	_ =	sdelay $0x3  }
0x94: {  	_ =	strace s2  }
0x95: {  	s2 =	sld [smem:$0x3FFD];
	_ =	sdelay $0x3  }
0x96: {  	_ =	strace s2  }
0x97: {  	_ =	strace $0x8FFFFFFF  }
0x98: {  	s18 =	sld [smem:$0x3FDB];
	_ =	sdelay $0x1  }
0x99: {  	s19 =	simm.s32 $_scs_section_size  }
0x9a: {  	s4 =	simm.s32 $_size__tile_overlayer_lowered;
	s5 =	simm.s32 $_tile_overlayer_lowered  }
0x9b: {  	s22 =	simm.s32 $0x1BFF;
	s21 =	sshll.u32 s5, $0x1;
	s2 =	sadd.s32 s19, s18  }
0x9c: {  	s6 =	simm.s32 $0x0;
	s20 =	sshll.u32 s4, $0x1;
	s4 =	sadd.s32 s21, s2  }
0x9d: {  	[timem:s6], [sflag:s22] =	dma.local [hbm:s4], s20  }
0x9e: {  	_ =	swait.ge [sflag:s22], s20  }
0x9f: {  	s3 =	ssub.s32 $0x0, s20;
	[sflag:s22] =	ssyncset.done $0x0  }
0xa0: {  	[sflag:s22] =	ssyncadd.s32 s3;
	_ =	sdelay $0x1  }
0xa1: {  	s23 =	simm.s32 $0x1B8B  }
0xa2: {  	_ =	swait.ge [sflag:s23], $0x1  }
0xa3: {  	[sflag:s23] =	ssyncset.done $0x0  }
0xa4: {  	s25 =	simm.s32 $0x1B8E;
	s24 =	sld [smem:$0x3FFE];
	[sflag:s23] =	ssyncadd.s32 $0xFFFFFFFF  }
0xa5: {  	s26 =	simm.s32 $execute0_lowered;
	[smem:$0x3FD2] =	sst s25  }
0xa6: {  	s4 =	sshll.u32 s26, $0x1;
	_ =	strace $0x80000046;
	[dreg:$0x1] =	wrdreg $0xFFFFFFFF  }
0xa7: {  	s28 =	simm.s32 $_size_execute0_lowered;
	s2 =	sadd.s32 s2, s4;
	[dreg:$0x0] =	wrdreg $0x0  }
0xa8: {  	s4 =	sshll.u32 s28, $0x1;
	[dreg:$0x2] =	wrdreg s2  }
0xa9: {  	[dreg:$0x3] =	wrdreg s4  }
0xaa: {  	[dreg:$0x4] =	wrdreg $0xC0  }
0xab: {  	_ =	task [dreg:s6], $0x5FFFF  }
0xac: {  	[dreg:$0x1] =	wrdreg $0xFFFFFFFF  }
0xad: {  	[dreg:$0x0] =	wrdreg $0x60  }
0xae: {  	[dreg:$0x2] =	wrdreg s24  }
0xaf: {  	[dreg:$0x3] =	wrdreg $0x44000  }
0xb0: {  	[dreg:$0x4] =	wrdreg $0x9  }
0xb1: {  	_ =	task.clear_ibuf [dreg:s6], $0x5FFFF;
	_ =	strace $0x90000046  }
0xb2: {  	s29 =	simm.s32 $0x9;
	_ =	strace $0x80000048  }
0xb3: {  	_ =	swait.ge [sflag:s29], $0x1  }
0xb4: {  	[sflag:s29] =	ssyncadd.s32 $0xFFFFFFFF  }
0xb5: {  	_ =	strace $0x90000048  }
0xb6: {  	_ =	sfence  }
0xb7: {  	s30 =	sld [smem:$0x0];
	_ =	sdelay $0x2  }
0xb8: {  	s31 =	sshll.u32 s1, $0xD;
	s1 =	sshrl.u32 s1, $0x2  }
0xb9: {  	s3 =	sand.u32 $0x4000, s31;
	s1 =	sadd.s32 s1, s30  }
0xba: {  	s0 =	sor.u32 s3, s0;
	s1 =	sshll.u32 s1, $0x11  }
0xbb: {  	s0 =	sor.u32 s1, s0  }
0xbc: {  	s0 =	sadd.s32 $0x8F2B, s0  }
0xbd: {  	[sflag:s0] =	ssyncadd.remote.s32 $0x1  }
0xbe: {  	_ =	sfence.sel $0xFFFF  }
0xbf: {  	[dreg:$0x0] =	wrdreg $0xFFFFFFFF;
	(pc) =	sbr.abs _section_cstart, $3  }
0xc0: {  	[dreg:$0x1] =	wrdreg $0xFFFFFFFF  }
0xc1: {  	_ =	task.clear_ibuf [dreg:s6], $0x2FFFF;
	_ =	strace $0x9FFFFFFF  }
0xc2: {  	(tm) =	ssettm $0x7FFFFFFF  }
0xc3: {  	_ =	shalt  }
tec
execute0_lowered:
.L_overlay_start_1:
0x0: {  	(tag) =	ssettag $0x1  }
0x1: {  	s0 =	rddreg [dreg:$0x0]  }
0x2: {  	s1 =	rddreg [dreg:$0x1]  }
0x3: {  	s2 =	simm.s32 $0x0;
	s3 =	srdreg.scid;
	s16 =	stileid.u32  }
0x4: {  	s17 =	simm.s32 $0x400;
	s28 =	simm.s32 $0x100;
	s29 =	simm.s32 $0x180  }
0x5: {  	s30 =	simm.s32 $0x1;
	s31 =	simm.s32 $0x280;
	s7 =	smul.u32 $0x50000, s16  }
0x6: {  	[smem:$0x7FF] =	sst s2;
	s3 =	sand.u32 $0x1, s3;
	s19 =	smul.u32 $0x280, s16  }
0x7: {  	s8 =	sadd.s32 $0x2800, s0;
	s20 =	smul.u32 $0x2800, s16;
	_ =	strace $0x80000047  }
0x8: {  	s4 =	smul.u32 $0x28000, s3;
	s5 =	sshll.u32 s3, $0x4;
	s6 =	ssub.s32 $0x2, s3  }
0x9: {  	s3 =	smul.u32 $0x5000, s3;
	s5 =	sor.u32 s16, s5;
	s9 =	sshrl.u32 s6, $0x1  }
0xa: {  	s18 =	sshrl.u32 s7, $0x2;
	s24 =	sadd.s32 $0x80, s19;
	s14 =	sadd.s32 $0x100, s19  }
0xb: {  	s15 =	sadd.s32 $0x180, s19;
	s7 =	sadd.s32 $0x200, s19;
	s16 =	smul.u32 $0x500, s16  }
0xc: {  	s19 =	simm.s32 $0x200;
	s5 =	smul.u32 $0x500, s5;
	s0 =	sadd.s32 s4, s0  }
0xd: {  	s6 =	ssub.s32 s6, s9;
	s4 =	sadd.s32 s18, s1;
	s12 =	sshll.u32 s24, $0x7  }
0xe: {  	s13 =	sshll.u32 s14, $0x7;
	s25 =	sshll.u32 s15, $0x7;
	s26 =	sshll.u32 s7, $0x7  }
0xf: {  	s7 =	sshll.u32 s7, $0x4;
	s3 =	sadd.s32 s3, s8;
	s18 =	simm.s32 $0x3  }
0x10: {  	s0 =	sadd.s32 $0x16800, s0;
	s6 =	smax.u32 s6, $0x1;
	s22 =	sadd.s32 $0x4000, s4  }
0x11: {  	s23 =	sadd.s32 $0x8000, s4;
	s10 =	sadd.s32 $0xC000, s4;
	s11 =	sadd.s32 $0x10000, s4  }
0x12: {  	s12 =	sadd.s32 s12, s1;
	s13 =	sadd.s32 s13, s1;
	[dreg:$0x4] =	wrdreg s6  }
0x13: {  	s16 =	sadd.s32 s16, s3;
	s3 =	simm.s32 $0x380;
	[dreg:$0x5] =	wrdreg s22  }
0x14: {  	s5 =	sadd.s32 s8, s5;
	[dreg:$0x6] =	wrdreg s23;
	s6 =	sshll.u32 s24, $0x4  }
0x15: {  	s22 =	sshll.u32 s14, $0x4;
	s14 =	sadd.s32 s25, s1;
	s23 =	sshll.u32 s15, $0x4  }
0x16: {  	s15 =	sadd.s32 s26, s1;
	s20 =	sadd.s32 s20, s0;
	s24 =	sadd.s32 s7, s0  }
0x17: {  	s25 =	simm.s32 $0x2;
	s26 =	simm.s32 $0x80;
	s21 =	sadd.s32 $0x40, s5  }
0x18: {  	s22 =	sadd.s32 s22, s0;
	s23 =	sadd.s32 s23, s0;
	[dreg:$0x3] =	wrdreg s21  }
0x19: {  	v0 =	vimm.f32 $0.0e+00;
	v1 =	vimm.f32 $1.000000000e+00;
	s21 =	sadd.s32 s6, s0;
	s0 =	simm.s32 $0x300;
	s6 =	simm.s32 $0x0  }
.LBB2_1:
0x1a: {  	s7 =	simm.s32 $0x200;
	s8 =	simm.s32 $0x0  }
.LBB2_2:
0x1b: {  	p0 =	sne.s32 s7, $0xFE00;
	[tilespmem:s8+$0x400] =	vst v0;
	s8 =	smov.u32 s7;
	s7 =	sadd.s32 $0x200, s7  }
.Ltmp0:
0x1c: {  	(pc) =	sbr.rel @p0 .LBB2_2-.Ltmp0, $2  }
0x1d: {  	_ =	sdelay $0x2  }
0x1e: {  	s8 =	sshra.s32 s8, $0x2  }
0x1f: {  	[tilespmem:s8+$0x400] =	vst v0  }
0x20: {  	[spmem:s4] =	stream.linear.scatter [tilespmem:s17], [sflag:$0x3], $0x4000, $0x38;
	[tilespmem:$0x6C00] =	vst v63  }
0x21: {  	_ =	swait.ge [sflag:s18], $0x4000  }
0x22: {  	[sflag:s18] =	ssyncset.done $0x0  }
0x23: {  	s7 =	rddreg [dreg:$0x5];
	[sflag:s18] =	ssyncadd.s32 $0xFFFFC000  }
0x24: {  	[spmem:s7] =	stream.linear.scatter [tilespmem:s17], [sflag:$0x3], $0x4000, $0x38;
	[tilespmem:$0x6C00] =	vst v63  }
0x25: {  	_ =	swait.ge [sflag:s18], $0x4000  }
0x26: {  	[sflag:s18] =	ssyncset.done $0x0  }
0x27: {  	s9 =	rddreg [dreg:$0x6];
	[sflag:s18] =	ssyncadd.s32 $0xFFFFC000  }
0x28: {  	[spmem:s9] =	stream.linear.scatter [tilespmem:s17], [sflag:$0x3], $0x4000, $0x38;
	[tilespmem:$0x6C00] =	vst v63  }
0x29: {  	_ =	swait.ge [sflag:s18], $0x4000  }
0x2a: {  	[sflag:s18] =	ssyncset.done $0x0  }
0x2b: {  	[sflag:s18] =	ssyncadd.s32 $0xFFFFC000  }
0x2c: {  	[spmem:s10] =	stream.linear.scatter [tilespmem:s17], [sflag:$0x3], $0x4000, $0x38;
	[tilespmem:$0x6C00] =	vst v63  }
0x2d: {  	_ =	swait.ge [sflag:s18], $0x4000  }
0x2e: {  	[sflag:s18] =	ssyncset.done $0x0  }
0x2f: {  	[sflag:s18] =	ssyncadd.s32 $0xFFFFC000  }
0x30: {  	[spmem:s11] =	stream.linear.scatter [tilespmem:s17], [sflag:$0x3], $0x4000, $0x38;
	[tilespmem:$0x6C00] =	vst v63  }
0x31: {  	_ =	swait.ge [sflag:s18], $0x4000  }
0x32: {  	[sflag:s18] =	ssyncset.done $0x0  }
0x33: {  	s8 =	simm.s32 $0x0;
	s7 =	simm.s32 $0x200;
	[sflag:s18] =	ssyncadd.s32 $0xFFFFC000  }
.LBB2_4:
0x34: {  	p0 =	sne.s32 s7, $0xFE00;
	[tilespmem:s8+$0x400] =	vst v1;
	s8 =	smov.u32 s7;
	s7 =	sadd.s32 $0x200, s7  }
.Ltmp1:
0x35: {  	(pc) =	sbr.rel @p0 .LBB2_4-.Ltmp1, $2  }
0x36: {  	_ =	sdelay $0x2  }
0x37: {  	s8 =	sshra.s32 s8, $0x2  }
0x38: {  	[tilespmem:s8+$0x400] =	vst v1  }
0x39: {  	[bflag:$0x0] =	sbarrier.arrive $0xFFFF  }
0x3a: {  	[tilespmem:s2], [sflag:$0x3] =	stream.linear.gather [hbm4b:s5+s2], $0x200, $0x38;
	[tilespmem:$0x6C00] =	vst v63  }
0x3b: {  	_ =	swait.ge [sflag:s18], $0x200  }
0x3c: {  	[sflag:s18] =	ssyncset.done $0x0  }
0x3d: {  	s7 =	rddreg [dreg:$0x3];
	[sflag:s18] =	ssyncadd.s32 $0xFFFFFE00  }
0x3e: {  	[tilespmem:s19], [sflag:$0x2] =	stream.linear.gather [hbm4b:s7+s2], $0x200, $0x38;
	[tilespmem:$0x6C00] =	vst v63  }
0x3f: {  	_ =	swait.ge [sflag:s25], $0x200  }
0x40: {  	[sflag:s25] =	ssyncset.done $0x0  }
0x41: {  	[sflag:s25] =	ssyncadd.s32 $0xFFFFFE00  }
0x42: {  	[spmem:s1] =	stream.indirect.scatter.add.f32 [tilespmem:s17], [sflag:$0x3], $0x10, s2, s26, $0xb8;
	[tilespmem:$0x6C00] =	vst v63  }
0x43: {  	_ =	swait.ge [sflag:s18], $0x800  }
0x44: {  	[sflag:s18] =	ssyncset.done $0x0  }
0x45: {  	[sflag:s18] =	ssyncadd.s32 $0xFFFFF800  }
0x46: {  	[spmem:s1] =	stream.indirect.scatter.add.f32 [tilespmem:s17], [sflag:$0x3], $0x10, s26, s26, $0xb8;
	[tilespmem:$0x6C00] =	vst v63  }
0x47: {  	_ =	swait.ge [sflag:s18], $0x800  }
0x48: {  	[sflag:s18] =	ssyncset.done $0x0  }
0x49: {  	[sflag:s18] =	ssyncadd.s32 $0xFFFFF800  }
0x4a: {  	[spmem:s1] =	stream.indirect.scatter.add.f32 [tilespmem:s17], [sflag:$0x3], $0x10, s28, s26, $0xb8;
	[tilespmem:$0x6C00] =	vst v63  }
0x4b: {  	_ =	swait.ge [sflag:s18], $0x800  }
0x4c: {  	[sflag:s18] =	ssyncset.done $0x0  }
0x4d: {  	[sflag:s18] =	ssyncadd.s32 $0xFFFFF800  }
0x4e: {  	[spmem:s1] =	stream.indirect.scatter.add.f32 [tilespmem:s17], [sflag:$0x3], $0x10, s29, s26, $0xb8;
	[tilespmem:$0x6C00] =	vst v63  }
0x4f: {  	_ =	swait.ge [sflag:s18], $0x800  }
0x50: {  	s8 =	sadd.s32 $0xFFFFFB80, s16;
	[sflag:s18] =	ssyncset.done $0x0  }
0x51: {  	s9 =	sadd.s32 $0x500, s8;
	[sflag:s18] =	ssyncadd.s32 $0xFFFFF800  }
0x52: {  	[tilespmem:s2], [sflag:$0x1] =	stream.linear.gather [hbm4b:s9+s2], $0x200, $0x38;
	[tilespmem:$0x6C00] =	vst v63  }
0x53: {  	_ =	swait.ge [sflag:s30], $0x200  }
0x54: {  	[sflag:s30] =	ssyncset.done $0x0  }
0x55: {  	[sflag:s30] =	ssyncadd.s32 $0xFFFFFE00  }
0x56: {  	[spmem:s1] =	stream.indirect.scatter.add.f32 [tilespmem:s17], [sflag:$0x3], $0x10, s19, s26, $0xb8;
	[tilespmem:$0x6C00] =	vst v63  }
0x57: {  	_ =	swait.ge [sflag:s18], $0x800  }
0x58: {  	[sflag:s18] =	ssyncset.done $0x0  }
0x59: {  	[sflag:s18] =	ssyncadd.s32 $0xFFFFF800  }
0x5a: {  	[spmem:s1] =	stream.indirect.scatter.add.f32 [tilespmem:s17], [sflag:$0x3], $0x10, s31, s26, $0xb8;
	[tilespmem:$0x6C00] =	vst v63  }
0x5b: {  	_ =	swait.ge [sflag:s18], $0x800  }
0x5c: {  	[sflag:s18] =	ssyncset.done $0x0  }
0x5d: {  	[sflag:s18] =	ssyncadd.s32 $0xFFFFF800  }
0x5e: {  	[spmem:s1] =	stream.indirect.scatter.add.f32 [tilespmem:s17], [sflag:$0x3], $0x10, s0, s26, $0xb8;
	[tilespmem:$0x6C00] =	vst v63  }
0x5f: {  	_ =	swait.ge [sflag:s18], $0x800  }
0x60: {  	[sflag:s18] =	ssyncset.done $0x0  }
0x61: {  	[sflag:s18] =	ssyncadd.s32 $0xFFFFF800  }
0x62: {  	[spmem:s1] =	stream.indirect.scatter.add.f32 [tilespmem:s17], [sflag:$0x3], $0x10, s3, s26, $0xb8;
	[tilespmem:$0x6C00] =	vst v63  }
0x63: {  	_ =	swait.ge [sflag:s18], $0x800  }
0x64: {  	[sflag:s18] =	ssyncset.done $0x0  }
0x65: {  	s8 =	sadd.s32 $0x540, s8;
	s7 =	simm.s32 $0xFFFFFC00;
	[sflag:s18] =	ssyncadd.s32 $0xFFFFF800  }
.LBB2_6:
0x66: {  	[tilespmem:s19], [sflag:$0x2] =	stream.linear.gather [hbm4b:s8+s2], $0x200, $0x38;
	[tilespmem:$0x6C00] =	vst v63  }
0x67: {  	s8 =	smov.u32 s7  }
0x68: {  	p0 =	sne.s32 s7, $0xFFFFFF80;
	s7 =	sadd.s32 $0x80, s7;
	_ =	swait.ge [sflag:s25], $0x200  }
0x69: {  	[sflag:s25] =	ssyncset.done $0x0  }
0x6a: {  	[sflag:s25] =	ssyncadd.s32 $0xFFFFFE00  }
0x6b: {  	[spmem:s1] =	stream.indirect.scatter.add.f32 [tilespmem:s17], [sflag:$0x3], $0x10, s2, s26, $0xb8;
	[tilespmem:$0x6C00] =	vst v63  }
0x6c: {  	_ =	swait.ge [sflag:s18], $0x800  }
0x6d: {  	[sflag:s18] =	ssyncset.done $0x0  }
0x6e: {  	[sflag:s18] =	ssyncadd.s32 $0xFFFFF800  }
0x6f: {  	[spmem:s1] =	stream.indirect.scatter.add.f32 [tilespmem:s17], [sflag:$0x3], $0x10, s26, s26, $0xb8;
	[tilespmem:$0x6C00] =	vst v63  }
0x70: {  	_ =	swait.ge [sflag:s18], $0x800  }
0x71: {  	[sflag:s18] =	ssyncset.done $0x0  }
0x72: {  	[sflag:s18] =	ssyncadd.s32 $0xFFFFF800  }
0x73: {  	[spmem:s1] =	stream.indirect.scatter.add.f32 [tilespmem:s17], [sflag:$0x3], $0x10, s28, s26, $0xb8;
	[tilespmem:$0x6C00] =	vst v63  }
0x74: {  	_ =	swait.ge [sflag:s18], $0x800  }
0x75: {  	[sflag:s18] =	ssyncset.done $0x0  }
0x76: {  	[sflag:s18] =	ssyncadd.s32 $0xFFFFF800  }
0x77: {  	[spmem:s1] =	stream.indirect.scatter.add.f32 [tilespmem:s17], [sflag:$0x3], $0x10, s29, s26, $0xb8;
	[tilespmem:$0x6C00] =	vst v63  }
0x78: {  	_ =	swait.ge [sflag:s18], $0x800  }
0x79: {  	s8 =	sadd.s32 s8, s16;
	[sflag:s18] =	ssyncset.done $0x0  }
0x7a: {  	s9 =	sadd.s32 $0x500, s8;
	[sflag:s18] =	ssyncadd.s32 $0xFFFFF800  }
0x7b: {  	[tilespmem:s2], [sflag:$0x1] =	stream.linear.gather [hbm4b:s9+s2], $0x200, $0x38;
	[tilespmem:$0x6C00] =	vst v63  }
0x7c: {  	_ =	swait.ge [sflag:s30], $0x200  }
0x7d: {  	[sflag:s30] =	ssyncset.done $0x0  }
0x7e: {  	[sflag:s30] =	ssyncadd.s32 $0xFFFFFE00  }
0x7f: {  	[spmem:s1] =	stream.indirect.scatter.add.f32 [tilespmem:s17], [sflag:$0x3], $0x10, s19, s26, $0xb8;
	[tilespmem:$0x6C00] =	vst v63  }
0x80: {  	_ =	swait.ge [sflag:s18], $0x800  }
0x81: {  	[sflag:s18] =	ssyncset.done $0x0  }
0x82: {  	[sflag:s18] =	ssyncadd.s32 $0xFFFFF800  }
0x83: {  	[spmem:s1] =	stream.indirect.scatter.add.f32 [tilespmem:s17], [sflag:$0x3], $0x10, s31, s26, $0xb8;
	[tilespmem:$0x6C00] =	vst v63  }
0x84: {  	_ =	swait.ge [sflag:s18], $0x800  }
0x85: {  	[sflag:s18] =	ssyncset.done $0x0  }
0x86: {  	[sflag:s18] =	ssyncadd.s32 $0xFFFFF800  }
0x87: {  	[spmem:s1] =	stream.indirect.scatter.add.f32 [tilespmem:s17], [sflag:$0x3], $0x10, s0, s26, $0xb8;
	[tilespmem:$0x6C00] =	vst v63  }
0x88: {  	_ =	swait.ge [sflag:s18], $0x800  }
0x89: {  	[sflag:s18] =	ssyncset.done $0x0  }
.Ltmp2:
0x8a: {  	[sflag:s18] =	ssyncadd.s32 $0xFFFFF800;
	(pc) =	sbr.rel @p0 .LBB2_6-.Ltmp2, $4  }
0x8b: {  	[spmem:s1] =	stream.indirect.scatter.add.f32 [tilespmem:s17], [sflag:$0x3], $0x10, s3, s26, $0xb8;
	[tilespmem:$0x6C00] =	vst v63  }
0x8c: {  	_ =	swait.ge [sflag:s18], $0x800  }
0x8d: {  	[sflag:s18] =	ssyncset.done $0x0  }
0x8e: {  	s8 =	sadd.s32 $0x540, s8;
	[sflag:s18] =	ssyncadd.s32 $0xFFFFF800  }
0x8f: {  	[tilespmem:s19], [sflag:$0x2] =	stream.linear.gather [hbm4b:s8+s2], $0x200, $0x38;
	[tilespmem:$0x6C00] =	vst v63  }
0x90: {  	_ =	swait.ge [sflag:s25], $0x200  }
0x91: {  	[sflag:s25] =	ssyncset.done $0x0  }
0x92: {  	[sflag:s25] =	ssyncadd.s32 $0xFFFFFE00  }
0x93: {  	[spmem:s1] =	stream.indirect.scatter.add.f32 [tilespmem:s17], [sflag:$0x3], $0x10, s2, s26, $0xb8;
	[tilespmem:$0x6C00] =	vst v63  }
0x94: {  	_ =	swait.ge [sflag:s18], $0x800  }
0x95: {  	[sflag:s18] =	ssyncset.done $0x0  }
0x96: {  	[sflag:s18] =	ssyncadd.s32 $0xFFFFF800  }
0x97: {  	[spmem:s1] =	stream.indirect.scatter.add.f32 [tilespmem:s17], [sflag:$0x3], $0x10, s26, s26, $0xb8;
	[tilespmem:$0x6C00] =	vst v63  }
0x98: {  	_ =	swait.ge [sflag:s18], $0x800  }
0x99: {  	[sflag:s18] =	ssyncset.done $0x0  }
0x9a: {  	[sflag:s18] =	ssyncadd.s32 $0xFFFFF800  }
0x9b: {  	[spmem:s1] =	stream.indirect.scatter.add.f32 [tilespmem:s17], [sflag:$0x3], $0x10, s28, s26, $0xb8;
	[tilespmem:$0x6C00] =	vst v63  }
0x9c: {  	_ =	swait.ge [sflag:s18], $0x800  }
0x9d: {  	[sflag:s18] =	ssyncset.done $0x0  }
0x9e: {  	[sflag:s18] =	ssyncadd.s32 $0xFFFFF800  }
0x9f: {  	[spmem:s1] =	stream.indirect.scatter.add.f32 [tilespmem:s17], [sflag:$0x3], $0x10, s29, s26, $0xb8;
	[tilespmem:$0x6C00] =	vst v63  }
0xa0: {  	_ =	swait.ge [sflag:s18], $0x800  }
0xa1: {  	[sflag:s18] =	ssyncset.done $0x0  }
0xa2: {  	[sflag:s18] =	ssyncadd.s32 $0xFFFFF800  }
0xa3: {  	[spmem:s1] =	stream.indirect.scatter.add.f32 [tilespmem:s17], [sflag:$0x3], $0x10, s19, s26, $0xb8;
	[tilespmem:$0x6C00] =	vst v63  }
0xa4: {  	_ =	swait.ge [sflag:s18], $0x800  }
0xa5: {  	[sflag:s18] =	ssyncset.done $0x0  }
0xa6: {  	[sflag:s18] =	ssyncadd.s32 $0xFFFFF800  }
0xa7: {  	[spmem:s1] =	stream.indirect.scatter.add.f32 [tilespmem:s17], [sflag:$0x3], $0x10, s31, s26, $0xb8;
	[tilespmem:$0x6C00] =	vst v63  }
0xa8: {  	_ =	swait.ge [sflag:s18], $0x800  }
0xa9: {  	[sflag:s18] =	ssyncset.done $0x0  }
0xaa: {  	[sflag:s18] =	ssyncadd.s32 $0xFFFFF800  }
0xab: {  	[spmem:s1] =	stream.indirect.scatter.add.f32 [tilespmem:s17], [sflag:$0x3], $0x10, s0, s26, $0xb8;
	[tilespmem:$0x6C00] =	vst v63  }
0xac: {  	_ =	swait.ge [sflag:s18], $0x800  }
0xad: {  	[sflag:s18] =	ssyncset.done $0x0  }
0xae: {  	[sflag:s18] =	ssyncadd.s32 $0xFFFFF800  }
0xaf: {  	[spmem:s1] =	stream.indirect.scatter.add.f32 [tilespmem:s17], [sflag:$0x3], $0x10, s3, s26, $0xb8;
	[tilespmem:$0x6C00] =	vst v63  }
0xb0: {  	_ =	swait.ge [sflag:s18], $0x800  }
0xb1: {  	[sflag:s18] =	ssyncset.done $0x0  }
0xb2: {  	[sflag:s18] =	ssyncadd.s32 $0xFFFFF800  }
0xb3: {  	[bflag:$0x0] =	sbarrier.arrive $0xFFFF  }
0xb4: {  	[tilespmem:s17], [sflag:$0x3] =	stream.linear.gather [spmem:s4], $0x4000, $0x38;
	[tilespmem:$0x6C00] =	vst v63  }
0xb5: {  	_ =	swait.ge [sflag:s18], $0x4000  }
0xb6: {  	[sflag:s18] =	ssyncset.done $0x0  }
0xb7: {  	[sflag:s18] =	ssyncadd.s32 $0xFFFFC000  }
0xb8: {  	[hbm4b:s20+s2] =	stream.linear.scatter [tilespmem:s17], [sflag:$0x3], $0x4000, $0x38;
	[tilespmem:$0x6C00] =	vst v63  }
0xb9: {  	_ =	swait.ge [sflag:s18], $0x4000  }
0xba: {  	[sflag:s18] =	ssyncset.done $0x0  }
0xbb: {  	[sflag:s18] =	ssyncadd.s32 $0xFFFFC000  }
0xbc: {  	[tilespmem:s17], [sflag:$0x3] =	stream.linear.gather [spmem:s12], $0x4000, $0x38;
	[tilespmem:$0x6C00] =	vst v63  }
0xbd: {  	_ =	swait.ge [sflag:s18], $0x4000  }
0xbe: {  	[sflag:s18] =	ssyncset.done $0x0  }
0xbf: {  	[sflag:s18] =	ssyncadd.s32 $0xFFFFC000  }
0xc0: {  	[hbm4b:s21+s2] =	stream.linear.scatter [tilespmem:s17], [sflag:$0x3], $0x4000, $0x38;
	[tilespmem:$0x6C00] =	vst v63  }
0xc1: {  	_ =	swait.ge [sflag:s18], $0x4000  }
0xc2: {  	[sflag:s18] =	ssyncset.done $0x0  }
0xc3: {  	[sflag:s18] =	ssyncadd.s32 $0xFFFFC000  }
0xc4: {  	[tilespmem:s17], [sflag:$0x3] =	stream.linear.gather [spmem:s13], $0x4000, $0x38;
	[tilespmem:$0x6C00] =	vst v63  }
0xc5: {  	_ =	swait.ge [sflag:s18], $0x4000  }
0xc6: {  	[sflag:s18] =	ssyncset.done $0x0  }
0xc7: {  	[sflag:s18] =	ssyncadd.s32 $0xFFFFC000  }
0xc8: {  	[hbm4b:s22+s2] =	stream.linear.scatter [tilespmem:s17], [sflag:$0x3], $0x4000, $0x38;
	[tilespmem:$0x6C00] =	vst v63  }
0xc9: {  	_ =	swait.ge [sflag:s18], $0x4000  }
0xca: {  	[sflag:s18] =	ssyncset.done $0x0  }
0xcb: {  	[sflag:s18] =	ssyncadd.s32 $0xFFFFC000  }
0xcc: {  	[tilespmem:s17], [sflag:$0x3] =	stream.linear.gather [spmem:s14], $0x4000, $0x38;
	[tilespmem:$0x6C00] =	vst v63  }
0xcd: {  	_ =	swait.ge [sflag:s18], $0x4000  }
0xce: {  	[sflag:s18] =	ssyncset.done $0x0  }
0xcf: {  	[sflag:s18] =	ssyncadd.s32 $0xFFFFC000  }
0xd0: {  	[hbm4b:s23+s2] =	stream.linear.scatter [tilespmem:s17], [sflag:$0x3], $0x4000, $0x38;
	[tilespmem:$0x6C00] =	vst v63  }
0xd1: {  	_ =	swait.ge [sflag:s18], $0x4000  }
0xd2: {  	[sflag:s18] =	ssyncset.done $0x0  }
0xd3: {  	[sflag:s18] =	ssyncadd.s32 $0xFFFFC000  }
0xd4: {  	[tilespmem:s17], [sflag:$0x3] =	stream.linear.gather [spmem:s15], $0x4000, $0x38;
	[tilespmem:$0x6C00] =	vst v63  }
0xd5: {  	_ =	swait.ge [sflag:s18], $0x4000  }
0xd6: {  	[sflag:s18] =	ssyncset.done $0x0  }
0xd7: {  	[sflag:s18] =	ssyncadd.s32 $0xFFFFC000  }
0xd8: {  	[hbm4b:s24+s2] =	stream.linear.scatter [tilespmem:s17], [sflag:$0x3], $0x4000, $0x38;
	[tilespmem:$0x6C00] =	vst v63  }
0xd9: {  	_ =	swait.ge [sflag:s18], $0x4000  }
0xda: {  	s6 =	sadd.s32 $0x1, s6;
	s7 =	rddreg [dreg:$0x4]  }
0xdb: {  	p0 =	sne.s32 s6, s7  }
.Ltmp3:
0xdc: {  	_ = 	snop;
	(pc) =	sbr.rel @p0 .LBB2_1-.Ltmp3, $3  }
0xdd: {  	_ =	sdelay $0x1  }
0xde: {  	[sflag:s18] =	ssyncset.done $0x0  }
0xdf: {  	[sflag:s18] =	ssyncadd.s32 $0xFFFFC000  }
0xe0: {  	_ =	sfence.sel $0x180000  }
0xe1: {  	[bflag:$0x0] =	sbarrier.arrive $0xFFFF  }
0xe2: {  	_ =	strace $0x90000047  }
0xe3: {  	s0 =	stileid.u32;
	[bflag:$0x2] =	sbarrier.arrive $0xFFFF  }
0xe4: {  	p0 =	sne.s32 s0, $0x0;
	s0 =	rddreg [dreg:$0x2]  }
0xe5: {  	s0 =	sadd.s32 @!p0 $0x100000, s0  }
0xe6: {  	[sflag:s0] =	ssyncadd.tile.s32 @!p0 $0x1;
	_ =	shalt  }
.Lfunc_end2:
_tile_overlayer_lowered:
.L_overlay_start_2:
0xe7: {  	(tag) =	ssettag $0x2  }
0xe8: {  	s0 =	rddreg [dreg:$0x0];
	s2 =	stileid.u32  }
0xe9: {  	s1 =	rddreg [dreg:$0x1];
	p0 =	sne.s32 s2, $0x0  }
0xea: {  	s3 =	rddreg [dreg:$0x2];
	[bflag:$0x3] =	sbarrier.arrive $0xFFFF;
	s2 =	simm.s32 @!p0 $0x1C03  }
0xeb: {  	[timem:s3], [sflag:s2] =	dma.local @!p0 [hbm:s0], s1  }
0xec: {  	s0 =	simm.s32 @!p0 $0x3  }
0xed: {  	_ =	swait.ge @!p0 [sflag:s0], s1  }
0xee: {  	s1 =	ssub.s32 @!p0 $0x0, s1;
	[sflag:s0] =	ssyncset.done @!p0 $0x0  }
0xef: {  	[sflag:s0] =	ssyncadd.s32 @!p0 s1  }
0xf0: {  	[bflag:$0x3] =	sbarrier.arrive $0xFFFF  }
0xf1: {  	_ =	shalt  }

</sc_bundles>
